<compile_context>
chip_gen: v7x
topology: tpu7x:2x2x1
jax: 0.10.2.dev20260603
libtpu: 0.0.44.dev20260713+nightly
codegen_flags: <defaults>
</compile_context>

<pallas_src>
import functools

import jax
import jax.numpy as jnp
from jax import lax
from jax.experimental import pallas as pl
from jax.experimental.pallas import tpu as pltpu
from jax.experimental.pallas import tpu_sc as plsc

VOCAB = 1000000
EMBED = 64
CTX = 200
BATCH = 4096
SEQ = 200

N_WORKERS = 32
NK = EMBED // 16
BW = BATCH // N_WORKERS
NS = 2
N_IT = SEQ // NS
OPITCH = 133


def _worker_id():
    return lax.axis_index("s") * 2 + lax.axis_index("c")


def _body(idx_hbm, table_hbm, pos_hbm, out_hbm, pos_v,
          idx0, gidx0, poff0, buf0, obuf0,
          idx1, gidx1, poff1, buf1, obuf1,
          gsem0, gsem1, ssem0, ssem1, isem0, isem1):
    wid = _worker_id()
    bw0 = wid * BW

    pltpu.sync_copy(pos_hbm, pos_v)

    def fire_idx(i, idx, isem):
        s = jnp.minimum(i, N_IT - 1) * NS
        pltpu.async_copy(idx_hbm.at[pl.ds(s, NS), pl.ds(bw0, BW)], idx, isem)

    def wait_idx(idx, isem):
        pltpu.make_async_copy(
            idx_hbm.at[pl.ds(0, NS), pl.ds(bw0, BW)], idx, isem
        ).wait()

    def prep_gather(idx, gidx, poff):
        for j in range(NS):
            for c in range(BW // 16):
                sl = pl.ds(c * 16, 16)
                v = idx[j, sl]
                gidx[j, sl] = lax.shift_right_logical(v, 1)
                poff[j, sl] = lax.shift_left(v & 1, 6)

    def fire_gathers(gidx, buf, gsem):
        for j in range(NS):
            pltpu.async_copy(table_hbm.at[gidx.at[j]], buf.at[j], gsem)

    def drain_gathers(gidx, buf, gsem):
        for j in range(NS):
            pltpu.make_async_copy(table_hbm.at[gidx.at[j]], buf.at[j], gsem).wait()

    def compute(i, poff, buf, obuf):
        iota = lax.iota(jnp.int32, 16)
        drows = [iota + 16 * k for k in range(NK)]
        for j in range(NS):
            pbase = (i * NS + j) * EMBED
            pv = [pos_v[pl.ds(pbase + 16 * k, 16)] for k in range(NK)]
            jsplat = jnp.full((16,), j, jnp.int32)

            @plsc.parallel_loop(0, BW, 1, unroll=4)
            def _b(b):
                bsplat = jnp.full((16,), b, jnp.int32)
                pofb = plsc.load_gather(poff, [jsplat, bsplat])
                for k in range(NK):
                    v = plsc.load_gather(buf, [jsplat, bsplat, pofb + drows[k]])
                    plsc.store_scatter(obuf, [jsplat, drows[k], bsplat], v + pv[k])

    def fire_store(i, obuf, ssem):
        pltpu.async_copy(
            obuf.at[:, :, pl.ds(0, BW)],
            out_hbm.at[pl.ds(i * NS, NS), :, pl.ds(bw0, BW)],
            ssem,
        )

    def wait_store(obuf, ssem):
        pltpu.make_async_copy(
            obuf.at[:, :, pl.ds(0, BW)],
            out_hbm.at[pl.ds(0, NS), :, pl.ds(bw0, BW)],
            ssem,
        ).wait()

    s0 = (idx0, gidx0, poff0, buf0, obuf0, gsem0, ssem0, isem0)
    s1 = (idx1, gidx1, poff1, buf1, obuf1, gsem1, ssem1, isem1)

    def steady(i, X, Y):
        (idxX, gidxX, poffX, bufX, obufX, gsemX, ssemX, isemX) = X
        (idxY, gidxY, poffY, bufY, obufY, gsemY, ssemY, isemY) = Y
        wait_store(obufY, ssemY)
        wait_idx(idxY, isemY)
        prep_gather(idxY, gidxY, poffY)
        fire_gathers(gidxY, bufY, gsemY)
        drain_gathers(gidxX, bufX, gsemX)
        fire_idx(i + 2, idxX, isemX)
        compute(i, poffX, bufX, obufX)
        fire_store(i, obufX, ssemX)

    fire_idx(0, idx0, isem0)
    wait_idx(idx0, isem0)
    prep_gather(idx0, gidx0, poff0)
    fire_gathers(gidx0, buf0, gsem0)
    fire_idx(1, idx1, isem1)

    wait_idx(idx1, isem1)
    prep_gather(idx1, gidx1, poff1)
    fire_gathers(gidx1, buf1, gsem1)
    drain_gathers(gidx0, buf0, gsem0)
    fire_idx(2, idx0, isem0)
    compute(0, poff0, buf0, obuf0)
    fire_store(0, obuf0, ssem0)

    def pair(t, _):
        i = 2 * t + 1
        steady(i, s1, s0)
        steady(i + 1, s0, s1)
        return 0

    lax.fori_loop(0, (N_IT - 2) // 2, pair, 0)

    wait_store(obuf0, ssem0)
    drain_gathers(gidx1, buf1, gsem1)
    compute(N_IT - 1, poff1, buf1, obuf1)
    fire_store(N_IT - 1, obuf1, ssem1)
    wait_idx(idx0, isem0)
    wait_store(obuf1, ssem1)


@jax.jit
def kernel(token_ids, token_emb, pos_emb):
    mesh = plsc.VectorSubcoreMesh(core_axis_name="c", subcore_axis_name="s")
    params = pltpu.CompilerParams(
        use_tc_tiling_on_sc=False, needs_layout_passes=False
    )

    def slot_scratch():
        return [
            pltpu.VMEM((NS, BW), jnp.int32),
            pltpu.VMEM((NS, BW), jnp.int32),
            pltpu.VMEM((NS, BW), jnp.int32),
            pltpu.VMEM((NS, BW, 2 * EMBED), jnp.float32),
            pltpu.VMEM((NS, EMBED, OPITCH), jnp.float32),
        ]

    out = pl.kernel(
        _body,
        out_type=jax.ShapeDtypeStruct((SEQ, EMBED, BATCH), jnp.float32),
        mesh=mesh,
        compiler_params=params,
        scratch_types=[
            pltpu.VMEM((CTX * EMBED,), jnp.float32),
            *slot_scratch(),
            *slot_scratch(),
            pltpu.SemaphoreType.DMA,
            pltpu.SemaphoreType.DMA,
            pltpu.SemaphoreType.DMA,
            pltpu.SemaphoreType.DMA,
            pltpu.SemaphoreType.DMA,
            pltpu.SemaphoreType.DMA,
        ],
    )(
        token_ids.T.astype(jnp.int32),
        token_emb.reshape(VOCAB // 2, 2 * EMBED),
        pos_emb.reshape(CTX * EMBED),
    )
    return out.transpose(2, 0, 1)

# --- scband reference (transcript-rebuilt; emitter-appended) ---
"""Pipeline reference for scband-embedding-layer-69638599737378 (READ-ONLY COPY).

The authoritative reference and input builder live on the scoring server;
editing this copy changes nothing except your own understanding.
"""

import jax, jax.numpy as jnp
import numpy as np

VOCAB = 1000000
EMBED = 64
CTX = 200
BATCH = 4096
SEQ = 200

def setup_inputs(seed: int = 0) -> dict:
    key = jax.random.key(seed)
    k1, k2, k3 = jax.random.split(key, 3)
    token_ids = jax.random.randint(k1, (BATCH, SEQ), 0, VOCAB, dtype=jnp.int64 if jax.config.jax_enable_x64 else jnp.int32)
    token_emb = jax.random.normal(k2, (VOCAB, EMBED), dtype=jnp.float32) * 0.02
    pos_emb = jax.random.normal(k3, (CTX, EMBED), dtype=jnp.float32) * 0.02
    return {"token_ids": token_ids, "token_emb": token_emb, "pos_emb": pos_emb}

def reference(token_ids, token_emb, pos_emb):
    seq_len = token_ids.shape[1]
    positions = jnp.arange(seq_len)
    tok = jnp.take(token_emb, token_ids, axis=0)
    pos = jnp.take(pos_emb, positions, axis=0)
    return tok + pos[None, :, :]

if __name__ == "__main__":
    import jax
    _d = setup_inputs()
    print(jax.jit(kernel)(*tuple(_d.values())))

</pallas_src>

<mosaic_0001>
#map = affine_map<(d0, d1) -> (0, 0)>
#map1 = affine_map<(d0, d1) -> (0)>
#map2 = affine_map<(d0, d1) -> (0, 0, 0)>
module attributes {stable_mosaic.version = 14 : i64} {
  func.func @_body(%arg0: i32, %arg1: i32, %arg2: memref<200x4096xi32, #tpu.memory_space<hbm>>, %arg3: memref<500000x128xf32, #tpu.memory_space<hbm>>, %arg4: memref<12800xf32, #tpu.memory_space<hbm>>, %arg5: memref<200x64x4096xf32, #tpu.memory_space<hbm>>, %arg6: memref<12800xf32, #tpu.memory_space<vmem>>, %arg7: memref<2x128xi32, #tpu.memory_space<vmem>>, %arg8: memref<2x128xi32, #tpu.memory_space<vmem>>, %arg9: memref<2x128xi32, #tpu.memory_space<vmem>>, %arg10: memref<2x128x128xf32, #tpu.memory_space<vmem>>, %arg11: memref<2x64x133xf32, #tpu.memory_space<vmem>>, %arg12: memref<2x128xi32, #tpu.memory_space<vmem>>, %arg13: memref<2x128xi32, #tpu.memory_space<vmem>>, %arg14: memref<2x128xi32, #tpu.memory_space<vmem>>, %arg15: memref<2x128x128xf32, #tpu.memory_space<vmem>>, %arg16: memref<2x64x133xf32, #tpu.memory_space<vmem>>, %arg17: memref<!tpu.dma_semaphore, #tpu.memory_space<semaphore_mem>>, %arg18: memref<!tpu.dma_semaphore, #tpu.memory_space<semaphore_mem>>, %arg19: memref<!tpu.dma_semaphore, #tpu.memory_space<semaphore_mem>>, %arg20: memref<!tpu.dma_semaphore, #tpu.memory_space<semaphore_mem>>, %arg21: memref<!tpu.dma_semaphore, #tpu.memory_space<semaphore_mem>>, %arg22: memref<!tpu.dma_semaphore, #tpu.memory_space<semaphore_mem>>) attributes {dimension_semantics = [#tpu.dimension_semantics<core_parallel>, #tpu.dimension_semantics<subcore_parallel>], iteration_bounds = array<i64: 2, 16>, scalar_prefetch = 0 : i64, scratch_operands = 17 : i64, tpu.core_type = #tpu.core_type<sc_vector_subcore>, window_params = [{transform_indices = #map}, {transform_indices = #map}, {transform_indices = #map1}, {transform_indices = #map2}]} {
    %mul3A = arith.constant 2 : i32
    %mul3A_0 = arith.muli %arg1, %mul3A : i32
    %add3A = arith.addi %mul3A_0, %arg0 : i32
    %mul3A_1 = arith.constant 128 : i32
    %mul3A_2 = arith.muli %add3A, %mul3A_1 : i32
    "tpu.region"() ({
      %run_scoped3A = tpu.sem_alloc : memref<!tpu.dma_semaphore, #tpu.memory_space<semaphore_mem>>
      tpu.enqueue_dma source(%arg4 : memref<12800xf32, #tpu.memory_space<hbm>>) target(%arg6 : memref<12800xf32, #tpu.memory_space<vmem>>) target_semaphore(%run_scoped3A : memref<!tpu.dma_semaphore, #tpu.memory_space<semaphore_mem>>)
      tpu.wait_dma2 semaphore(%run_scoped3A : memref<!tpu.dma_semaphore, #tpu.memory_space<semaphore_mem>>) src(%arg4 : memref<12800xf32, #tpu.memory_space<hbm>>) dst(%arg6 : memref<12800xf32, #tpu.memory_space<vmem>>)
      tpu.yield
    }) : () -> ()
    %min3A = arith.constant 0 : i32
    %min3A_3 = arith.constant 99 : i32
    %min3A_4 = arith.minsi %min3A, %min3A_3 : i32
    %mul3A_5 = arith.constant 2 : i32
    %mul3A_6 = arith.muli %min3A_4, %mul3A_5 : i32
    %dma_start3A = tpu.memref_slice %arg2[%mul3A_6, %mul3A_2] : memref<200x4096xi32, #tpu.memory_space<hbm>> -> memref<2x128xi32, #tpu.memory_space<hbm>>
    %dma_start3A_7 = tpu.memref_slice %arg2[%mul3A_6, %mul3A_2] : memref<200x4096xi32, #tpu.memory_space<hbm>> -> memref<2x128xi32, #tpu.memory_space<hbm>>
    tpu.enqueue_dma source(%dma_start3A_7 : memref<2x128xi32, #tpu.memory_space<hbm>>) target(%arg7 : memref<2x128xi32, #tpu.memory_space<vmem>>) target_semaphore(%arg21 : memref<!tpu.dma_semaphore, #tpu.memory_space<semaphore_mem>>)
    %dma_wait3A = arith.constant 0 : i32
    %dma_wait3A_8 = tpu.memref_slice %arg2[%dma_wait3A, %mul3A_2] : memref<200x4096xi32, #tpu.memory_space<hbm>> -> memref<2x128xi32, #tpu.memory_space<hbm>>
    %dma_wait3A_9 = arith.constant 0 : i32
    %dma_wait3A_10 = tpu.memref_slice %arg2[%dma_wait3A_9, %mul3A_2] : memref<200x4096xi32, #tpu.memory_space<hbm>> -> memref<2x128xi32, #tpu.memory_space<hbm>>
    tpu.wait_dma2 semaphore(%arg21 : memref<!tpu.dma_semaphore, #tpu.memory_space<semaphore_mem>>) src(%dma_wait3A_10 : memref<2x128xi32, #tpu.memory_space<hbm>>) dst(%arg7 : memref<2x128xi32, #tpu.memory_space<vmem>>)
    %get3A = arith.constant 0 : i32
    %get3A_11 = arith.index_cast %get3A : i32 to index
    %get3A_12 = arith.constant 0 : index
    %get3A_13 = tpu.vector_load %arg7[%get3A_11, %get3A_12] {strides = array<i32>} : memref<2x128xi32, #tpu.memory_space<vmem>>, vector<16xi32>,
    %shift_right_logical3A = arith.constant 1 : i32
    %shift_right_logical3A_14 = vector.broadcast %shift_right_logical3A : i32 to vector<16xi32>
    %shift_right_logical3A_15 = arith.shrui %get3A_13, %shift_right_logical3A_14 : vector<16xi32>
    %swap3A = arith.constant 0 : i32
    %swap3A_16 = arith.index_cast %swap3A : i32 to index
    %swap3A_17 = arith.constant 0 : index
    %swap3A_18 = tpu.vector_load %arg8[%swap3A_16, %swap3A_17] {strides = array<i32>} : memref<2x128xi32, #tpu.memory_space<vmem>>, vector<16xi32>,
    tpu.vector_store %arg8[%swap3A_16, %swap3A_17], %shift_right_logical3A_15 {strides = array<i32>} : memref<2x128xi32, #tpu.memory_space<vmem>>, vector<16xi32>,
    %and3A = arith.constant 1 : i32
    %and3A_19 = vector.broadcast %and3A : i32 to vector<16xi32>
    %and3A_20 = arith.andi %get3A_13, %and3A_19 : vector<16xi32>
    %shift_left3A = arith.constant 6 : i32
    %shift_left3A_21 = vector.broadcast %shift_left3A : i32 to vector<16xi32>
    %shift_left3A_22 = arith.shli %and3A_20, %shift_left3A_21 : vector<16xi32>
    %swap3A_23 = arith.constant 0 : i32
    %swap3A_24 = arith.index_cast %swap3A_23 : i32 to index
    %swap3A_25 = arith.constant 0 : index
    %swap3A_26 = tpu.vector_load %arg9[%swap3A_24, %swap3A_25] {strides = array<i32>} : memref<2x128xi32, #tpu.memory_space<vmem>>, vector<16xi32>,
    tpu.vector_store %arg9[%swap3A_24, %swap3A_25], %shift_left3A_22 {strides = array<i32>} : memref<2x128xi32, #tpu.memory_space<vmem>>, vector<16xi32>,
    %get3A_27 = arith.constant 0 : i32
    %get3A_28 = arith.index_cast %get3A_27 : i32 to index
    %get3A_29 = arith.constant 16 : index
    %get3A_30 = tpu.vector_load %arg7[%get3A_28, %get3A_29] {strides = array<i32>} : memref<2x128xi32, #tpu.memory_space<vmem>>, vector<16xi32>,
    %shift_right_logical3A_31 = arith.constant 1 : i32
    %shift_right_logical3A_32 = vector.broadcast %shift_right_logical3A_31 : i32 to vector<16xi32>
    %shift_right_logical3A_33 = arith.shrui %get3A_30, %shift_right_logical3A_32 : vector<16xi32>
    %swap3A_34 = arith.constant 0 : i32
    %swap3A_35 = arith.index_cast %swap3A_34 : i32 to index
    %swap3A_36 = arith.constant 16 : index
    %swap3A_37 = tpu.vector_load %arg8[%swap3A_35, %swap3A_36] {strides = array<i32>} : memref<2x128xi32, #tpu.memory_space<vmem>>, vector<16xi32>,
    tpu.vector_store %arg8[%swap3A_35, %swap3A_36], %shift_right_logical3A_33 {strides = array<i32>} : memref<2x128xi32, #tpu.memory_space<vmem>>, vector<16xi32>,
    %and3A_38 = arith.constant 1 : i32
    %and3A_39 = vector.broadcast %and3A_38 : i32 to vector<16xi32>
    %and3A_40 = arith.andi %get3A_30, %and3A_39 : vector<16xi32>
    %shift_left3A_41 = arith.constant 6 : i32
    %shift_left3A_42 = vector.broadcast %shift_left3A_41 : i32 to vector<16xi32>
    %shift_left3A_43 = arith.shli %and3A_40, %shift_left3A_42 : vector<16xi32>
    %swap3A_44 = arith.constant 0 : i32
    %swap3A_45 = arith.index_cast %swap3A_44 : i32 to index
    %swap3A_46 = arith.constant 16 : index
    %swap3A_47 = tpu.vector_load %arg9[%swap3A_45, %swap3A_46] {strides = array<i32>} : memref<2x128xi32, #tpu.memory_space<vmem>>, vector<16xi32>,
    tpu.vector_store %arg9[%swap3A_45, %swap3A_46], %shift_left3A_43 {strides = array<i32>} : memref<2x128xi32, #tpu.memory_space<vmem>>, vector<16xi32>,
    %get3A_48 = arith.constant 0 : i32
    %get3A_49 = arith.index_cast %get3A_48 : i32 to index
    %get3A_50 = arith.constant 32 : index
    %get3A_51 = tpu.vector_load %arg7[%get3A_49, %get3A_50] {strides = array<i32>} : memref<2x128xi32, #tpu.memory_space<vmem>>, vector<16xi32>,
    %shift_right_logical3A_52 = arith.constant 1 : i32
    %shift_right_logical3A_53 = vector.broadcast %shift_right_logical3A_52 : i32 to vector<16xi32>
    %shift_right_logical3A_54 = arith.shrui %get3A_51, %shift_right_logical3A_53 : vector<16xi32>
    %swap3A_55 = arith.constant 0 : i32
    %swap3A_56 = arith.index_cast %swap3A_55 : i32 to index
    %swap3A_57 = arith.constant 32 : index
    %swap3A_58 = tpu.vector_load %arg8[%swap3A_56, %swap3A_57] {strides = array<i32>} : memref<2x128xi32, #tpu.memory_space<vmem>>, vector<16xi32>,
    tpu.vector_store %arg8[%swap3A_56, %swap3A_57], %shift_right_logical3A_54 {strides = array<i32>} : memref<2x128xi32, #tpu.memory_space<vmem>>, vector<16xi32>,
    %and3A_59 = arith.constant 1 : i32
    %and3A_60 = vector.broadcast %and3A_59 : i32 to vector<16xi32>
    %and3A_61 = arith.andi %get3A_51, %and3A_60 : vector<16xi32>
    %shift_left3A_62 = arith.constant 6 : i32
    %shift_left3A_63 = vector.broadcast %shift_left3A_62 : i32 to vector<16xi32>
    %shift_left3A_64 = arith.shli %and3A_61, %shift_left3A_63 : vector<16xi32>
    %swap3A_65 = arith.constant 0 : i32
    %swap3A_66 = arith.index_cast %swap3A_65 : i32 to index
    %swap3A_67 = arith.constant 32 : index
    %swap3A_68 = tpu.vector_load %arg9[%swap3A_66, %swap3A_67] {strides = array<i32>} : memref<2x128xi32, #tpu.memory_space<vmem>>, vector<16xi32>,
    tpu.vector_store %arg9[%swap3A_66, %swap3A_67], %shift_left3A_64 {strides = array<i32>} : memref<2x128xi32, #tpu.memory_space<vmem>>, vector<16xi32>,
    %get3A_69 = arith.constant 0 : i32
    %get3A_70 = arith.index_cast %get3A_69 : i32 to index
    %get3A_71 = arith.constant 48 : index
    %get3A_72 = tpu.vector_load %arg7[%get3A_70, %get3A_71] {strides = array<i32>} : memref<2x128xi32, #tpu.memory_space<vmem>>, vector<16xi32>,
    %shift_right_logical3A_73 = arith.constant 1 : i32
    %shift_right_logical3A_74 = vector.broadcast %shift_right_logical3A_73 : i32 to vector<16xi32>
    %shift_right_logical3A_75 = arith.shrui %get3A_72, %shift_right_logical3A_74 : vector<16xi32>
    %swap3A_76 = arith.constant 0 : i32
    %swap3A_77 = arith.index_cast %swap3A_76 : i32 to index
    %swap3A_78 = arith.constant 48 : index
    %swap3A_79 = tpu.vector_load %arg8[%swap3A_77, %swap3A_78] {strides = array<i32>} : memref<2x128xi32, #tpu.memory_space<vmem>>, vector<16xi32>,
    tpu.vector_store %arg8[%swap3A_77, %swap3A_78], %shift_right_logical3A_75 {strides = array<i32>} : memref<2x128xi32, #tpu.memory_space<vmem>>, vector<16xi32>,
    %and3A_80 = arith.constant 1 : i32
    %and3A_81 = vector.broadcast %and3A_80 : i32 to vector<16xi32>
    %and3A_82 = arith.andi %get3A_72, %and3A_81 : vector<16xi32>
    %shift_left3A_83 = arith.constant 6 : i32
    %shift_left3A_84 = vector.broadcast %shift_left3A_83 : i32 to vector<16xi32>
    %shift_left3A_85 = arith.shli %and3A_82, %shift_left3A_84 : vector<16xi32>
    %swap3A_86 = arith.constant 0 : i32
    %swap3A_87 = arith.index_cast %swap3A_86 : i32 to index
    %swap3A_88 = arith.constant 48 : index
    %swap3A_89 = tpu.vector_load %arg9[%swap3A_87, %swap3A_88] {strides = array<i32>} : memref<2x128xi32, #tpu.memory_space<vmem>>, vector<16xi32>,
    tpu.vector_store %arg9[%swap3A_87, %swap3A_88], %shift_left3A_85 {strides = array<i32>} : memref<2x128xi32, #tpu.memory_space<vmem>>, vector<16xi32>,
    %get3A_90 = arith.constant 0 : i32
    %get3A_91 = arith.index_cast %get3A_90 : i32 to index
    %get3A_92 = arith.constant 64 : index
    %get3A_93 = tpu.vector_load %arg7[%get3A_91, %get3A_92] {strides = array<i32>} : memref<2x128xi32, #tpu.memory_space<vmem>>, vector<16xi32>,
    %shift_right_logical3A_94 = arith.constant 1 : i32
    %shift_right_logical3A_95 = vector.broadcast %shift_right_logical3A_94 : i32 to vector<16xi32>
    %shift_right_logical3A_96 = arith.shrui %get3A_93, %shift_right_logical3A_95 : vector<16xi32>
    %swap3A_97 = arith.constant 0 : i32
    %swap3A_98 = arith.index_cast %swap3A_97 : i32 to index
    %swap3A_99 = arith.constant 64 : index
    %swap3A_100 = tpu.vector_load %arg8[%swap3A_98, %swap3A_99] {strides = array<i32>} : memref<2x128xi32, #tpu.memory_space<vmem>>, vector<16xi32>,
    tpu.vector_store %arg8[%swap3A_98, %swap3A_99], %shift_right_logical3A_96 {strides = array<i32>} : memref<2x128xi32, #tpu.memory_space<vmem>>, vector<16xi32>,
    %and3A_101 = arith.constant 1 : i32
    %and3A_102 = vector.broadcast %and3A_101 : i32 to vector<16xi32>
    %and3A_103 = arith.andi %get3A_93, %and3A_102 : vector<16xi32>
    %shift_left3A_104 = arith.constant 6 : i32
    %shift_left3A_105 = vector.broadcast %shift_left3A_104 : i32 to vector<16xi32>
    %shift_left3A_106 = arith.shli %and3A_103, %shift_left3A_105 : vector<16xi32>
    %swap3A_107 = arith.constant 0 : i32
    %swap3A_108 = arith.index_cast %swap3A_107 : i32 to index
    %swap3A_109 = arith.constant 64 : index
    %swap3A_110 = tpu.vector_load %arg9[%swap3A_108, %swap3A_109] {strides = array<i32>} : memref<2x128xi32, #tpu.memory_space<vmem>>, vector<16xi32>,
    tpu.vector_store %arg9[%swap3A_108, %swap3A_109], %shift_left3A_106 {strides = array<i32>} : memref<2x128xi32, #tpu.memory_space<vmem>>, vector<16xi32>,
    %get3A_111 = arith.constant 0 : i32
    %get3A_112 = arith.index_cast %get3A_111 : i32 to index
    %get3A_113 = arith.constant 80 : index
    %get3A_114 = tpu.vector_load %arg7[%get3A_112, %get3A_113] {strides = array<i32>} : memref<2x128xi32, #tpu.memory_space<vmem>>, vector<16xi32>,
    %shift_right_logical3A_115 = arith.constant 1 : i32
    %shift_right_logical3A_116 = vector.broadcast %shift_right_logical3A_115 : i32 to vector<16xi32>
    %shift_right_logical3A_117 = arith.shrui %get3A_114, %shift_right_logical3A_116 : vector<16xi32>
    %swap3A_118 = arith.constant 0 : i32
    %swap3A_119 = arith.index_cast %swap3A_118 : i32 to index
    %swap3A_120 = arith.constant 80 : index
    %swap3A_121 = tpu.vector_load %arg8[%swap3A_119, %swap3A_120] {strides = array<i32>} : memref<2x128xi32, #tpu.memory_space<vmem>>, vector<16xi32>,
    tpu.vector_store %arg8[%swap3A_119, %swap3A_120], %shift_right_logical3A_117 {strides = array<i32>} : memref<2x128xi32, #tpu.memory_space<vmem>>, vector<16xi32>,
    %and3A_122 = arith.constant 1 : i32
    %and3A_123 = vector.broadcast %and3A_122 : i32 to vector<16xi32>
    %and3A_124 = arith.andi %get3A_114, %and3A_123 : vector<16xi32>
    %shift_left3A_125 = arith.constant 6 : i32
    %shift_left3A_126 = vector.broadcast %shift_left3A_125 : i32 to vector<16xi32>
    %shift_left3A_127 = arith.shli %and3A_124, %shift_left3A_126 : vector<16xi32>
    %swap3A_128 = arith.constant 0 : i32
    %swap3A_129 = arith.index_cast %swap3A_128 : i32 to index
    %swap3A_130 = arith.constant 80 : index
    %swap3A_131 = tpu.vector_load %arg9[%swap3A_129, %swap3A_130] {strides = array<i32>} : memref<2x128xi32, #tpu.memory_space<vmem>>, vector<16xi32>,
    tpu.vector_store %arg9[%swap3A_129, %swap3A_130], %shift_left3A_127 {strides = array<i32>} : memref<2x128xi32, #tpu.memory_space<vmem>>, vector<16xi32>,
    %get3A_132 = arith.constant 0 : i32
    %get3A_133 = arith.index_cast %get3A_132 : i32 to index
    %get3A_134 = arith.constant 96 : index
    %get3A_135 = tpu.vector_load %arg7[%get3A_133, %get3A_134] {strides = array<i32>} : memref<2x128xi32, #tpu.memory_space<vmem>>, vector<16xi32>,
    %shift_right_logical3A_136 = arith.constant 1 : i32
    %shift_right_logical3A_137 = vector.broadcast %shift_right_logical3A_136 : i32 to vector<16xi32>
    %shift_right_logical3A_138 = arith.shrui %get3A_135, %shift_right_logical3A_137 : vector<16xi32>
    %swap3A_139 = arith.constant 0 : i32
    %swap3A_140 = arith.index_cast %swap3A_139 : i32 to index
    %swap3A_141 = arith.constant 96 : index
    %swap3A_142 = tpu.vector_load %arg8[%swap3A_140, %swap3A_141] {strides = array<i32>} : memref<2x128xi32, #tpu.memory_space<vmem>>, vector<16xi32>,
    tpu.vector_store %arg8[%swap3A_140, %swap3A_141], %shift_right_logical3A_138 {strides = array<i32>} : memref<2x128xi32, #tpu.memory_space<vmem>>, vector<16xi32>,
    %and3A_143 = arith.constant 1 : i32
    %and3A_144 = vector.broadcast %and3A_143 : i32 to vector<16xi32>
    %and3A_145 = arith.andi %get3A_135, %and3A_144 : vector<16xi32>
    %shift_left3A_146 = arith.constant 6 : i32
    %shift_left3A_147 = vector.broadcast %shift_left3A_146 : i32 to vector<16xi32>
    %shift_left3A_148 = arith.shli %and3A_145, %shift_left3A_147 : vector<16xi32>
    %swap3A_149 = arith.constant 0 : i32
    %swap3A_150 = arith.index_cast %swap3A_149 : i32 to index
    %swap3A_151 = arith.constant 96 : index
    %swap3A_152 = tpu.vector_load %arg9[%swap3A_150, %swap3A_151] {strides = array<i32>} : memref<2x128xi32, #tpu.memory_space<vmem>>, vector<16xi32>,
    tpu.vector_store %arg9[%swap3A_150, %swap3A_151], %shift_left3A_148 {strides = array<i32>} : memref<2x128xi32, #tpu.memory_space<vmem>>, vector<16xi32>,
    %get3A_153 = arith.constant 0 : i32
    %get3A_154 = arith.index_cast %get3A_153 : i32 to index
    %get3A_155 = arith.constant 112 : index
    %get3A_156 = tpu.vector_load %arg7[%get3A_154, %get3A_155] {strides = array<i32>} : memref<2x128xi32, #tpu.memory_space<vmem>>, vector<16xi32>,
    %shift_right_logical3A_157 = arith.constant 1 : i32
    %shift_right_logical3A_158 = vector.broadcast %shift_right_logical3A_157 : i32 to vector<16xi32>
    %shift_right_logical3A_159 = arith.shrui %get3A_156, %shift_right_logical3A_158 : vector<16xi32>
    %swap3A_160 = arith.constant 0 : i32
    %swap3A_161 = arith.index_cast %swap3A_160 : i32 to index
    %swap3A_162 = arith.constant 112 : index
    %swap3A_163 = tpu.vector_load %arg8[%swap3A_161, %swap3A_162] {strides = array<i32>} : memref<2x128xi32, #tpu.memory_space<vmem>>, vector<16xi32>,
    tpu.vector_store %arg8[%swap3A_161, %swap3A_162], %shift_right_logical3A_159 {strides = array<i32>} : memref<2x128xi32, #tpu.memory_space<vmem>>, vector<16xi32>,
    %and3A_164 = arith.constant 1 : i32
    %and3A_165 = vector.broadcast %and3A_164 : i32 to vector<16xi32>
    %and3A_166 = arith.andi %get3A_156, %and3A_165 : vector<16xi32>
    %shift_left3A_167 = arith.constant 6 : i32
    %shift_left3A_168 = vector.broadcast %shift_left3A_167 : i32 to vector<16xi32>
    %shift_left3A_169 = arith.shli %and3A_166, %shift_left3A_168 : vector<16xi32>
    %swap3A_170 = arith.constant 0 : i32
    %swap3A_171 = arith.index_cast %swap3A_170 : i32 to index
    %swap3A_172 = arith.constant 112 : index
    %swap3A_173 = tpu.vector_load %arg9[%swap3A_171, %swap3A_172] {strides = array<i32>} : memref<2x128xi32, #tpu.memory_space<vmem>>, vector<16xi32>,
    tpu.vector_store %arg9[%swap3A_171, %swap3A_172], %shift_left3A_169 {strides = array<i32>} : memref<2x128xi32, #tpu.memory_space<vmem>>, vector<16xi32>,
    %get3A_174 = arith.constant 1 : i32
    %get3A_175 = arith.index_cast %get3A_174 : i32 to index
    %get3A_176 = arith.constant 0 : index
    %get3A_177 = tpu.vector_load %arg7[%get3A_175, %get3A_176] {strides = array<i32>} : memref<2x128xi32, #tpu.memory_space<vmem>>, vector<16xi32>,
    %shift_right_logical3A_178 = arith.constant 1 : i32
    %shift_right_logical3A_179 = vector.broadcast %shift_right_logical3A_178 : i32 to vector<16xi32>
    %shift_right_logical3A_180 = arith.shrui %get3A_177, %shift_right_logical3A_179 : vector<16xi32>
    %swap3A_181 = arith.constant 1 : i32
    %swap3A_182 = arith.index_cast %swap3A_181 : i32 to index
    %swap3A_183 = arith.constant 0 : index
    %swap3A_184 = tpu.vector_load %arg8[%swap3A_182, %swap3A_183] {strides = array<i32>} : memref<2x128xi32, #tpu.memory_space<vmem>>, vector<16xi32>,
    tpu.vector_store %arg8[%swap3A_182, %swap3A_183], %shift_right_logical3A_180 {strides = array<i32>} : memref<2x128xi32, #tpu.memory_space<vmem>>, vector<16xi32>,
    %and3A_185 = arith.constant 1 : i32
    %and3A_186 = vector.broadcast %and3A_185 : i32 to vector<16xi32>
    %and3A_187 = arith.andi %get3A_177, %and3A_186 : vector<16xi32>
    %shift_left3A_188 = arith.constant 6 : i32
    %shift_left3A_189 = vector.broadcast %shift_left3A_188 : i32 to vector<16xi32>
    %shift_left3A_190 = arith.shli %and3A_187, %shift_left3A_189 : vector<16xi32>
    %swap3A_191 = arith.constant 1 : i32
    %swap3A_192 = arith.index_cast %swap3A_191 : i32 to index
    %swap3A_193 = arith.constant 0 : index
    %swap3A_194 = tpu.vector_load %arg9[%swap3A_192, %swap3A_193] {strides = array<i32>} : memref<2x128xi32, #tpu.memory_space<vmem>>, vector<16xi32>,
    tpu.vector_store %arg9[%swap3A_192, %swap3A_193], %shift_left3A_190 {strides = array<i32>} : memref<2x128xi32, #tpu.memory_space<vmem>>, vector<16xi32>,
    %get3A_195 = arith.constant 1 : i32
    %get3A_196 = arith.index_cast %get3A_195 : i32 to index
    %get3A_197 = arith.constant 16 : index
    %get3A_198 = tpu.vector_load %arg7[%get3A_196, %get3A_197] {strides = array<i32>} : memref<2x128xi32, #tpu.memory_space<vmem>>, vector<16xi32>,
    %shift_right_logical3A_199 = arith.constant 1 : i32
    %shift_right_logical3A_200 = vector.broadcast %shift_right_logical3A_199 : i32 to vector<16xi32>
    %shift_right_logical3A_201 = arith.shrui %get3A_198, %shift_right_logical3A_200 : vector<16xi32>
    %swap3A_202 = arith.constant 1 : i32
    %swap3A_203 = arith.index_cast %swap3A_202 : i32 to index
    %swap3A_204 = arith.constant 16 : index
    %swap3A_205 = tpu.vector_load %arg8[%swap3A_203, %swap3A_204] {strides = array<i32>} : memref<2x128xi32, #tpu.memory_space<vmem>>, vector<16xi32>,
    tpu.vector_store %arg8[%swap3A_203, %swap3A_204], %shift_right_logical3A_201 {strides = array<i32>} : memref<2x128xi32, #tpu.memory_space<vmem>>, vector<16xi32>,
    %and3A_206 = arith.constant 1 : i32
    %and3A_207 = vector.broadcast %and3A_206 : i32 to vector<16xi32>
    %and3A_208 = arith.andi %get3A_198, %and3A_207 : vector<16xi32>
    %shift_left3A_209 = arith.constant 6 : i32
    %shift_left3A_210 = vector.broadcast %shift_left3A_209 : i32 to vector<16xi32>
    %shift_left3A_211 = arith.shli %and3A_208, %shift_left3A_210 : vector<16xi32>
    %swap3A_212 = arith.constant 1 : i32
    %swap3A_213 = arith.index_cast %swap3A_212 : i32 to index
    %swap3A_214 = arith.constant 16 : index
    %swap3A_215 = tpu.vector_load %arg9[%swap3A_213, %swap3A_214] {strides = array<i32>} : memref<2x128xi32, #tpu.memory_space<vmem>>, vector<16xi32>,
    tpu.vector_store %arg9[%swap3A_213, %swap3A_214], %shift_left3A_211 {strides = array<i32>} : memref<2x128xi32, #tpu.memory_space<vmem>>, vector<16xi32>,
    %get3A_216 = arith.constant 1 : i32
    %get3A_217 = arith.index_cast %get3A_216 : i32 to index
    %get3A_218 = arith.constant 32 : index
    %get3A_219 = tpu.vector_load %arg7[%get3A_217, %get3A_218] {strides = array<i32>} : memref<2x128xi32, #tpu.memory_space<vmem>>, vector<16xi32>,
    %shift_right_logical3A_220 = arith.constant 1 : i32
    %shift_right_logical3A_221 = vector.broadcast %shift_right_logical3A_220 : i32 to vector<16xi32>
    %shift_right_logical3A_222 = arith.shrui %get3A_219, %shift_right_logical3A_221 : vector<16xi32>
    %swap3A_223 = arith.constant 1 : i32
    %swap3A_224 = arith.index_cast %swap3A_223 : i32 to index
    %swap3A_225 = arith.constant 32 : index
    %swap3A_226 = tpu.vector_load %arg8[%swap3A_224, %swap3A_225] {strides = array<i32>} : memref<2x128xi32, #tpu.memory_space<vmem>>, vector<16xi32>,
    tpu.vector_store %arg8[%swap3A_224, %swap3A_225], %shift_right_logical3A_222 {strides = array<i32>} : memref<2x128xi32, #tpu.memory_space<vmem>>, vector<16xi32>,
    %and3A_227 = arith.constant 1 : i32
    %and3A_228 = vector.broadcast %and3A_227 : i32 to vector<16xi32>
    %and3A_229 = arith.andi %get3A_219, %and3A_228 : vector<16xi32>
    %shift_left3A_230 = arith.constant 6 : i32
    %shift_left3A_231 = vector.broadcast %shift_left3A_230 : i32 to vector<16xi32>
    %shift_left3A_232 = arith.shli %and3A_229, %shift_left3A_231 : vector<16xi32>
    %swap3A_233 = arith.constant 1 : i32
    %swap3A_234 = arith.index_cast %swap3A_233 : i32 to index
    %swap3A_235 = arith.constant 32 : index
    %swap3A_236 = tpu.vector_load %arg9[%swap3A_234, %swap3A_235] {strides = array<i32>} : memref<2x128xi32, #tpu.memory_space<vmem>>, vector<16xi32>,
    tpu.vector_store %arg9[%swap3A_234, %swap3A_235], %shift_left3A_232 {strides = array<i32>} : memref<2x128xi32, #tpu.memory_space<vmem>>, vector<16xi32>,
    %get3A_237 = arith.constant 1 : i32
    %get3A_238 = arith.index_cast %get3A_237 : i32 to index
    %get3A_239 = arith.constant 48 : index
    %get3A_240 = tpu.vector_load %arg7[%get3A_238, %get3A_239] {strides = array<i32>} : memref<2x128xi32, #tpu.memory_space<vmem>>, vector<16xi32>,
    %shift_right_logical3A_241 = arith.constant 1 : i32
    %shift_right_logical3A_242 = vector.broadcast %shift_right_logical3A_241 : i32 to vector<16xi32>
    %shift_right_logical3A_243 = arith.shrui %get3A_240, %shift_right_logical3A_242 : vector<16xi32>
    %swap3A_244 = arith.constant 1 : i32
    %swap3A_245 = arith.index_cast %swap3A_244 : i32 to index
    %swap3A_246 = arith.constant 48 : index
    %swap3A_247 = tpu.vector_load %arg8[%swap3A_245, %swap3A_246] {strides = array<i32>} : memref<2x128xi32, #tpu.memory_space<vmem>>, vector<16xi32>,
    tpu.vector_store %arg8[%swap3A_245, %swap3A_246], %shift_right_logical3A_243 {strides = array<i32>} : memref<2x128xi32, #tpu.memory_space<vmem>>, vector<16xi32>,
    %and3A_248 = arith.constant 1 : i32
    %and3A_249 = vector.broadcast %and3A_248 : i32 to vector<16xi32>
    %and3A_250 = arith.andi %get3A_240, %and3A_249 : vector<16xi32>
    %shift_left3A_251 = arith.constant 6 : i32
    %shift_left3A_252 = vector.broadcast %shift_left3A_251 : i32 to vector<16xi32>
    %shift_left3A_253 = arith.shli %and3A_250, %shift_left3A_252 : vector<16xi32>
    %swap3A_254 = arith.constant 1 : i32
    %swap3A_255 = arith.index_cast %swap3A_254 : i32 to index
    %swap3A_256 = arith.constant 48 : index
    %swap3A_257 = tpu.vector_load %arg9[%swap3A_255, %swap3A_256] {strides = array<i32>} : memref<2x128xi32, #tpu.memory_space<vmem>>, vector<16xi32>,
    tpu.vector_store %arg9[%swap3A_255, %swap3A_256], %shift_left3A_253 {strides = array<i32>} : memref<2x128xi32, #tpu.memory_space<vmem>>, vector<16xi32>,
    %get3A_258 = arith.constant 1 : i32
    %get3A_259 = arith.index_cast %get3A_258 : i32 to index
    %get3A_260 = arith.constant 64 : index
    %get3A_261 = tpu.vector_load %arg7[%get3A_259, %get3A_260] {strides = array<i32>} : memref<2x128xi32, #tpu.memory_space<vmem>>, vector<16xi32>,
    %shift_right_logical3A_262 = arith.constant 1 : i32
    %shift_right_logical3A_263 = vector.broadcast %shift_right_logical3A_262 : i32 to vector<16xi32>
    %shift_right_logical3A_264 = arith.shrui %get3A_261, %shift_right_logical3A_263 : vector<16xi32>
    %swap3A_265 = arith.constant 1 : i32
    %swap3A_266 = arith.index_cast %swap3A_265 : i32 to index
    %swap3A_267 = arith.constant 64 : index
    %swap3A_268 = tpu.vector_load %arg8[%swap3A_266, %swap3A_267] {strides = array<i32>} : memref<2x128xi32, #tpu.memory_space<vmem>>, vector<16xi32>,
    tpu.vector_store %arg8[%swap3A_266, %swap3A_267], %shift_right_logical3A_264 {strides = array<i32>} : memref<2x128xi32, #tpu.memory_space<vmem>>, vector<16xi32>,
    %and3A_269 = arith.constant 1 : i32
    %and3A_270 = vector.broadcast %and3A_269 : i32 to vector<16xi32>
    %and3A_271 = arith.andi %get3A_261, %and3A_270 : vector<16xi32>
    %shift_left3A_272 = arith.constant 6 : i32
    %shift_left3A_273 = vector.broadcast %shift_left3A_272 : i32 to vector<16xi32>
    %shift_left3A_274 = arith.shli %and3A_271, %shift_left3A_273 : vector<16xi32>
    %swap3A_275 = arith.constant 1 : i32
    %swap3A_276 = arith.index_cast %swap3A_275 : i32 to index
    %swap3A_277 = arith.constant 64 : index
    %swap3A_278 = tpu.vector_load %arg9[%swap3A_276, %swap3A_277] {strides = array<i32>} : memref<2x128xi32, #tpu.memory_space<vmem>>, vector<16xi32>,
    tpu.vector_store %arg9[%swap3A_276, %swap3A_277], %shift_left3A_274 {strides = array<i32>} : memref<2x128xi32, #tpu.memory_space<vmem>>, vector<16xi32>,
    %get3A_279 = arith.constant 1 : i32
    %get3A_280 = arith.index_cast %get3A_279 : i32 to index
    %get3A_281 = arith.constant 80 : index
    %get3A_282 = tpu.vector_load %arg7[%get3A_280, %get3A_281] {strides = array<i32>} : memref<2x128xi32, #tpu.memory_space<vmem>>, vector<16xi32>,
    %shift_right_logical3A_283 = arith.constant 1 : i32
    %shift_right_logical3A_284 = vector.broadcast %shift_right_logical3A_283 : i32 to vector<16xi32>
    %shift_right_logical3A_285 = arith.shrui %get3A_282, %shift_right_logical3A_284 : vector<16xi32>
    %swap3A_286 = arith.constant 1 : i32
    %swap3A_287 = arith.index_cast %swap3A_286 : i32 to index
    %swap3A_288 = arith.constant 80 : index
    %swap3A_289 = tpu.vector_load %arg8[%swap3A_287, %swap3A_288] {strides = array<i32>} : memref<2x128xi32, #tpu.memory_space<vmem>>, vector<16xi32>,
    tpu.vector_store %arg8[%swap3A_287, %swap3A_288], %shift_right_logical3A_285 {strides = array<i32>} : memref<2x128xi32, #tpu.memory_space<vmem>>, vector<16xi32>,
    %and3A_290 = arith.constant 1 : i32
    %and3A_291 = vector.broadcast %and3A_290 : i32 to vector<16xi32>
    %and3A_292 = arith.andi %get3A_282, %and3A_291 : vector<16xi32>
    %shift_left3A_293 = arith.constant 6 : i32
    %shift_left3A_294 = vector.broadcast %shift_left3A_293 : i32 to vector<16xi32>
    %shift_left3A_295 = arith.shli %and3A_292, %shift_left3A_294 : vector<16xi32>
    %swap3A_296 = arith.constant 1 : i32
    %swap3A_297 = arith.index_cast %swap3A_296 : i32 to index
    %swap3A_298 = arith.constant 80 : index
    %swap3A_299 = tpu.vector_load %arg9[%swap3A_297, %swap3A_298] {strides = array<i32>} : memref<2x128xi32, #tpu.memory_space<vmem>>, vector<16xi32>,
    tpu.vector_store %arg9[%swap3A_297, %swap3A_298], %shift_left3A_295 {strides = array<i32>} : memref<2x128xi32, #tpu.memory_space<vmem>>, vector<16xi32>,
    %get3A_300 = arith.constant 1 : i32
    %get3A_301 = arith.index_cast %get3A_300 : i32 to index
    %get3A_302 = arith.constant 96 : index
    %get3A_303 = tpu.vector_load %arg7[%get3A_301, %get3A_302] {strides = array<i32>} : memref<2x128xi32, #tpu.memory_space<vmem>>, vector<16xi32>,
    %shift_right_logical3A_304 = arith.constant 1 : i32
    %shift_right_logical3A_305 = vector.broadcast %shift_right_logical3A_304 : i32 to vector<16xi32>
    %shift_right_logical3A_306 = arith.shrui %get3A_303, %shift_right_logical3A_305 : vector<16xi32>
    %swap3A_307 = arith.constant 1 : i32
    %swap3A_308 = arith.index_cast %swap3A_307 : i32 to index
    %swap3A_309 = arith.constant 96 : index
    %swap3A_310 = tpu.vector_load %arg8[%swap3A_308, %swap3A_309] {strides = array<i32>} : memref<2x128xi32, #tpu.memory_space<vmem>>, vector<16xi32>,
    tpu.vector_store %arg8[%swap3A_308, %swap3A_309], %shift_right_logical3A_306 {strides = array<i32>} : memref<2x128xi32, #tpu.memory_space<vmem>>, vector<16xi32>,
    %and3A_311 = arith.constant 1 : i32
    %and3A_312 = vector.broadcast %and3A_311 : i32 to vector<16xi32>
    %and3A_313 = arith.andi %get3A_303, %and3A_312 : vector<16xi32>
    %shift_left3A_314 = arith.constant 6 : i32
    %shift_left3A_315 = vector.broadcast %shift_left3A_314 : i32 to vector<16xi32>
    %shift_left3A_316 = arith.shli %and3A_313, %shift_left3A_315 : vector<16xi32>
    %swap3A_317 = arith.constant 1 : i32
    %swap3A_318 = arith.index_cast %swap3A_317 : i32 to index
    %swap3A_319 = arith.constant 96 : index
    %swap3A_320 = tpu.vector_load %arg9[%swap3A_318, %swap3A_319] {strides = array<i32>} : memref<2x128xi32, #tpu.memory_space<vmem>>, vector<16xi32>,
    tpu.vector_store %arg9[%swap3A_318, %swap3A_319], %shift_left3A_316 {strides = array<i32>} : memref<2x128xi32, #tpu.memory_space<vmem>>, vector<16xi32>,
    %get3A_321 = arith.constant 1 : i32
    %get3A_322 = arith.index_cast %get3A_321 : i32 to index
    %get3A_323 = arith.constant 112 : index
    %get3A_324 = tpu.vector_load %arg7[%get3A_322, %get3A_323] {strides = array<i32>} : memref<2x128xi32, #tpu.memory_space<vmem>>, vector<16xi32>,
    %shift_right_logical3A_325 = arith.constant 1 : i32
    %shift_right_logical3A_326 = vector.broadcast %shift_right_logical3A_325 : i32 to vector<16xi32>
    %shift_right_logical3A_327 = arith.shrui %get3A_324, %shift_right_logical3A_326 : vector<16xi32>
    %swap3A_328 = arith.constant 1 : i32
    %swap3A_329 = arith.index_cast %swap3A_328 : i32 to index
    %swap3A_330 = arith.constant 112 : index
    %swap3A_331 = tpu.vector_load %arg8[%swap3A_329, %swap3A_330] {strides = array<i32>} : memref<2x128xi32, #tpu.memory_space<vmem>>, vector<16xi32>,
    tpu.vector_store %arg8[%swap3A_329, %swap3A_330], %shift_right_logical3A_327 {strides = array<i32>} : memref<2x128xi32, #tpu.memory_space<vmem>>, vector<16xi32>,
    %and3A_332 = arith.constant 1 : i32
    %and3A_333 = vector.broadcast %and3A_332 : i32 to vector<16xi32>
    %and3A_334 = arith.andi %get3A_324, %and3A_333 : vector<16xi32>
    %shift_left3A_335 = arith.constant 6 : i32
    %shift_left3A_336 = vector.broadcast %shift_left3A_335 : i32 to vector<16xi32>
    %shift_left3A_337 = arith.shli %and3A_334, %shift_left3A_336 : vector<16xi32>
    %swap3A_338 = arith.constant 1 : i32
    %swap3A_339 = arith.index_cast %swap3A_338 : i32 to index
    %swap3A_340 = arith.constant 112 : index
    %swap3A_341 = tpu.vector_load %arg9[%swap3A_339, %swap3A_340] {strides = array<i32>} : memref<2x128xi32, #tpu.memory_space<vmem>>, vector<16xi32>,
    tpu.vector_store %arg9[%swap3A_339, %swap3A_340], %shift_left3A_337 {strides = array<i32>} : memref<2x128xi32, #tpu.memory_space<vmem>>, vector<16xi32>,
    %dma_start3A_342 = arith.constant 0 : i32
    %dma_start3A_343 = arith.constant 0 : i32
    %dma_start3A_344 = arith.constant 0 : i32
    %dma_start3A_345 = arith.constant 0 : i32
    %dma_start3A_346 = tpu.memref_slice %arg10[%dma_start3A_343, %dma_start3A_344, %dma_start3A_345] : memref<2x128x128xf32, #tpu.memory_space<vmem>> -> memref<1x128x128xf32, #tpu.memory_space<vmem>>
    %dma_start3A_347 = tpu.memref_squeeze %dma_start3A_346 : memref<1x128x128xf32, #tpu.memory_space<vmem>> -> memref<128x128xf32, #tpu.memory_space<vmem>>
    %dma_start3A_348 = arith.constant 0 : i32
    %dma_start3A_349 = tpu.memref_slice %arg8[%dma_start3A_342, %dma_start3A_348] : memref<2x128xi32, #tpu.memory_space<vmem>> -> memref<1x128xi32, #tpu.memory_space<vmem>>
    %dma_start3A_350 = tpu.memref_squeeze %dma_start3A_349 : memref<1x128xi32, #tpu.memory_space<vmem>> -> memref<128xi32, #tpu.memory_space<vmem>>
    %dma_start3A_351 = arith.constant 0 : i32
    %dma_start3A_352 = arith.constant 0 : i32
    %dma_start3A_353 = tpu.memref_slice %arg3[%dma_start3A_351, %dma_start3A_352] : memref<500000x128xf32, #tpu.memory_space<hbm>> -> memref<500000x128xf32, #tpu.memory_space<hbm>>
    tpu.enqueue_indirect_dma source(%dma_start3A_353 : memref<500000x128xf32, #tpu.memory_space<hbm>>) target(%dma_start3A_347 : memref<128x128xf32, #tpu.memory_space<vmem>>) offsets(%dma_start3A_350 : memref<128xi32, #tpu.memory_space<vmem>>) semaphore(%arg17 : memref<!tpu.dma_semaphore, #tpu.memory_space<semaphore_mem>>)
    %dma_start3A_354 = arith.constant 1 : i32
    %dma_start3A_355 = arith.constant 1 : i32
    %dma_start3A_356 = arith.constant 0 : i32
    %dma_start3A_357 = arith.constant 0 : i32
    %dma_start3A_358 = tpu.memref_slice %arg10[%dma_start3A_355, %dma_start3A_356, %dma_start3A_357] : memref<2x128x128xf32, #tpu.memory_space<vmem>> -> memref<1x128x128xf32, #tpu.memory_space<vmem>>
    %dma_start3A_359 = tpu.memref_squeeze %dma_start3A_358 : memref<1x128x128xf32, #tpu.memory_space<vmem>> -> memref<128x128xf32, #tpu.memory_space<vmem>>
    %dma_start3A_360 = arith.constant 0 : i32
    %dma_start3A_361 = tpu.memref_slice %arg8[%dma_start3A_354, %dma_start3A_360] : memref<2x128xi32, #tpu.memory_space<vmem>> -> memref<1x128xi32, #tpu.memory_space<vmem>>
    %dma_start3A_362 = tpu.memref_squeeze %dma_start3A_361 : memref<1x128xi32, #tpu.memory_space<vmem>> -> memref<128xi32, #tpu.memory_space<vmem>>
    %dma_start3A_363 = arith.constant 0 : i32
    %dma_start3A_364 = arith.constant 0 : i32
    %dma_start3A_365 = tpu.memref_slice %arg3[%dma_start3A_363, %dma_start3A_364] : memref<500000x128xf32, #tpu.memory_space<hbm>> -> memref<500000x128xf32, #tpu.memory_space<hbm>>
    tpu.enqueue_indirect_dma source(%dma_start3A_365 : memref<500000x128xf32, #tpu.memory_space<hbm>>) target(%dma_start3A_359 : memref<128x128xf32, #tpu.memory_space<vmem>>) offsets(%dma_start3A_362 : memref<128xi32, #tpu.memory_space<vmem>>) semaphore(%arg17 : memref<!tpu.dma_semaphore, #tpu.memory_space<semaphore_mem>>)
    %min3A_366 = arith.constant 1 : i32
    %min3A_367 = arith.constant 99 : i32
    %min3A_368 = arith.minsi %min3A_366, %min3A_367 : i32
    %mul3A_369 = arith.constant 2 : i32
    %mul3A_370 = arith.muli %min3A_368, %mul3A_369 : i32
    %dma_start3A_371 = tpu.memref_slice %arg2[%mul3A_370, %mul3A_2] : memref<200x4096xi32, #tpu.memory_space<hbm>> -> memref<2x128xi32, #tpu.memory_space<hbm>>
    %dma_start3A_372 = tpu.memref_slice %arg2[%mul3A_370, %mul3A_2] : memref<200x4096xi32, #tpu.memory_space<hbm>> -> memref<2x128xi32, #tpu.memory_space<hbm>>
    tpu.enqueue_dma source(%dma_start3A_372 : memref<2x128xi32, #tpu.memory_space<hbm>>) target(%arg12 : memref<2x128xi32, #tpu.memory_space<vmem>>) target_semaphore(%arg22 : memref<!tpu.dma_semaphore, #tpu.memory_space<semaphore_mem>>)
    %dma_wait3A_373 = arith.constant 0 : i32
    %dma_wait3A_374 = tpu.memref_slice %arg2[%dma_wait3A_373, %mul3A_2] : memref<200x4096xi32, #tpu.memory_space<hbm>> -> memref<2x128xi32, #tpu.memory_space<hbm>>
    %dma_wait3A_375 = arith.constant 0 : i32
    %dma_wait3A_376 = tpu.memref_slice %arg2[%dma_wait3A_375, %mul3A_2] : memref<200x4096xi32, #tpu.memory_space<hbm>> -> memref<2x128xi32, #tpu.memory_space<hbm>>
    tpu.wait_dma2 semaphore(%arg22 : memref<!tpu.dma_semaphore, #tpu.memory_space<semaphore_mem>>) src(%dma_wait3A_376 : memref<2x128xi32, #tpu.memory_space<hbm>>) dst(%arg12 : memref<2x128xi32, #tpu.memory_space<vmem>>)
    %get3A_377 = arith.constant 0 : i32
    %get3A_378 = arith.index_cast %get3A_377 : i32 to index
    %get3A_379 = arith.constant 0 : index
    %get3A_380 = tpu.vector_load %arg12[%get3A_378, %get3A_379] {strides = array<i32>} : memref<2x128xi32, #tpu.memory_space<vmem>>, vector<16xi32>,
    %shift_right_logical3A_381 = arith.constant 1 : i32
    %shift_right_logical3A_382 = vector.broadcast %shift_right_logical3A_381 : i32 to vector<16xi32>
    %shift_right_logical3A_383 = arith.shrui %get3A_380, %shift_right_logical3A_382 : vector<16xi32>
    %swap3A_384 = arith.constant 0 : i32
    %swap3A_385 = arith.index_cast %swap3A_384 : i32 to index
    %swap3A_386 = arith.constant 0 : index
    %swap3A_387 = tpu.vector_load %arg13[%swap3A_385, %swap3A_386] {strides = array<i32>} : memref<2x128xi32, #tpu.memory_space<vmem>>, vector<16xi32>,
    tpu.vector_store %arg13[%swap3A_385, %swap3A_386], %shift_right_logical3A_383 {strides = array<i32>} : memref<2x128xi32, #tpu.memory_space<vmem>>, vector<16xi32>,
    %and3A_388 = arith.constant 1 : i32
    %and3A_389 = vector.broadcast %and3A_388 : i32 to vector<16xi32>
    %and3A_390 = arith.andi %get3A_380, %and3A_389 : vector<16xi32>
    %shift_left3A_391 = arith.constant 6 : i32
    %shift_left3A_392 = vector.broadcast %shift_left3A_391 : i32 to vector<16xi32>
    %shift_left3A_393 = arith.shli %and3A_390, %shift_left3A_392 : vector<16xi32>
    %swap3A_394 = arith.constant 0 : i32
    %swap3A_395 = arith.index_cast %swap3A_394 : i32 to index
    %swap3A_396 = arith.constant 0 : index
    %swap3A_397 = tpu.vector_load %arg14[%swap3A_395, %swap3A_396] {strides = array<i32>} : memref<2x128xi32, #tpu.memory_space<vmem>>, vector<16xi32>,
    tpu.vector_store %arg14[%swap3A_395, %swap3A_396], %shift_left3A_393 {strides = array<i32>} : memref<2x128xi32, #tpu.memory_space<vmem>>, vector<16xi32>,
    %get3A_398 = arith.constant 0 : i32
    %get3A_399 = arith.index_cast %get3A_398 : i32 to index
    %get3A_400 = arith.constant 16 : index
    %get3A_401 = tpu.vector_load %arg12[%get3A_399, %get3A_400] {strides = array<i32>} : memref<2x128xi32, #tpu.memory_space<vmem>>, vector<16xi32>,
    %shift_right_logical3A_402 = arith.constant 1 : i32
    %shift_right_logical3A_403 = vector.broadcast %shift_right_logical3A_402 : i32 to vector<16xi32>
    %shift_right_logical3A_404 = arith.shrui %get3A_401, %shift_right_logical3A_403 : vector<16xi32>
    %swap3A_405 = arith.constant 0 : i32
    %swap3A_406 = arith.index_cast %swap3A_405 : i32 to index
    %swap3A_407 = arith.constant 16 : index
    %swap3A_408 = tpu.vector_load %arg13[%swap3A_406, %swap3A_407] {strides = array<i32>} : memref<2x128xi32, #tpu.memory_space<vmem>>, vector<16xi32>,
    tpu.vector_store %arg13[%swap3A_406, %swap3A_407], %shift_right_logical3A_404 {strides = array<i32>} : memref<2x128xi32, #tpu.memory_space<vmem>>, vector<16xi32>,
    %and3A_409 = arith.constant 1 : i32
    %and3A_410 = vector.broadcast %and3A_409 : i32 to vector<16xi32>
    %and3A_411 = arith.andi %get3A_401, %and3A_410 : vector<16xi32>
    %shift_left3A_412 = arith.constant 6 : i32
    %shift_left3A_413 = vector.broadcast %shift_left3A_412 : i32 to vector<16xi32>
    %shift_left3A_414 = arith.shli %and3A_411, %shift_left3A_413 : vector<16xi32>
    %swap3A_415 = arith.constant 0 : i32
    %swap3A_416 = arith.index_cast %swap3A_415 : i32 to index
    %swap3A_417 = arith.constant 16 : index
    %swap3A_418 = tpu.vector_load %arg14[%swap3A_416, %swap3A_417] {strides = array<i32>} : memref<2x128xi32, #tpu.memory_space<vmem>>, vector<16xi32>,
    tpu.vector_store %arg14[%swap3A_416, %swap3A_417], %shift_left3A_414 {strides = array<i32>} : memref<2x128xi32, #tpu.memory_space<vmem>>, vector<16xi32>,
    %get3A_419 = arith.constant 0 : i32
    %get3A_420 = arith.index_cast %get3A_419 : i32 to index
    %get3A_421 = arith.constant 32 : index
    %get3A_422 = tpu.vector_load %arg12[%get3A_420, %get3A_421] {strides = array<i32>} : memref<2x128xi32, #tpu.memory_space<vmem>>, vector<16xi32>,
    %shift_right_logical3A_423 = arith.constant 1 : i32
    %shift_right_logical3A_424 = vector.broadcast %shift_right_logical3A_423 : i32 to vector<16xi32>
    %shift_right_logical3A_425 = arith.shrui %get3A_422, %shift_right_logical3A_424 : vector<16xi32>
    %swap3A_426 = arith.constant 0 : i32
    %swap3A_427 = arith.index_cast %swap3A_426 : i32 to index
    %swap3A_428 = arith.constant 32 : index
    %swap3A_429 = tpu.vector_load %arg13[%swap3A_427, %swap3A_428] {strides = array<i32>} : memref<2x128xi32, #tpu.memory_space<vmem>>, vector<16xi32>,
    tpu.vector_store %arg13[%swap3A_427, %swap3A_428], %shift_right_logical3A_425 {strides = array<i32>} : memref<2x128xi32, #tpu.memory_space<vmem>>, vector<16xi32>,
    %and3A_430 = arith.constant 1 : i32
    %and3A_431 = vector.broadcast %and3A_430 : i32 to vector<16xi32>
    %and3A_432 = arith.andi %get3A_422, %and3A_431 : vector<16xi32>
    %shift_left3A_433 = arith.constant 6 : i32
    %shift_left3A_434 = vector.broadcast %shift_left3A_433 : i32 to vector<16xi32>
    %shift_left3A_435 = arith.shli %and3A_432, %shift_left3A_434 : vector<16xi32>
    %swap3A_436 = arith.constant 0 : i32
    %swap3A_437 = arith.index_cast %swap3A_436 : i32 to index
    %swap3A_438 = arith.constant 32 : index
    %swap3A_439 = tpu.vector_load %arg14[%swap3A_437, %swap3A_438] {strides = array<i32>} : memref<2x128xi32, #tpu.memory_space<vmem>>, vector<16xi32>,
    tpu.vector_store %arg14[%swap3A_437, %swap3A_438], %shift_left3A_435 {strides = array<i32>} : memref<2x128xi32, #tpu.memory_space<vmem>>, vector<16xi32>,
    %get3A_440 = arith.constant 0 : i32
    %get3A_441 = arith.index_cast %get3A_440 : i32 to index
    %get3A_442 = arith.constant 48 : index
    %get3A_443 = tpu.vector_load %arg12[%get3A_441, %get3A_442] {strides = array<i32>} : memref<2x128xi32, #tpu.memory_space<vmem>>, vector<16xi32>,
    %shift_right_logical3A_444 = arith.constant 1 : i32
    %shift_right_logical3A_445 = vector.broadcast %shift_right_logical3A_444 : i32 to vector<16xi32>
    %shift_right_logical3A_446 = arith.shrui %get3A_443, %shift_right_logical3A_445 : vector<16xi32>
    %swap3A_447 = arith.constant 0 : i32
    %swap3A_448 = arith.index_cast %swap3A_447 : i32 to index
    %swap3A_449 = arith.constant 48 : index
    %swap3A_450 = tpu.vector_load %arg13[%swap3A_448, %swap3A_449] {strides = array<i32>} : memref<2x128xi32, #tpu.memory_space<vmem>>, vector<16xi32>,
    tpu.vector_store %arg13[%swap3A_448, %swap3A_449], %shift_right_logical3A_446 {strides = array<i32>} : memref<2x128xi32, #tpu.memory_space<vmem>>, vector<16xi32>,
    %and3A_451 = arith.constant 1 : i32
    %and3A_452 = vector.broadcast %and3A_451 : i32 to vector<16xi32>
    %and3A_453 = arith.andi %get3A_443, %and3A_452 : vector<16xi32>
    %shift_left3A_454 = arith.constant 6 : i32
    %shift_left3A_455 = vector.broadcast %shift_left3A_454 : i32 to vector<16xi32>
    %shift_left3A_456 = arith.shli %and3A_453, %shift_left3A_455 : vector<16xi32>
    %swap3A_457 = arith.constant 0 : i32
    %swap3A_458 = arith.index_cast %swap3A_457 : i32 to index
    %swap3A_459 = arith.constant 48 : index
    %swap3A_460 = tpu.vector_load %arg14[%swap3A_458, %swap3A_459] {strides = array<i32>} : memref<2x128xi32, #tpu.memory_space<vmem>>, vector<16xi32>,
    tpu.vector_store %arg14[%swap3A_458, %swap3A_459], %shift_left3A_456 {strides = array<i32>} : memref<2x128xi32, #tpu.memory_space<vmem>>, vector<16xi32>,
    %get3A_461 = arith.constant 0 : i32
    %get3A_462 = arith.index_cast %get3A_461 : i32 to index
    %get3A_463 = arith.constant 64 : index
    %get3A_464 = tpu.vector_load %arg12[%get3A_462, %get3A_463] {strides = array<i32>} : memref<2x128xi32, #tpu.memory_space<vmem>>, vector<16xi32>,
    %shift_right_logical3A_465 = arith.constant 1 : i32
    %shift_right_logical3A_466 = vector.broadcast %shift_right_logical3A_465 : i32 to vector<16xi32>
    %shift_right_logical3A_467 = arith.shrui %get3A_464, %shift_right_logical3A_466 : vector<16xi32>
    %swap3A_468 = arith.constant 0 : i32
    %swap3A_469 = arith.index_cast %swap3A_468 : i32 to index
    %swap3A_470 = arith.constant 64 : index
    %swap3A_471 = tpu.vector_load %arg13[%swap3A_469, %swap3A_470] {strides = array<i32>} : memref<2x128xi32, #tpu.memory_space<vmem>>, vector<16xi32>,
    tpu.vector_store %arg13[%swap3A_469, %swap3A_470], %shift_right_logical3A_467 {strides = array<i32>} : memref<2x128xi32, #tpu.memory_space<vmem>>, vector<16xi32>,
    %and3A_472 = arith.constant 1 : i32
    %and3A_473 = vector.broadcast %and3A_472 : i32 to vector<16xi32>
    %and3A_474 = arith.andi %get3A_464, %and3A_473 : vector<16xi32>
    %shift_left3A_475 = arith.constant 6 : i32
    %shift_left3A_476 = vector.broadcast %shift_left3A_475 : i32 to vector<16xi32>
    %shift_left3A_477 = arith.shli %and3A_474, %shift_left3A_476 : vector<16xi32>
    %swap3A_478 = arith.constant 0 : i32
    %swap3A_479 = arith.index_cast %swap3A_478 : i32 to index
    %swap3A_480 = arith.constant 64 : index
    %swap3A_481 = tpu.vector_load %arg14[%swap3A_479, %swap3A_480] {strides = array<i32>} : memref<2x128xi32, #tpu.memory_space<vmem>>, vector<16xi32>,
    tpu.vector_store %arg14[%swap3A_479, %swap3A_480], %shift_left3A_477 {strides = array<i32>} : memref<2x128xi32, #tpu.memory_space<vmem>>, vector<16xi32>,
    %get3A_482 = arith.constant 0 : i32
    %get3A_483 = arith.index_cast %get3A_482 : i32 to index
    %get3A_484 = arith.constant 80 : index
    %get3A_485 = tpu.vector_load %arg12[%get3A_483, %get3A_484] {strides = array<i32>} : memref<2x128xi32, #tpu.memory_space<vmem>>, vector<16xi32>,
    %shift_right_logical3A_486 = arith.constant 1 : i32
    %shift_right_logical3A_487 = vector.broadcast %shift_right_logical3A_486 : i32 to vector<16xi32>
    %shift_right_logical3A_488 = arith.shrui %get3A_485, %shift_right_logical3A_487 : vector<16xi32>
    %swap3A_489 = arith.constant 0 : i32
    %swap3A_490 = arith.index_cast %swap3A_489 : i32 to index
    %swap3A_491 = arith.constant 80 : index
    %swap3A_492 = tpu.vector_load %arg13[%swap3A_490, %swap3A_491] {strides = array<i32>} : memref<2x128xi32, #tpu.memory_space<vmem>>, vector<16xi32>,
    tpu.vector_store %arg13[%swap3A_490, %swap3A_491], %shift_right_logical3A_488 {strides = array<i32>} : memref<2x128xi32, #tpu.memory_space<vmem>>, vector<16xi32>,
    %and3A_493 = arith.constant 1 : i32
    %and3A_494 = vector.broadcast %and3A_493 : i32 to vector<16xi32>
    %and3A_495 = arith.andi %get3A_485, %and3A_494 : vector<16xi32>
    %shift_left3A_496 = arith.constant 6 : i32
    %shift_left3A_497 = vector.broadcast %shift_left3A_496 : i32 to vector<16xi32>
    %shift_left3A_498 = arith.shli %and3A_495, %shift_left3A_497 : vector<16xi32>
    %swap3A_499 = arith.constant 0 : i32
    %swap3A_500 = arith.index_cast %swap3A_499 : i32 to index
    %swap3A_501 = arith.constant 80 : index
    %swap3A_502 = tpu.vector_load %arg14[%swap3A_500, %swap3A_501] {strides = array<i32>} : memref<2x128xi32, #tpu.memory_space<vmem>>, vector<16xi32>,
    tpu.vector_store %arg14[%swap3A_500, %swap3A_501], %shift_left3A_498 {strides = array<i32>} : memref<2x128xi32, #tpu.memory_space<vmem>>, vector<16xi32>,
    %get3A_503 = arith.constant 0 : i32
    %get3A_504 = arith.index_cast %get3A_503 : i32 to index
    %get3A_505 = arith.constant 96 : index
    %get3A_506 = tpu.vector_load %arg12[%get3A_504, %get3A_505] {strides = array<i32>} : memref<2x128xi32, #tpu.memory_space<vmem>>, vector<16xi32>,
    %shift_right_logical3A_507 = arith.constant 1 : i32
    %shift_right_logical3A_508 = vector.broadcast %shift_right_logical3A_507 : i32 to vector<16xi32>
    %shift_right_logical3A_509 = arith.shrui %get3A_506, %shift_right_logical3A_508 : vector<16xi32>
    %swap3A_510 = arith.constant 0 : i32
    %swap3A_511 = arith.index_cast %swap3A_510 : i32 to index
    %swap3A_512 = arith.constant 96 : index
    %swap3A_513 = tpu.vector_load %arg13[%swap3A_511, %swap3A_512] {strides = array<i32>} : memref<2x128xi32, #tpu.memory_space<vmem>>, vector<16xi32>,
    tpu.vector_store %arg13[%swap3A_511, %swap3A_512], %shift_right_logical3A_509 {strides = array<i32>} : memref<2x128xi32, #tpu.memory_space<vmem>>, vector<16xi32>,
    %and3A_514 = arith.constant 1 : i32
    %and3A_515 = vector.broadcast %and3A_514 : i32 to vector<16xi32>
    %and3A_516 = arith.andi %get3A_506, %and3A_515 : vector<16xi32>
    %shift_left3A_517 = arith.constant 6 : i32
    %shift_left3A_518 = vector.broadcast %shift_left3A_517 : i32 to vector<16xi32>
    %shift_left3A_519 = arith.shli %and3A_516, %shift_left3A_518 : vector<16xi32>
    %swap3A_520 = arith.constant 0 : i32
    %swap3A_521 = arith.index_cast %swap3A_520 : i32 to index
    %swap3A_522 = arith.constant 96 : index
    %swap3A_523 = tpu.vector_load %arg14[%swap3A_521, %swap3A_522] {strides = array<i32>} : memref<2x128xi32, #tpu.memory_space<vmem>>, vector<16xi32>,
    tpu.vector_store %arg14[%swap3A_521, %swap3A_522], %shift_left3A_519 {strides = array<i32>} : memref<2x128xi32, #tpu.memory_space<vmem>>, vector<16xi32>,
    %get3A_524 = arith.constant 0 : i32
    %get3A_525 = arith.index_cast %get3A_524 : i32 to index
    %get3A_526 = arith.constant 112 : index
    %get3A_527 = tpu.vector_load %arg12[%get3A_525, %get3A_526] {strides = array<i32>} : memref<2x128xi32, #tpu.memory_space<vmem>>, vector<16xi32>,
    %shift_right_logical3A_528 = arith.constant 1 : i32
    %shift_right_logical3A_529 = vector.broadcast %shift_right_logical3A_528 : i32 to vector<16xi32>
    %shift_right_logical3A_530 = arith.shrui %get3A_527, %shift_right_logical3A_529 : vector<16xi32>
    %swap3A_531 = arith.constant 0 : i32
    %swap3A_532 = arith.index_cast %swap3A_531 : i32 to index
    %swap3A_533 = arith.constant 112 : index
    %swap3A_534 = tpu.vector_load %arg13[%swap3A_532, %swap3A_533] {strides = array<i32>} : memref<2x128xi32, #tpu.memory_space<vmem>>, vector<16xi32>,
    tpu.vector_store %arg13[%swap3A_532, %swap3A_533], %shift_right_logical3A_530 {strides = array<i32>} : memref<2x128xi32, #tpu.memory_space<vmem>>, vector<16xi32>,
    %and3A_535 = arith.constant 1 : i32
    %and3A_536 = vector.broadcast %and3A_535 : i32 to vector<16xi32>
    %and3A_537 = arith.andi %get3A_527, %and3A_536 : vector<16xi32>
    %shift_left3A_538 = arith.constant 6 : i32
    %shift_left3A_539 = vector.broadcast %shift_left3A_538 : i32 to vector<16xi32>
    %shift_left3A_540 = arith.shli %and3A_537, %shift_left3A_539 : vector<16xi32>
    %swap3A_541 = arith.constant 0 : i32
    %swap3A_542 = arith.index_cast %swap3A_541 : i32 to index
    %swap3A_543 = arith.constant 112 : index
    %swap3A_544 = tpu.vector_load %arg14[%swap3A_542, %swap3A_543] {strides = array<i32>} : memref<2x128xi32, #tpu.memory_space<vmem>>, vector<16xi32>,
    tpu.vector_store %arg14[%swap3A_542, %swap3A_543], %shift_left3A_540 {strides = array<i32>} : memref<2x128xi32, #tpu.memory_space<vmem>>, vector<16xi32>,
    %get3A_545 = arith.constant 1 : i32
    %get3A_546 = arith.index_cast %get3A_545 : i32 to index
    %get3A_547 = arith.constant 0 : index
    %get3A_548 = tpu.vector_load %arg12[%get3A_546, %get3A_547] {strides = array<i32>} : memref<2x128xi32, #tpu.memory_space<vmem>>, vector<16xi32>,
    %shift_right_logical3A_549 = arith.constant 1 : i32
    %shift_right_logical3A_550 = vector.broadcast %shift_right_logical3A_549 : i32 to vector<16xi32>
    %shift_right_logical3A_551 = arith.shrui %get3A_548, %shift_right_logical3A_550 : vector<16xi32>
    %swap3A_552 = arith.constant 1 : i32
    %swap3A_553 = arith.index_cast %swap3A_552 : i32 to index
    %swap3A_554 = arith.constant 0 : index
    %swap3A_555 = tpu.vector_load %arg13[%swap3A_553, %swap3A_554] {strides = array<i32>} : memref<2x128xi32, #tpu.memory_space<vmem>>, vector<16xi32>,
    tpu.vector_store %arg13[%swap3A_553, %swap3A_554], %shift_right_logical3A_551 {strides = array<i32>} : memref<2x128xi32, #tpu.memory_space<vmem>>, vector<16xi32>,
    %and3A_556 = arith.constant 1 : i32
    %and3A_557 = vector.broadcast %and3A_556 : i32 to vector<16xi32>
    %and3A_558 = arith.andi %get3A_548, %and3A_557 : vector<16xi32>
    %shift_left3A_559 = arith.constant 6 : i32
    %shift_left3A_560 = vector.broadcast %shift_left3A_559 : i32 to vector<16xi32>
    %shift_left3A_561 = arith.shli %and3A_558, %shift_left3A_560 : vector<16xi32>
    %swap3A_562 = arith.constant 1 : i32
    %swap3A_563 = arith.index_cast %swap3A_562 : i32 to index
    %swap3A_564 = arith.constant 0 : index
    %swap3A_565 = tpu.vector_load %arg14[%swap3A_563, %swap3A_564] {strides = array<i32>} : memref<2x128xi32, #tpu.memory_space<vmem>>, vector<16xi32>,
    tpu.vector_store %arg14[%swap3A_563, %swap3A_564], %shift_left3A_561 {strides = array<i32>} : memref<2x128xi32, #tpu.memory_space<vmem>>, vector<16xi32>,
    %get3A_566 = arith.constant 1 : i32
    %get3A_567 = arith.index_cast %get3A_566 : i32 to index
    %get3A_568 = arith.constant 16 : index
    %get3A_569 = tpu.vector_load %arg12[%get3A_567, %get3A_568] {strides = array<i32>} : memref<2x128xi32, #tpu.memory_space<vmem>>, vector<16xi32>,
    %shift_right_logical3A_570 = arith.constant 1 : i32
    %shift_right_logical3A_571 = vector.broadcast %shift_right_logical3A_570 : i32 to vector<16xi32>
    %shift_right_logical3A_572 = arith.shrui %get3A_569, %shift_right_logical3A_571 : vector<16xi32>
    %swap3A_573 = arith.constant 1 : i32
    %swap3A_574 = arith.index_cast %swap3A_573 : i32 to index
    %swap3A_575 = arith.constant 16 : index
    %swap3A_576 = tpu.vector_load %arg13[%swap3A_574, %swap3A_575] {strides = array<i32>} : memref<2x128xi32, #tpu.memory_space<vmem>>, vector<16xi32>,
    tpu.vector_store %arg13[%swap3A_574, %swap3A_575], %shift_right_logical3A_572 {strides = array<i32>} : memref<2x128xi32, #tpu.memory_space<vmem>>, vector<16xi32>,
    %and3A_577 = arith.constant 1 : i32
    %and3A_578 = vector.broadcast %and3A_577 : i32 to vector<16xi32>
    %and3A_579 = arith.andi %get3A_569, %and3A_578 : vector<16xi32>
    %shift_left3A_580 = arith.constant 6 : i32
    %shift_left3A_581 = vector.broadcast %shift_left3A_580 : i32 to vector<16xi32>
    %shift_left3A_582 = arith.shli %and3A_579, %shift_left3A_581 : vector<16xi32>
    %swap3A_583 = arith.constant 1 : i32
    %swap3A_584 = arith.index_cast %swap3A_583 : i32 to index
    %swap3A_585 = arith.constant 16 : index
    %swap3A_586 = tpu.vector_load %arg14[%swap3A_584, %swap3A_585] {strides = array<i32>} : memref<2x128xi32, #tpu.memory_space<vmem>>, vector<16xi32>,
    tpu.vector_store %arg14[%swap3A_584, %swap3A_585], %shift_left3A_582 {strides = array<i32>} : memref<2x128xi32, #tpu.memory_space<vmem>>, vector<16xi32>,
    %get3A_587 = arith.constant 1 : i32
    %get3A_588 = arith.index_cast %get3A_587 : i32 to index
    %get3A_589 = arith.constant 32 : index
    %get3A_590 = tpu.vector_load %arg12[%get3A_588, %get3A_589] {strides = array<i32>} : memref<2x128xi32, #tpu.memory_space<vmem>>, vector<16xi32>,
    %shift_right_logical3A_591 = arith.constant 1 : i32
    %shift_right_logical3A_592 = vector.broadcast %shift_right_logical3A_591 : i32 to vector<16xi32>
    %shift_right_logical3A_593 = arith.shrui %get3A_590, %shift_right_logical3A_592 : vector<16xi32>
    %swap3A_594 = arith.constant 1 : i32
    %swap3A_595 = arith.index_cast %swap3A_594 : i32 to index
    %swap3A_596 = arith.constant 32 : index
    %swap3A_597 = tpu.vector_load %arg13[%swap3A_595, %swap3A_596] {strides = array<i32>} : memref<2x128xi32, #tpu.memory_space<vmem>>, vector<16xi32>,
    tpu.vector_store %arg13[%swap3A_595, %swap3A_596], %shift_right_logical3A_593 {strides = array<i32>} : memref<2x128xi32, #tpu.memory_space<vmem>>, vector<16xi32>,
    %and3A_598 = arith.constant 1 : i32
    %and3A_599 = vector.broadcast %and3A_598 : i32 to vector<16xi32>
    %and3A_600 = arith.andi %get3A_590, %and3A_599 : vector<16xi32>
    %shift_left3A_601 = arith.constant 6 : i32
    %shift_left3A_602 = vector.broadcast %shift_left3A_601 : i32 to vector<16xi32>
    %shift_left3A_603 = arith.shli %and3A_600, %shift_left3A_602 : vector<16xi32>
    %swap3A_604 = arith.constant 1 : i32
    %swap3A_605 = arith.index_cast %swap3A_604 : i32 to index
    %swap3A_606 = arith.constant 32 : index
    %swap3A_607 = tpu.vector_load %arg14[%swap3A_605, %swap3A_606] {strides = array<i32>} : memref<2x128xi32, #tpu.memory_space<vmem>>, vector<16xi32>,
    tpu.vector_store %arg14[%swap3A_605, %swap3A_606], %shift_left3A_603 {strides = array<i32>} : memref<2x128xi32, #tpu.memory_space<vmem>>, vector<16xi32>,
    %get3A_608 = arith.constant 1 : i32
    %get3A_609 = arith.index_cast %get3A_608 : i32 to index
    %get3A_610 = arith.constant 48 : index
    %get3A_611 = tpu.vector_load %arg12[%get3A_609, %get3A_610] {strides = array<i32>} : memref<2x128xi32, #tpu.memory_space<vmem>>, vector<16xi32>,
    %shift_right_logical3A_612 = arith.constant 1 : i32
    %shift_right_logical3A_613 = vector.broadcast %shift_right_logical3A_612 : i32 to vector<16xi32>
    %shift_right_logical3A_614 = arith.shrui %get3A_611, %shift_right_logical3A_613 : vector<16xi32>
    %swap3A_615 = arith.constant 1 : i32
    %swap3A_616 = arith.index_cast %swap3A_615 : i32 to index
    %swap3A_617 = arith.constant 48 : index
    %swap3A_618 = tpu.vector_load %arg13[%swap3A_616, %swap3A_617] {strides = array<i32>} : memref<2x128xi32, #tpu.memory_space<vmem>>, vector<16xi32>,
    tpu.vector_store %arg13[%swap3A_616, %swap3A_617], %shift_right_logical3A_614 {strides = array<i32>} : memref<2x128xi32, #tpu.memory_space<vmem>>, vector<16xi32>,
    %and3A_619 = arith.constant 1 : i32
    %and3A_620 = vector.broadcast %and3A_619 : i32 to vector<16xi32>
    %and3A_621 = arith.andi %get3A_611, %and3A_620 : vector<16xi32>
    %shift_left3A_622 = arith.constant 6 : i32
    %shift_left3A_623 = vector.broadcast %shift_left3A_622 : i32 to vector<16xi32>
    %shift_left3A_624 = arith.shli %and3A_621, %shift_left3A_623 : vector<16xi32>
    %swap3A_625 = arith.constant 1 : i32
    %swap3A_626 = arith.index_cast %swap3A_625 : i32 to index
    %swap3A_627 = arith.constant 48 : index
    %swap3A_628 = tpu.vector_load %arg14[%swap3A_626, %swap3A_627] {strides = array<i32>} : memref<2x128xi32, #tpu.memory_space<vmem>>, vector<16xi32>,
    tpu.vector_store %arg14[%swap3A_626, %swap3A_627], %shift_left3A_624 {strides = array<i32>} : memref<2x128xi32, #tpu.memory_space<vmem>>, vector<16xi32>,
    %get3A_629 = arith.constant 1 : i32
    %get3A_630 = arith.index_cast %get3A_629 : i32 to index
    %get3A_631 = arith.constant 64 : index
    %get3A_632 = tpu.vector_load %arg12[%get3A_630, %get3A_631] {strides = array<i32>} : memref<2x128xi32, #tpu.memory_space<vmem>>, vector<16xi32>,
    %shift_right_logical3A_633 = arith.constant 1 : i32
    %shift_right_logical3A_634 = vector.broadcast %shift_right_logical3A_633 : i32 to vector<16xi32>
    %shift_right_logical3A_635 = arith.shrui %get3A_632, %shift_right_logical3A_634 : vector<16xi32>
    %swap3A_636 = arith.constant 1 : i32
    %swap3A_637 = arith.index_cast %swap3A_636 : i32 to index
    %swap3A_638 = arith.constant 64 : index
    %swap3A_639 = tpu.vector_load %arg13[%swap3A_637, %swap3A_638] {strides = array<i32>} : memref<2x128xi32, #tpu.memory_space<vmem>>, vector<16xi32>,
    tpu.vector_store %arg13[%swap3A_637, %swap3A_638], %shift_right_logical3A_635 {strides = array<i32>} : memref<2x128xi32, #tpu.memory_space<vmem>>, vector<16xi32>,
    %and3A_640 = arith.constant 1 : i32
    %and3A_641 = vector.broadcast %and3A_640 : i32 to vector<16xi32>
    %and3A_642 = arith.andi %get3A_632, %and3A_641 : vector<16xi32>
    %shift_left3A_643 = arith.constant 6 : i32
    %shift_left3A_644 = vector.broadcast %shift_left3A_643 : i32 to vector<16xi32>
    %shift_left3A_645 = arith.shli %and3A_642, %shift_left3A_644 : vector<16xi32>
    %swap3A_646 = arith.constant 1 : i32
    %swap3A_647 = arith.index_cast %swap3A_646 : i32 to index
    %swap3A_648 = arith.constant 64 : index
    %swap3A_649 = tpu.vector_load %arg14[%swap3A_647, %swap3A_648] {strides = array<i32>} : memref<2x128xi32, #tpu.memory_space<vmem>>, vector<16xi32>,
    tpu.vector_store %arg14[%swap3A_647, %swap3A_648], %shift_left3A_645 {strides = array<i32>} : memref<2x128xi32, #tpu.memory_space<vmem>>, vector<16xi32>,
    %get3A_650 = arith.constant 1 : i32
    %get3A_651 = arith.index_cast %get3A_650 : i32 to index
    %get3A_652 = arith.constant 80 : index
    %get3A_653 = tpu.vector_load %arg12[%get3A_651, %get3A_652] {strides = array<i32>} : memref<2x128xi32, #tpu.memory_space<vmem>>, vector<16xi32>,
    %shift_right_logical3A_654 = arith.constant 1 : i32
    %shift_right_logical3A_655 = vector.broadcast %shift_right_logical3A_654 : i32 to vector<16xi32>
    %shift_right_logical3A_656 = arith.shrui %get3A_653, %shift_right_logical3A_655 : vector<16xi32>
    %swap3A_657 = arith.constant 1 : i32
    %swap3A_658 = arith.index_cast %swap3A_657 : i32 to index
    %swap3A_659 = arith.constant 80 : index
    %swap3A_660 = tpu.vector_load %arg13[%swap3A_658, %swap3A_659] {strides = array<i32>} : memref<2x128xi32, #tpu.memory_space<vmem>>, vector<16xi32>,
    tpu.vector_store %arg13[%swap3A_658, %swap3A_659], %shift_right_logical3A_656 {strides = array<i32>} : memref<2x128xi32, #tpu.memory_space<vmem>>, vector<16xi32>,
    %and3A_661 = arith.constant 1 : i32
    %and3A_662 = vector.broadcast %and3A_661 : i32 to vector<16xi32>
    %and3A_663 = arith.andi %get3A_653, %and3A_662 : vector<16xi32>
    %shift_left3A_664 = arith.constant 6 : i32
    %shift_left3A_665 = vector.broadcast %shift_left3A_664 : i32 to vector<16xi32>
    %shift_left3A_666 = arith.shli %and3A_663, %shift_left3A_665 : vector<16xi32>
    %swap3A_667 = arith.constant 1 : i32
    %swap3A_668 = arith.index_cast %swap3A_667 : i32 to index
    %swap3A_669 = arith.constant 80 : index
    %swap3A_670 = tpu.vector_load %arg14[%swap3A_668, %swap3A_669] {strides = array<i32>} : memref<2x128xi32, #tpu.memory_space<vmem>>, vector<16xi32>,
    tpu.vector_store %arg14[%swap3A_668, %swap3A_669], %shift_left3A_666 {strides = array<i32>} : memref<2x128xi32, #tpu.memory_space<vmem>>, vector<16xi32>,
    %get3A_671 = arith.constant 1 : i32
    %get3A_672 = arith.index_cast %get3A_671 : i32 to index
    %get3A_673 = arith.constant 96 : index
    %get3A_674 = tpu.vector_load %arg12[%get3A_672, %get3A_673] {strides = array<i32>} : memref<2x128xi32, #tpu.memory_space<vmem>>, vector<16xi32>,
    %shift_right_logical3A_675 = arith.constant 1 : i32
    %shift_right_logical3A_676 = vector.broadcast %shift_right_logical3A_675 : i32 to vector<16xi32>
    %shift_right_logical3A_677 = arith.shrui %get3A_674, %shift_right_logical3A_676 : vector<16xi32>
    %swap3A_678 = arith.constant 1 : i32
    %swap3A_679 = arith.index_cast %swap3A_678 : i32 to index
    %swap3A_680 = arith.constant 96 : index
    %swap3A_681 = tpu.vector_load %arg13[%swap3A_679, %swap3A_680] {strides = array<i32>} : memref<2x128xi32, #tpu.memory_space<vmem>>, vector<16xi32>,
    tpu.vector_store %arg13[%swap3A_679, %swap3A_680], %shift_right_logical3A_677 {strides = array<i32>} : memref<2x128xi32, #tpu.memory_space<vmem>>, vector<16xi32>,
    %and3A_682 = arith.constant 1 : i32
    %and3A_683 = vector.broadcast %and3A_682 : i32 to vector<16xi32>
    %and3A_684 = arith.andi %get3A_674, %and3A_683 : vector<16xi32>
    %shift_left3A_685 = arith.constant 6 : i32
    %shift_left3A_686 = vector.broadcast %shift_left3A_685 : i32 to vector<16xi32>
    %shift_left3A_687 = arith.shli %and3A_684, %shift_left3A_686 : vector<16xi32>
    %swap3A_688 = arith.constant 1 : i32
    %swap3A_689 = arith.index_cast %swap3A_688 : i32 to index
    %swap3A_690 = arith.constant 96 : index
    %swap3A_691 = tpu.vector_load %arg14[%swap3A_689, %swap3A_690] {strides = array<i32>} : memref<2x128xi32, #tpu.memory_space<vmem>>, vector<16xi32>,
    tpu.vector_store %arg14[%swap3A_689, %swap3A_690], %shift_left3A_687 {strides = array<i32>} : memref<2x128xi32, #tpu.memory_space<vmem>>, vector<16xi32>,
    %get3A_692 = arith.constant 1 : i32
    %get3A_693 = arith.index_cast %get3A_692 : i32 to index
    %get3A_694 = arith.constant 112 : index
    %get3A_695 = tpu.vector_load %arg12[%get3A_693, %get3A_694] {strides = array<i32>} : memref<2x128xi32, #tpu.memory_space<vmem>>, vector<16xi32>,
    %shift_right_logical3A_696 = arith.constant 1 : i32
    %shift_right_logical3A_697 = vector.broadcast %shift_right_logical3A_696 : i32 to vector<16xi32>
    %shift_right_logical3A_698 = arith.shrui %get3A_695, %shift_right_logical3A_697 : vector<16xi32>
    %swap3A_699 = arith.constant 1 : i32
    %swap3A_700 = arith.index_cast %swap3A_699 : i32 to index
    %swap3A_701 = arith.constant 112 : index
    %swap3A_702 = tpu.vector_load %arg13[%swap3A_700, %swap3A_701] {strides = array<i32>} : memref<2x128xi32, #tpu.memory_space<vmem>>, vector<16xi32>,
    tpu.vector_store %arg13[%swap3A_700, %swap3A_701], %shift_right_logical3A_698 {strides = array<i32>} : memref<2x128xi32, #tpu.memory_space<vmem>>, vector<16xi32>,
    %and3A_703 = arith.constant 1 : i32
    %and3A_704 = vector.broadcast %and3A_703 : i32 to vector<16xi32>
    %and3A_705 = arith.andi %get3A_695, %and3A_704 : vector<16xi32>
    %shift_left3A_706 = arith.constant 6 : i32
    %shift_left3A_707 = vector.broadcast %shift_left3A_706 : i32 to vector<16xi32>
    %shift_left3A_708 = arith.shli %and3A_705, %shift_left3A_707 : vector<16xi32>
    %swap3A_709 = arith.constant 1 : i32
    %swap3A_710 = arith.index_cast %swap3A_709 : i32 to index
    %swap3A_711 = arith.constant 112 : index
    %swap3A_712 = tpu.vector_load %arg14[%swap3A_710, %swap3A_711] {strides = array<i32>} : memref<2x128xi32, #tpu.memory_space<vmem>>, vector<16xi32>,
    tpu.vector_store %arg14[%swap3A_710, %swap3A_711], %shift_left3A_708 {strides = array<i32>} : memref<2x128xi32, #tpu.memory_space<vmem>>, vector<16xi32>,
    %dma_start3A_713 = arith.constant 0 : i32
    %dma_start3A_714 = arith.constant 0 : i32
    %dma_start3A_715 = arith.constant 0 : i32
    %dma_start3A_716 = arith.constant 0 : i32
    %dma_start3A_717 = tpu.memref_slice %arg15[%dma_start3A_714, %dma_start3A_715, %dma_start3A_716] : memref<2x128x128xf32, #tpu.memory_space<vmem>> -> memref<1x128x128xf32, #tpu.memory_space<vmem>>
    %dma_start3A_718 = tpu.memref_squeeze %dma_start3A_717 : memref<1x128x128xf32, #tpu.memory_space<vmem>> -> memref<128x128xf32, #tpu.memory_space<vmem>>
    %dma_start3A_719 = arith.constant 0 : i32
    %dma_start3A_720 = tpu.memref_slice %arg13[%dma_start3A_713, %dma_start3A_719] : memref<2x128xi32, #tpu.memory_space<vmem>> -> memref<1x128xi32, #tpu.memory_space<vmem>>
    %dma_start3A_721 = tpu.memref_squeeze %dma_start3A_720 : memref<1x128xi32, #tpu.memory_space<vmem>> -> memref<128xi32, #tpu.memory_space<vmem>>
    %dma_start3A_722 = arith.constant 0 : i32
    %dma_start3A_723 = arith.constant 0 : i32
    %dma_start3A_724 = tpu.memref_slice %arg3[%dma_start3A_722, %dma_start3A_723] : memref<500000x128xf32, #tpu.memory_space<hbm>> -> memref<500000x128xf32, #tpu.memory_space<hbm>>
    tpu.enqueue_indirect_dma source(%dma_start3A_724 : memref<500000x128xf32, #tpu.memory_space<hbm>>) target(%dma_start3A_718 : memref<128x128xf32, #tpu.memory_space<vmem>>) offsets(%dma_start3A_721 : memref<128xi32, #tpu.memory_space<vmem>>) semaphore(%arg18 : memref<!tpu.dma_semaphore, #tpu.memory_space<semaphore_mem>>)
    %dma_start3A_725 = arith.constant 1 : i32
    %dma_start3A_726 = arith.constant 1 : i32
    %dma_start3A_727 = arith.constant 0 : i32
    %dma_start3A_728 = arith.constant 0 : i32
    %dma_start3A_729 = tpu.memref_slice %arg15[%dma_start3A_726, %dma_start3A_727, %dma_start3A_728] : memref<2x128x128xf32, #tpu.memory_space<vmem>> -> memref<1x128x128xf32, #tpu.memory_space<vmem>>
    %dma_start3A_730 = tpu.memref_squeeze %dma_start3A_729 : memref<1x128x128xf32, #tpu.memory_space<vmem>> -> memref<128x128xf32, #tpu.memory_space<vmem>>
    %dma_start3A_731 = arith.constant 0 : i32
    %dma_start3A_732 = tpu.memref_slice %arg13[%dma_start3A_725, %dma_start3A_731] : memref<2x128xi32, #tpu.memory_space<vmem>> -> memref<1x128xi32, #tpu.memory_space<vmem>>
    %dma_start3A_733 = tpu.memref_squeeze %dma_start3A_732 : memref<1x128xi32, #tpu.memory_space<vmem>> -> memref<128xi32, #tpu.memory_space<vmem>>
    %dma_start3A_734 = arith.constant 0 : i32
    %dma_start3A_735 = arith.constant 0 : i32
    %dma_start3A_736 = tpu.memref_slice %arg3[%dma_start3A_734, %dma_start3A_735] : memref<500000x128xf32, #tpu.memory_space<hbm>> -> memref<500000x128xf32, #tpu.memory_space<hbm>>
    tpu.enqueue_indirect_dma source(%dma_start3A_736 : memref<500000x128xf32, #tpu.memory_space<hbm>>) target(%dma_start3A_730 : memref<128x128xf32, #tpu.memory_space<vmem>>) offsets(%dma_start3A_733 : memref<128xi32, #tpu.memory_space<vmem>>) semaphore(%arg18 : memref<!tpu.dma_semaphore, #tpu.memory_space<semaphore_mem>>)
    %dma_wait3A_737 = arith.constant 0 : i32
    %dma_wait3A_738 = arith.constant 0 : i32
    %dma_wait3A_739 = arith.constant 0 : i32
    %dma_wait3A_740 = arith.constant 0 : i32
    %dma_wait3A_741 = tpu.memref_slice %arg10[%dma_wait3A_738, %dma_wait3A_739, %dma_wait3A_740] : memref<2x128x128xf32, #tpu.memory_space<vmem>> -> memref<1x128x128xf32, #tpu.memory_space<vmem>>
    %dma_wait3A_742 = tpu.memref_squeeze %dma_wait3A_741 : memref<1x128x128xf32, #tpu.memory_space<vmem>> -> memref<128x128xf32, #tpu.memory_space<vmem>>
    %dma_wait3A_743 = arith.constant 0 : i32
    %dma_wait3A_744 = tpu.memref_slice %arg8[%dma_wait3A_737, %dma_wait3A_743] : memref<2x128xi32, #tpu.memory_space<vmem>> -> memref<1x128xi32, #tpu.memory_space<vmem>>
    %dma_wait3A_745 = tpu.memref_squeeze %dma_wait3A_744 : memref<1x128xi32, #tpu.memory_space<vmem>> -> memref<128xi32, #tpu.memory_space<vmem>>
    %dma_wait3A_746 = arith.constant 0 : i32
    %dma_wait3A_747 = arith.constant 0 : i32
    %dma_wait3A_748 = tpu.memref_slice %arg3[%dma_wait3A_746, %dma_wait3A_747] : memref<500000x128xf32, #tpu.memory_space<hbm>> -> memref<500000x128xf32, #tpu.memory_space<hbm>>
    tpu.wait_indirect_dma semaphore(%arg17 : memref<!tpu.dma_semaphore, #tpu.memory_space<semaphore_mem>>) src(%dma_wait3A_748 : memref<500000x128xf32, #tpu.memory_space<hbm>>) dst(%dma_wait3A_742 : memref<128x128xf32, #tpu.memory_space<vmem>>)
    %dma_wait3A_749 = arith.constant 1 : i32
    %dma_wait3A_750 = arith.constant 1 : i32
    %dma_wait3A_751 = arith.constant 0 : i32
    %dma_wait3A_752 = arith.constant 0 : i32
    %dma_wait3A_753 = tpu.memref_slice %arg10[%dma_wait3A_750, %dma_wait3A_751, %dma_wait3A_752] : memref<2x128x128xf32, #tpu.memory_space<vmem>> -> memref<1x128x128xf32, #tpu.memory_space<vmem>>
    %dma_wait3A_754 = tpu.memref_squeeze %dma_wait3A_753 : memref<1x128x128xf32, #tpu.memory_space<vmem>> -> memref<128x128xf32, #tpu.memory_space<vmem>>
    %dma_wait3A_755 = arith.constant 0 : i32
    %dma_wait3A_756 = tpu.memref_slice %arg8[%dma_wait3A_749, %dma_wait3A_755] : memref<2x128xi32, #tpu.memory_space<vmem>> -> memref<1x128xi32, #tpu.memory_space<vmem>>
    %dma_wait3A_757 = tpu.memref_squeeze %dma_wait3A_756 : memref<1x128xi32, #tpu.memory_space<vmem>> -> memref<128xi32, #tpu.memory_space<vmem>>
    %dma_wait3A_758 = arith.constant 0 : i32
    %dma_wait3A_759 = arith.constant 0 : i32
    %dma_wait3A_760 = tpu.memref_slice %arg3[%dma_wait3A_758, %dma_wait3A_759] : memref<500000x128xf32, #tpu.memory_space<hbm>> -> memref<500000x128xf32, #tpu.memory_space<hbm>>
    tpu.wait_indirect_dma semaphore(%arg17 : memref<!tpu.dma_semaphore, #tpu.memory_space<semaphore_mem>>) src(%dma_wait3A_760 : memref<500000x128xf32, #tpu.memory_space<hbm>>) dst(%dma_wait3A_754 : memref<128x128xf32, #tpu.memory_space<vmem>>)
    %min3A_761 = arith.constant 2 : i32
    %min3A_762 = arith.constant 99 : i32
    %min3A_763 = arith.minsi %min3A_761, %min3A_762 : i32
    %mul3A_764 = arith.constant 2 : i32
    %mul3A_765 = arith.muli %min3A_763, %mul3A_764 : i32
    %dma_start3A_766 = tpu.memref_slice %arg2[%mul3A_765, %mul3A_2] : memref<200x4096xi32, #tpu.memory_space<hbm>> -> memref<2x128xi32, #tpu.memory_space<hbm>>
    %dma_start3A_767 = tpu.memref_slice %arg2[%mul3A_765, %mul3A_2] : memref<200x4096xi32, #tpu.memory_space<hbm>> -> memref<2x128xi32, #tpu.memory_space<hbm>>
    tpu.enqueue_dma source(%dma_start3A_767 : memref<2x128xi32, #tpu.memory_space<hbm>>) target(%arg7 : memref<2x128xi32, #tpu.memory_space<vmem>>) target_semaphore(%arg21 : memref<!tpu.dma_semaphore, #tpu.memory_space<semaphore_mem>>)
    %iota3A = tpu.iota {dimensions = array<i32: 0>} : vector<16xi32>
    %add3A_768 = arith.constant 0 : i32
    %add3A_769 = vector.broadcast %add3A_768 : i32 to vector<16xi32>
    %add3A_770 = arith.addi %iota3A, %add3A_769 : vector<16xi32>
    %add3A_771 = arith.constant 16 : i32
    %add3A_772 = vector.broadcast %add3A_771 : i32 to vector<16xi32>
    %add3A_773 = arith.addi %iota3A, %add3A_772 : vector<16xi32>
    %add3A_774 = arith.constant 32 : i32
    %add3A_775 = vector.broadcast %add3A_774 : i32 to vector<16xi32>
    %add3A_776 = arith.addi %iota3A, %add3A_775 : vector<16xi32>
    %add3A_777 = arith.constant 48 : i32
    %add3A_778 = vector.broadcast %add3A_777 : i32 to vector<16xi32>
    %add3A_779 = arith.addi %iota3A, %add3A_778 : vector<16xi32>
    %get3A_780 = arith.constant 0 : index
    %get3A_781 = tpu.vector_load %arg6[%get3A_780] {strides = array<i32>} : memref<12800xf32, #tpu.memory_space<vmem>>, vector<16xf32>,
    %get3A_782 = arith.constant 16 : index
    %get3A_783 = tpu.vector_load %arg6[%get3A_782] {strides = array<i32>} : memref<12800xf32, #tpu.memory_space<vmem>>, vector<16xf32>,
    %get3A_784 = arith.constant 32 : index
    %get3A_785 = tpu.vector_load %arg6[%get3A_784] {strides = array<i32>} : memref<12800xf32, #tpu.memory_space<vmem>>, vector<16xf32>,
    %get3A_786 = arith.constant 48 : index
    %get3A_787 = tpu.vector_load %arg6[%get3A_786] {strides = array<i32>} : memref<12800xf32, #tpu.memory_space<vmem>>, vector<16xf32>,
    %broadcast_in_dim3A = arith.constant 0 : i32
    %broadcast_in_dim3A_788 = vector.broadcast %broadcast_in_dim3A : i32 to vector<16xi32>
    %parallel_loop3A = arith.constant 0 : i32
    %parallel_loop3A_789 = arith.constant 128 : i32
    %parallel_loop3A_790 = arith.constant 1 : i32
    scf.for %parallel_loop3A_933 = %parallel_loop3A to %parallel_loop3A_789 step %parallel_loop3A_790  : i32 {
      %parallel_loop3A_934 = vector.broadcast %parallel_loop3A_933 : i32 to vector<16xi32>
      %parallel_loop3A_935 = tpu.vector_load_idx %arg9[%broadcast_in_dim3A_788, %parallel_loop3A_934] : memref<2x128xi32, #tpu.memory_space<vmem>>[vector<16xi32>, vector<16xi32>], vector<16xi32>,
      %parallel_loop3A_936 = arith.addi %parallel_loop3A_935, %add3A_770 : vector<16xi32>
      %parallel_loop3A_937 = tpu.vector_load_idx %arg10[%broadcast_in_dim3A_788, %parallel_loop3A_934, %parallel_loop3A_936] : memref<2x128x128xf32, #tpu.memory_space<vmem>>[vector<16xi32>, vector<16xi32>, vector<16xi32>], vector<16xf32>,
      %parallel_loop3A_938 = arith.addf %parallel_loop3A_937, %get3A_781 : vector<16xf32>
      tpu.vector_store_idx %arg11[%broadcast_in_dim3A_788, %add3A_770, %parallel_loop3A_934], %parallel_loop3A_938 : memref<2x64x133xf32, #tpu.memory_space<vmem>>[vector<16xi32>, vector<16xi32>, vector<16xi32>], vector<16xf32>,
      %parallel_loop3A_939 = arith.addi %parallel_loop3A_935, %add3A_773 : vector<16xi32>
      %parallel_loop3A_940 = tpu.vector_load_idx %arg10[%broadcast_in_dim3A_788, %parallel_loop3A_934, %parallel_loop3A_939] : memref<2x128x128xf32, #tpu.memory_space<vmem>>[vector<16xi32>, vector<16xi32>, vector<16xi32>], vector<16xf32>,
      %parallel_loop3A_941 = arith.addf %parallel_loop3A_940, %get3A_783 : vector<16xf32>
      tpu.vector_store_idx %arg11[%broadcast_in_dim3A_788, %add3A_773, %parallel_loop3A_934], %parallel_loop3A_941 : memref<2x64x133xf32, #tpu.memory_space<vmem>>[vector<16xi32>, vector<16xi32>, vector<16xi32>], vector<16xf32>,
      %parallel_loop3A_942 = arith.addi %parallel_loop3A_935, %add3A_776 : vector<16xi32>
      %parallel_loop3A_943 = tpu.vector_load_idx %arg10[%broadcast_in_dim3A_788, %parallel_loop3A_934, %parallel_loop3A_942] : memref<2x128x128xf32, #tpu.memory_space<vmem>>[vector<16xi32>, vector<16xi32>, vector<16xi32>], vector<16xf32>,
      %parallel_loop3A_944 = arith.addf %parallel_loop3A_943, %get3A_785 : vector<16xf32>
      tpu.vector_store_idx %arg11[%broadcast_in_dim3A_788, %add3A_776, %parallel_loop3A_934], %parallel_loop3A_944 : memref<2x64x133xf32, #tpu.memory_space<vmem>>[vector<16xi32>, vector<16xi32>, vector<16xi32>], vector<16xf32>,
      %parallel_loop3A_945 = arith.addi %parallel_loop3A_935, %add3A_779 : vector<16xi32>
      %parallel_loop3A_946 = tpu.vector_load_idx %arg10[%broadcast_in_dim3A_788, %parallel_loop3A_934, %parallel_loop3A_945] : memref<2x128x128xf32, #tpu.memory_space<vmem>>[vector<16xi32>, vector<16xi32>, vector<16xi32>], vector<16xf32>,
      %parallel_loop3A_947 = arith.addf %parallel_loop3A_946, %get3A_787 : vector<16xf32>
      tpu.vector_store_idx %arg11[%broadcast_in_dim3A_788, %add3A_779, %parallel_loop3A_934], %parallel_loop3A_947 : memref<2x64x133xf32, #tpu.memory_space<vmem>>[vector<16xi32>, vector<16xi32>, vector<16xi32>], vector<16xf32>,
    } {sc.loop_unroll_factor = 4 : i64, sc.parallel_access}
    %get3A_791 = arith.constant 64 : index
    %get3A_792 = tpu.vector_load %arg6[%get3A_791] {strides = array<i32>} : memref<12800xf32, #tpu.memory_space<vmem>>, vector<16xf32>,
    %get3A_793 = arith.constant 80 : index
    %get3A_794 = tpu.vector_load %arg6[%get3A_793] {strides = array<i32>} : memref<12800xf32, #tpu.memory_space<vmem>>, vector<16xf32>,
    %get3A_795 = arith.constant 96 : index
    %get3A_796 = tpu.vector_load %arg6[%get3A_795] {strides = array<i32>} : memref<12800xf32, #tpu.memory_space<vmem>>, vector<16xf32>,
    %get3A_797 = arith.constant 112 : index
    %get3A_798 = tpu.vector_load %arg6[%get3A_797] {strides = array<i32>} : memref<12800xf32, #tpu.memory_space<vmem>>, vector<16xf32>,
    %broadcast_in_dim3A_799 = arith.constant 1 : i32
    %broadcast_in_dim3A_800 = vector.broadcast %broadcast_in_dim3A_799 : i32 to vector<16xi32>
    %parallel_loop3A_801 = arith.constant 0 : i32
    %parallel_loop3A_802 = arith.constant 128 : i32
    %parallel_loop3A_803 = arith.constant 1 : i32
    scf.for %parallel_loop3A_933 = %parallel_loop3A_801 to %parallel_loop3A_802 step %parallel_loop3A_803  : i32 {
      %parallel_loop3A_934 = vector.broadcast %parallel_loop3A_933 : i32 to vector<16xi32>
      %parallel_loop3A_935 = tpu.vector_load_idx %arg9[%broadcast_in_dim3A_800, %parallel_loop3A_934] : memref<2x128xi32, #tpu.memory_space<vmem>>[vector<16xi32>, vector<16xi32>], vector<16xi32>,
      %parallel_loop3A_936 = arith.addi %parallel_loop3A_935, %add3A_770 : vector<16xi32>
      %parallel_loop3A_937 = tpu.vector_load_idx %arg10[%broadcast_in_dim3A_800, %parallel_loop3A_934, %parallel_loop3A_936] : memref<2x128x128xf32, #tpu.memory_space<vmem>>[vector<16xi32>, vector<16xi32>, vector<16xi32>], vector<16xf32>,
      %parallel_loop3A_938 = arith.addf %parallel_loop3A_937, %get3A_792 : vector<16xf32>
      tpu.vector_store_idx %arg11[%broadcast_in_dim3A_800, %add3A_770, %parallel_loop3A_934], %parallel_loop3A_938 : memref<2x64x133xf32, #tpu.memory_space<vmem>>[vector<16xi32>, vector<16xi32>, vector<16xi32>], vector<16xf32>,
      %parallel_loop3A_939 = arith.addi %parallel_loop3A_935, %add3A_773 : vector<16xi32>
      %parallel_loop3A_940 = tpu.vector_load_idx %arg10[%broadcast_in_dim3A_800, %parallel_loop3A_934, %parallel_loop3A_939] : memref<2x128x128xf32, #tpu.memory_space<vmem>>[vector<16xi32>, vector<16xi32>, vector<16xi32>], vector<16xf32>,
      %parallel_loop3A_941 = arith.addf %parallel_loop3A_940, %get3A_794 : vector<16xf32>
      tpu.vector_store_idx %arg11[%broadcast_in_dim3A_800, %add3A_773, %parallel_loop3A_934], %parallel_loop3A_941 : memref<2x64x133xf32, #tpu.memory_space<vmem>>[vector<16xi32>, vector<16xi32>, vector<16xi32>], vector<16xf32>,
      %parallel_loop3A_942 = arith.addi %parallel_loop3A_935, %add3A_776 : vector<16xi32>
      %parallel_loop3A_943 = tpu.vector_load_idx %arg10[%broadcast_in_dim3A_800, %parallel_loop3A_934, %parallel_loop3A_942] : memref<2x128x128xf32, #tpu.memory_space<vmem>>[vector<16xi32>, vector<16xi32>, vector<16xi32>], vector<16xf32>,
      %parallel_loop3A_944 = arith.addf %parallel_loop3A_943, %get3A_796 : vector<16xf32>
      tpu.vector_store_idx %arg11[%broadcast_in_dim3A_800, %add3A_776, %parallel_loop3A_934], %parallel_loop3A_944 : memref<2x64x133xf32, #tpu.memory_space<vmem>>[vector<16xi32>, vector<16xi32>, vector<16xi32>], vector<16xf32>,
      %parallel_loop3A_945 = arith.addi %parallel_loop3A_935, %add3A_779 : vector<16xi32>
      %parallel_loop3A_946 = tpu.vector_load_idx %arg10[%broadcast_in_dim3A_800, %parallel_loop3A_934, %parallel_loop3A_945] : memref<2x128x128xf32, #tpu.memory_space<vmem>>[vector<16xi32>, vector<16xi32>, vector<16xi32>], vector<16xf32>,
      %parallel_loop3A_947 = arith.addf %parallel_loop3A_946, %get3A_798 : vector<16xf32>
      tpu.vector_store_idx %arg11[%broadcast_in_dim3A_800, %add3A_779, %parallel_loop3A_934], %parallel_loop3A_947 : memref<2x64x133xf32, #tpu.memory_space<vmem>>[vector<16xi32>, vector<16xi32>, vector<16xi32>], vector<16xf32>,
    } {sc.loop_unroll_factor = 4 : i64, sc.parallel_access}
    %dma_start3A_804 = arith.constant 0 : i32
    %dma_start3A_805 = arith.constant 0 : i32
    %dma_start3A_806 = arith.constant 0 : i32
    %dma_start3A_807 = tpu.memref_slice %arg11[%dma_start3A_804, %dma_start3A_805, %dma_start3A_806] : memref<2x64x133xf32, #tpu.memory_space<vmem>> -> memref<2x64x128xf32, #tpu.memory_space<vmem>>
    %dma_start3A_808 = arith.constant 0 : i32
    %dma_start3A_809 = arith.constant 0 : i32
    %dma_start3A_810 = tpu.memref_slice %arg5[%dma_start3A_808, %dma_start3A_809, %mul3A_2] : memref<200x64x4096xf32, #tpu.memory_space<hbm>> -> memref<2x64x128xf32, #tpu.memory_space<hbm>>
    %dma_start3A_811 = arith.constant 0 : i32
    %dma_start3A_812 = arith.constant 0 : i32
    %dma_start3A_813 = tpu.memref_slice %arg5[%dma_start3A_811, %dma_start3A_812, %mul3A_2] : memref<200x64x4096xf32, #tpu.memory_space<hbm>> -> memref<2x64x128xf32, #tpu.memory_space<hbm>>
    %dma_start3A_814 = arith.constant 0 : i32
    %dma_start3A_815 = arith.constant 0 : i32
    %dma_start3A_816 = arith.constant 0 : i32
    %dma_start3A_817 = tpu.memref_slice %arg11[%dma_start3A_814, %dma_start3A_815, %dma_start3A_816] : memref<2x64x133xf32, #tpu.memory_space<vmem>> -> memref<2x64x128xf32, #tpu.memory_space<vmem>>
    tpu.enqueue_dma source(%dma_start3A_817 : memref<2x64x128xf32, #tpu.memory_space<vmem>>) target(%dma_start3A_813 : memref<2x64x128xf32, #tpu.memory_space<hbm>>) target_semaphore(%arg19 : memref<!tpu.dma_semaphore, #tpu.memory_space<semaphore_mem>>)
    %scan3A = arith.constant 0 : i32
    %scan3A_818 = arith.constant 0 : i32
    %scan3A_819 = arith.constant 49 : i32
    %scan3A_820 = arith.addi %scan3A_818, %scan3A_819 : i32
    %scan3A_821 = arith.constant 1 : i32
    %scan3A_822 = scf.for %scan3A_933 = %scan3A_818 to %scan3A_820 step %scan3A_821 iter_args(%scan3A_934 = %scan3A) -> (i32)  : i32 {
      %mul3A_935 = arith.constant 2 : i32
      %mul3A_936 = arith.muli %mul3A_935, %scan3A_933 : i32
      %add3A_937 = arith.constant 1 : i32
      %add3A_938 = arith.addi %mul3A_936, %add3A_937 : i32
      %dma_wait3A_939 = arith.constant 0 : i32
      %dma_wait3A_940 = arith.constant 0 : i32
      %dma_wait3A_941 = arith.constant 0 : i32
      %dma_wait3A_942 = tpu.memref_slice %arg11[%dma_wait3A_939, %dma_wait3A_940, %dma_wait3A_941] : memref<2x64x133xf32, #tpu.memory_space<vmem>> -> memref<2x64x128xf32, #tpu.memory_space<vmem>>
      %dma_wait3A_943 = arith.constant 0 : i32
      %dma_wait3A_944 = arith.constant 0 : i32
      %dma_wait3A_945 = tpu.memref_slice %arg5[%dma_wait3A_943, %dma_wait3A_944, %mul3A_2] : memref<200x64x4096xf32, #tpu.memory_space<hbm>> -> memref<2x64x128xf32, #tpu.memory_space<hbm>>
      %dma_wait3A_946 = arith.constant 0 : i32
      %dma_wait3A_947 = arith.constant 0 : i32
      %dma_wait3A_948 = tpu.memref_slice %arg5[%dma_wait3A_946, %dma_wait3A_947, %mul3A_2] : memref<200x64x4096xf32, #tpu.memory_space<hbm>> -> memref<2x64x128xf32, #tpu.memory_space<hbm>>
      %dma_wait3A_949 = arith.constant 0 : i32
      %dma_wait3A_950 = arith.constant 0 : i32
      %dma_wait3A_951 = arith.constant 0 : i32
      %dma_wait3A_952 = tpu.memref_slice %arg11[%dma_wait3A_949, %dma_wait3A_950, %dma_wait3A_951] : memref<2x64x133xf32, #tpu.memory_space<vmem>> -> memref<2x64x128xf32, #tpu.memory_space<vmem>>
      tpu.wait_dma2 semaphore(%arg19 : memref<!tpu.dma_semaphore, #tpu.memory_space<semaphore_mem>>) src(%dma_wait3A_952 : memref<2x64x128xf32, #tpu.memory_space<vmem>>) dst(%dma_wait3A_948 : memref<2x64x128xf32, #tpu.memory_space<hbm>>)
      %dma_wait3A_953 = arith.constant 0 : i32
      %dma_wait3A_954 = tpu.memref_slice %arg2[%dma_wait3A_953, %mul3A_2] : memref<200x4096xi32, #tpu.memory_space<hbm>> -> memref<2x128xi32, #tpu.memory_space<hbm>>
      %dma_wait3A_955 = arith.constant 0 : i32
      %dma_wait3A_956 = tpu.memref_slice %arg2[%dma_wait3A_955, %mul3A_2] : memref<200x4096xi32, #tpu.memory_space<hbm>> -> memref<2x128xi32, #tpu.memory_space<hbm>>
      tpu.wait_dma2 semaphore(%arg21 : memref<!tpu.dma_semaphore, #tpu.memory_space<semaphore_mem>>) src(%dma_wait3A_956 : memref<2x128xi32, #tpu.memory_space<hbm>>) dst(%arg7 : memref<2x128xi32, #tpu.memory_space<vmem>>)
      %get3A_957 = arith.constant 0 : i32
      %get3A_958 = arith.index_cast %get3A_957 : i32 to index
      %get3A_959 = arith.constant 0 : index
      %get3A_960 = tpu.vector_load %arg7[%get3A_958, %get3A_959] {strides = array<i32>} : memref<2x128xi32, #tpu.memory_space<vmem>>, vector<16xi32>,
      %shift_right_logical3A_961 = arith.constant 1 : i32
      %shift_right_logical3A_962 = vector.broadcast %shift_right_logical3A_961 : i32 to vector<16xi32>
      %shift_right_logical3A_963 = arith.shrui %get3A_960, %shift_right_logical3A_962 : vector<16xi32>
      %swap3A_964 = arith.constant 0 : i32
      %swap3A_965 = arith.index_cast %swap3A_964 : i32 to index
      %swap3A_966 = arith.constant 0 : index
      %swap3A_967 = tpu.vector_load %arg8[%swap3A_965, %swap3A_966] {strides = array<i32>} : memref<2x128xi32, #tpu.memory_space<vmem>>, vector<16xi32>,
      tpu.vector_store %arg8[%swap3A_965, %swap3A_966], %shift_right_logical3A_963 {strides = array<i32>} : memref<2x128xi32, #tpu.memory_space<vmem>>, vector<16xi32>,
      %and3A_968 = arith.constant 1 : i32
      %and3A_969 = vector.broadcast %and3A_968 : i32 to vector<16xi32>
      %and3A_970 = arith.andi %get3A_960, %and3A_969 : vector<16xi32>
      %shift_left3A_971 = arith.constant 6 : i32
      %shift_left3A_972 = vector.broadcast %shift_left3A_971 : i32 to vector<16xi32>
      %shift_left3A_973 = arith.shli %and3A_970, %shift_left3A_972 : vector<16xi32>
      %swap3A_974 = arith.constant 0 : i32
      %swap3A_975 = arith.index_cast %swap3A_974 : i32 to index
      %swap3A_976 = arith.constant 0 : index
      %swap3A_977 = tpu.vector_load %arg9[%swap3A_975, %swap3A_976] {strides = array<i32>} : memref<2x128xi32, #tpu.memory_space<vmem>>, vector<16xi32>,
      tpu.vector_store %arg9[%swap3A_975, %swap3A_976], %shift_left3A_973 {strides = array<i32>} : memref<2x128xi32, #tpu.memory_space<vmem>>, vector<16xi32>,
      %get3A_978 = arith.constant 0 : i32
      %get3A_979 = arith.index_cast %get3A_978 : i32 to index
      %get3A_980 = arith.constant 16 : index
      %get3A_981 = tpu.vector_load %arg7[%get3A_979, %get3A_980] {strides = array<i32>} : memref<2x128xi32, #tpu.memory_space<vmem>>, vector<16xi32>,
      %shift_right_logical3A_982 = arith.constant 1 : i32
      %shift_right_logical3A_983 = vector.broadcast %shift_right_logical3A_982 : i32 to vector<16xi32>
      %shift_right_logical3A_984 = arith.shrui %get3A_981, %shift_right_logical3A_983 : vector<16xi32>
      %swap3A_985 = arith.constant 0 : i32
      %swap3A_986 = arith.index_cast %swap3A_985 : i32 to index
      %swap3A_987 = arith.constant 16 : index
      %swap3A_988 = tpu.vector_load %arg8[%swap3A_986, %swap3A_987] {strides = array<i32>} : memref<2x128xi32, #tpu.memory_space<vmem>>, vector<16xi32>,
      tpu.vector_store %arg8[%swap3A_986, %swap3A_987], %shift_right_logical3A_984 {strides = array<i32>} : memref<2x128xi32, #tpu.memory_space<vmem>>, vector<16xi32>,
      %and3A_989 = arith.constant 1 : i32
      %and3A_990 = vector.broadcast %and3A_989 : i32 to vector<16xi32>
      %and3A_991 = arith.andi %get3A_981, %and3A_990 : vector<16xi32>
      %shift_left3A_992 = arith.constant 6 : i32
      %shift_left3A_993 = vector.broadcast %shift_left3A_992 : i32 to vector<16xi32>
      %shift_left3A_994 = arith.shli %and3A_991, %shift_left3A_993 : vector<16xi32>
      %swap3A_995 = arith.constant 0 : i32
      %swap3A_996 = arith.index_cast %swap3A_995 : i32 to index
      %swap3A_997 = arith.constant 16 : index
      %swap3A_998 = tpu.vector_load %arg9[%swap3A_996, %swap3A_997] {strides = array<i32>} : memref<2x128xi32, #tpu.memory_space<vmem>>, vector<16xi32>,
      tpu.vector_store %arg9[%swap3A_996, %swap3A_997], %shift_left3A_994 {strides = array<i32>} : memref<2x128xi32, #tpu.memory_space<vmem>>, vector<16xi32>,
      %get3A_999 = arith.constant 0 : i32
      %get3A_1000 = arith.index_cast %get3A_999 : i32 to index
      %get3A_1001 = arith.constant 32 : index
      %get3A_1002 = tpu.vector_load %arg7[%get3A_1000, %get3A_1001] {strides = array<i32>} : memref<2x128xi32, #tpu.memory_space<vmem>>, vector<16xi32>,
      %shift_right_logical3A_1003 = arith.constant 1 : i32
      %shift_right_logical3A_1004 = vector.broadcast %shift_right_logical3A_1003 : i32 to vector<16xi32>
      %shift_right_logical3A_1005 = arith.shrui %get3A_1002, %shift_right_logical3A_1004 : vector<16xi32>
      %swap3A_1006 = arith.constant 0 : i32
      %swap3A_1007 = arith.index_cast %swap3A_1006 : i32 to index
      %swap3A_1008 = arith.constant 32 : index
      %swap3A_1009 = tpu.vector_load %arg8[%swap3A_1007, %swap3A_1008] {strides = array<i32>} : memref<2x128xi32, #tpu.memory_space<vmem>>, vector<16xi32>,
      tpu.vector_store %arg8[%swap3A_1007, %swap3A_1008], %shift_right_logical3A_1005 {strides = array<i32>} : memref<2x128xi32, #tpu.memory_space<vmem>>, vector<16xi32>,
      %and3A_1010 = arith.constant 1 : i32
      %and3A_1011 = vector.broadcast %and3A_1010 : i32 to vector<16xi32>
      %and3A_1012 = arith.andi %get3A_1002, %and3A_1011 : vector<16xi32>
      %shift_left3A_1013 = arith.constant 6 : i32
      %shift_left3A_1014 = vector.broadcast %shift_left3A_1013 : i32 to vector<16xi32>
      %shift_left3A_1015 = arith.shli %and3A_1012, %shift_left3A_1014 : vector<16xi32>
      %swap3A_1016 = arith.constant 0 : i32
      %swap3A_1017 = arith.index_cast %swap3A_1016 : i32 to index
      %swap3A_1018 = arith.constant 32 : index
      %swap3A_1019 = tpu.vector_load %arg9[%swap3A_1017, %swap3A_1018] {strides = array<i32>} : memref<2x128xi32, #tpu.memory_space<vmem>>, vector<16xi32>,
      tpu.vector_store %arg9[%swap3A_1017, %swap3A_1018], %shift_left3A_1015 {strides = array<i32>} : memref<2x128xi32, #tpu.memory_space<vmem>>, vector<16xi32>,
      %get3A_1020 = arith.constant 0 : i32
      %get3A_1021 = arith.index_cast %get3A_1020 : i32 to index
      %get3A_1022 = arith.constant 48 : index
      %get3A_1023 = tpu.vector_load %arg7[%get3A_1021, %get3A_1022] {strides = array<i32>} : memref<2x128xi32, #tpu.memory_space<vmem>>, vector<16xi32>,
      %shift_right_logical3A_1024 = arith.constant 1 : i32
      %shift_right_logical3A_1025 = vector.broadcast %shift_right_logical3A_1024 : i32 to vector<16xi32>
      %shift_right_logical3A_1026 = arith.shrui %get3A_1023, %shift_right_logical3A_1025 : vector<16xi32>
      %swap3A_1027 = arith.constant 0 : i32
      %swap3A_1028 = arith.index_cast %swap3A_1027 : i32 to index
      %swap3A_1029 = arith.constant 48 : index
      %swap3A_1030 = tpu.vector_load %arg8[%swap3A_1028, %swap3A_1029] {strides = array<i32>} : memref<2x128xi32, #tpu.memory_space<vmem>>, vector<16xi32>,
      tpu.vector_store %arg8[%swap3A_1028, %swap3A_1029], %shift_right_logical3A_1026 {strides = array<i32>} : memref<2x128xi32, #tpu.memory_space<vmem>>, vector<16xi32>,
      %and3A_1031 = arith.constant 1 : i32
      %and3A_1032 = vector.broadcast %and3A_1031 : i32 to vector<16xi32>
      %and3A_1033 = arith.andi %get3A_1023, %and3A_1032 : vector<16xi32>
      %shift_left3A_1034 = arith.constant 6 : i32
      %shift_left3A_1035 = vector.broadcast %shift_left3A_1034 : i32 to vector<16xi32>
      %shift_left3A_1036 = arith.shli %and3A_1033, %shift_left3A_1035 : vector<16xi32>
      %swap3A_1037 = arith.constant 0 : i32
      %swap3A_1038 = arith.index_cast %swap3A_1037 : i32 to index
      %swap3A_1039 = arith.constant 48 : index
      %swap3A_1040 = tpu.vector_load %arg9[%swap3A_1038, %swap3A_1039] {strides = array<i32>} : memref<2x128xi32, #tpu.memory_space<vmem>>, vector<16xi32>,
      tpu.vector_store %arg9[%swap3A_1038, %swap3A_1039], %shift_left3A_1036 {strides = array<i32>} : memref<2x128xi32, #tpu.memory_space<vmem>>, vector<16xi32>,
      %get3A_1041 = arith.constant 0 : i32
      %get3A_1042 = arith.index_cast %get3A_1041 : i32 to index
      %get3A_1043 = arith.constant 64 : index
      %get3A_1044 = tpu.vector_load %arg7[%get3A_1042, %get3A_1043] {strides = array<i32>} : memref<2x128xi32, #tpu.memory_space<vmem>>, vector<16xi32>,
      %shift_right_logical3A_1045 = arith.constant 1 : i32
      %shift_right_logical3A_1046 = vector.broadcast %shift_right_logical3A_1045 : i32 to vector<16xi32>
      %shift_right_logical3A_1047 = arith.shrui %get3A_1044, %shift_right_logical3A_1046 : vector<16xi32>
      %swap3A_1048 = arith.constant 0 : i32
      %swap3A_1049 = arith.index_cast %swap3A_1048 : i32 to index
      %swap3A_1050 = arith.constant 64 : index
      %swap3A_1051 = tpu.vector_load %arg8[%swap3A_1049, %swap3A_1050] {strides = array<i32>} : memref<2x128xi32, #tpu.memory_space<vmem>>, vector<16xi32>,
      tpu.vector_store %arg8[%swap3A_1049, %swap3A_1050], %shift_right_logical3A_1047 {strides = array<i32>} : memref<2x128xi32, #tpu.memory_space<vmem>>, vector<16xi32>,
      %and3A_1052 = arith.constant 1 : i32
      %and3A_1053 = vector.broadcast %and3A_1052 : i32 to vector<16xi32>
      %and3A_1054 = arith.andi %get3A_1044, %and3A_1053 : vector<16xi32>
      %shift_left3A_1055 = arith.constant 6 : i32
      %shift_left3A_1056 = vector.broadcast %shift_left3A_1055 : i32 to vector<16xi32>
      %shift_left3A_1057 = arith.shli %and3A_1054, %shift_left3A_1056 : vector<16xi32>
      %swap3A_1058 = arith.constant 0 : i32
      %swap3A_1059 = arith.index_cast %swap3A_1058 : i32 to index
      %swap3A_1060 = arith.constant 64 : index
      %swap3A_1061 = tpu.vector_load %arg9[%swap3A_1059, %swap3A_1060] {strides = array<i32>} : memref<2x128xi32, #tpu.memory_space<vmem>>, vector<16xi32>,
      tpu.vector_store %arg9[%swap3A_1059, %swap3A_1060], %shift_left3A_1057 {strides = array<i32>} : memref<2x128xi32, #tpu.memory_space<vmem>>, vector<16xi32>,
      %get3A_1062 = arith.constant 0 : i32
      %get3A_1063 = arith.index_cast %get3A_1062 : i32 to index
      %get3A_1064 = arith.constant 80 : index
      %get3A_1065 = tpu.vector_load %arg7[%get3A_1063, %get3A_1064] {strides = array<i32>} : memref<2x128xi32, #tpu.memory_space<vmem>>, vector<16xi32>,
      %shift_right_logical3A_1066 = arith.constant 1 : i32
      %shift_right_logical3A_1067 = vector.broadcast %shift_right_logical3A_1066 : i32 to vector<16xi32>
      %shift_right_logical3A_1068 = arith.shrui %get3A_1065, %shift_right_logical3A_1067 : vector<16xi32>
      %swap3A_1069 = arith.constant 0 : i32
      %swap3A_1070 = arith.index_cast %swap3A_1069 : i32 to index
      %swap3A_1071 = arith.constant 80 : index
      %swap3A_1072 = tpu.vector_load %arg8[%swap3A_1070, %swap3A_1071] {strides = array<i32>} : memref<2x128xi32, #tpu.memory_space<vmem>>, vector<16xi32>,
      tpu.vector_store %arg8[%swap3A_1070, %swap3A_1071], %shift_right_logical3A_1068 {strides = array<i32>} : memref<2x128xi32, #tpu.memory_space<vmem>>, vector<16xi32>,
      %and3A_1073 = arith.constant 1 : i32
      %and3A_1074 = vector.broadcast %and3A_1073 : i32 to vector<16xi32>
      %and3A_1075 = arith.andi %get3A_1065, %and3A_1074 : vector<16xi32>
      %shift_left3A_1076 = arith.constant 6 : i32
      %shift_left3A_1077 = vector.broadcast %shift_left3A_1076 : i32 to vector<16xi32>
      %shift_left3A_1078 = arith.shli %and3A_1075, %shift_left3A_1077 : vector<16xi32>
      %swap3A_1079 = arith.constant 0 : i32
      %swap3A_1080 = arith.index_cast %swap3A_1079 : i32 to index
      %swap3A_1081 = arith.constant 80 : index
      %swap3A_1082 = tpu.vector_load %arg9[%swap3A_1080, %swap3A_1081] {strides = array<i32>} : memref<2x128xi32, #tpu.memory_space<vmem>>, vector<16xi32>,
      tpu.vector_store %arg9[%swap3A_1080, %swap3A_1081], %shift_left3A_1078 {strides = array<i32>} : memref<2x128xi32, #tpu.memory_space<vmem>>, vector<16xi32>,
      %get3A_1083 = arith.constant 0 : i32
      %get3A_1084 = arith.index_cast %get3A_1083 : i32 to index
      %get3A_1085 = arith.constant 96 : index
      %get3A_1086 = tpu.vector_load %arg7[%get3A_1084, %get3A_1085] {strides = array<i32>} : memref<2x128xi32, #tpu.memory_space<vmem>>, vector<16xi32>,
      %shift_right_logical3A_1087 = arith.constant 1 : i32
      %shift_right_logical3A_1088 = vector.broadcast %shift_right_logical3A_1087 : i32 to vector<16xi32>
      %shift_right_logical3A_1089 = arith.shrui %get3A_1086, %shift_right_logical3A_1088 : vector<16xi32>
      %swap3A_1090 = arith.constant 0 : i32
      %swap3A_1091 = arith.index_cast %swap3A_1090 : i32 to index
      %swap3A_1092 = arith.constant 96 : index
      %swap3A_1093 = tpu.vector_load %arg8[%swap3A_1091, %swap3A_1092] {strides = array<i32>} : memref<2x128xi32, #tpu.memory_space<vmem>>, vector<16xi32>,
      tpu.vector_store %arg8[%swap3A_1091, %swap3A_1092], %shift_right_logical3A_1089 {strides = array<i32>} : memref<2x128xi32, #tpu.memory_space<vmem>>, vector<16xi32>,
      %and3A_1094 = arith.constant 1 : i32
      %and3A_1095 = vector.broadcast %and3A_1094 : i32 to vector<16xi32>
      %and3A_1096 = arith.andi %get3A_1086, %and3A_1095 : vector<16xi32>
      %shift_left3A_1097 = arith.constant 6 : i32
      %shift_left3A_1098 = vector.broadcast %shift_left3A_1097 : i32 to vector<16xi32>
      %shift_left3A_1099 = arith.shli %and3A_1096, %shift_left3A_1098 : vector<16xi32>
      %swap3A_1100 = arith.constant 0 : i32
      %swap3A_1101 = arith.index_cast %swap3A_1100 : i32 to index
      %swap3A_1102 = arith.constant 96 : index
      %swap3A_1103 = tpu.vector_load %arg9[%swap3A_1101, %swap3A_1102] {strides = array<i32>} : memref<2x128xi32, #tpu.memory_space<vmem>>, vector<16xi32>,
      tpu.vector_store %arg9[%swap3A_1101, %swap3A_1102], %shift_left3A_1099 {strides = array<i32>} : memref<2x128xi32, #tpu.memory_space<vmem>>, vector<16xi32>,
      %get3A_1104 = arith.constant 0 : i32
      %get3A_1105 = arith.index_cast %get3A_1104 : i32 to index
      %get3A_1106 = arith.constant 112 : index
      %get3A_1107 = tpu.vector_load %arg7[%get3A_1105, %get3A_1106] {strides = array<i32>} : memref<2x128xi32, #tpu.memory_space<vmem>>, vector<16xi32>,
      %shift_right_logical3A_1108 = arith.constant 1 : i32
      %shift_right_logical3A_1109 = vector.broadcast %shift_right_logical3A_1108 : i32 to vector<16xi32>
      %shift_right_logical3A_1110 = arith.shrui %get3A_1107, %shift_right_logical3A_1109 : vector<16xi32>
      %swap3A_1111 = arith.constant 0 : i32
      %swap3A_1112 = arith.index_cast %swap3A_1111 : i32 to index
      %swap3A_1113 = arith.constant 112 : index
      %swap3A_1114 = tpu.vector_load %arg8[%swap3A_1112, %swap3A_1113] {strides = array<i32>} : memref<2x128xi32, #tpu.memory_space<vmem>>, vector<16xi32>,
      tpu.vector_store %arg8[%swap3A_1112, %swap3A_1113], %shift_right_logical3A_1110 {strides = array<i32>} : memref<2x128xi32, #tpu.memory_space<vmem>>, vector<16xi32>,
      %and3A_1115 = arith.constant 1 : i32
      %and3A_1116 = vector.broadcast %and3A_1115 : i32 to vector<16xi32>
      %and3A_1117 = arith.andi %get3A_1107, %and3A_1116 : vector<16xi32>
      %shift_left3A_1118 = arith.constant 6 : i32
      %shift_left3A_1119 = vector.broadcast %shift_left3A_1118 : i32 to vector<16xi32>
      %shift_left3A_1120 = arith.shli %and3A_1117, %shift_left3A_1119 : vector<16xi32>
      %swap3A_1121 = arith.constant 0 : i32
      %swap3A_1122 = arith.index_cast %swap3A_1121 : i32 to index
      %swap3A_1123 = arith.constant 112 : index
      %swap3A_1124 = tpu.vector_load %arg9[%swap3A_1122, %swap3A_1123] {strides = array<i32>} : memref<2x128xi32, #tpu.memory_space<vmem>>, vector<16xi32>,
      tpu.vector_store %arg9[%swap3A_1122, %swap3A_1123], %shift_left3A_1120 {strides = array<i32>} : memref<2x128xi32, #tpu.memory_space<vmem>>, vector<16xi32>,
      %get3A_1125 = arith.constant 1 : i32
      %get3A_1126 = arith.index_cast %get3A_1125 : i32 to index
      %get3A_1127 = arith.constant 0 : index
      %get3A_1128 = tpu.vector_load %arg7[%get3A_1126, %get3A_1127] {strides = array<i32>} : memref<2x128xi32, #tpu.memory_space<vmem>>, vector<16xi32>,
      %shift_right_logical3A_1129 = arith.constant 1 : i32
      %shift_right_logical3A_1130 = vector.broadcast %shift_right_logical3A_1129 : i32 to vector<16xi32>
      %shift_right_logical3A_1131 = arith.shrui %get3A_1128, %shift_right_logical3A_1130 : vector<16xi32>
      %swap3A_1132 = arith.constant 1 : i32
      %swap3A_1133 = arith.index_cast %swap3A_1132 : i32 to index
      %swap3A_1134 = arith.constant 0 : index
      %swap3A_1135 = tpu.vector_load %arg8[%swap3A_1133, %swap3A_1134] {strides = array<i32>} : memref<2x128xi32, #tpu.memory_space<vmem>>, vector<16xi32>,
      tpu.vector_store %arg8[%swap3A_1133, %swap3A_1134], %shift_right_logical3A_1131 {strides = array<i32>} : memref<2x128xi32, #tpu.memory_space<vmem>>, vector<16xi32>,
      %and3A_1136 = arith.constant 1 : i32
      %and3A_1137 = vector.broadcast %and3A_1136 : i32 to vector<16xi32>
      %and3A_1138 = arith.andi %get3A_1128, %and3A_1137 : vector<16xi32>
      %shift_left3A_1139 = arith.constant 6 : i32
      %shift_left3A_1140 = vector.broadcast %shift_left3A_1139 : i32 to vector<16xi32>
      %shift_left3A_1141 = arith.shli %and3A_1138, %shift_left3A_1140 : vector<16xi32>
      %swap3A_1142 = arith.constant 1 : i32
      %swap3A_1143 = arith.index_cast %swap3A_1142 : i32 to index
      %swap3A_1144 = arith.constant 0 : index
      %swap3A_1145 = tpu.vector_load %arg9[%swap3A_1143, %swap3A_1144] {strides = array<i32>} : memref<2x128xi32, #tpu.memory_space<vmem>>, vector<16xi32>,
      tpu.vector_store %arg9[%swap3A_1143, %swap3A_1144], %shift_left3A_1141 {strides = array<i32>} : memref<2x128xi32, #tpu.memory_space<vmem>>, vector<16xi32>,
      %get3A_1146 = arith.constant 1 : i32
      %get3A_1147 = arith.index_cast %get3A_1146 : i32 to index
      %get3A_1148 = arith.constant 16 : index
      %get3A_1149 = tpu.vector_load %arg7[%get3A_1147, %get3A_1148] {strides = array<i32>} : memref<2x128xi32, #tpu.memory_space<vmem>>, vector<16xi32>,
      %shift_right_logical3A_1150 = arith.constant 1 : i32
      %shift_right_logical3A_1151 = vector.broadcast %shift_right_logical3A_1150 : i32 to vector<16xi32>
      %shift_right_logical3A_1152 = arith.shrui %get3A_1149, %shift_right_logical3A_1151 : vector<16xi32>
      %swap3A_1153 = arith.constant 1 : i32
      %swap3A_1154 = arith.index_cast %swap3A_1153 : i32 to index
      %swap3A_1155 = arith.constant 16 : index
      %swap3A_1156 = tpu.vector_load %arg8[%swap3A_1154, %swap3A_1155] {strides = array<i32>} : memref<2x128xi32, #tpu.memory_space<vmem>>, vector<16xi32>,
      tpu.vector_store %arg8[%swap3A_1154, %swap3A_1155], %shift_right_logical3A_1152 {strides = array<i32>} : memref<2x128xi32, #tpu.memory_space<vmem>>, vector<16xi32>,
      %and3A_1157 = arith.constant 1 : i32
      %and3A_1158 = vector.broadcast %and3A_1157 : i32 to vector<16xi32>
      %and3A_1159 = arith.andi %get3A_1149, %and3A_1158 : vector<16xi32>
      %shift_left3A_1160 = arith.constant 6 : i32
      %shift_left3A_1161 = vector.broadcast %shift_left3A_1160 : i32 to vector<16xi32>
      %shift_left3A_1162 = arith.shli %and3A_1159, %shift_left3A_1161 : vector<16xi32>
      %swap3A_1163 = arith.constant 1 : i32
      %swap3A_1164 = arith.index_cast %swap3A_1163 : i32 to index
      %swap3A_1165 = arith.constant 16 : index
      %swap3A_1166 = tpu.vector_load %arg9[%swap3A_1164, %swap3A_1165] {strides = array<i32>} : memref<2x128xi32, #tpu.memory_space<vmem>>, vector<16xi32>,
      tpu.vector_store %arg9[%swap3A_1164, %swap3A_1165], %shift_left3A_1162 {strides = array<i32>} : memref<2x128xi32, #tpu.memory_space<vmem>>, vector<16xi32>,
      %get3A_1167 = arith.constant 1 : i32
      %get3A_1168 = arith.index_cast %get3A_1167 : i32 to index
      %get3A_1169 = arith.constant 32 : index
      %get3A_1170 = tpu.vector_load %arg7[%get3A_1168, %get3A_1169] {strides = array<i32>} : memref<2x128xi32, #tpu.memory_space<vmem>>, vector<16xi32>,
      %shift_right_logical3A_1171 = arith.constant 1 : i32
      %shift_right_logical3A_1172 = vector.broadcast %shift_right_logical3A_1171 : i32 to vector<16xi32>
      %shift_right_logical3A_1173 = arith.shrui %get3A_1170, %shift_right_logical3A_1172 : vector<16xi32>
      %swap3A_1174 = arith.constant 1 : i32
      %swap3A_1175 = arith.index_cast %swap3A_1174 : i32 to index
      %swap3A_1176 = arith.constant 32 : index
      %swap3A_1177 = tpu.vector_load %arg8[%swap3A_1175, %swap3A_1176] {strides = array<i32>} : memref<2x128xi32, #tpu.memory_space<vmem>>, vector<16xi32>,
      tpu.vector_store %arg8[%swap3A_1175, %swap3A_1176], %shift_right_logical3A_1173 {strides = array<i32>} : memref<2x128xi32, #tpu.memory_space<vmem>>, vector<16xi32>,
      %and3A_1178 = arith.constant 1 : i32
      %and3A_1179 = vector.broadcast %and3A_1178 : i32 to vector<16xi32>
      %and3A_1180 = arith.andi %get3A_1170, %and3A_1179 : vector<16xi32>
      %shift_left3A_1181 = arith.constant 6 : i32
      %shift_left3A_1182 = vector.broadcast %shift_left3A_1181 : i32 to vector<16xi32>
      %shift_left3A_1183 = arith.shli %and3A_1180, %shift_left3A_1182 : vector<16xi32>
      %swap3A_1184 = arith.constant 1 : i32
      %swap3A_1185 = arith.index_cast %swap3A_1184 : i32 to index
      %swap3A_1186 = arith.constant 32 : index
      %swap3A_1187 = tpu.vector_load %arg9[%swap3A_1185, %swap3A_1186] {strides = array<i32>} : memref<2x128xi32, #tpu.memory_space<vmem>>, vector<16xi32>,
      tpu.vector_store %arg9[%swap3A_1185, %swap3A_1186], %shift_left3A_1183 {strides = array<i32>} : memref<2x128xi32, #tpu.memory_space<vmem>>, vector<16xi32>,
      %get3A_1188 = arith.constant 1 : i32
      %get3A_1189 = arith.index_cast %get3A_1188 : i32 to index
      %get3A_1190 = arith.constant 48 : index
      %get3A_1191 = tpu.vector_load %arg7[%get3A_1189, %get3A_1190] {strides = array<i32>} : memref<2x128xi32, #tpu.memory_space<vmem>>, vector<16xi32>,
      %shift_right_logical3A_1192 = arith.constant 1 : i32
      %shift_right_logical3A_1193 = vector.broadcast %shift_right_logical3A_1192 : i32 to vector<16xi32>
      %shift_right_logical3A_1194 = arith.shrui %get3A_1191, %shift_right_logical3A_1193 : vector<16xi32>
      %swap3A_1195 = arith.constant 1 : i32
      %swap3A_1196 = arith.index_cast %swap3A_1195 : i32 to index
      %swap3A_1197 = arith.constant 48 : index
      %swap3A_1198 = tpu.vector_load %arg8[%swap3A_1196, %swap3A_1197] {strides = array<i32>} : memref<2x128xi32, #tpu.memory_space<vmem>>, vector<16xi32>,
      tpu.vector_store %arg8[%swap3A_1196, %swap3A_1197], %shift_right_logical3A_1194 {strides = array<i32>} : memref<2x128xi32, #tpu.memory_space<vmem>>, vector<16xi32>,
      %and3A_1199 = arith.constant 1 : i32
      %and3A_1200 = vector.broadcast %and3A_1199 : i32 to vector<16xi32>
      %and3A_1201 = arith.andi %get3A_1191, %and3A_1200 : vector<16xi32>
      %shift_left3A_1202 = arith.constant 6 : i32
      %shift_left3A_1203 = vector.broadcast %shift_left3A_1202 : i32 to vector<16xi32>
      %shift_left3A_1204 = arith.shli %and3A_1201, %shift_left3A_1203 : vector<16xi32>
      %swap3A_1205 = arith.constant 1 : i32
      %swap3A_1206 = arith.index_cast %swap3A_1205 : i32 to index
      %swap3A_1207 = arith.constant 48 : index
      %swap3A_1208 = tpu.vector_load %arg9[%swap3A_1206, %swap3A_1207] {strides = array<i32>} : memref<2x128xi32, #tpu.memory_space<vmem>>, vector<16xi32>,
      tpu.vector_store %arg9[%swap3A_1206, %swap3A_1207], %shift_left3A_1204 {strides = array<i32>} : memref<2x128xi32, #tpu.memory_space<vmem>>, vector<16xi32>,
      %get3A_1209 = arith.constant 1 : i32
      %get3A_1210 = arith.index_cast %get3A_1209 : i32 to index
      %get3A_1211 = arith.constant 64 : index
      %get3A_1212 = tpu.vector_load %arg7[%get3A_1210, %get3A_1211] {strides = array<i32>} : memref<2x128xi32, #tpu.memory_space<vmem>>, vector<16xi32>,
      %shift_right_logical3A_1213 = arith.constant 1 : i32
      %shift_right_logical3A_1214 = vector.broadcast %shift_right_logical3A_1213 : i32 to vector<16xi32>
      %shift_right_logical3A_1215 = arith.shrui %get3A_1212, %shift_right_logical3A_1214 : vector<16xi32>
      %swap3A_1216 = arith.constant 1 : i32
      %swap3A_1217 = arith.index_cast %swap3A_1216 : i32 to index
      %swap3A_1218 = arith.constant 64 : index
      %swap3A_1219 = tpu.vector_load %arg8[%swap3A_1217, %swap3A_1218] {strides = array<i32>} : memref<2x128xi32, #tpu.memory_space<vmem>>, vector<16xi32>,
      tpu.vector_store %arg8[%swap3A_1217, %swap3A_1218], %shift_right_logical3A_1215 {strides = array<i32>} : memref<2x128xi32, #tpu.memory_space<vmem>>, vector<16xi32>,
      %and3A_1220 = arith.constant 1 : i32
      %and3A_1221 = vector.broadcast %and3A_1220 : i32 to vector<16xi32>
      %and3A_1222 = arith.andi %get3A_1212, %and3A_1221 : vector<16xi32>
      %shift_left3A_1223 = arith.constant 6 : i32
      %shift_left3A_1224 = vector.broadcast %shift_left3A_1223 : i32 to vector<16xi32>
      %shift_left3A_1225 = arith.shli %and3A_1222, %shift_left3A_1224 : vector<16xi32>
      %swap3A_1226 = arith.constant 1 : i32
      %swap3A_1227 = arith.index_cast %swap3A_1226 : i32 to index
      %swap3A_1228 = arith.constant 64 : index
      %swap3A_1229 = tpu.vector_load %arg9[%swap3A_1227, %swap3A_1228] {strides = array<i32>} : memref<2x128xi32, #tpu.memory_space<vmem>>, vector<16xi32>,
      tpu.vector_store %arg9[%swap3A_1227, %swap3A_1228], %shift_left3A_1225 {strides = array<i32>} : memref<2x128xi32, #tpu.memory_space<vmem>>, vector<16xi32>,
      %get3A_1230 = arith.constant 1 : i32
      %get3A_1231 = arith.index_cast %get3A_1230 : i32 to index
      %get3A_1232 = arith.constant 80 : index
      %get3A_1233 = tpu.vector_load %arg7[%get3A_1231, %get3A_1232] {strides = array<i32>} : memref<2x128xi32, #tpu.memory_space<vmem>>, vector<16xi32>,
      %shift_right_logical3A_1234 = arith.constant 1 : i32
      %shift_right_logical3A_1235 = vector.broadcast %shift_right_logical3A_1234 : i32 to vector<16xi32>
      %shift_right_logical3A_1236 = arith.shrui %get3A_1233, %shift_right_logical3A_1235 : vector<16xi32>
      %swap3A_1237 = arith.constant 1 : i32
      %swap3A_1238 = arith.index_cast %swap3A_1237 : i32 to index
      %swap3A_1239 = arith.constant 80 : index
      %swap3A_1240 = tpu.vector_load %arg8[%swap3A_1238, %swap3A_1239] {strides = array<i32>} : memref<2x128xi32, #tpu.memory_space<vmem>>, vector<16xi32>,
      tpu.vector_store %arg8[%swap3A_1238, %swap3A_1239], %shift_right_logical3A_1236 {strides = array<i32>} : memref<2x128xi32, #tpu.memory_space<vmem>>, vector<16xi32>,
      %and3A_1241 = arith.constant 1 : i32
      %and3A_1242 = vector.broadcast %and3A_1241 : i32 to vector<16xi32>
      %and3A_1243 = arith.andi %get3A_1233, %and3A_1242 : vector<16xi32>
      %shift_left3A_1244 = arith.constant 6 : i32
      %shift_left3A_1245 = vector.broadcast %shift_left3A_1244 : i32 to vector<16xi32>
      %shift_left3A_1246 = arith.shli %and3A_1243, %shift_left3A_1245 : vector<16xi32>
      %swap3A_1247 = arith.constant 1 : i32
      %swap3A_1248 = arith.index_cast %swap3A_1247 : i32 to index
      %swap3A_1249 = arith.constant 80 : index
      %swap3A_1250 = tpu.vector_load %arg9[%swap3A_1248, %swap3A_1249] {strides = array<i32>} : memref<2x128xi32, #tpu.memory_space<vmem>>, vector<16xi32>,
      tpu.vector_store %arg9[%swap3A_1248, %swap3A_1249], %shift_left3A_1246 {strides = array<i32>} : memref<2x128xi32, #tpu.memory_space<vmem>>, vector<16xi32>,
      %get3A_1251 = arith.constant 1 : i32
      %get3A_1252 = arith.index_cast %get3A_1251 : i32 to index
      %get3A_1253 = arith.constant 96 : index
      %get3A_1254 = tpu.vector_load %arg7[%get3A_1252, %get3A_1253] {strides = array<i32>} : memref<2x128xi32, #tpu.memory_space<vmem>>, vector<16xi32>,
      %shift_right_logical3A_1255 = arith.constant 1 : i32
      %shift_right_logical3A_1256 = vector.broadcast %shift_right_logical3A_1255 : i32 to vector<16xi32>
      %shift_right_logical3A_1257 = arith.shrui %get3A_1254, %shift_right_logical3A_1256 : vector<16xi32>
      %swap3A_1258 = arith.constant 1 : i32
      %swap3A_1259 = arith.index_cast %swap3A_1258 : i32 to index
      %swap3A_1260 = arith.constant 96 : index
      %swap3A_1261 = tpu.vector_load %arg8[%swap3A_1259, %swap3A_1260] {strides = array<i32>} : memref<2x128xi32, #tpu.memory_space<vmem>>, vector<16xi32>,
      tpu.vector_store %arg8[%swap3A_1259, %swap3A_1260], %shift_right_logical3A_1257 {strides = array<i32>} : memref<2x128xi32, #tpu.memory_space<vmem>>, vector<16xi32>,
      %and3A_1262 = arith.constant 1 : i32
      %and3A_1263 = vector.broadcast %and3A_1262 : i32 to vector<16xi32>
      %and3A_1264 = arith.andi %get3A_1254, %and3A_1263 : vector<16xi32>
      %shift_left3A_1265 = arith.constant 6 : i32
      %shift_left3A_1266 = vector.broadcast %shift_left3A_1265 : i32 to vector<16xi32>
      %shift_left3A_1267 = arith.shli %and3A_1264, %shift_left3A_1266 : vector<16xi32>
      %swap3A_1268 = arith.constant 1 : i32
      %swap3A_1269 = arith.index_cast %swap3A_1268 : i32 to index
      %swap3A_1270 = arith.constant 96 : index
      %swap3A_1271 = tpu.vector_load %arg9[%swap3A_1269, %swap3A_1270] {strides = array<i32>} : memref<2x128xi32, #tpu.memory_space<vmem>>, vector<16xi32>,
      tpu.vector_store %arg9[%swap3A_1269, %swap3A_1270], %shift_left3A_1267 {strides = array<i32>} : memref<2x128xi32, #tpu.memory_space<vmem>>, vector<16xi32>,
      %get3A_1272 = arith.constant 1 : i32
      %get3A_1273 = arith.index_cast %get3A_1272 : i32 to index
      %get3A_1274 = arith.constant 112 : index
      %get3A_1275 = tpu.vector_load %arg7[%get3A_1273, %get3A_1274] {strides = array<i32>} : memref<2x128xi32, #tpu.memory_space<vmem>>, vector<16xi32>,
      %shift_right_logical3A_1276 = arith.constant 1 : i32
      %shift_right_logical3A_1277 = vector.broadcast %shift_right_logical3A_1276 : i32 to vector<16xi32>
      %shift_right_logical3A_1278 = arith.shrui %get3A_1275, %shift_right_logical3A_1277 : vector<16xi32>
      %swap3A_1279 = arith.constant 1 : i32
      %swap3A_1280 = arith.index_cast %swap3A_1279 : i32 to index
      %swap3A_1281 = arith.constant 112 : index
      %swap3A_1282 = tpu.vector_load %arg8[%swap3A_1280, %swap3A_1281] {strides = array<i32>} : memref<2x128xi32, #tpu.memory_space<vmem>>, vector<16xi32>,
      tpu.vector_store %arg8[%swap3A_1280, %swap3A_1281], %shift_right_logical3A_1278 {strides = array<i32>} : memref<2x128xi32, #tpu.memory_space<vmem>>, vector<16xi32>,
      %and3A_1283 = arith.constant 1 : i32
      %and3A_1284 = vector.broadcast %and3A_1283 : i32 to vector<16xi32>
      %and3A_1285 = arith.andi %get3A_1275, %and3A_1284 : vector<16xi32>
      %shift_left3A_1286 = arith.constant 6 : i32
      %shift_left3A_1287 = vector.broadcast %shift_left3A_1286 : i32 to vector<16xi32>
      %shift_left3A_1288 = arith.shli %and3A_1285, %shift_left3A_1287 : vector<16xi32>
      %swap3A_1289 = arith.constant 1 : i32
      %swap3A_1290 = arith.index_cast %swap3A_1289 : i32 to index
      %swap3A_1291 = arith.constant 112 : index
      %swap3A_1292 = tpu.vector_load %arg9[%swap3A_1290, %swap3A_1291] {strides = array<i32>} : memref<2x128xi32, #tpu.memory_space<vmem>>, vector<16xi32>,
      tpu.vector_store %arg9[%swap3A_1290, %swap3A_1291], %shift_left3A_1288 {strides = array<i32>} : memref<2x128xi32, #tpu.memory_space<vmem>>, vector<16xi32>,
      %dma_start3A_1293 = arith.constant 0 : i32
      %dma_start3A_1294 = arith.constant 0 : i32
      %dma_start3A_1295 = arith.constant 0 : i32
      %dma_start3A_1296 = arith.constant 0 : i32
      %dma_start3A_1297 = tpu.memref_slice %arg10[%dma_start3A_1294, %dma_start3A_1295, %dma_start3A_1296] : memref<2x128x128xf32, #tpu.memory_space<vmem>> -> memref<1x128x128xf32, #tpu.memory_space<vmem>>
      %dma_start3A_1298 = tpu.memref_squeeze %dma_start3A_1297 : memref<1x128x128xf32, #tpu.memory_space<vmem>> -> memref<128x128xf32, #tpu.memory_space<vmem>>
      %dma_start3A_1299 = arith.constant 0 : i32
      %dma_start3A_1300 = tpu.memref_slice %arg8[%dma_start3A_1293, %dma_start3A_1299] : memref<2x128xi32, #tpu.memory_space<vmem>> -> memref<1x128xi32, #tpu.memory_space<vmem>>
      %dma_start3A_1301 = tpu.memref_squeeze %dma_start3A_1300 : memref<1x128xi32, #tpu.memory_space<vmem>> -> memref<128xi32, #tpu.memory_space<vmem>>
      %dma_start3A_1302 = arith.constant 0 : i32
      %dma_start3A_1303 = arith.constant 0 : i32
      %dma_start3A_1304 = tpu.memref_slice %arg3[%dma_start3A_1302, %dma_start3A_1303] : memref<500000x128xf32, #tpu.memory_space<hbm>> -> memref<500000x128xf32, #tpu.memory_space<hbm>>
      tpu.enqueue_indirect_dma source(%dma_start3A_1304 : memref<500000x128xf32, #tpu.memory_space<hbm>>) target(%dma_start3A_1298 : memref<128x128xf32, #tpu.memory_space<vmem>>) offsets(%dma_start3A_1301 : memref<128xi32, #tpu.memory_space<vmem>>) semaphore(%arg17 : memref<!tpu.dma_semaphore, #tpu.memory_space<semaphore_mem>>)
      %dma_start3A_1305 = arith.constant 1 : i32
      %dma_start3A_1306 = arith.constant 1 : i32
      %dma_start3A_1307 = arith.constant 0 : i32
      %dma_start3A_1308 = arith.constant 0 : i32
      %dma_start3A_1309 = tpu.memref_slice %arg10[%dma_start3A_1306, %dma_start3A_1307, %dma_start3A_1308] : memref<2x128x128xf32, #tpu.memory_space<vmem>> -> memref<1x128x128xf32, #tpu.memory_space<vmem>>
      %dma_start3A_1310 = tpu.memref_squeeze %dma_start3A_1309 : memref<1x128x128xf32, #tpu.memory_space<vmem>> -> memref<128x128xf32, #tpu.memory_space<vmem>>
      %dma_start3A_1311 = arith.constant 0 : i32
      %dma_start3A_1312 = tpu.memref_slice %arg8[%dma_start3A_1305, %dma_start3A_1311] : memref<2x128xi32, #tpu.memory_space<vmem>> -> memref<1x128xi32, #tpu.memory_space<vmem>>
      %dma_start3A_1313 = tpu.memref_squeeze %dma_start3A_1312 : memref<1x128xi32, #tpu.memory_space<vmem>> -> memref<128xi32, #tpu.memory_space<vmem>>
      %dma_start3A_1314 = arith.constant 0 : i32
      %dma_start3A_1315 = arith.constant 0 : i32
      %dma_start3A_1316 = tpu.memref_slice %arg3[%dma_start3A_1314, %dma_start3A_1315] : memref<500000x128xf32, #tpu.memory_space<hbm>> -> memref<500000x128xf32, #tpu.memory_space<hbm>>
      tpu.enqueue_indirect_dma source(%dma_start3A_1316 : memref<500000x128xf32, #tpu.memory_space<hbm>>) target(%dma_start3A_1310 : memref<128x128xf32, #tpu.memory_space<vmem>>) offsets(%dma_start3A_1313 : memref<128xi32, #tpu.memory_space<vmem>>) semaphore(%arg17 : memref<!tpu.dma_semaphore, #tpu.memory_space<semaphore_mem>>)
      %dma_wait3A_1317 = arith.constant 0 : i32
      %dma_wait3A_1318 = arith.constant 0 : i32
      %dma_wait3A_1319 = arith.constant 0 : i32
      %dma_wait3A_1320 = arith.constant 0 : i32
      %dma_wait3A_1321 = tpu.memref_slice %arg15[%dma_wait3A_1318, %dma_wait3A_1319, %dma_wait3A_1320] : memref<2x128x128xf32, #tpu.memory_space<vmem>> -> memref<1x128x128xf32, #tpu.memory_space<vmem>>
      %dma_wait3A_1322 = tpu.memref_squeeze %dma_wait3A_1321 : memref<1x128x128xf32, #tpu.memory_space<vmem>> -> memref<128x128xf32, #tpu.memory_space<vmem>>
      %dma_wait3A_1323 = arith.constant 0 : i32
      %dma_wait3A_1324 = tpu.memref_slice %arg13[%dma_wait3A_1317, %dma_wait3A_1323] : memref<2x128xi32, #tpu.memory_space<vmem>> -> memref<1x128xi32, #tpu.memory_space<vmem>>
      %dma_wait3A_1325 = tpu.memref_squeeze %dma_wait3A_1324 : memref<1x128xi32, #tpu.memory_space<vmem>> -> memref<128xi32, #tpu.memory_space<vmem>>
      %dma_wait3A_1326 = arith.constant 0 : i32
      %dma_wait3A_1327 = arith.constant 0 : i32
      %dma_wait3A_1328 = tpu.memref_slice %arg3[%dma_wait3A_1326, %dma_wait3A_1327] : memref<500000x128xf32, #tpu.memory_space<hbm>> -> memref<500000x128xf32, #tpu.memory_space<hbm>>
      tpu.wait_indirect_dma semaphore(%arg18 : memref<!tpu.dma_semaphore, #tpu.memory_space<semaphore_mem>>) src(%dma_wait3A_1328 : memref<500000x128xf32, #tpu.memory_space<hbm>>) dst(%dma_wait3A_1322 : memref<128x128xf32, #tpu.memory_space<vmem>>)
      %dma_wait3A_1329 = arith.constant 1 : i32
      %dma_wait3A_1330 = arith.constant 1 : i32
      %dma_wait3A_1331 = arith.constant 0 : i32
      %dma_wait3A_1332 = arith.constant 0 : i32
      %dma_wait3A_1333 = tpu.memref_slice %arg15[%dma_wait3A_1330, %dma_wait3A_1331, %dma_wait3A_1332] : memref<2x128x128xf32, #tpu.memory_space<vmem>> -> memref<1x128x128xf32, #tpu.memory_space<vmem>>
      %dma_wait3A_1334 = tpu.memref_squeeze %dma_wait3A_1333 : memref<1x128x128xf32, #tpu.memory_space<vmem>> -> memref<128x128xf32, #tpu.memory_space<vmem>>
      %dma_wait3A_1335 = arith.constant 0 : i32
      %dma_wait3A_1336 = tpu.memref_slice %arg13[%dma_wait3A_1329, %dma_wait3A_1335] : memref<2x128xi32, #tpu.memory_space<vmem>> -> memref<1x128xi32, #tpu.memory_space<vmem>>
      %dma_wait3A_1337 = tpu.memref_squeeze %dma_wait3A_1336 : memref<1x128xi32, #tpu.memory_space<vmem>> -> memref<128xi32, #tpu.memory_space<vmem>>
      %dma_wait3A_1338 = arith.constant 0 : i32
      %dma_wait3A_1339 = arith.constant 0 : i32
      %dma_wait3A_1340 = tpu.memref_slice %arg3[%dma_wait3A_1338, %dma_wait3A_1339] : memref<500000x128xf32, #tpu.memory_space<hbm>> -> memref<500000x128xf32, #tpu.memory_space<hbm>>
      tpu.wait_indirect_dma semaphore(%arg18 : memref<!tpu.dma_semaphore, #tpu.memory_space<semaphore_mem>>) src(%dma_wait3A_1340 : memref<500000x128xf32, #tpu.memory_space<hbm>>) dst(%dma_wait3A_1334 : memref<128x128xf32, #tpu.memory_space<vmem>>)
      %add3A_1341 = arith.constant 2 : i32
      %add3A_1342 = arith.addi %add3A_938, %add3A_1341 : i32
      %min3A_1343 = arith.constant 99 : i32
      %min3A_1344 = arith.minsi %add3A_1342, %min3A_1343 : i32
      %mul3A_1345 = arith.constant 2 : i32
      %mul3A_1346 = arith.muli %min3A_1344, %mul3A_1345 : i32
      %dma_start3A_1347 = tpu.memref_slice %arg2[%mul3A_1346, %mul3A_2] : memref<200x4096xi32, #tpu.memory_space<hbm>> -> memref<2x128xi32, #tpu.memory_space<hbm>>
      %dma_start3A_1348 = tpu.memref_slice %arg2[%mul3A_1346, %mul3A_2] : memref<200x4096xi32, #tpu.memory_space<hbm>> -> memref<2x128xi32, #tpu.memory_space<hbm>>
      tpu.enqueue_dma source(%dma_start3A_1348 : memref<2x128xi32, #tpu.memory_space<hbm>>) target(%arg12 : memref<2x128xi32, #tpu.memory_space<vmem>>) target_semaphore(%arg22 : memref<!tpu.dma_semaphore, #tpu.memory_space<semaphore_mem>>)
      %iota3A_1349 = tpu.iota {dimensions = array<i32: 0>} : vector<16xi32>
      %add3A_1350 = arith.constant 0 : i32
      %add3A_1351 = vector.broadcast %add3A_1350 : i32 to vector<16xi32>
      %add3A_1352 = arith.addi %iota3A_1349, %add3A_1351 : vector<16xi32>
      %add3A_1353 = arith.constant 16 : i32
      %add3A_1354 = vector.broadcast %add3A_1353 : i32 to vector<16xi32>
      %add3A_1355 = arith.addi %iota3A_1349, %add3A_1354 : vector<16xi32>
      %add3A_1356 = arith.constant 32 : i32
      %add3A_1357 = vector.broadcast %add3A_1356 : i32 to vector<16xi32>
      %add3A_1358 = arith.addi %iota3A_1349, %add3A_1357 : vector<16xi32>
      %add3A_1359 = arith.constant 48 : i32
      %add3A_1360 = vector.broadcast %add3A_1359 : i32 to vector<16xi32>
      %add3A_1361 = arith.addi %iota3A_1349, %add3A_1360 : vector<16xi32>
      %mul3A_1362 = arith.constant 2 : i32
      %mul3A_1363 = arith.muli %add3A_938, %mul3A_1362 : i32
      %add3A_1364 = arith.constant 0 : i32
      %add3A_1365 = arith.addi %mul3A_1363, %add3A_1364 : i32
      %mul3A_1366 = arith.constant 64 : i32
      %mul3A_1367 = arith.muli %add3A_1365, %mul3A_1366 : i32
      %add3A_1368 = arith.constant 0 : i32
      %add3A_1369 = arith.addi %mul3A_1367, %add3A_1368 : i32
      %get3A_1370 = arith.index_cast %add3A_1369 : i32 to index
      %get3A_1371 = tpu.vector_load %arg6[%get3A_1370] {strides = array<i32>} : memref<12800xf32, #tpu.memory_space<vmem>>, vector<16xf32>,
      %add3A_1372 = arith.constant 16 : i32
      %add3A_1373 = arith.addi %mul3A_1367, %add3A_1372 : i32
      %get3A_1374 = arith.index_cast %add3A_1373 : i32 to index
      %get3A_1375 = tpu.vector_load %arg6[%get3A_1374] {strides = array<i32>} : memref<12800xf32, #tpu.memory_space<vmem>>, vector<16xf32>,
      %add3A_1376 = arith.constant 32 : i32
      %add3A_1377 = arith.addi %mul3A_1367, %add3A_1376 : i32
      %get3A_1378 = arith.index_cast %add3A_1377 : i32 to index
      %get3A_1379 = tpu.vector_load %arg6[%get3A_1378] {strides = array<i32>} : memref<12800xf32, #tpu.memory_space<vmem>>, vector<16xf32>,
      %add3A_1380 = arith.constant 48 : i32
      %add3A_1381 = arith.addi %mul3A_1367, %add3A_1380 : i32
      %get3A_1382 = arith.index_cast %add3A_1381 : i32 to index
      %get3A_1383 = tpu.vector_load %arg6[%get3A_1382] {strides = array<i32>} : memref<12800xf32, #tpu.memory_space<vmem>>, vector<16xf32>,
      %broadcast_in_dim3A_1384 = arith.constant 0 : i32
      %broadcast_in_dim3A_1385 = vector.broadcast %broadcast_in_dim3A_1384 : i32 to vector<16xi32>
      %parallel_loop3A_1386 = arith.constant 0 : i32
      %parallel_loop3A_1387 = arith.constant 128 : i32
      %parallel_loop3A_1388 = arith.constant 1 : i32
      scf.for %parallel_loop3A_1924 = %parallel_loop3A_1386 to %parallel_loop3A_1387 step %parallel_loop3A_1388  : i32 {
        %parallel_loop3A_1925 = vector.broadcast %parallel_loop3A_1924 : i32 to vector<16xi32>
        %parallel_loop3A_1926 = tpu.vector_load_idx %arg14[%broadcast_in_dim3A_1385, %parallel_loop3A_1925] : memref<2x128xi32, #tpu.memory_space<vmem>>[vector<16xi32>, vector<16xi32>], vector<16xi32>,
        %parallel_loop3A_1927 = arith.addi %parallel_loop3A_1926, %add3A_1352 : vector<16xi32>
        %parallel_loop3A_1928 = tpu.vector_load_idx %arg15[%broadcast_in_dim3A_1385, %parallel_loop3A_1925, %parallel_loop3A_1927] : memref<2x128x128xf32, #tpu.memory_space<vmem>>[vector<16xi32>, vector<16xi32>, vector<16xi32>], vector<16xf32>,
        %parallel_loop3A_1929 = arith.addf %parallel_loop3A_1928, %get3A_1371 : vector<16xf32>
        tpu.vector_store_idx %arg16[%broadcast_in_dim3A_1385, %add3A_1352, %parallel_loop3A_1925], %parallel_loop3A_1929 : memref<2x64x133xf32, #tpu.memory_space<vmem>>[vector<16xi32>, vector<16xi32>, vector<16xi32>], vector<16xf32>,
        %parallel_loop3A_1930 = arith.addi %parallel_loop3A_1926, %add3A_1355 : vector<16xi32>
        %parallel_loop3A_1931 = tpu.vector_load_idx %arg15[%broadcast_in_dim3A_1385, %parallel_loop3A_1925, %parallel_loop3A_1930] : memref<2x128x128xf32, #tpu.memory_space<vmem>>[vector<16xi32>, vector<16xi32>, vector<16xi32>], vector<16xf32>,
        %parallel_loop3A_1932 = arith.addf %parallel_loop3A_1931, %get3A_1375 : vector<16xf32>
        tpu.vector_store_idx %arg16[%broadcast_in_dim3A_1385, %add3A_1355, %parallel_loop3A_1925], %parallel_loop3A_1932 : memref<2x64x133xf32, #tpu.memory_space<vmem>>[vector<16xi32>, vector<16xi32>, vector<16xi32>], vector<16xf32>,
        %parallel_loop3A_1933 = arith.addi %parallel_loop3A_1926, %add3A_1358 : vector<16xi32>
        %parallel_loop3A_1934 = tpu.vector_load_idx %arg15[%broadcast_in_dim3A_1385, %parallel_loop3A_1925, %parallel_loop3A_1933] : memref<2x128x128xf32, #tpu.memory_space<vmem>>[vector<16xi32>, vector<16xi32>, vector<16xi32>], vector<16xf32>,
        %parallel_loop3A_1935 = arith.addf %parallel_loop3A_1934, %get3A_1379 : vector<16xf32>
        tpu.vector_store_idx %arg16[%broadcast_in_dim3A_1385, %add3A_1358, %parallel_loop3A_1925], %parallel_loop3A_1935 : memref<2x64x133xf32, #tpu.memory_space<vmem>>[vector<16xi32>, vector<16xi32>, vector<16xi32>], vector<16xf32>,
        %parallel_loop3A_1936 = arith.addi %parallel_loop3A_1926, %add3A_1361 : vector<16xi32>
        %parallel_loop3A_1937 = tpu.vector_load_idx %arg15[%broadcast_in_dim3A_1385, %parallel_loop3A_1925, %parallel_loop3A_1936] : memref<2x128x128xf32, #tpu.memory_space<vmem>>[vector<16xi32>, vector<16xi32>, vector<16xi32>], vector<16xf32>,
        %parallel_loop3A_1938 = arith.addf %parallel_loop3A_1937, %get3A_1383 : vector<16xf32>
        tpu.vector_store_idx %arg16[%broadcast_in_dim3A_1385, %add3A_1361, %parallel_loop3A_1925], %parallel_loop3A_1938 : memref<2x64x133xf32, #tpu.memory_space<vmem>>[vector<16xi32>, vector<16xi32>, vector<16xi32>], vector<16xf32>,
      } {sc.loop_unroll_factor = 4 : i64, sc.parallel_access}
      %mul3A_1389 = arith.constant 2 : i32
      %mul3A_1390 = arith.muli %add3A_938, %mul3A_1389 : i32
      %add3A_1391 = arith.constant 1 : i32
      %add3A_1392 = arith.addi %mul3A_1390, %add3A_1391 : i32
      %mul3A_1393 = arith.constant 64 : i32
      %mul3A_1394 = arith.muli %add3A_1392, %mul3A_1393 : i32
      %add3A_1395 = arith.constant 0 : i32
      %add3A_1396 = arith.addi %mul3A_1394, %add3A_1395 : i32
      %get3A_1397 = arith.index_cast %add3A_1396 : i32 to index
      %get3A_1398 = tpu.vector_load %arg6[%get3A_1397] {strides = array<i32>} : memref<12800xf32, #tpu.memory_space<vmem>>, vector<16xf32>,
      %add3A_1399 = arith.constant 16 : i32
      %add3A_1400 = arith.addi %mul3A_1394, %add3A_1399 : i32
      %get3A_1401 = arith.index_cast %add3A_1400 : i32 to index
      %get3A_1402 = tpu.vector_load %arg6[%get3A_1401] {strides = array<i32>} : memref<12800xf32, #tpu.memory_space<vmem>>, vector<16xf32>,
      %add3A_1403 = arith.constant 32 : i32
      %add3A_1404 = arith.addi %mul3A_1394, %add3A_1403 : i32
      %get3A_1405 = arith.index_cast %add3A_1404 : i32 to index
      %get3A_1406 = tpu.vector_load %arg6[%get3A_1405] {strides = array<i32>} : memref<12800xf32, #tpu.memory_space<vmem>>, vector<16xf32>,
      %add3A_1407 = arith.constant 48 : i32
      %add3A_1408 = arith.addi %mul3A_1394, %add3A_1407 : i32
      %get3A_1409 = arith.index_cast %add3A_1408 : i32 to index
      %get3A_1410 = tpu.vector_load %arg6[%get3A_1409] {strides = array<i32>} : memref<12800xf32, #tpu.memory_space<vmem>>, vector<16xf32>,
      %broadcast_in_dim3A_1411 = arith.constant 1 : i32
      %broadcast_in_dim3A_1412 = vector.broadcast %broadcast_in_dim3A_1411 : i32 to vector<16xi32>
      %parallel_loop3A_1413 = arith.constant 0 : i32
      %parallel_loop3A_1414 = arith.constant 128 : i32
      %parallel_loop3A_1415 = arith.constant 1 : i32
      scf.for %parallel_loop3A_1924 = %parallel_loop3A_1413 to %parallel_loop3A_1414 step %parallel_loop3A_1415  : i32 {
        %parallel_loop3A_1925 = vector.broadcast %parallel_loop3A_1924 : i32 to vector<16xi32>
        %parallel_loop3A_1926 = tpu.vector_load_idx %arg14[%broadcast_in_dim3A_1412, %parallel_loop3A_1925] : memref<2x128xi32, #tpu.memory_space<vmem>>[vector<16xi32>, vector<16xi32>], vector<16xi32>,
        %parallel_loop3A_1927 = arith.addi %parallel_loop3A_1926, %add3A_1352 : vector<16xi32>
        %parallel_loop3A_1928 = tpu.vector_load_idx %arg15[%broadcast_in_dim3A_1412, %parallel_loop3A_1925, %parallel_loop3A_1927] : memref<2x128x128xf32, #tpu.memory_space<vmem>>[vector<16xi32>, vector<16xi32>, vector<16xi32>], vector<16xf32>,
        %parallel_loop3A_1929 = arith.addf %parallel_loop3A_1928, %get3A_1398 : vector<16xf32>
        tpu.vector_store_idx %arg16[%broadcast_in_dim3A_1412, %add3A_1352, %parallel_loop3A_1925], %parallel_loop3A_1929 : memref<2x64x133xf32, #tpu.memory_space<vmem>>[vector<16xi32>, vector<16xi32>, vector<16xi32>], vector<16xf32>,
        %parallel_loop3A_1930 = arith.addi %parallel_loop3A_1926, %add3A_1355 : vector<16xi32>
        %parallel_loop3A_1931 = tpu.vector_load_idx %arg15[%broadcast_in_dim3A_1412, %parallel_loop3A_1925, %parallel_loop3A_1930] : memref<2x128x128xf32, #tpu.memory_space<vmem>>[vector<16xi32>, vector<16xi32>, vector<16xi32>], vector<16xf32>,
        %parallel_loop3A_1932 = arith.addf %parallel_loop3A_1931, %get3A_1402 : vector<16xf32>
        tpu.vector_store_idx %arg16[%broadcast_in_dim3A_1412, %add3A_1355, %parallel_loop3A_1925], %parallel_loop3A_1932 : memref<2x64x133xf32, #tpu.memory_space<vmem>>[vector<16xi32>, vector<16xi32>, vector<16xi32>], vector<16xf32>,
        %parallel_loop3A_1933 = arith.addi %parallel_loop3A_1926, %add3A_1358 : vector<16xi32>
        %parallel_loop3A_1934 = tpu.vector_load_idx %arg15[%broadcast_in_dim3A_1412, %parallel_loop3A_1925, %parallel_loop3A_1933] : memref<2x128x128xf32, #tpu.memory_space<vmem>>[vector<16xi32>, vector<16xi32>, vector<16xi32>], vector<16xf32>,
        %parallel_loop3A_1935 = arith.addf %parallel_loop3A_1934, %get3A_1406 : vector<16xf32>
        tpu.vector_store_idx %arg16[%broadcast_in_dim3A_1412, %add3A_1358, %parallel_loop3A_1925], %parallel_loop3A_1935 : memref<2x64x133xf32, #tpu.memory_space<vmem>>[vector<16xi32>, vector<16xi32>, vector<16xi32>], vector<16xf32>,
        %parallel_loop3A_1936 = arith.addi %parallel_loop3A_1926, %add3A_1361 : vector<16xi32>
        %parallel_loop3A_1937 = tpu.vector_load_idx %arg15[%broadcast_in_dim3A_1412, %parallel_loop3A_1925, %parallel_loop3A_1936] : memref<2x128x128xf32, #tpu.memory_space<vmem>>[vector<16xi32>, vector<16xi32>, vector<16xi32>], vector<16xf32>,
        %parallel_loop3A_1938 = arith.addf %parallel_loop3A_1937, %get3A_1410 : vector<16xf32>
        tpu.vector_store_idx %arg16[%broadcast_in_dim3A_1412, %add3A_1361, %parallel_loop3A_1925], %parallel_loop3A_1938 : memref<2x64x133xf32, #tpu.memory_space<vmem>>[vector<16xi32>, vector<16xi32>, vector<16xi32>], vector<16xf32>,
      } {sc.loop_unroll_factor = 4 : i64, sc.parallel_access}
      %mul3A_1416 = arith.constant 2 : i32
      %mul3A_1417 = arith.muli %add3A_938, %mul3A_1416 : i32
      %dma_start3A_1418 = arith.constant 0 : i32
      %dma_start3A_1419 = arith.constant 0 : i32
      %dma_start3A_1420 = arith.constant 0 : i32
      %dma_start3A_1421 = tpu.memref_slice %arg16[%dma_start3A_1418, %dma_start3A_1419, %dma_start3A_1420] : memref<2x64x133xf32, #tpu.memory_space<vmem>> -> memref<2x64x128xf32, #tpu.memory_space<vmem>>
      %dma_start3A_1422 = arith.constant 0 : i32
      %dma_start3A_1423 = tpu.memref_slice %arg5[%mul3A_1417, %dma_start3A_1422, %mul3A_2] : memref<200x64x4096xf32, #tpu.memory_space<hbm>> -> memref<2x64x128xf32, #tpu.memory_space<hbm>>
      %dma_start3A_1424 = arith.constant 0 : i32
      %dma_start3A_1425 = tpu.memref_slice %arg5[%mul3A_1417, %dma_start3A_1424, %mul3A_2] : memref<200x64x4096xf32, #tpu.memory_space<hbm>> -> memref<2x64x128xf32, #tpu.memory_space<hbm>>
      %dma_start3A_1426 = arith.constant 0 : i32
      %dma_start3A_1427 = arith.constant 0 : i32
      %dma_start3A_1428 = arith.constant 0 : i32
      %dma_start3A_1429 = tpu.memref_slice %arg16[%dma_start3A_1426, %dma_start3A_1427, %dma_start3A_1428] : memref<2x64x133xf32, #tpu.memory_space<vmem>> -> memref<2x64x128xf32, #tpu.memory_space<vmem>>
      tpu.enqueue_dma source(%dma_start3A_1429 : memref<2x64x128xf32, #tpu.memory_space<vmem>>) target(%dma_start3A_1425 : memref<2x64x128xf32, #tpu.memory_space<hbm>>) target_semaphore(%arg20 : memref<!tpu.dma_semaphore, #tpu.memory_space<semaphore_mem>>)
      %add3A_1430 = arith.constant 1 : i32
      %add3A_1431 = arith.addi %add3A_938, %add3A_1430 : i32
      %dma_wait3A_1432 = arith.constant 0 : i32
      %dma_wait3A_1433 = arith.constant 0 : i32
      %dma_wait3A_1434 = arith.constant 0 : i32
      %dma_wait3A_1435 = tpu.memref_slice %arg16[%dma_wait3A_1432, %dma_wait3A_1433, %dma_wait3A_1434] : memref<2x64x133xf32, #tpu.memory_space<vmem>> -> memref<2x64x128xf32, #tpu.memory_space<vmem>>
      %dma_wait3A_1436 = arith.constant 0 : i32
      %dma_wait3A_1437 = arith.constant 0 : i32
      %dma_wait3A_1438 = tpu.memref_slice %arg5[%dma_wait3A_1436, %dma_wait3A_1437, %mul3A_2] : memref<200x64x4096xf32, #tpu.memory_space<hbm>> -> memref<2x64x128xf32, #tpu.memory_space<hbm>>
      %dma_wait3A_1439 = arith.constant 0 : i32
      %dma_wait3A_1440 = arith.constant 0 : i32
      %dma_wait3A_1441 = tpu.memref_slice %arg5[%dma_wait3A_1439, %dma_wait3A_1440, %mul3A_2] : memref<200x64x4096xf32, #tpu.memory_space<hbm>> -> memref<2x64x128xf32, #tpu.memory_space<hbm>>
      %dma_wait3A_1442 = arith.constant 0 : i32
      %dma_wait3A_1443 = arith.constant 0 : i32
      %dma_wait3A_1444 = arith.constant 0 : i32
      %dma_wait3A_1445 = tpu.memref_slice %arg16[%dma_wait3A_1442, %dma_wait3A_1443, %dma_wait3A_1444] : memref<2x64x133xf32, #tpu.memory_space<vmem>> -> memref<2x64x128xf32, #tpu.memory_space<vmem>>
      tpu.wait_dma2 semaphore(%arg20 : memref<!tpu.dma_semaphore, #tpu.memory_space<semaphore_mem>>) src(%dma_wait3A_1445 : memref<2x64x128xf32, #tpu.memory_space<vmem>>) dst(%dma_wait3A_1441 : memref<2x64x128xf32, #tpu.memory_space<hbm>>)
      %dma_wait3A_1446 = arith.constant 0 : i32
      %dma_wait3A_1447 = tpu.memref_slice %arg2[%dma_wait3A_1446, %mul3A_2] : memref<200x4096xi32, #tpu.memory_space<hbm>> -> memref<2x128xi32, #tpu.memory_space<hbm>>
      %dma_wait3A_1448 = arith.constant 0 : i32
      %dma_wait3A_1449 = tpu.memref_slice %arg2[%dma_wait3A_1448, %mul3A_2] : memref<200x4096xi32, #tpu.memory_space<hbm>> -> memref<2x128xi32, #tpu.memory_space<hbm>>
      tpu.wait_dma2 semaphore(%arg22 : memref<!tpu.dma_semaphore, #tpu.memory_space<semaphore_mem>>) src(%dma_wait3A_1449 : memref<2x128xi32, #tpu.memory_space<hbm>>) dst(%arg12 : memref<2x128xi32, #tpu.memory_space<vmem>>)
      %get3A_1450 = arith.constant 0 : i32
      %get3A_1451 = arith.index_cast %get3A_1450 : i32 to index
      %get3A_1452 = arith.constant 0 : index
      %get3A_1453 = tpu.vector_load %arg12[%get3A_1451, %get3A_1452] {strides = array<i32>} : memref<2x128xi32, #tpu.memory_space<vmem>>, vector<16xi32>,
      %shift_right_logical3A_1454 = arith.constant 1 : i32
      %shift_right_logical3A_1455 = vector.broadcast %shift_right_logical3A_1454 : i32 to vector<16xi32>
      %shift_right_logical3A_1456 = arith.shrui %get3A_1453, %shift_right_logical3A_1455 : vector<16xi32>
      %swap3A_1457 = arith.constant 0 : i32
      %swap3A_1458 = arith.index_cast %swap3A_1457 : i32 to index
      %swap3A_1459 = arith.constant 0 : index
      %swap3A_1460 = tpu.vector_load %arg13[%swap3A_1458, %swap3A_1459] {strides = array<i32>} : memref<2x128xi32, #tpu.memory_space<vmem>>, vector<16xi32>,
      tpu.vector_store %arg13[%swap3A_1458, %swap3A_1459], %shift_right_logical3A_1456 {strides = array<i32>} : memref<2x128xi32, #tpu.memory_space<vmem>>, vector<16xi32>,
      %and3A_1461 = arith.constant 1 : i32
      %and3A_1462 = vector.broadcast %and3A_1461 : i32 to vector<16xi32>
      %and3A_1463 = arith.andi %get3A_1453, %and3A_1462 : vector<16xi32>
      %shift_left3A_1464 = arith.constant 6 : i32
      %shift_left3A_1465 = vector.broadcast %shift_left3A_1464 : i32 to vector<16xi32>
      %shift_left3A_1466 = arith.shli %and3A_1463, %shift_left3A_1465 : vector<16xi32>
      %swap3A_1467 = arith.constant 0 : i32
      %swap3A_1468 = arith.index_cast %swap3A_1467 : i32 to index
      %swap3A_1469 = arith.constant 0 : index
      %swap3A_1470 = tpu.vector_load %arg14[%swap3A_1468, %swap3A_1469] {strides = array<i32>} : memref<2x128xi32, #tpu.memory_space<vmem>>, vector<16xi32>,
      tpu.vector_store %arg14[%swap3A_1468, %swap3A_1469], %shift_left3A_1466 {strides = array<i32>} : memref<2x128xi32, #tpu.memory_space<vmem>>, vector<16xi32>,
      %get3A_1471 = arith.constant 0 : i32
      %get3A_1472 = arith.index_cast %get3A_1471 : i32 to index
      %get3A_1473 = arith.constant 16 : index
      %get3A_1474 = tpu.vector_load %arg12[%get3A_1472, %get3A_1473] {strides = array<i32>} : memref<2x128xi32, #tpu.memory_space<vmem>>, vector<16xi32>,
      %shift_right_logical3A_1475 = arith.constant 1 : i32
      %shift_right_logical3A_1476 = vector.broadcast %shift_right_logical3A_1475 : i32 to vector<16xi32>
      %shift_right_logical3A_1477 = arith.shrui %get3A_1474, %shift_right_logical3A_1476 : vector<16xi32>
      %swap3A_1478 = arith.constant 0 : i32
      %swap3A_1479 = arith.index_cast %swap3A_1478 : i32 to index
      %swap3A_1480 = arith.constant 16 : index
      %swap3A_1481 = tpu.vector_load %arg13[%swap3A_1479, %swap3A_1480] {strides = array<i32>} : memref<2x128xi32, #tpu.memory_space<vmem>>, vector<16xi32>,
      tpu.vector_store %arg13[%swap3A_1479, %swap3A_1480], %shift_right_logical3A_1477 {strides = array<i32>} : memref<2x128xi32, #tpu.memory_space<vmem>>, vector<16xi32>,
      %and3A_1482 = arith.constant 1 : i32
      %and3A_1483 = vector.broadcast %and3A_1482 : i32 to vector<16xi32>
      %and3A_1484 = arith.andi %get3A_1474, %and3A_1483 : vector<16xi32>
      %shift_left3A_1485 = arith.constant 6 : i32
      %shift_left3A_1486 = vector.broadcast %shift_left3A_1485 : i32 to vector<16xi32>
      %shift_left3A_1487 = arith.shli %and3A_1484, %shift_left3A_1486 : vector<16xi32>
      %swap3A_1488 = arith.constant 0 : i32
      %swap3A_1489 = arith.index_cast %swap3A_1488 : i32 to index
      %swap3A_1490 = arith.constant 16 : index
      %swap3A_1491 = tpu.vector_load %arg14[%swap3A_1489, %swap3A_1490] {strides = array<i32>} : memref<2x128xi32, #tpu.memory_space<vmem>>, vector<16xi32>,
      tpu.vector_store %arg14[%swap3A_1489, %swap3A_1490], %shift_left3A_1487 {strides = array<i32>} : memref<2x128xi32, #tpu.memory_space<vmem>>, vector<16xi32>,
      %get3A_1492 = arith.constant 0 : i32
      %get3A_1493 = arith.index_cast %get3A_1492 : i32 to index
      %get3A_1494 = arith.constant 32 : index
      %get3A_1495 = tpu.vector_load %arg12[%get3A_1493, %get3A_1494] {strides = array<i32>} : memref<2x128xi32, #tpu.memory_space<vmem>>, vector<16xi32>,
      %shift_right_logical3A_1496 = arith.constant 1 : i32
      %shift_right_logical3A_1497 = vector.broadcast %shift_right_logical3A_1496 : i32 to vector<16xi32>
      %shift_right_logical3A_1498 = arith.shrui %get3A_1495, %shift_right_logical3A_1497 : vector<16xi32>
      %swap3A_1499 = arith.constant 0 : i32
      %swap3A_1500 = arith.index_cast %swap3A_1499 : i32 to index
      %swap3A_1501 = arith.constant 32 : index
      %swap3A_1502 = tpu.vector_load %arg13[%swap3A_1500, %swap3A_1501] {strides = array<i32>} : memref<2x128xi32, #tpu.memory_space<vmem>>, vector<16xi32>,
      tpu.vector_store %arg13[%swap3A_1500, %swap3A_1501], %shift_right_logical3A_1498 {strides = array<i32>} : memref<2x128xi32, #tpu.memory_space<vmem>>, vector<16xi32>,
      %and3A_1503 = arith.constant 1 : i32
      %and3A_1504 = vector.broadcast %and3A_1503 : i32 to vector<16xi32>
      %and3A_1505 = arith.andi %get3A_1495, %and3A_1504 : vector<16xi32>
      %shift_left3A_1506 = arith.constant 6 : i32
      %shift_left3A_1507 = vector.broadcast %shift_left3A_1506 : i32 to vector<16xi32>
      %shift_left3A_1508 = arith.shli %and3A_1505, %shift_left3A_1507 : vector<16xi32>
      %swap3A_1509 = arith.constant 0 : i32
      %swap3A_1510 = arith.index_cast %swap3A_1509 : i32 to index
      %swap3A_1511 = arith.constant 32 : index
      %swap3A_1512 = tpu.vector_load %arg14[%swap3A_1510, %swap3A_1511] {strides = array<i32>} : memref<2x128xi32, #tpu.memory_space<vmem>>, vector<16xi32>,
      tpu.vector_store %arg14[%swap3A_1510, %swap3A_1511], %shift_left3A_1508 {strides = array<i32>} : memref<2x128xi32, #tpu.memory_space<vmem>>, vector<16xi32>,
      %get3A_1513 = arith.constant 0 : i32
      %get3A_1514 = arith.index_cast %get3A_1513 : i32 to index
      %get3A_1515 = arith.constant 48 : index
      %get3A_1516 = tpu.vector_load %arg12[%get3A_1514, %get3A_1515] {strides = array<i32>} : memref<2x128xi32, #tpu.memory_space<vmem>>, vector<16xi32>,
      %shift_right_logical3A_1517 = arith.constant 1 : i32
      %shift_right_logical3A_1518 = vector.broadcast %shift_right_logical3A_1517 : i32 to vector<16xi32>
      %shift_right_logical3A_1519 = arith.shrui %get3A_1516, %shift_right_logical3A_1518 : vector<16xi32>
      %swap3A_1520 = arith.constant 0 : i32
      %swap3A_1521 = arith.index_cast %swap3A_1520 : i32 to index
      %swap3A_1522 = arith.constant 48 : index
      %swap3A_1523 = tpu.vector_load %arg13[%swap3A_1521, %swap3A_1522] {strides = array<i32>} : memref<2x128xi32, #tpu.memory_space<vmem>>, vector<16xi32>,
      tpu.vector_store %arg13[%swap3A_1521, %swap3A_1522], %shift_right_logical3A_1519 {strides = array<i32>} : memref<2x128xi32, #tpu.memory_space<vmem>>, vector<16xi32>,
      %and3A_1524 = arith.constant 1 : i32
      %and3A_1525 = vector.broadcast %and3A_1524 : i32 to vector<16xi32>
      %and3A_1526 = arith.andi %get3A_1516, %and3A_1525 : vector<16xi32>
      %shift_left3A_1527 = arith.constant 6 : i32
      %shift_left3A_1528 = vector.broadcast %shift_left3A_1527 : i32 to vector<16xi32>
      %shift_left3A_1529 = arith.shli %and3A_1526, %shift_left3A_1528 : vector<16xi32>
      %swap3A_1530 = arith.constant 0 : i32
      %swap3A_1531 = arith.index_cast %swap3A_1530 : i32 to index
      %swap3A_1532 = arith.constant 48 : index
      %swap3A_1533 = tpu.vector_load %arg14[%swap3A_1531, %swap3A_1532] {strides = array<i32>} : memref<2x128xi32, #tpu.memory_space<vmem>>, vector<16xi32>,
      tpu.vector_store %arg14[%swap3A_1531, %swap3A_1532], %shift_left3A_1529 {strides = array<i32>} : memref<2x128xi32, #tpu.memory_space<vmem>>, vector<16xi32>,
      %get3A_1534 = arith.constant 0 : i32
      %get3A_1535 = arith.index_cast %get3A_1534 : i32 to index
      %get3A_1536 = arith.constant 64 : index
      %get3A_1537 = tpu.vector_load %arg12[%get3A_1535, %get3A_1536] {strides = array<i32>} : memref<2x128xi32, #tpu.memory_space<vmem>>, vector<16xi32>,
      %shift_right_logical3A_1538 = arith.constant 1 : i32
      %shift_right_logical3A_1539 = vector.broadcast %shift_right_logical3A_1538 : i32 to vector<16xi32>
      %shift_right_logical3A_1540 = arith.shrui %get3A_1537, %shift_right_logical3A_1539 : vector<16xi32>
      %swap3A_1541 = arith.constant 0 : i32
      %swap3A_1542 = arith.index_cast %swap3A_1541 : i32 to index
      %swap3A_1543 = arith.constant 64 : index
      %swap3A_1544 = tpu.vector_load %arg13[%swap3A_1542, %swap3A_1543] {strides = array<i32>} : memref<2x128xi32, #tpu.memory_space<vmem>>, vector<16xi32>,
      tpu.vector_store %arg13[%swap3A_1542, %swap3A_1543], %shift_right_logical3A_1540 {strides = array<i32>} : memref<2x128xi32, #tpu.memory_space<vmem>>, vector<16xi32>,
      %and3A_1545 = arith.constant 1 : i32
      %and3A_1546 = vector.broadcast %and3A_1545 : i32 to vector<16xi32>
      %and3A_1547 = arith.andi %get3A_1537, %and3A_1546 : vector<16xi32>
      %shift_left3A_1548 = arith.constant 6 : i32
      %shift_left3A_1549 = vector.broadcast %shift_left3A_1548 : i32 to vector<16xi32>
      %shift_left3A_1550 = arith.shli %and3A_1547, %shift_left3A_1549 : vector<16xi32>
      %swap3A_1551 = arith.constant 0 : i32
      %swap3A_1552 = arith.index_cast %swap3A_1551 : i32 to index
      %swap3A_1553 = arith.constant 64 : index
      %swap3A_1554 = tpu.vector_load %arg14[%swap3A_1552, %swap3A_1553] {strides = array<i32>} : memref<2x128xi32, #tpu.memory_space<vmem>>, vector<16xi32>,
      tpu.vector_store %arg14[%swap3A_1552, %swap3A_1553], %shift_left3A_1550 {strides = array<i32>} : memref<2x128xi32, #tpu.memory_space<vmem>>, vector<16xi32>,
      %get3A_1555 = arith.constant 0 : i32
      %get3A_1556 = arith.index_cast %get3A_1555 : i32 to index
      %get3A_1557 = arith.constant 80 : index
      %get3A_1558 = tpu.vector_load %arg12[%get3A_1556, %get3A_1557] {strides = array<i32>} : memref<2x128xi32, #tpu.memory_space<vmem>>, vector<16xi32>,
      %shift_right_logical3A_1559 = arith.constant 1 : i32
      %shift_right_logical3A_1560 = vector.broadcast %shift_right_logical3A_1559 : i32 to vector<16xi32>
      %shift_right_logical3A_1561 = arith.shrui %get3A_1558, %shift_right_logical3A_1560 : vector<16xi32>
      %swap3A_1562 = arith.constant 0 : i32
      %swap3A_1563 = arith.index_cast %swap3A_1562 : i32 to index
      %swap3A_1564 = arith.constant 80 : index
      %swap3A_1565 = tpu.vector_load %arg13[%swap3A_1563, %swap3A_1564] {strides = array<i32>} : memref<2x128xi32, #tpu.memory_space<vmem>>, vector<16xi32>,
      tpu.vector_store %arg13[%swap3A_1563, %swap3A_1564], %shift_right_logical3A_1561 {strides = array<i32>} : memref<2x128xi32, #tpu.memory_space<vmem>>, vector<16xi32>,
      %and3A_1566 = arith.constant 1 : i32
      %and3A_1567 = vector.broadcast %and3A_1566 : i32 to vector<16xi32>
      %and3A_1568 = arith.andi %get3A_1558, %and3A_1567 : vector<16xi32>
      %shift_left3A_1569 = arith.constant 6 : i32
      %shift_left3A_1570 = vector.broadcast %shift_left3A_1569 : i32 to vector<16xi32>
      %shift_left3A_1571 = arith.shli %and3A_1568, %shift_left3A_1570 : vector<16xi32>
      %swap3A_1572 = arith.constant 0 : i32
      %swap3A_1573 = arith.index_cast %swap3A_1572 : i32 to index
      %swap3A_1574 = arith.constant 80 : index
      %swap3A_1575 = tpu.vector_load %arg14[%swap3A_1573, %swap3A_1574] {strides = array<i32>} : memref<2x128xi32, #tpu.memory_space<vmem>>, vector<16xi32>,
      tpu.vector_store %arg14[%swap3A_1573, %swap3A_1574], %shift_left3A_1571 {strides = array<i32>} : memref<2x128xi32, #tpu.memory_space<vmem>>, vector<16xi32>,
      %get3A_1576 = arith.constant 0 : i32
      %get3A_1577 = arith.index_cast %get3A_1576 : i32 to index
      %get3A_1578 = arith.constant 96 : index
      %get3A_1579 = tpu.vector_load %arg12[%get3A_1577, %get3A_1578] {strides = array<i32>} : memref<2x128xi32, #tpu.memory_space<vmem>>, vector<16xi32>,
      %shift_right_logical3A_1580 = arith.constant 1 : i32
      %shift_right_logical3A_1581 = vector.broadcast %shift_right_logical3A_1580 : i32 to vector<16xi32>
      %shift_right_logical3A_1582 = arith.shrui %get3A_1579, %shift_right_logical3A_1581 : vector<16xi32>
      %swap3A_1583 = arith.constant 0 : i32
      %swap3A_1584 = arith.index_cast %swap3A_1583 : i32 to index
      %swap3A_1585 = arith.constant 96 : index
      %swap3A_1586 = tpu.vector_load %arg13[%swap3A_1584, %swap3A_1585] {strides = array<i32>} : memref<2x128xi32, #tpu.memory_space<vmem>>, vector<16xi32>,
      tpu.vector_store %arg13[%swap3A_1584, %swap3A_1585], %shift_right_logical3A_1582 {strides = array<i32>} : memref<2x128xi32, #tpu.memory_space<vmem>>, vector<16xi32>,
      %and3A_1587 = arith.constant 1 : i32
      %and3A_1588 = vector.broadcast %and3A_1587 : i32 to vector<16xi32>
      %and3A_1589 = arith.andi %get3A_1579, %and3A_1588 : vector<16xi32>
      %shift_left3A_1590 = arith.constant 6 : i32
      %shift_left3A_1591 = vector.broadcast %shift_left3A_1590 : i32 to vector<16xi32>
      %shift_left3A_1592 = arith.shli %and3A_1589, %shift_left3A_1591 : vector<16xi32>
      %swap3A_1593 = arith.constant 0 : i32
      %swap3A_1594 = arith.index_cast %swap3A_1593 : i32 to index
      %swap3A_1595 = arith.constant 96 : index
      %swap3A_1596 = tpu.vector_load %arg14[%swap3A_1594, %swap3A_1595] {strides = array<i32>} : memref<2x128xi32, #tpu.memory_space<vmem>>, vector<16xi32>,
      tpu.vector_store %arg14[%swap3A_1594, %swap3A_1595], %shift_left3A_1592 {strides = array<i32>} : memref<2x128xi32, #tpu.memory_space<vmem>>, vector<16xi32>,
      %get3A_1597 = arith.constant 0 : i32
      %get3A_1598 = arith.index_cast %get3A_1597 : i32 to index
      %get3A_1599 = arith.constant 112 : index
      %get3A_1600 = tpu.vector_load %arg12[%get3A_1598, %get3A_1599] {strides = array<i32>} : memref<2x128xi32, #tpu.memory_space<vmem>>, vector<16xi32>,
      %shift_right_logical3A_1601 = arith.constant 1 : i32
      %shift_right_logical3A_1602 = vector.broadcast %shift_right_logical3A_1601 : i32 to vector<16xi32>
      %shift_right_logical3A_1603 = arith.shrui %get3A_1600, %shift_right_logical3A_1602 : vector<16xi32>
      %swap3A_1604 = arith.constant 0 : i32
      %swap3A_1605 = arith.index_cast %swap3A_1604 : i32 to index
      %swap3A_1606 = arith.constant 112 : index
      %swap3A_1607 = tpu.vector_load %arg13[%swap3A_1605, %swap3A_1606] {strides = array<i32>} : memref<2x128xi32, #tpu.memory_space<vmem>>, vector<16xi32>,
      tpu.vector_store %arg13[%swap3A_1605, %swap3A_1606], %shift_right_logical3A_1603 {strides = array<i32>} : memref<2x128xi32, #tpu.memory_space<vmem>>, vector<16xi32>,
      %and3A_1608 = arith.constant 1 : i32
      %and3A_1609 = vector.broadcast %and3A_1608 : i32 to vector<16xi32>
      %and3A_1610 = arith.andi %get3A_1600, %and3A_1609 : vector<16xi32>
      %shift_left3A_1611 = arith.constant 6 : i32
      %shift_left3A_1612 = vector.broadcast %shift_left3A_1611 : i32 to vector<16xi32>
      %shift_left3A_1613 = arith.shli %and3A_1610, %shift_left3A_1612 : vector<16xi32>
      %swap3A_1614 = arith.constant 0 : i32
      %swap3A_1615 = arith.index_cast %swap3A_1614 : i32 to index
      %swap3A_1616 = arith.constant 112 : index
      %swap3A_1617 = tpu.vector_load %arg14[%swap3A_1615, %swap3A_1616] {strides = array<i32>} : memref<2x128xi32, #tpu.memory_space<vmem>>, vector<16xi32>,
      tpu.vector_store %arg14[%swap3A_1615, %swap3A_1616], %shift_left3A_1613 {strides = array<i32>} : memref<2x128xi32, #tpu.memory_space<vmem>>, vector<16xi32>,
      %get3A_1618 = arith.constant 1 : i32
      %get3A_1619 = arith.index_cast %get3A_1618 : i32 to index
      %get3A_1620 = arith.constant 0 : index
      %get3A_1621 = tpu.vector_load %arg12[%get3A_1619, %get3A_1620] {strides = array<i32>} : memref<2x128xi32, #tpu.memory_space<vmem>>, vector<16xi32>,
      %shift_right_logical3A_1622 = arith.constant 1 : i32
      %shift_right_logical3A_1623 = vector.broadcast %shift_right_logical3A_1622 : i32 to vector<16xi32>
      %shift_right_logical3A_1624 = arith.shrui %get3A_1621, %shift_right_logical3A_1623 : vector<16xi32>
      %swap3A_1625 = arith.constant 1 : i32
      %swap3A_1626 = arith.index_cast %swap3A_1625 : i32 to index
      %swap3A_1627 = arith.constant 0 : index
      %swap3A_1628 = tpu.vector_load %arg13[%swap3A_1626, %swap3A_1627] {strides = array<i32>} : memref<2x128xi32, #tpu.memory_space<vmem>>, vector<16xi32>,
      tpu.vector_store %arg13[%swap3A_1626, %swap3A_1627], %shift_right_logical3A_1624 {strides = array<i32>} : memref<2x128xi32, #tpu.memory_space<vmem>>, vector<16xi32>,
      %and3A_1629 = arith.constant 1 : i32
      %and3A_1630 = vector.broadcast %and3A_1629 : i32 to vector<16xi32>
      %and3A_1631 = arith.andi %get3A_1621, %and3A_1630 : vector<16xi32>
      %shift_left3A_1632 = arith.constant 6 : i32
      %shift_left3A_1633 = vector.broadcast %shift_left3A_1632 : i32 to vector<16xi32>
      %shift_left3A_1634 = arith.shli %and3A_1631, %shift_left3A_1633 : vector<16xi32>
      %swap3A_1635 = arith.constant 1 : i32
      %swap3A_1636 = arith.index_cast %swap3A_1635 : i32 to index
      %swap3A_1637 = arith.constant 0 : index
      %swap3A_1638 = tpu.vector_load %arg14[%swap3A_1636, %swap3A_1637] {strides = array<i32>} : memref<2x128xi32, #tpu.memory_space<vmem>>, vector<16xi32>,
      tpu.vector_store %arg14[%swap3A_1636, %swap3A_1637], %shift_left3A_1634 {strides = array<i32>} : memref<2x128xi32, #tpu.memory_space<vmem>>, vector<16xi32>,
      %get3A_1639 = arith.constant 1 : i32
      %get3A_1640 = arith.index_cast %get3A_1639 : i32 to index
      %get3A_1641 = arith.constant 16 : index
      %get3A_1642 = tpu.vector_load %arg12[%get3A_1640, %get3A_1641] {strides = array<i32>} : memref<2x128xi32, #tpu.memory_space<vmem>>, vector<16xi32>,
      %shift_right_logical3A_1643 = arith.constant 1 : i32
      %shift_right_logical3A_1644 = vector.broadcast %shift_right_logical3A_1643 : i32 to vector<16xi32>
      %shift_right_logical3A_1645 = arith.shrui %get3A_1642, %shift_right_logical3A_1644 : vector<16xi32>
      %swap3A_1646 = arith.constant 1 : i32
      %swap3A_1647 = arith.index_cast %swap3A_1646 : i32 to index
      %swap3A_1648 = arith.constant 16 : index
      %swap3A_1649 = tpu.vector_load %arg13[%swap3A_1647, %swap3A_1648] {strides = array<i32>} : memref<2x128xi32, #tpu.memory_space<vmem>>, vector<16xi32>,
      tpu.vector_store %arg13[%swap3A_1647, %swap3A_1648], %shift_right_logical3A_1645 {strides = array<i32>} : memref<2x128xi32, #tpu.memory_space<vmem>>, vector<16xi32>,
      %and3A_1650 = arith.constant 1 : i32
      %and3A_1651 = vector.broadcast %and3A_1650 : i32 to vector<16xi32>
      %and3A_1652 = arith.andi %get3A_1642, %and3A_1651 : vector<16xi32>
      %shift_left3A_1653 = arith.constant 6 : i32
      %shift_left3A_1654 = vector.broadcast %shift_left3A_1653 : i32 to vector<16xi32>
      %shift_left3A_1655 = arith.shli %and3A_1652, %shift_left3A_1654 : vector<16xi32>
      %swap3A_1656 = arith.constant 1 : i32
      %swap3A_1657 = arith.index_cast %swap3A_1656 : i32 to index
      %swap3A_1658 = arith.constant 16 : index
      %swap3A_1659 = tpu.vector_load %arg14[%swap3A_1657, %swap3A_1658] {strides = array<i32>} : memref<2x128xi32, #tpu.memory_space<vmem>>, vector<16xi32>,
      tpu.vector_store %arg14[%swap3A_1657, %swap3A_1658], %shift_left3A_1655 {strides = array<i32>} : memref<2x128xi32, #tpu.memory_space<vmem>>, vector<16xi32>,
      %get3A_1660 = arith.constant 1 : i32
      %get3A_1661 = arith.index_cast %get3A_1660 : i32 to index
      %get3A_1662 = arith.constant 32 : index
      %get3A_1663 = tpu.vector_load %arg12[%get3A_1661, %get3A_1662] {strides = array<i32>} : memref<2x128xi32, #tpu.memory_space<vmem>>, vector<16xi32>,
      %shift_right_logical3A_1664 = arith.constant 1 : i32
      %shift_right_logical3A_1665 = vector.broadcast %shift_right_logical3A_1664 : i32 to vector<16xi32>
      %shift_right_logical3A_1666 = arith.shrui %get3A_1663, %shift_right_logical3A_1665 : vector<16xi32>
      %swap3A_1667 = arith.constant 1 : i32
      %swap3A_1668 = arith.index_cast %swap3A_1667 : i32 to index
      %swap3A_1669 = arith.constant 32 : index
      %swap3A_1670 = tpu.vector_load %arg13[%swap3A_1668, %swap3A_1669] {strides = array<i32>} : memref<2x128xi32, #tpu.memory_space<vmem>>, vector<16xi32>,
      tpu.vector_store %arg13[%swap3A_1668, %swap3A_1669], %shift_right_logical3A_1666 {strides = array<i32>} : memref<2x128xi32, #tpu.memory_space<vmem>>, vector<16xi32>,
      %and3A_1671 = arith.constant 1 : i32
      %and3A_1672 = vector.broadcast %and3A_1671 : i32 to vector<16xi32>
      %and3A_1673 = arith.andi %get3A_1663, %and3A_1672 : vector<16xi32>
      %shift_left3A_1674 = arith.constant 6 : i32
      %shift_left3A_1675 = vector.broadcast %shift_left3A_1674 : i32 to vector<16xi32>
      %shift_left3A_1676 = arith.shli %and3A_1673, %shift_left3A_1675 : vector<16xi32>
      %swap3A_1677 = arith.constant 1 : i32
      %swap3A_1678 = arith.index_cast %swap3A_1677 : i32 to index
      %swap3A_1679 = arith.constant 32 : index
      %swap3A_1680 = tpu.vector_load %arg14[%swap3A_1678, %swap3A_1679] {strides = array<i32>} : memref<2x128xi32, #tpu.memory_space<vmem>>, vector<16xi32>,
      tpu.vector_store %arg14[%swap3A_1678, %swap3A_1679], %shift_left3A_1676 {strides = array<i32>} : memref<2x128xi32, #tpu.memory_space<vmem>>, vector<16xi32>,
      %get3A_1681 = arith.constant 1 : i32
      %get3A_1682 = arith.index_cast %get3A_1681 : i32 to index
      %get3A_1683 = arith.constant 48 : index
      %get3A_1684 = tpu.vector_load %arg12[%get3A_1682, %get3A_1683] {strides = array<i32>} : memref<2x128xi32, #tpu.memory_space<vmem>>, vector<16xi32>,
      %shift_right_logical3A_1685 = arith.constant 1 : i32
      %shift_right_logical3A_1686 = vector.broadcast %shift_right_logical3A_1685 : i32 to vector<16xi32>
      %shift_right_logical3A_1687 = arith.shrui %get3A_1684, %shift_right_logical3A_1686 : vector<16xi32>
      %swap3A_1688 = arith.constant 1 : i32
      %swap3A_1689 = arith.index_cast %swap3A_1688 : i32 to index
      %swap3A_1690 = arith.constant 48 : index
      %swap3A_1691 = tpu.vector_load %arg13[%swap3A_1689, %swap3A_1690] {strides = array<i32>} : memref<2x128xi32, #tpu.memory_space<vmem>>, vector<16xi32>,
      tpu.vector_store %arg13[%swap3A_1689, %swap3A_1690], %shift_right_logical3A_1687 {strides = array<i32>} : memref<2x128xi32, #tpu.memory_space<vmem>>, vector<16xi32>,
      %and3A_1692 = arith.constant 1 : i32
      %and3A_1693 = vector.broadcast %and3A_1692 : i32 to vector<16xi32>
      %and3A_1694 = arith.andi %get3A_1684, %and3A_1693 : vector<16xi32>
      %shift_left3A_1695 = arith.constant 6 : i32
      %shift_left3A_1696 = vector.broadcast %shift_left3A_1695 : i32 to vector<16xi32>
      %shift_left3A_1697 = arith.shli %and3A_1694, %shift_left3A_1696 : vector<16xi32>
      %swap3A_1698 = arith.constant 1 : i32
      %swap3A_1699 = arith.index_cast %swap3A_1698 : i32 to index
      %swap3A_1700 = arith.constant 48 : index
      %swap3A_1701 = tpu.vector_load %arg14[%swap3A_1699, %swap3A_1700] {strides = array<i32>} : memref<2x128xi32, #tpu.memory_space<vmem>>, vector<16xi32>,
      tpu.vector_store %arg14[%swap3A_1699, %swap3A_1700], %shift_left3A_1697 {strides = array<i32>} : memref<2x128xi32, #tpu.memory_space<vmem>>, vector<16xi32>,
      %get3A_1702 = arith.constant 1 : i32
      %get3A_1703 = arith.index_cast %get3A_1702 : i32 to index
      %get3A_1704 = arith.constant 64 : index
      %get3A_1705 = tpu.vector_load %arg12[%get3A_1703, %get3A_1704] {strides = array<i32>} : memref<2x128xi32, #tpu.memory_space<vmem>>, vector<16xi32>,
      %shift_right_logical3A_1706 = arith.constant 1 : i32
      %shift_right_logical3A_1707 = vector.broadcast %shift_right_logical3A_1706 : i32 to vector<16xi32>
      %shift_right_logical3A_1708 = arith.shrui %get3A_1705, %shift_right_logical3A_1707 : vector<16xi32>
      %swap3A_1709 = arith.constant 1 : i32
      %swap3A_1710 = arith.index_cast %swap3A_1709 : i32 to index
      %swap3A_1711 = arith.constant 64 : index
      %swap3A_1712 = tpu.vector_load %arg13[%swap3A_1710, %swap3A_1711] {strides = array<i32>} : memref<2x128xi32, #tpu.memory_space<vmem>>, vector<16xi32>,
      tpu.vector_store %arg13[%swap3A_1710, %swap3A_1711], %shift_right_logical3A_1708 {strides = array<i32>} : memref<2x128xi32, #tpu.memory_space<vmem>>, vector<16xi32>,
      %and3A_1713 = arith.constant 1 : i32
      %and3A_1714 = vector.broadcast %and3A_1713 : i32 to vector<16xi32>
      %and3A_1715 = arith.andi %get3A_1705, %and3A_1714 : vector<16xi32>
      %shift_left3A_1716 = arith.constant 6 : i32
      %shift_left3A_1717 = vector.broadcast %shift_left3A_1716 : i32 to vector<16xi32>
      %shift_left3A_1718 = arith.shli %and3A_1715, %shift_left3A_1717 : vector<16xi32>
      %swap3A_1719 = arith.constant 1 : i32
      %swap3A_1720 = arith.index_cast %swap3A_1719 : i32 to index
      %swap3A_1721 = arith.constant 64 : index
      %swap3A_1722 = tpu.vector_load %arg14[%swap3A_1720, %swap3A_1721] {strides = array<i32>} : memref<2x128xi32, #tpu.memory_space<vmem>>, vector<16xi32>,
      tpu.vector_store %arg14[%swap3A_1720, %swap3A_1721], %shift_left3A_1718 {strides = array<i32>} : memref<2x128xi32, #tpu.memory_space<vmem>>, vector<16xi32>,
      %get3A_1723 = arith.constant 1 : i32
      %get3A_1724 = arith.index_cast %get3A_1723 : i32 to index
      %get3A_1725 = arith.constant 80 : index
      %get3A_1726 = tpu.vector_load %arg12[%get3A_1724, %get3A_1725] {strides = array<i32>} : memref<2x128xi32, #tpu.memory_space<vmem>>, vector<16xi32>,
      %shift_right_logical3A_1727 = arith.constant 1 : i32
      %shift_right_logical3A_1728 = vector.broadcast %shift_right_logical3A_1727 : i32 to vector<16xi32>
      %shift_right_logical3A_1729 = arith.shrui %get3A_1726, %shift_right_logical3A_1728 : vector<16xi32>
      %swap3A_1730 = arith.constant 1 : i32
      %swap3A_1731 = arith.index_cast %swap3A_1730 : i32 to index
      %swap3A_1732 = arith.constant 80 : index
      %swap3A_1733 = tpu.vector_load %arg13[%swap3A_1731, %swap3A_1732] {strides = array<i32>} : memref<2x128xi32, #tpu.memory_space<vmem>>, vector<16xi32>,
      tpu.vector_store %arg13[%swap3A_1731, %swap3A_1732], %shift_right_logical3A_1729 {strides = array<i32>} : memref<2x128xi32, #tpu.memory_space<vmem>>, vector<16xi32>,
      %and3A_1734 = arith.constant 1 : i32
      %and3A_1735 = vector.broadcast %and3A_1734 : i32 to vector<16xi32>
      %and3A_1736 = arith.andi %get3A_1726, %and3A_1735 : vector<16xi32>
      %shift_left3A_1737 = arith.constant 6 : i32
      %shift_left3A_1738 = vector.broadcast %shift_left3A_1737 : i32 to vector<16xi32>
      %shift_left3A_1739 = arith.shli %and3A_1736, %shift_left3A_1738 : vector<16xi32>
      %swap3A_1740 = arith.constant 1 : i32
      %swap3A_1741 = arith.index_cast %swap3A_1740 : i32 to index
      %swap3A_1742 = arith.constant 80 : index
      %swap3A_1743 = tpu.vector_load %arg14[%swap3A_1741, %swap3A_1742] {strides = array<i32>} : memref<2x128xi32, #tpu.memory_space<vmem>>, vector<16xi32>,
      tpu.vector_store %arg14[%swap3A_1741, %swap3A_1742], %shift_left3A_1739 {strides = array<i32>} : memref<2x128xi32, #tpu.memory_space<vmem>>, vector<16xi32>,
      %get3A_1744 = arith.constant 1 : i32
      %get3A_1745 = arith.index_cast %get3A_1744 : i32 to index
      %get3A_1746 = arith.constant 96 : index
      %get3A_1747 = tpu.vector_load %arg12[%get3A_1745, %get3A_1746] {strides = array<i32>} : memref<2x128xi32, #tpu.memory_space<vmem>>, vector<16xi32>,
      %shift_right_logical3A_1748 = arith.constant 1 : i32
      %shift_right_logical3A_1749 = vector.broadcast %shift_right_logical3A_1748 : i32 to vector<16xi32>
      %shift_right_logical3A_1750 = arith.shrui %get3A_1747, %shift_right_logical3A_1749 : vector<16xi32>
      %swap3A_1751 = arith.constant 1 : i32
      %swap3A_1752 = arith.index_cast %swap3A_1751 : i32 to index
      %swap3A_1753 = arith.constant 96 : index
      %swap3A_1754 = tpu.vector_load %arg13[%swap3A_1752, %swap3A_1753] {strides = array<i32>} : memref<2x128xi32, #tpu.memory_space<vmem>>, vector<16xi32>,
      tpu.vector_store %arg13[%swap3A_1752, %swap3A_1753], %shift_right_logical3A_1750 {strides = array<i32>} : memref<2x128xi32, #tpu.memory_space<vmem>>, vector<16xi32>,
      %and3A_1755 = arith.constant 1 : i32
      %and3A_1756 = vector.broadcast %and3A_1755 : i32 to vector<16xi32>
      %and3A_1757 = arith.andi %get3A_1747, %and3A_1756 : vector<16xi32>
      %shift_left3A_1758 = arith.constant 6 : i32
      %shift_left3A_1759 = vector.broadcast %shift_left3A_1758 : i32 to vector<16xi32>
      %shift_left3A_1760 = arith.shli %and3A_1757, %shift_left3A_1759 : vector<16xi32>
      %swap3A_1761 = arith.constant 1 : i32
      %swap3A_1762 = arith.index_cast %swap3A_1761 : i32 to index
      %swap3A_1763 = arith.constant 96 : index
      %swap3A_1764 = tpu.vector_load %arg14[%swap3A_1762, %swap3A_1763] {strides = array<i32>} : memref<2x128xi32, #tpu.memory_space<vmem>>, vector<16xi32>,
      tpu.vector_store %arg14[%swap3A_1762, %swap3A_1763], %shift_left3A_1760 {strides = array<i32>} : memref<2x128xi32, #tpu.memory_space<vmem>>, vector<16xi32>,
      %get3A_1765 = arith.constant 1 : i32
      %get3A_1766 = arith.index_cast %get3A_1765 : i32 to index
      %get3A_1767 = arith.constant 112 : index
      %get3A_1768 = tpu.vector_load %arg12[%get3A_1766, %get3A_1767] {strides = array<i32>} : memref<2x128xi32, #tpu.memory_space<vmem>>, vector<16xi32>,
      %shift_right_logical3A_1769 = arith.constant 1 : i32
      %shift_right_logical3A_1770 = vector.broadcast %shift_right_logical3A_1769 : i32 to vector<16xi32>
      %shift_right_logical3A_1771 = arith.shrui %get3A_1768, %shift_right_logical3A_1770 : vector<16xi32>
      %swap3A_1772 = arith.constant 1 : i32
      %swap3A_1773 = arith.index_cast %swap3A_1772 : i32 to index
      %swap3A_1774 = arith.constant 112 : index
      %swap3A_1775 = tpu.vector_load %arg13[%swap3A_1773, %swap3A_1774] {strides = array<i32>} : memref<2x128xi32, #tpu.memory_space<vmem>>, vector<16xi32>,
      tpu.vector_store %arg13[%swap3A_1773, %swap3A_1774], %shift_right_logical3A_1771 {strides = array<i32>} : memref<2x128xi32, #tpu.memory_space<vmem>>, vector<16xi32>,
      %and3A_1776 = arith.constant 1 : i32
      %and3A_1777 = vector.broadcast %and3A_1776 : i32 to vector<16xi32>
      %and3A_1778 = arith.andi %get3A_1768, %and3A_1777 : vector<16xi32>
      %shift_left3A_1779 = arith.constant 6 : i32
      %shift_left3A_1780 = vector.broadcast %shift_left3A_1779 : i32 to vector<16xi32>
      %shift_left3A_1781 = arith.shli %and3A_1778, %shift_left3A_1780 : vector<16xi32>
      %swap3A_1782 = arith.constant 1 : i32
      %swap3A_1783 = arith.index_cast %swap3A_1782 : i32 to index
      %swap3A_1784 = arith.constant 112 : index
      %swap3A_1785 = tpu.vector_load %arg14[%swap3A_1783, %swap3A_1784] {strides = array<i32>} : memref<2x128xi32, #tpu.memory_space<vmem>>, vector<16xi32>,
      tpu.vector_store %arg14[%swap3A_1783, %swap3A_1784], %shift_left3A_1781 {strides = array<i32>} : memref<2x128xi32, #tpu.memory_space<vmem>>, vector<16xi32>,
      %dma_start3A_1786 = arith.constant 0 : i32
      %dma_start3A_1787 = arith.constant 0 : i32
      %dma_start3A_1788 = arith.constant 0 : i32
      %dma_start3A_1789 = arith.constant 0 : i32
      %dma_start3A_1790 = tpu.memref_slice %arg15[%dma_start3A_1787, %dma_start3A_1788, %dma_start3A_1789] : memref<2x128x128xf32, #tpu.memory_space<vmem>> -> memref<1x128x128xf32, #tpu.memory_space<vmem>>
      %dma_start3A_1791 = tpu.memref_squeeze %dma_start3A_1790 : memref<1x128x128xf32, #tpu.memory_space<vmem>> -> memref<128x128xf32, #tpu.memory_space<vmem>>
      %dma_start3A_1792 = arith.constant 0 : i32
      %dma_start3A_1793 = tpu.memref_slice %arg13[%dma_start3A_1786, %dma_start3A_1792] : memref<2x128xi32, #tpu.memory_space<vmem>> -> memref<1x128xi32, #tpu.memory_space<vmem>>
      %dma_start3A_1794 = tpu.memref_squeeze %dma_start3A_1793 : memref<1x128xi32, #tpu.memory_space<vmem>> -> memref<128xi32, #tpu.memory_space<vmem>>
      %dma_start3A_1795 = arith.constant 0 : i32
      %dma_start3A_1796 = arith.constant 0 : i32
      %dma_start3A_1797 = tpu.memref_slice %arg3[%dma_start3A_1795, %dma_start3A_1796] : memref<500000x128xf32, #tpu.memory_space<hbm>> -> memref<500000x128xf32, #tpu.memory_space<hbm>>
      tpu.enqueue_indirect_dma source(%dma_start3A_1797 : memref<500000x128xf32, #tpu.memory_space<hbm>>) target(%dma_start3A_1791 : memref<128x128xf32, #tpu.memory_space<vmem>>) offsets(%dma_start3A_1794 : memref<128xi32, #tpu.memory_space<vmem>>) semaphore(%arg18 : memref<!tpu.dma_semaphore, #tpu.memory_space<semaphore_mem>>)
      %dma_start3A_1798 = arith.constant 1 : i32
      %dma_start3A_1799 = arith.constant 1 : i32
      %dma_start3A_1800 = arith.constant 0 : i32
      %dma_start3A_1801 = arith.constant 0 : i32
      %dma_start3A_1802 = tpu.memref_slice %arg15[%dma_start3A_1799, %dma_start3A_1800, %dma_start3A_1801] : memref<2x128x128xf32, #tpu.memory_space<vmem>> -> memref<1x128x128xf32, #tpu.memory_space<vmem>>
      %dma_start3A_1803 = tpu.memref_squeeze %dma_start3A_1802 : memref<1x128x128xf32, #tpu.memory_space<vmem>> -> memref<128x128xf32, #tpu.memory_space<vmem>>
      %dma_start3A_1804 = arith.constant 0 : i32
      %dma_start3A_1805 = tpu.memref_slice %arg13[%dma_start3A_1798, %dma_start3A_1804] : memref<2x128xi32, #tpu.memory_space<vmem>> -> memref<1x128xi32, #tpu.memory_space<vmem>>
      %dma_start3A_1806 = tpu.memref_squeeze %dma_start3A_1805 : memref<1x128xi32, #tpu.memory_space<vmem>> -> memref<128xi32, #tpu.memory_space<vmem>>
      %dma_start3A_1807 = arith.constant 0 : i32
      %dma_start3A_1808 = arith.constant 0 : i32
      %dma_start3A_1809 = tpu.memref_slice %arg3[%dma_start3A_1807, %dma_start3A_1808] : memref<500000x128xf32, #tpu.memory_space<hbm>> -> memref<500000x128xf32, #tpu.memory_space<hbm>>
      tpu.enqueue_indirect_dma source(%dma_start3A_1809 : memref<500000x128xf32, #tpu.memory_space<hbm>>) target(%dma_start3A_1803 : memref<128x128xf32, #tpu.memory_space<vmem>>) offsets(%dma_start3A_1806 : memref<128xi32, #tpu.memory_space<vmem>>) semaphore(%arg18 : memref<!tpu.dma_semaphore, #tpu.memory_space<semaphore_mem>>)
      %dma_wait3A_1810 = arith.constant 0 : i32
      %dma_wait3A_1811 = arith.constant 0 : i32
      %dma_wait3A_1812 = arith.constant 0 : i32
      %dma_wait3A_1813 = arith.constant 0 : i32
      %dma_wait3A_1814 = tpu.memref_slice %arg10[%dma_wait3A_1811, %dma_wait3A_1812, %dma_wait3A_1813] : memref<2x128x128xf32, #tpu.memory_space<vmem>> -> memref<1x128x128xf32, #tpu.memory_space<vmem>>
      %dma_wait3A_1815 = tpu.memref_squeeze %dma_wait3A_1814 : memref<1x128x128xf32, #tpu.memory_space<vmem>> -> memref<128x128xf32, #tpu.memory_space<vmem>>
      %dma_wait3A_1816 = arith.constant 0 : i32
      %dma_wait3A_1817 = tpu.memref_slice %arg8[%dma_wait3A_1810, %dma_wait3A_1816] : memref<2x128xi32, #tpu.memory_space<vmem>> -> memref<1x128xi32, #tpu.memory_space<vmem>>
      %dma_wait3A_1818 = tpu.memref_squeeze %dma_wait3A_1817 : memref<1x128xi32, #tpu.memory_space<vmem>> -> memref<128xi32, #tpu.memory_space<vmem>>
      %dma_wait3A_1819 = arith.constant 0 : i32
      %dma_wait3A_1820 = arith.constant 0 : i32
      %dma_wait3A_1821 = tpu.memref_slice %arg3[%dma_wait3A_1819, %dma_wait3A_1820] : memref<500000x128xf32, #tpu.memory_space<hbm>> -> memref<500000x128xf32, #tpu.memory_space<hbm>>
      tpu.wait_indirect_dma semaphore(%arg17 : memref<!tpu.dma_semaphore, #tpu.memory_space<semaphore_mem>>) src(%dma_wait3A_1821 : memref<500000x128xf32, #tpu.memory_space<hbm>>) dst(%dma_wait3A_1815 : memref<128x128xf32, #tpu.memory_space<vmem>>)
      %dma_wait3A_1822 = arith.constant 1 : i32
      %dma_wait3A_1823 = arith.constant 1 : i32
      %dma_wait3A_1824 = arith.constant 0 : i32
      %dma_wait3A_1825 = arith.constant 0 : i32
      %dma_wait3A_1826 = tpu.memref_slice %arg10[%dma_wait3A_1823, %dma_wait3A_1824, %dma_wait3A_1825] : memref<2x128x128xf32, #tpu.memory_space<vmem>> -> memref<1x128x128xf32, #tpu.memory_space<vmem>>
      %dma_wait3A_1827 = tpu.memref_squeeze %dma_wait3A_1826 : memref<1x128x128xf32, #tpu.memory_space<vmem>> -> memref<128x128xf32, #tpu.memory_space<vmem>>
      %dma_wait3A_1828 = arith.constant 0 : i32
      %dma_wait3A_1829 = tpu.memref_slice %arg8[%dma_wait3A_1822, %dma_wait3A_1828] : memref<2x128xi32, #tpu.memory_space<vmem>> -> memref<1x128xi32, #tpu.memory_space<vmem>>
      %dma_wait3A_1830 = tpu.memref_squeeze %dma_wait3A_1829 : memref<1x128xi32, #tpu.memory_space<vmem>> -> memref<128xi32, #tpu.memory_space<vmem>>
      %dma_wait3A_1831 = arith.constant 0 : i32
      %dma_wait3A_1832 = arith.constant 0 : i32
      %dma_wait3A_1833 = tpu.memref_slice %arg3[%dma_wait3A_1831, %dma_wait3A_1832] : memref<500000x128xf32, #tpu.memory_space<hbm>> -> memref<500000x128xf32, #tpu.memory_space<hbm>>
      tpu.wait_indirect_dma semaphore(%arg17 : memref<!tpu.dma_semaphore, #tpu.memory_space<semaphore_mem>>) src(%dma_wait3A_1833 : memref<500000x128xf32, #tpu.memory_space<hbm>>) dst(%dma_wait3A_1827 : memref<128x128xf32, #tpu.memory_space<vmem>>)
      %add3A_1834 = arith.constant 2 : i32
      %add3A_1835 = arith.addi %add3A_1431, %add3A_1834 : i32
      %min3A_1836 = arith.constant 99 : i32
      %min3A_1837 = arith.minsi %add3A_1835, %min3A_1836 : i32
      %mul3A_1838 = arith.constant 2 : i32
      %mul3A_1839 = arith.muli %min3A_1837, %mul3A_1838 : i32
      %dma_start3A_1840 = tpu.memref_slice %arg2[%mul3A_1839, %mul3A_2] : memref<200x4096xi32, #tpu.memory_space<hbm>> -> memref<2x128xi32, #tpu.memory_space<hbm>>
      %dma_start3A_1841 = tpu.memref_slice %arg2[%mul3A_1839, %mul3A_2] : memref<200x4096xi32, #tpu.memory_space<hbm>> -> memref<2x128xi32, #tpu.memory_space<hbm>>
      tpu.enqueue_dma source(%dma_start3A_1841 : memref<2x128xi32, #tpu.memory_space<hbm>>) target(%arg7 : memref<2x128xi32, #tpu.memory_space<vmem>>) target_semaphore(%arg21 : memref<!tpu.dma_semaphore, #tpu.memory_space<semaphore_mem>>)
      %iota3A_1842 = tpu.iota {dimensions = array<i32: 0>} : vector<16xi32>
      %add3A_1843 = arith.constant 0 : i32
      %add3A_1844 = vector.broadcast %add3A_1843 : i32 to vector<16xi32>
      %add3A_1845 = arith.addi %iota3A_1842, %add3A_1844 : vector<16xi32>
      %add3A_1846 = arith.constant 16 : i32
      %add3A_1847 = vector.broadcast %add3A_1846 : i32 to vector<16xi32>
      %add3A_1848 = arith.addi %iota3A_1842, %add3A_1847 : vector<16xi32>
      %add3A_1849 = arith.constant 32 : i32
      %add3A_1850 = vector.broadcast %add3A_1849 : i32 to vector<16xi32>
      %add3A_1851 = arith.addi %iota3A_1842, %add3A_1850 : vector<16xi32>
      %add3A_1852 = arith.constant 48 : i32
      %add3A_1853 = vector.broadcast %add3A_1852 : i32 to vector<16xi32>
      %add3A_1854 = arith.addi %iota3A_1842, %add3A_1853 : vector<16xi32>
      %mul3A_1855 = arith.constant 2 : i32
      %mul3A_1856 = arith.muli %add3A_1431, %mul3A_1855 : i32
      %add3A_1857 = arith.constant 0 : i32
      %add3A_1858 = arith.addi %mul3A_1856, %add3A_1857 : i32
      %mul3A_1859 = arith.constant 64 : i32
      %mul3A_1860 = arith.muli %add3A_1858, %mul3A_1859 : i32
      %add3A_1861 = arith.constant 0 : i32
      %add3A_1862 = arith.addi %mul3A_1860, %add3A_1861 : i32
      %get3A_1863 = arith.index_cast %add3A_1862 : i32 to index
      %get3A_1864 = tpu.vector_load %arg6[%get3A_1863] {strides = array<i32>} : memref<12800xf32, #tpu.memory_space<vmem>>, vector<16xf32>,
      %add3A_1865 = arith.constant 16 : i32
      %add3A_1866 = arith.addi %mul3A_1860, %add3A_1865 : i32
      %get3A_1867 = arith.index_cast %add3A_1866 : i32 to index
      %get3A_1868 = tpu.vector_load %arg6[%get3A_1867] {strides = array<i32>} : memref<12800xf32, #tpu.memory_space<vmem>>, vector<16xf32>,
      %add3A_1869 = arith.constant 32 : i32
      %add3A_1870 = arith.addi %mul3A_1860, %add3A_1869 : i32
      %get3A_1871 = arith.index_cast %add3A_1870 : i32 to index
      %get3A_1872 = tpu.vector_load %arg6[%get3A_1871] {strides = array<i32>} : memref<12800xf32, #tpu.memory_space<vmem>>, vector<16xf32>,
      %add3A_1873 = arith.constant 48 : i32
      %add3A_1874 = arith.addi %mul3A_1860, %add3A_1873 : i32
      %get3A_1875 = arith.index_cast %add3A_1874 : i32 to index
      %get3A_1876 = tpu.vector_load %arg6[%get3A_1875] {strides = array<i32>} : memref<12800xf32, #tpu.memory_space<vmem>>, vector<16xf32>,
      %broadcast_in_dim3A_1877 = arith.constant 0 : i32
      %broadcast_in_dim3A_1878 = vector.broadcast %broadcast_in_dim3A_1877 : i32 to vector<16xi32>
      %parallel_loop3A_1879 = arith.constant 0 : i32
      %parallel_loop3A_1880 = arith.constant 128 : i32
      %parallel_loop3A_1881 = arith.constant 1 : i32
      scf.for %parallel_loop3A_1924 = %parallel_loop3A_1879 to %parallel_loop3A_1880 step %parallel_loop3A_1881  : i32 {
        %parallel_loop3A_1925 = vector.broadcast %parallel_loop3A_1924 : i32 to vector<16xi32>
        %parallel_loop3A_1926 = tpu.vector_load_idx %arg9[%broadcast_in_dim3A_1878, %parallel_loop3A_1925] : memref<2x128xi32, #tpu.memory_space<vmem>>[vector<16xi32>, vector<16xi32>], vector<16xi32>,
        %parallel_loop3A_1927 = arith.addi %parallel_loop3A_1926, %add3A_1845 : vector<16xi32>
        %parallel_loop3A_1928 = tpu.vector_load_idx %arg10[%broadcast_in_dim3A_1878, %parallel_loop3A_1925, %parallel_loop3A_1927] : memref<2x128x128xf32, #tpu.memory_space<vmem>>[vector<16xi32>, vector<16xi32>, vector<16xi32>], vector<16xf32>,
        %parallel_loop3A_1929 = arith.addf %parallel_loop3A_1928, %get3A_1864 : vector<16xf32>
        tpu.vector_store_idx %arg11[%broadcast_in_dim3A_1878, %add3A_1845, %parallel_loop3A_1925], %parallel_loop3A_1929 : memref<2x64x133xf32, #tpu.memory_space<vmem>>[vector<16xi32>, vector<16xi32>, vector<16xi32>], vector<16xf32>,
        %parallel_loop3A_1930 = arith.addi %parallel_loop3A_1926, %add3A_1848 : vector<16xi32>
        %parallel_loop3A_1931 = tpu.vector_load_idx %arg10[%broadcast_in_dim3A_1878, %parallel_loop3A_1925, %parallel_loop3A_1930] : memref<2x128x128xf32, #tpu.memory_space<vmem>>[vector<16xi32>, vector<16xi32>, vector<16xi32>], vector<16xf32>,
        %parallel_loop3A_1932 = arith.addf %parallel_loop3A_1931, %get3A_1868 : vector<16xf32>
        tpu.vector_store_idx %arg11[%broadcast_in_dim3A_1878, %add3A_1848, %parallel_loop3A_1925], %parallel_loop3A_1932 : memref<2x64x133xf32, #tpu.memory_space<vmem>>[vector<16xi32>, vector<16xi32>, vector<16xi32>], vector<16xf32>,
        %parallel_loop3A_1933 = arith.addi %parallel_loop3A_1926, %add3A_1851 : vector<16xi32>
        %parallel_loop3A_1934 = tpu.vector_load_idx %arg10[%broadcast_in_dim3A_1878, %parallel_loop3A_1925, %parallel_loop3A_1933] : memref<2x128x128xf32, #tpu.memory_space<vmem>>[vector<16xi32>, vector<16xi32>, vector<16xi32>], vector<16xf32>,
        %parallel_loop3A_1935 = arith.addf %parallel_loop3A_1934, %get3A_1872 : vector<16xf32>
        tpu.vector_store_idx %arg11[%broadcast_in_dim3A_1878, %add3A_1851, %parallel_loop3A_1925], %parallel_loop3A_1935 : memref<2x64x133xf32, #tpu.memory_space<vmem>>[vector<16xi32>, vector<16xi32>, vector<16xi32>], vector<16xf32>,
        %parallel_loop3A_1936 = arith.addi %parallel_loop3A_1926, %add3A_1854 : vector<16xi32>
        %parallel_loop3A_1937 = tpu.vector_load_idx %arg10[%broadcast_in_dim3A_1878, %parallel_loop3A_1925, %parallel_loop3A_1936] : memref<2x128x128xf32, #tpu.memory_space<vmem>>[vector<16xi32>, vector<16xi32>, vector<16xi32>], vector<16xf32>,
        %parallel_loop3A_1938 = arith.addf %parallel_loop3A_1937, %get3A_1876 : vector<16xf32>
        tpu.vector_store_idx %arg11[%broadcast_in_dim3A_1878, %add3A_1854, %parallel_loop3A_1925], %parallel_loop3A_1938 : memref<2x64x133xf32, #tpu.memory_space<vmem>>[vector<16xi32>, vector<16xi32>, vector<16xi32>], vector<16xf32>,
      } {sc.loop_unroll_factor = 4 : i64, sc.parallel_access}
      %mul3A_1882 = arith.constant 2 : i32
      %mul3A_1883 = arith.muli %add3A_1431, %mul3A_1882 : i32
      %add3A_1884 = arith.constant 1 : i32
      %add3A_1885 = arith.addi %mul3A_1883, %add3A_1884 : i32
      %mul3A_1886 = arith.constant 64 : i32
      %mul3A_1887 = arith.muli %add3A_1885, %mul3A_1886 : i32
      %add3A_1888 = arith.constant 0 : i32
      %add3A_1889 = arith.addi %mul3A_1887, %add3A_1888 : i32
      %get3A_1890 = arith.index_cast %add3A_1889 : i32 to index
      %get3A_1891 = tpu.vector_load %arg6[%get3A_1890] {strides = array<i32>} : memref<12800xf32, #tpu.memory_space<vmem>>, vector<16xf32>,
      %add3A_1892 = arith.constant 16 : i32
      %add3A_1893 = arith.addi %mul3A_1887, %add3A_1892 : i32
      %get3A_1894 = arith.index_cast %add3A_1893 : i32 to index
      %get3A_1895 = tpu.vector_load %arg6[%get3A_1894] {strides = array<i32>} : memref<12800xf32, #tpu.memory_space<vmem>>, vector<16xf32>,
      %add3A_1896 = arith.constant 32 : i32
      %add3A_1897 = arith.addi %mul3A_1887, %add3A_1896 : i32
      %get3A_1898 = arith.index_cast %add3A_1897 : i32 to index
      %get3A_1899 = tpu.vector_load %arg6[%get3A_1898] {strides = array<i32>} : memref<12800xf32, #tpu.memory_space<vmem>>, vector<16xf32>,
      %add3A_1900 = arith.constant 48 : i32
      %add3A_1901 = arith.addi %mul3A_1887, %add3A_1900 : i32
      %get3A_1902 = arith.index_cast %add3A_1901 : i32 to index
      %get3A_1903 = tpu.vector_load %arg6[%get3A_1902] {strides = array<i32>} : memref<12800xf32, #tpu.memory_space<vmem>>, vector<16xf32>,
      %broadcast_in_dim3A_1904 = arith.constant 1 : i32
      %broadcast_in_dim3A_1905 = vector.broadcast %broadcast_in_dim3A_1904 : i32 to vector<16xi32>
      %parallel_loop3A_1906 = arith.constant 0 : i32
      %parallel_loop3A_1907 = arith.constant 128 : i32
      %parallel_loop3A_1908 = arith.constant 1 : i32
      scf.for %parallel_loop3A_1924 = %parallel_loop3A_1906 to %parallel_loop3A_1907 step %parallel_loop3A_1908  : i32 {
        %parallel_loop3A_1925 = vector.broadcast %parallel_loop3A_1924 : i32 to vector<16xi32>
        %parallel_loop3A_1926 = tpu.vector_load_idx %arg9[%broadcast_in_dim3A_1905, %parallel_loop3A_1925] : memref<2x128xi32, #tpu.memory_space<vmem>>[vector<16xi32>, vector<16xi32>], vector<16xi32>,
        %parallel_loop3A_1927 = arith.addi %parallel_loop3A_1926, %add3A_1845 : vector<16xi32>
        %parallel_loop3A_1928 = tpu.vector_load_idx %arg10[%broadcast_in_dim3A_1905, %parallel_loop3A_1925, %parallel_loop3A_1927] : memref<2x128x128xf32, #tpu.memory_space<vmem>>[vector<16xi32>, vector<16xi32>, vector<16xi32>], vector<16xf32>,
        %parallel_loop3A_1929 = arith.addf %parallel_loop3A_1928, %get3A_1891 : vector<16xf32>
        tpu.vector_store_idx %arg11[%broadcast_in_dim3A_1905, %add3A_1845, %parallel_loop3A_1925], %parallel_loop3A_1929 : memref<2x64x133xf32, #tpu.memory_space<vmem>>[vector<16xi32>, vector<16xi32>, vector<16xi32>], vector<16xf32>,
        %parallel_loop3A_1930 = arith.addi %parallel_loop3A_1926, %add3A_1848 : vector<16xi32>
        %parallel_loop3A_1931 = tpu.vector_load_idx %arg10[%broadcast_in_dim3A_1905, %parallel_loop3A_1925, %parallel_loop3A_1930] : memref<2x128x128xf32, #tpu.memory_space<vmem>>[vector<16xi32>, vector<16xi32>, vector<16xi32>], vector<16xf32>,
        %parallel_loop3A_1932 = arith.addf %parallel_loop3A_1931, %get3A_1895 : vector<16xf32>
        tpu.vector_store_idx %arg11[%broadcast_in_dim3A_1905, %add3A_1848, %parallel_loop3A_1925], %parallel_loop3A_1932 : memref<2x64x133xf32, #tpu.memory_space<vmem>>[vector<16xi32>, vector<16xi32>, vector<16xi32>], vector<16xf32>,
        %parallel_loop3A_1933 = arith.addi %parallel_loop3A_1926, %add3A_1851 : vector<16xi32>
        %parallel_loop3A_1934 = tpu.vector_load_idx %arg10[%broadcast_in_dim3A_1905, %parallel_loop3A_1925, %parallel_loop3A_1933] : memref<2x128x128xf32, #tpu.memory_space<vmem>>[vector<16xi32>, vector<16xi32>, vector<16xi32>], vector<16xf32>,
        %parallel_loop3A_1935 = arith.addf %parallel_loop3A_1934, %get3A_1899 : vector<16xf32>
        tpu.vector_store_idx %arg11[%broadcast_in_dim3A_1905, %add3A_1851, %parallel_loop3A_1925], %parallel_loop3A_1935 : memref<2x64x133xf32, #tpu.memory_space<vmem>>[vector<16xi32>, vector<16xi32>, vector<16xi32>], vector<16xf32>,
        %parallel_loop3A_1936 = arith.addi %parallel_loop3A_1926, %add3A_1854 : vector<16xi32>
        %parallel_loop3A_1937 = tpu.vector_load_idx %arg10[%broadcast_in_dim3A_1905, %parallel_loop3A_1925, %parallel_loop3A_1936] : memref<2x128x128xf32, #tpu.memory_space<vmem>>[vector<16xi32>, vector<16xi32>, vector<16xi32>], vector<16xf32>,
        %parallel_loop3A_1938 = arith.addf %parallel_loop3A_1937, %get3A_1903 : vector<16xf32>
        tpu.vector_store_idx %arg11[%broadcast_in_dim3A_1905, %add3A_1854, %parallel_loop3A_1925], %parallel_loop3A_1938 : memref<2x64x133xf32, #tpu.memory_space<vmem>>[vector<16xi32>, vector<16xi32>, vector<16xi32>], vector<16xf32>,
      } {sc.loop_unroll_factor = 4 : i64, sc.parallel_access}
      %mul3A_1909 = arith.constant 2 : i32
      %mul3A_1910 = arith.muli %add3A_1431, %mul3A_1909 : i32
      %dma_start3A_1911 = arith.constant 0 : i32
      %dma_start3A_1912 = arith.constant 0 : i32
      %dma_start3A_1913 = arith.constant 0 : i32
      %dma_start3A_1914 = tpu.memref_slice %arg11[%dma_start3A_1911, %dma_start3A_1912, %dma_start3A_1913] : memref<2x64x133xf32, #tpu.memory_space<vmem>> -> memref<2x64x128xf32, #tpu.memory_space<vmem>>
      %dma_start3A_1915 = arith.constant 0 : i32
      %dma_start3A_1916 = tpu.memref_slice %arg5[%mul3A_1910, %dma_start3A_1915, %mul3A_2] : memref<200x64x4096xf32, #tpu.memory_space<hbm>> -> memref<2x64x128xf32, #tpu.memory_space<hbm>>
      %dma_start3A_1917 = arith.constant 0 : i32
      %dma_start3A_1918 = tpu.memref_slice %arg5[%mul3A_1910, %dma_start3A_1917, %mul3A_2] : memref<200x64x4096xf32, #tpu.memory_space<hbm>> -> memref<2x64x128xf32, #tpu.memory_space<hbm>>
      %dma_start3A_1919 = arith.constant 0 : i32
      %dma_start3A_1920 = arith.constant 0 : i32
      %dma_start3A_1921 = arith.constant 0 : i32
      %dma_start3A_1922 = tpu.memref_slice %arg11[%dma_start3A_1919, %dma_start3A_1920, %dma_start3A_1921] : memref<2x64x133xf32, #tpu.memory_space<vmem>> -> memref<2x64x128xf32, #tpu.memory_space<vmem>>
      tpu.enqueue_dma source(%dma_start3A_1922 : memref<2x64x128xf32, #tpu.memory_space<vmem>>) target(%dma_start3A_1918 : memref<2x64x128xf32, #tpu.memory_space<hbm>>) target_semaphore(%arg19 : memref<!tpu.dma_semaphore, #tpu.memory_space<semaphore_mem>>)
      %scan3A_1923 = arith.constant 0 : i32
      scf.yield %scan3A_1923 : i32
    }
    %scan3A_823 = arith.constant 49 : i32
    %dma_wait3A_824 = arith.constant 0 : i32
    %dma_wait3A_825 = arith.constant 0 : i32
    %dma_wait3A_826 = arith.constant 0 : i32
    %dma_wait3A_827 = tpu.memref_slice %arg11[%dma_wait3A_824, %dma_wait3A_825, %dma_wait3A_826] : memref<2x64x133xf32, #tpu.memory_space<vmem>> -> memref<2x64x128xf32, #tpu.memory_space<vmem>>
    %dma_wait3A_828 = arith.constant 0 : i32
    %dma_wait3A_829 = arith.constant 0 : i32
    %dma_wait3A_830 = tpu.memref_slice %arg5[%dma_wait3A_828, %dma_wait3A_829, %mul3A_2] : memref<200x64x4096xf32, #tpu.memory_space<hbm>> -> memref<2x64x128xf32, #tpu.memory_space<hbm>>
    %dma_wait3A_831 = arith.constant 0 : i32
    %dma_wait3A_832 = arith.constant 0 : i32
    %dma_wait3A_833 = tpu.memref_slice %arg5[%dma_wait3A_831, %dma_wait3A_832, %mul3A_2] : memref<200x64x4096xf32, #tpu.memory_space<hbm>> -> memref<2x64x128xf32, #tpu.memory_space<hbm>>
    %dma_wait3A_834 = arith.constant 0 : i32
    %dma_wait3A_835 = arith.constant 0 : i32
    %dma_wait3A_836 = arith.constant 0 : i32
    %dma_wait3A_837 = tpu.memref_slice %arg11[%dma_wait3A_834, %dma_wait3A_835, %dma_wait3A_836] : memref<2x64x133xf32, #tpu.memory_space<vmem>> -> memref<2x64x128xf32, #tpu.memory_space<vmem>>
    tpu.wait_dma2 semaphore(%arg19 : memref<!tpu.dma_semaphore, #tpu.memory_space<semaphore_mem>>) src(%dma_wait3A_837 : memref<2x64x128xf32, #tpu.memory_space<vmem>>) dst(%dma_wait3A_833 : memref<2x64x128xf32, #tpu.memory_space<hbm>>)
    %dma_wait3A_838 = arith.constant 0 : i32
    %dma_wait3A_839 = arith.constant 0 : i32
    %dma_wait3A_840 = arith.constant 0 : i32
    %dma_wait3A_841 = arith.constant 0 : i32
    %dma_wait3A_842 = tpu.memref_slice %arg15[%dma_wait3A_839, %dma_wait3A_840, %dma_wait3A_841] : memref<2x128x128xf32, #tpu.memory_space<vmem>> -> memref<1x128x128xf32, #tpu.memory_space<vmem>>
    %dma_wait3A_843 = tpu.memref_squeeze %dma_wait3A_842 : memref<1x128x128xf32, #tpu.memory_space<vmem>> -> memref<128x128xf32, #tpu.memory_space<vmem>>
    %dma_wait3A_844 = arith.constant 0 : i32
    %dma_wait3A_845 = tpu.memref_slice %arg13[%dma_wait3A_838, %dma_wait3A_844] : memref<2x128xi32, #tpu.memory_space<vmem>> -> memref<1x128xi32, #tpu.memory_space<vmem>>
    %dma_wait3A_846 = tpu.memref_squeeze %dma_wait3A_845 : memref<1x128xi32, #tpu.memory_space<vmem>> -> memref<128xi32, #tpu.memory_space<vmem>>
    %dma_wait3A_847 = arith.constant 0 : i32
    %dma_wait3A_848 = arith.constant 0 : i32
    %dma_wait3A_849 = tpu.memref_slice %arg3[%dma_wait3A_847, %dma_wait3A_848] : memref<500000x128xf32, #tpu.memory_space<hbm>> -> memref<500000x128xf32, #tpu.memory_space<hbm>>
    tpu.wait_indirect_dma semaphore(%arg18 : memref<!tpu.dma_semaphore, #tpu.memory_space<semaphore_mem>>) src(%dma_wait3A_849 : memref<500000x128xf32, #tpu.memory_space<hbm>>) dst(%dma_wait3A_843 : memref<128x128xf32, #tpu.memory_space<vmem>>)
    %dma_wait3A_850 = arith.constant 1 : i32
    %dma_wait3A_851 = arith.constant 1 : i32
    %dma_wait3A_852 = arith.constant 0 : i32
    %dma_wait3A_853 = arith.constant 0 : i32
    %dma_wait3A_854 = tpu.memref_slice %arg15[%dma_wait3A_851, %dma_wait3A_852, %dma_wait3A_853] : memref<2x128x128xf32, #tpu.memory_space<vmem>> -> memref<1x128x128xf32, #tpu.memory_space<vmem>>
    %dma_wait3A_855 = tpu.memref_squeeze %dma_wait3A_854 : memref<1x128x128xf32, #tpu.memory_space<vmem>> -> memref<128x128xf32, #tpu.memory_space<vmem>>
    %dma_wait3A_856 = arith.constant 0 : i32
    %dma_wait3A_857 = tpu.memref_slice %arg13[%dma_wait3A_850, %dma_wait3A_856] : memref<2x128xi32, #tpu.memory_space<vmem>> -> memref<1x128xi32, #tpu.memory_space<vmem>>
    %dma_wait3A_858 = tpu.memref_squeeze %dma_wait3A_857 : memref<1x128xi32, #tpu.memory_space<vmem>> -> memref<128xi32, #tpu.memory_space<vmem>>
    %dma_wait3A_859 = arith.constant 0 : i32
    %dma_wait3A_860 = arith.constant 0 : i32
    %dma_wait3A_861 = tpu.memref_slice %arg3[%dma_wait3A_859, %dma_wait3A_860] : memref<500000x128xf32, #tpu.memory_space<hbm>> -> memref<500000x128xf32, #tpu.memory_space<hbm>>
    tpu.wait_indirect_dma semaphore(%arg18 : memref<!tpu.dma_semaphore, #tpu.memory_space<semaphore_mem>>) src(%dma_wait3A_861 : memref<500000x128xf32, #tpu.memory_space<hbm>>) dst(%dma_wait3A_855 : memref<128x128xf32, #tpu.memory_space<vmem>>)
    %iota3A_862 = tpu.iota {dimensions = array<i32: 0>} : vector<16xi32>
    %add3A_863 = arith.constant 0 : i32
    %add3A_864 = vector.broadcast %add3A_863 : i32 to vector<16xi32>
    %add3A_865 = arith.addi %iota3A_862, %add3A_864 : vector<16xi32>
    %add3A_866 = arith.constant 16 : i32
    %add3A_867 = vector.broadcast %add3A_866 : i32 to vector<16xi32>
    %add3A_868 = arith.addi %iota3A_862, %add3A_867 : vector<16xi32>
    %add3A_869 = arith.constant 32 : i32
    %add3A_870 = vector.broadcast %add3A_869 : i32 to vector<16xi32>
    %add3A_871 = arith.addi %iota3A_862, %add3A_870 : vector<16xi32>
    %add3A_872 = arith.constant 48 : i32
    %add3A_873 = vector.broadcast %add3A_872 : i32 to vector<16xi32>
    %add3A_874 = arith.addi %iota3A_862, %add3A_873 : vector<16xi32>
    %get3A_875 = arith.constant 12672 : index
    %get3A_876 = tpu.vector_load %arg6[%get3A_875] {strides = array<i32>} : memref<12800xf32, #tpu.memory_space<vmem>>, vector<16xf32>,
    %get3A_877 = arith.constant 12688 : index
    %get3A_878 = tpu.vector_load %arg6[%get3A_877] {strides = array<i32>} : memref<12800xf32, #tpu.memory_space<vmem>>, vector<16xf32>,
    %get3A_879 = arith.constant 12704 : index
    %get3A_880 = tpu.vector_load %arg6[%get3A_879] {strides = array<i32>} : memref<12800xf32, #tpu.memory_space<vmem>>, vector<16xf32>,
    %get3A_881 = arith.constant 12720 : index
    %get3A_882 = tpu.vector_load %arg6[%get3A_881] {strides = array<i32>} : memref<12800xf32, #tpu.memory_space<vmem>>, vector<16xf32>,
    %broadcast_in_dim3A_883 = arith.constant 0 : i32
    %broadcast_in_dim3A_884 = vector.broadcast %broadcast_in_dim3A_883 : i32 to vector<16xi32>
    %parallel_loop3A_885 = arith.constant 0 : i32
    %parallel_loop3A_886 = arith.constant 128 : i32
    %parallel_loop3A_887 = arith.constant 1 : i32
    scf.for %parallel_loop3A_933 = %parallel_loop3A_885 to %parallel_loop3A_886 step %parallel_loop3A_887  : i32 {
      %parallel_loop3A_934 = vector.broadcast %parallel_loop3A_933 : i32 to vector<16xi32>
      %parallel_loop3A_935 = tpu.vector_load_idx %arg14[%broadcast_in_dim3A_884, %parallel_loop3A_934] : memref<2x128xi32, #tpu.memory_space<vmem>>[vector<16xi32>, vector<16xi32>], vector<16xi32>,
      %parallel_loop3A_936 = arith.addi %parallel_loop3A_935, %add3A_865 : vector<16xi32>
      %parallel_loop3A_937 = tpu.vector_load_idx %arg15[%broadcast_in_dim3A_884, %parallel_loop3A_934, %parallel_loop3A_936] : memref<2x128x128xf32, #tpu.memory_space<vmem>>[vector<16xi32>, vector<16xi32>, vector<16xi32>], vector<16xf32>,
      %parallel_loop3A_938 = arith.addf %parallel_loop3A_937, %get3A_876 : vector<16xf32>
      tpu.vector_store_idx %arg16[%broadcast_in_dim3A_884, %add3A_865, %parallel_loop3A_934], %parallel_loop3A_938 : memref<2x64x133xf32, #tpu.memory_space<vmem>>[vector<16xi32>, vector<16xi32>, vector<16xi32>], vector<16xf32>,
      %parallel_loop3A_939 = arith.addi %parallel_loop3A_935, %add3A_868 : vector<16xi32>
      %parallel_loop3A_940 = tpu.vector_load_idx %arg15[%broadcast_in_dim3A_884, %parallel_loop3A_934, %parallel_loop3A_939] : memref<2x128x128xf32, #tpu.memory_space<vmem>>[vector<16xi32>, vector<16xi32>, vector<16xi32>], vector<16xf32>,
      %parallel_loop3A_941 = arith.addf %parallel_loop3A_940, %get3A_878 : vector<16xf32>
      tpu.vector_store_idx %arg16[%broadcast_in_dim3A_884, %add3A_868, %parallel_loop3A_934], %parallel_loop3A_941 : memref<2x64x133xf32, #tpu.memory_space<vmem>>[vector<16xi32>, vector<16xi32>, vector<16xi32>], vector<16xf32>,
      %parallel_loop3A_942 = arith.addi %parallel_loop3A_935, %add3A_871 : vector<16xi32>
      %parallel_loop3A_943 = tpu.vector_load_idx %arg15[%broadcast_in_dim3A_884, %parallel_loop3A_934, %parallel_loop3A_942] : memref<2x128x128xf32, #tpu.memory_space<vmem>>[vector<16xi32>, vector<16xi32>, vector<16xi32>], vector<16xf32>,
      %parallel_loop3A_944 = arith.addf %parallel_loop3A_943, %get3A_880 : vector<16xf32>
      tpu.vector_store_idx %arg16[%broadcast_in_dim3A_884, %add3A_871, %parallel_loop3A_934], %parallel_loop3A_944 : memref<2x64x133xf32, #tpu.memory_space<vmem>>[vector<16xi32>, vector<16xi32>, vector<16xi32>], vector<16xf32>,
      %parallel_loop3A_945 = arith.addi %parallel_loop3A_935, %add3A_874 : vector<16xi32>
      %parallel_loop3A_946 = tpu.vector_load_idx %arg15[%broadcast_in_dim3A_884, %parallel_loop3A_934, %parallel_loop3A_945] : memref<2x128x128xf32, #tpu.memory_space<vmem>>[vector<16xi32>, vector<16xi32>, vector<16xi32>], vector<16xf32>,
      %parallel_loop3A_947 = arith.addf %parallel_loop3A_946, %get3A_882 : vector<16xf32>
      tpu.vector_store_idx %arg16[%broadcast_in_dim3A_884, %add3A_874, %parallel_loop3A_934], %parallel_loop3A_947 : memref<2x64x133xf32, #tpu.memory_space<vmem>>[vector<16xi32>, vector<16xi32>, vector<16xi32>], vector<16xf32>,
    } {sc.loop_unroll_factor = 4 : i64, sc.parallel_access}
    %get3A_888 = arith.constant 12736 : index
    %get3A_889 = tpu.vector_load %arg6[%get3A_888] {strides = array<i32>} : memref<12800xf32, #tpu.memory_space<vmem>>, vector<16xf32>,
    %get3A_890 = arith.constant 12752 : index
    %get3A_891 = tpu.vector_load %arg6[%get3A_890] {strides = array<i32>} : memref<12800xf32, #tpu.memory_space<vmem>>, vector<16xf32>,
    %get3A_892 = arith.constant 12768 : index
    %get3A_893 = tpu.vector_load %arg6[%get3A_892] {strides = array<i32>} : memref<12800xf32, #tpu.memory_space<vmem>>, vector<16xf32>,
    %get3A_894 = arith.constant 12784 : index
    %get3A_895 = tpu.vector_load %arg6[%get3A_894] {strides = array<i32>} : memref<12800xf32, #tpu.memory_space<vmem>>, vector<16xf32>,
    %broadcast_in_dim3A_896 = arith.constant 1 : i32
    %broadcast_in_dim3A_897 = vector.broadcast %broadcast_in_dim3A_896 : i32 to vector<16xi32>
    %parallel_loop3A_898 = arith.constant 0 : i32
    %parallel_loop3A_899 = arith.constant 128 : i32
    %parallel_loop3A_900 = arith.constant 1 : i32
    scf.for %parallel_loop3A_933 = %parallel_loop3A_898 to %parallel_loop3A_899 step %parallel_loop3A_900  : i32 {
      %parallel_loop3A_934 = vector.broadcast %parallel_loop3A_933 : i32 to vector<16xi32>
      %parallel_loop3A_935 = tpu.vector_load_idx %arg14[%broadcast_in_dim3A_897, %parallel_loop3A_934] : memref<2x128xi32, #tpu.memory_space<vmem>>[vector<16xi32>, vector<16xi32>], vector<16xi32>,
      %parallel_loop3A_936 = arith.addi %parallel_loop3A_935, %add3A_865 : vector<16xi32>
      %parallel_loop3A_937 = tpu.vector_load_idx %arg15[%broadcast_in_dim3A_897, %parallel_loop3A_934, %parallel_loop3A_936] : memref<2x128x128xf32, #tpu.memory_space<vmem>>[vector<16xi32>, vector<16xi32>, vector<16xi32>], vector<16xf32>,
      %parallel_loop3A_938 = arith.addf %parallel_loop3A_937, %get3A_889 : vector<16xf32>
      tpu.vector_store_idx %arg16[%broadcast_in_dim3A_897, %add3A_865, %parallel_loop3A_934], %parallel_loop3A_938 : memref<2x64x133xf32, #tpu.memory_space<vmem>>[vector<16xi32>, vector<16xi32>, vector<16xi32>], vector<16xf32>,
      %parallel_loop3A_939 = arith.addi %parallel_loop3A_935, %add3A_868 : vector<16xi32>
      %parallel_loop3A_940 = tpu.vector_load_idx %arg15[%broadcast_in_dim3A_897, %parallel_loop3A_934, %parallel_loop3A_939] : memref<2x128x128xf32, #tpu.memory_space<vmem>>[vector<16xi32>, vector<16xi32>, vector<16xi32>], vector<16xf32>,
      %parallel_loop3A_941 = arith.addf %parallel_loop3A_940, %get3A_891 : vector<16xf32>
      tpu.vector_store_idx %arg16[%broadcast_in_dim3A_897, %add3A_868, %parallel_loop3A_934], %parallel_loop3A_941 : memref<2x64x133xf32, #tpu.memory_space<vmem>>[vector<16xi32>, vector<16xi32>, vector<16xi32>], vector<16xf32>,
      %parallel_loop3A_942 = arith.addi %parallel_loop3A_935, %add3A_871 : vector<16xi32>
      %parallel_loop3A_943 = tpu.vector_load_idx %arg15[%broadcast_in_dim3A_897, %parallel_loop3A_934, %parallel_loop3A_942] : memref<2x128x128xf32, #tpu.memory_space<vmem>>[vector<16xi32>, vector<16xi32>, vector<16xi32>], vector<16xf32>,
      %parallel_loop3A_944 = arith.addf %parallel_loop3A_943, %get3A_893 : vector<16xf32>
      tpu.vector_store_idx %arg16[%broadcast_in_dim3A_897, %add3A_871, %parallel_loop3A_934], %parallel_loop3A_944 : memref<2x64x133xf32, #tpu.memory_space<vmem>>[vector<16xi32>, vector<16xi32>, vector<16xi32>], vector<16xf32>,
      %parallel_loop3A_945 = arith.addi %parallel_loop3A_935, %add3A_874 : vector<16xi32>
      %parallel_loop3A_946 = tpu.vector_load_idx %arg15[%broadcast_in_dim3A_897, %parallel_loop3A_934, %parallel_loop3A_945] : memref<2x128x128xf32, #tpu.memory_space<vmem>>[vector<16xi32>, vector<16xi32>, vector<16xi32>], vector<16xf32>,
      %parallel_loop3A_947 = arith.addf %parallel_loop3A_946, %get3A_895 : vector<16xf32>
      tpu.vector_store_idx %arg16[%broadcast_in_dim3A_897, %add3A_874, %parallel_loop3A_934], %parallel_loop3A_947 : memref<2x64x133xf32, #tpu.memory_space<vmem>>[vector<16xi32>, vector<16xi32>, vector<16xi32>], vector<16xf32>,
    } {sc.loop_unroll_factor = 4 : i64, sc.parallel_access}
    %dma_start3A_901 = arith.constant 0 : i32
    %dma_start3A_902 = arith.constant 0 : i32
    %dma_start3A_903 = arith.constant 0 : i32
    %dma_start3A_904 = tpu.memref_slice %arg16[%dma_start3A_901, %dma_start3A_902, %dma_start3A_903] : memref<2x64x133xf32, #tpu.memory_space<vmem>> -> memref<2x64x128xf32, #tpu.memory_space<vmem>>
    %dma_start3A_905 = arith.constant 198 : i32
    %dma_start3A_906 = arith.constant 0 : i32
    %dma_start3A_907 = tpu.memref_slice %arg5[%dma_start3A_905, %dma_start3A_906, %mul3A_2] : memref<200x64x4096xf32, #tpu.memory_space<hbm>> -> memref<2x64x128xf32, #tpu.memory_space<hbm>>
    %dma_start3A_908 = arith.constant 198 : i32
    %dma_start3A_909 = arith.constant 0 : i32
    %dma_start3A_910 = tpu.memref_slice %arg5[%dma_start3A_908, %dma_start3A_909, %mul3A_2] : memref<200x64x4096xf32, #tpu.memory_space<hbm>> -> memref<2x64x128xf32, #tpu.memory_space<hbm>>
    %dma_start3A_911 = arith.constant 0 : i32
    %dma_start3A_912 = arith.constant 0 : i32
    %dma_start3A_913 = arith.constant 0 : i32
    %dma_start3A_914 = tpu.memref_slice %arg16[%dma_start3A_911, %dma_start3A_912, %dma_start3A_913] : memref<2x64x133xf32, #tpu.memory_space<vmem>> -> memref<2x64x128xf32, #tpu.memory_space<vmem>>
    tpu.enqueue_dma source(%dma_start3A_914 : memref<2x64x128xf32, #tpu.memory_space<vmem>>) target(%dma_start3A_910 : memref<2x64x128xf32, #tpu.memory_space<hbm>>) target_semaphore(%arg20 : memref<!tpu.dma_semaphore, #tpu.memory_space<semaphore_mem>>)
    %dma_wait3A_915 = arith.constant 0 : i32
    %dma_wait3A_916 = tpu.memref_slice %arg2[%dma_wait3A_915, %mul3A_2] : memref<200x4096xi32, #tpu.memory_space<hbm>> -> memref<2x128xi32, #tpu.memory_space<hbm>>
    %dma_wait3A_917 = arith.constant 0 : i32
    %dma_wait3A_918 = tpu.memref_slice %arg2[%dma_wait3A_917, %mul3A_2] : memref<200x4096xi32, #tpu.memory_space<hbm>> -> memref<2x128xi32, #tpu.memory_space<hbm>>
    tpu.wait_dma2 semaphore(%arg21 : memref<!tpu.dma_semaphore, #tpu.memory_space<semaphore_mem>>) src(%dma_wait3A_918 : memref<2x128xi32, #tpu.memory_space<hbm>>) dst(%arg7 : memref<2x128xi32, #tpu.memory_space<vmem>>)
    %dma_wait3A_919 = arith.constant 0 : i32
    %dma_wait3A_920 = arith.constant 0 : i32
    %dma_wait3A_921 = arith.constant 0 : i32
    %dma_wait3A_922 = tpu.memref_slice %arg16[%dma_wait3A_919, %dma_wait3A_920, %dma_wait3A_921] : memref<2x64x133xf32, #tpu.memory_space<vmem>> -> memref<2x64x128xf32, #tpu.memory_space<vmem>>
    %dma_wait3A_923 = arith.constant 0 : i32
    %dma_wait3A_924 = arith.constant 0 : i32
    %dma_wait3A_925 = tpu.memref_slice %arg5[%dma_wait3A_923, %dma_wait3A_924, %mul3A_2] : memref<200x64x4096xf32, #tpu.memory_space<hbm>> -> memref<2x64x128xf32, #tpu.memory_space<hbm>>
    %dma_wait3A_926 = arith.constant 0 : i32
    %dma_wait3A_927 = arith.constant 0 : i32
    %dma_wait3A_928 = tpu.memref_slice %arg5[%dma_wait3A_926, %dma_wait3A_927, %mul3A_2] : memref<200x64x4096xf32, #tpu.memory_space<hbm>> -> memref<2x64x128xf32, #tpu.memory_space<hbm>>
    %dma_wait3A_929 = arith.constant 0 : i32
    %dma_wait3A_930 = arith.constant 0 : i32
    %dma_wait3A_931 = arith.constant 0 : i32
    %dma_wait3A_932 = tpu.memref_slice %arg16[%dma_wait3A_929, %dma_wait3A_930, %dma_wait3A_931] : memref<2x64x133xf32, #tpu.memory_space<vmem>> -> memref<2x64x128xf32, #tpu.memory_space<vmem>>
    tpu.wait_dma2 semaphore(%arg20 : memref<!tpu.dma_semaphore, #tpu.memory_space<semaphore_mem>>) src(%dma_wait3A_932 : memref<2x64x128xf32, #tpu.memory_space<vmem>>) dst(%dma_wait3A_928 : memref<2x64x128xf32, #tpu.memory_space<hbm>>)
    return
  }
}

</mosaic_0001>

<sc_bundles>
// kernel: kernel.3.cloned.1.call-start
scs
__scs_entry_jumppad:
0x0: {  	(pc) =	sbr.rel $0x88, $3  }
0x1: {  	(tag) =	ssettag $0x0;
	lr =	simm.s32 $0x1  }
0x2: {  	[smem:$0x3F9E] =	sst lr;
	_ =	strace $0xD0000000  }
0x3: {  	_ = 	snop  }
0x4: {  	_ = 	snop  }
0x5: {  	_ = 	snop  }
0x6: {  	_ = 	snop  }
0x7: {  	_ = 	snop  }
__scs_overlays_trampoline_lowered:
0x8: {  	[smem:$0x3FAD] =	sst s0  }
0x9: {  	[smem:$0x3FAE] =	sst s1  }
0xa: {  	[smem:$0x3FAF] =	sst s2  }
0xb: {  	[smem:$0x3FB0] =	sst s3  }
0xc: {  	[smem:$0x3FB1] =	sst s4  }
0xd: {  	[smem:$0x3FB2] =	sst s5  }
0xe: {  	[smem:$0x3FB3] =	sst s6  }
0xf: {  	[smem:$0x3FB4] =	sst s7  }
0x10: {  	[smem:$0x3FB5] =	sst s8  }
0x11: {  	[smem:$0x3FB6] =	sst s9;
	s0 =	simm.s32 @!p0 $0x0  }
0x12: {  	s1 =	sld [smem:$0x3F9C];
	s0 =	simm.s32 @p0 $0x1  }
0x13: {  	[smem:$0x3FB7] =	sst s0;
	s0 =	simm.s32 @!p1 $0x0  }
0x14: {  	s2 =	sld [smem:$0x3F9B];
	s0 =	simm.s32 @p1 $0x1  }
0x15: {  	[smem:$0x3FB8] =	sst s0;
	s0 =	simm.s32 @!p2 $0x0  }
0x16: {  	s3 =	sld [smem:$0x3FDB];
	s0 =	simm.s32 @p2 $0x1  }
0x17: {  	s4 =	simm.s32 $0x1BF5;
	[smem:$0x3FBA] =	sst s0  }
0x18: {  	s0 =	sld [smem:$0x3F9D];
	_ =	swait.ge [sflag:s4], $0x0  }
0x19: {  	s7 =	sld [smem:$0x3F9E]  }
0x1a: {  	s8 =	sadd.s32 $0xFFFFE003, lr  }
0x1b: {  	s9 =	sadd.s32 $0xFFFFFEF7, lr;
	s5 =	simm.s32 $0xFFFFFFFF;
	p2 =	slt.u32 s8, $0xFFFFF086  }
0x1c: {  	p1 =	slt.u32 s9, $0xF7A;
	s5 =	simm.s32 @!p2 $0x0  }
0x1d: {  	s5 =	simm.s32 @p1 $0x1;
	p0 =	seq.s32 s7, s2  }
0x1e: {  	s7 =	smul.u32 @!p0 $0xF7A, s2;
	p2 =	seq.s32 @!p0 s5, $0x0  }
0x1f: {  	s9 =	smul.u32 $0xF7A, s1;
	s8 =	simm.s32 @!p0 $0x1BF5;
	p2 =	por !p2, p0  }
0x20: {  	[sflag:s8] =	ssyncset.s32 @!p0 $0xFFFFF086;
	s6 =	sadd.s32 @!p0 s3, s7;
	s7 =	simm.s32 @!p0 $0x108  }
0x21: {  	s3 =	sadd.s32 s3, s9;
	s6 =	sadd.s32 @!p0 $0x88, s6;
	s7 =	simm.s32 @p2 $0x1082  }
0x22: {  	[simem:s7], [sflag:s8] =	dma.local @!p0 [hbm:s6], $0xF7A  }
0x23: {  	s9 =	sor.u32 $0xD0000000, s2;
	s6 =	simm.s32 $0x108;
	_ =	swait.ge @!p0 [sflag:s8], $0x0  }
0x24: {  	s3 =	sadd.s32 $0x88, s3;
	s6 =	simm.s32 @!p1 $0x1082;
	[sflag:s4] =	ssyncset.s32 $0xFFFFF086  }
0x25: {  	[simem:s6], [sflag:s4] =	dma.local [hbm:s3], $0xF7A  }
0x26: {  	[smem:$0x3F9E] =	sst s1;
	(tag) =	ssettag s2;
	_ =	strace s9  }
0x27: {  	s1 =	sld [smem:$0x3FAE]  }
0x28: {  	s2 =	sld [smem:$0x3FAF]  }
0x29: {  	s4 =	sld [smem:$0x3FB1]  }
0x2a: {  	p0 =	seq.s32 s5, $0x0;
	s5 =	sld [smem:$0x3FB2]  }
0x2b: {  	s6 =	sld [smem:$0x3FB3]  }
0x2c: {  	s7 =	sld [smem:$0x3FB4]  }
0x2d: {  	s3 =	simm.s32 $0x108;
	s8 =	sld [smem:$0x3FB5]  }
0x2e: {  	s3 =	simm.s32 @!p0 $0x1082;
	s9 =	sld [smem:$0x3FB6]  }
0x2f: {  	lr =	sadd.s32 s0, s3;
	s0 =	sld [smem:$0x3FAD]  }
0x30: {  	s3 =	sld [smem:$0x3FB0]  }
0x31: {  	[smem:$0x3FB9] =	sst s10  }
0x32: {  	s10 =	sld [smem:$0x3FB7];
	_ =	sdelay $0x3  }
0x33: {  	p0 =	seq.s32 s10, $0x1;
	s10 =	sld [smem:$0x3FB9];
	_ =	sdelay $0x3  }
0x34: {  	[smem:$0x3FB9] =	sst s10  }
0x35: {  	s10 =	sld [smem:$0x3FB8];
	_ =	sdelay $0x3  }
0x36: {  	p1 =	seq.s32 s10, $0x1;
	s10 =	sld [smem:$0x3FB9];
	_ =	sdelay $0x3  }
0x37: {  	[smem:$0x3FB9] =	sst s10  }
0x38: {  	s10 =	sld [smem:$0x3FBA]  }
0x39: {  	_ = 	snop;
	(pc) =	sbr.ind lr, $3  }
0x3a: {  	_ = 	snop  }
0x3b: {  	_ = 	snop  }
0x3c: {  	p2 =	seq.s32 s10, $0x1;
	s10 =	sld [smem:$0x3FB9]  }
0x3d: {  	_ =	shalt  }
0x3e: {  	_ =	shalt  }
0x3f: {  	_ =	shalt  }
0x40: {  	_ =	shalt  }
0x41: {  	_ =	shalt  }
0x42: {  	_ =	shalt  }
0x43: {  	_ =	shalt  }
0x44: {  	_ =	shalt  }
0x45: {  	_ =	shalt  }
0x46: {  	_ =	shalt  }
0x47: {  	_ =	shalt  }
0x48: {  	_ =	shalt  }
0x49: {  	_ =	shalt  }
0x4a: {  	_ =	shalt  }
0x4b: {  	_ =	shalt  }
0x4c: {  	_ =	shalt  }
0x4d: {  	_ =	shalt  }
0x4e: {  	_ =	shalt  }
0x4f: {  	_ =	shalt  }
0x50: {  	_ =	shalt  }
0x51: {  	_ =	shalt  }
0x52: {  	_ =	shalt  }
0x53: {  	_ =	shalt  }
0x54: {  	_ =	shalt  }
0x55: {  	_ =	shalt  }
0x56: {  	_ =	shalt  }
0x57: {  	_ =	shalt  }
0x58: {  	_ =	shalt  }
0x59: {  	_ =	shalt  }
0x5a: {  	_ =	shalt  }
0x5b: {  	_ =	shalt  }
0x5c: {  	_ =	shalt  }
0x5d: {  	_ =	shalt  }
0x5e: {  	_ =	shalt  }
0x5f: {  	_ =	shalt  }
0x60: {  	_ =	shalt  }
0x61: {  	_ =	shalt  }
0x62: {  	_ =	shalt  }
0x63: {  	_ =	shalt  }
0x64: {  	_ =	shalt  }
0x65: {  	_ =	shalt  }
0x66: {  	_ =	shalt  }
0x67: {  	_ =	shalt  }
0x68: {  	_ =	shalt  }
0x69: {  	_ =	shalt  }
0x6a: {  	_ =	shalt  }
0x6b: {  	_ =	shalt  }
0x6c: {  	_ =	shalt  }
0x6d: {  	_ =	shalt  }
0x6e: {  	_ =	shalt  }
0x6f: {  	_ =	shalt  }
0x70: {  	_ =	shalt  }
0x71: {  	_ =	shalt  }
0x72: {  	_ =	shalt  }
0x73: {  	_ =	shalt  }
0x74: {  	_ =	shalt  }
0x75: {  	_ =	shalt  }
0x76: {  	_ =	shalt  }
0x77: {  	_ =	shalt  }
0x78: {  	_ =	shalt  }
0x79: {  	_ =	shalt  }
0x7a: {  	_ =	shalt  }
0x7b: {  	_ =	shalt  }
0x7c: {  	_ =	shalt  }
0x7d: {  	_ =	shalt  }
0x7e: {  	_ =	shalt  }
0x7f: {  	_ =	shalt  }
0x80: {  	_ =	shalt  }
0x81: {  	_ =	shalt  }
0x82: {  	_ =	shalt  }
0x83: {  	_ =	shalt  }
0x84: {  	_ =	shalt  }
0x85: {  	_ =	shalt  }
0x86: {  	_ =	shalt  }
0x87: {  	_ =	shalt  }
.Lfunc_end0:
.L_simem_size_0:
called_computation_lowered:
.L_overlay_start_0:
0x88: {  	s2 =	sld [smem:$0x3FD9]  }
0x89: {  	s3 =	sld [smem:$0x3FFE];
	_ =	sdelay $0x1  }
0x8a: {  	s1 =	srdreg.scid  }
0x8b: {  	s0 =	sand.u32 $0x1, s1  }
0x8c: {  	s17 =	sshll.u32 s0, $0xA;
	s2 =	sadd.s32 s3, s2  }
0x8d: {  	s2 =	sadd.s32 s2, s17  }
0x8e: {  	[smem:$0x3FC5] =	sst s2  }
0x8f: {  	_ = 	snop  }
0x90: {  	s2 =	sld [smem:$0x3FD0];
	(tm) =	ssettm $0x1  }
0x91: {  	s18 =	sld [smem:$0x3FFB];
	_ =	sdelay $0x3  }
0x92: {  	_ =	strace s18  }
0x93: {  	s3 =	sld [smem:$0x3FFC];
	_ =	sdelay $0x3  }
0x94: {  	_ =	strace s3  }
0x95: {  	s3 =	sld [smem:$0x3FFD];
	_ =	sdelay $0x3  }
0x96: {  	_ =	strace s3  }
0x97: {  	_ =	strace $0x8FFFFFFF  }
0x98: {  	s19 =	sld [smem:$0x3FDB];
	_ =	sdelay $0x1  }
0x99: {  	s4 =	simm.s32 $_scs_section_size  }
0x9a: {  	s5 =	simm.s32 $_size__tile_overlayer_lowered;
	s6 =	simm.s32 $_tile_overlayer_lowered  }
0x9b: {  	s22 =	simm.s32 $0x1BFF;
	s21 =	sshll.u32 s6, $0x1;
	s3 =	sadd.s32 s4, s19  }
0x9c: {  	s7 =	simm.s32 $0x0;
	s20 =	sshll.u32 s5, $0x1;
	s5 =	sadd.s32 s21, s3  }
0x9d: {  	[timem:s7], [sflag:s22] =	dma.local [hbm:s5], s20  }
0x9e: {  	_ =	swait.ge [sflag:s22], s20  }
0x9f: {  	s4 =	ssub.s32 $0x0, s20;
	[sflag:s22] =	ssyncset.done $0x0  }
0xa0: {  	[sflag:s22] =	ssyncadd.s32 s4;
	_ =	sdelay $0x1  }
0xa1: {  	s23 =	simm.s32 $0x1B8B  }
0xa2: {  	_ =	swait.ge [sflag:s23], $0x1  }
0xa3: {  	[sflag:s23] =	ssyncset.done $0x0  }
0xa4: {  	s25 =	simm.s32 $0x1B8E;
	s24 =	sld [smem:$0x3FFE];
	[sflag:s23] =	ssyncadd.s32 $0xFFFFFFFF  }
0xa5: {  	s26 =	simm.s32 $execute0_lowered;
	[smem:$0x3FD2] =	sst s25  }
0xa6: {  	s5 =	sshll.u32 s26, $0x1;
	_ =	strace $0x80000046;
	[dreg:$0x1] =	wrdreg $0xFFFFFFFF  }
0xa7: {  	s28 =	simm.s32 $_size_execute0_lowered;
	s3 =	sadd.s32 s3, s5;
	[dreg:$0x0] =	wrdreg $0x0  }
0xa8: {  	s5 =	sshll.u32 s28, $0x1;
	[dreg:$0x2] =	wrdreg s3  }
0xa9: {  	[dreg:$0x3] =	wrdreg s5  }
0xaa: {  	[dreg:$0x4] =	wrdreg $0xC0  }
0xab: {  	_ =	task [dreg:s7], $0x5FFFF  }
0xac: {  	[dreg:$0x1] =	wrdreg $0xFFFFFFFF  }
0xad: {  	[dreg:$0x0] =	wrdreg $0x60  }
0xae: {  	[dreg:$0x2] =	wrdreg s2  }
0xaf: {  	[dreg:$0x3] =	wrdreg s24  }
0xb0: {  	[dreg:$0x4] =	wrdreg $0x9  }
0xb1: {  	_ =	task.clear_ibuf [dreg:s7], $0x5FFFF;
	_ =	strace $0x90000046  }
0xb2: {  	s29 =	simm.s32 $0x9;
	_ =	strace $0x80000048  }
0xb3: {  	_ =	swait.ge [sflag:s29], $0x1  }
0xb4: {  	[sflag:s29] =	ssyncadd.s32 $0xFFFFFFFF  }
0xb5: {  	_ =	strace $0x90000048  }
0xb6: {  	_ =	sfence  }
0xb7: {  	s30 =	sld [smem:$0x0];
	_ =	sdelay $0x2  }
0xb8: {  	s31 =	sshll.u32 s1, $0xD;
	s1 =	sshrl.u32 s1, $0x2  }
0xb9: {  	s3 =	sand.u32 $0x4000, s31;
	s1 =	sadd.s32 s1, s30  }
0xba: {  	s0 =	sor.u32 s3, s0;
	s1 =	sshll.u32 s1, $0x11  }
0xbb: {  	s0 =	sor.u32 s1, s0  }
0xbc: {  	s0 =	sadd.s32 $0x8F2B, s0  }
0xbd: {  	[sflag:s0] =	ssyncadd.remote.s32 $0x1  }
0xbe: {  	_ =	sfence.sel $0xFFFF  }
0xbf: {  	[dreg:$0x0] =	wrdreg $0xFFFFFFFF;
	(pc) =	sbr.abs _section_cstart, $3  }
0xc0: {  	[dreg:$0x1] =	wrdreg $0xFFFFFFFF  }
0xc1: {  	_ =	task.clear_ibuf [dreg:s7], $0x2FFFF;
	_ =	strace $0x9FFFFFFF  }
0xc2: {  	(tm) =	ssettm $0x7FFFFFFF  }
0xc3: {  	_ =	shalt  }
tec
execute0_lowered:
.L_overlay_start_1:
0x0: {  	(tag) =	ssettag $0x1  }
0x1: {  	s1 =	rddreg [dreg:$0x0]  }
0x2: {  	s0 =	rddreg [dreg:$0x1];
	s2 =	srdreg.scid;
	s3 =	simm.s32 $0x0  }
0x3: {  	s4 =	stileid.u32;
	s17 =	simm.s32 $0x80;
	s18 =	simm.s32 $0x1000  }
0x4: {  	s20 =	simm.s32 $0x5;
	s22 =	simm.s32 $0x3500;
	s29 =	simm.s32 $0xFC00  }
0x5: {  	s10 =	simm.s32 $0x2;
	s15 =	simm.s32 $0xFB00;
	s16 =	simm.s32 $0x4  }
0x6: {  	s21 =	simm.s32 $0x0;
	s2 =	sand.u32 $0x1, s2;
	[smem:$0x7FF] =	sst s3  }
0x7: {  	s4 =	sshll.u32 s4, $0x8;
	s7 =	sadd.s32 $0x800, s0;
	s8 =	sadd.s32 $0x1000, s0  }
0x8: {  	s5 =	sshll.u32 s2, $0x7;
	_ =	strace $0x80000047;
	s2 =	ssub.s32 $0x2, s2  }
0x9: {  	[dreg:$0x3] =	wrdreg s7;
	s7 =	simm.s32 $0x17C00;
	s4 =	sor.u32 s5, s4  }
0xa: {  	s5 =	sadd.s32 $0xF42C00, s0;
	s26 =	sshrl.u32 s2, $0x1;
	s6 =	sshrl.u32 s4, $0x3  }
0xb: {  	s28 =	ssub.s32 s2, s26;
	s12 =	sor.u32 $0x6000, s4;
	s13 =	sor.u32 $0x8000, s4  }
0xc: {  	v63 =	vlaneseq.u32;
	s26 =	simm.s32 $0x6;
	s2 =	simm.s32 $0x3400;
	s9 =	sadd.s32 s1, s6  }
0xd: {  	v1 =	vmul.u32 $0x88, v63;
	s11 =	sadd.s32 s8, s6;
	s0 =	smax.u32 s28, $0x1;
	[dreg:$0x4] =	wrdreg s9  }
0xe: {  	s6 =	simm.s32 $0xB500;
	s30 =	sadd.s32 $0x400, s9;
	[dreg:$0x7] =	wrdreg s0  }
0xf: {  	v2 =	vor.u32 $0x10, v63;
	v4 =	vor.u32 $0x20, v63;
	v3 =	vadd.s32 $0x880, v1;
	s31 =	sadd.s32 $0x800, s9;
	s14 =	sadd.s32 $0x630000, s11;
	[dreg:$0x5] =	wrdreg s30  }
0x10: {  	v6 =	vor.u32 $0x30, v63;
	v5 =	vadd.s32 $0x1100, v1;
	v7 =	vadd.s32 $0x1980, v1;
	[tilespmem:$0x1FFF0] =	vst v3;
	s0 =	simm.s32 $0x1;
	s9 =	simm.s32 $0x3;
	[dreg:$0x6] =	wrdreg s31  }
.LBB2_1:
0x11: {  	[dreg:$0x8] =	wrdreg s21  }
0x12: {  	s19 =	rddreg [dreg:$0x3];
	s31 =	simm.s32 $0x7  }
0x13: {  	[tilespmem:s3], [sflag:$0x7] =	stream.linear.gather [hbm4b:s19+s3], $0x3200, $0x38;
	[tilespmem:$0x1C000] =	vst v63  }
0x14: {  	_ =	swait.ge [sflag:s31], $0x3200  }
0x15: {  	[sflag:s31] =	ssyncset.done $0x0  }
0x16: {  	s23 =	simm.s32 $0x3200;
	s21 =	rddreg [dreg:$0x4];
	[sflag:s31] =	ssyncadd.s32 $0xFFFFCE00  }
0x17: {  	[tilespmem:s23], [sflag:$0x5] =	stream.strided.gather [hbm4b:s21+s17], $0x100, s18, s17, $0x38;
	[tilespmem:$0x1C000] =	vst v63  }
0x18: {  	_ =	swait.ge [sflag:s20], $0x100  }
0x19: {  	[sflag:s20] =	ssyncset.done $0x0  }
0x1a: {  	[sflag:s20] =	ssyncadd.s32 $0xFFFFFF00  }
0x1b: {  	v8 =	vld [tilespmem:$0x3200];
	_ =	sdelay $0x1  }
0x1c: {  	v9 =	vld [tilespmem:$0x3210];
	_ =	sdelay $0x1  }
0x1d: {  	v10 =	vld [tilespmem:$0x3220]  }
0x1e: {  	v11 =	vshrl.u32 v8, $0x1;
	v8 =	vshll.u32 v8, $0x6  }
0x1f: {  	[tilespmem:$0x3300] =	vst v11;
	v8 =	vand.u32 $0x40, v8;
	v11 =	vld [tilespmem:$0x3230]  }
0x20: {  	[tilespmem:$0x3400] =	vst v8;
	v8 =	vshrl.u32 v9, $0x1;
	v9 =	vshll.u32 v9, $0x6  }
0x21: {  	[tilespmem:$0x3310] =	vst v8;
	v8 =	vand.u32 $0x40, v9;
	v9 =	vld [tilespmem:$0x3240]  }
0x22: {  	[tilespmem:$0x3410] =	vst v8;
	v8 =	vshrl.u32 v10, $0x1;
	v10 =	vshll.u32 v10, $0x6  }
0x23: {  	[tilespmem:$0x3320] =	vst v8;
	v8 =	vand.u32 $0x40, v10;
	v10 =	vld [tilespmem:$0x3250]  }
0x24: {  	[tilespmem:$0x3420] =	vst v8;
	v8 =	vshrl.u32 v11, $0x1;
	v11 =	vshll.u32 v11, $0x6  }
0x25: {  	[tilespmem:$0x3330] =	vst v8;
	v8 =	vand.u32 $0x40, v11;
	v11 =	vld [tilespmem:$0x3260]  }
0x26: {  	[tilespmem:$0x3430] =	vst v8;
	v8 =	vshrl.u32 v9, $0x1;
	v9 =	vshll.u32 v9, $0x6  }
0x27: {  	[tilespmem:$0x3340] =	vst v8;
	v8 =	vand.u32 $0x40, v9;
	v9 =	vld [tilespmem:$0x3270]  }
0x28: {  	[tilespmem:$0x3440] =	vst v8;
	v8 =	vshrl.u32 v10, $0x1;
	v10 =	vshll.u32 v10, $0x6  }
0x29: {  	[tilespmem:$0x3350] =	vst v8;
	v8 =	vand.u32 $0x40, v10;
	v10 =	vld [tilespmem:$0x3280]  }
0x2a: {  	[tilespmem:$0x3450] =	vst v8;
	v8 =	vshrl.u32 v11, $0x1;
	v11 =	vshll.u32 v11, $0x6  }
0x2b: {  	[tilespmem:$0x3360] =	vst v8;
	v8 =	vand.u32 $0x40, v11;
	v11 =	vld [tilespmem:$0x3290]  }
0x2c: {  	[tilespmem:$0x3460] =	vst v8;
	v8 =	vshrl.u32 v9, $0x1;
	v9 =	vshll.u32 v9, $0x6  }
0x2d: {  	[tilespmem:$0x3370] =	vst v8;
	v8 =	vand.u32 $0x40, v9;
	v9 =	vld [tilespmem:$0x32A0]  }
0x2e: {  	[tilespmem:$0x3470] =	vst v8;
	v8 =	vshrl.u32 v10, $0x1;
	v10 =	vshll.u32 v10, $0x6  }
0x2f: {  	[tilespmem:$0x3380] =	vst v8;
	v8 =	vand.u32 $0x40, v10;
	v10 =	vld [tilespmem:$0x32B0]  }
0x30: {  	[tilespmem:$0x3480] =	vst v8;
	v8 =	vshrl.u32 v11, $0x1;
	v11 =	vshll.u32 v11, $0x6  }
0x31: {  	[tilespmem:$0x3390] =	vst v8;
	v8 =	vand.u32 $0x40, v11;
	v11 =	vld [tilespmem:$0x32C0]  }
0x32: {  	[tilespmem:$0x3490] =	vst v8;
	v8 =	vshrl.u32 v9, $0x1;
	v9 =	vshll.u32 v9, $0x6  }
0x33: {  	[tilespmem:$0x33A0] =	vst v8;
	v8 =	vand.u32 $0x40, v9;
	v9 =	vld [tilespmem:$0x32D0]  }
0x34: {  	[tilespmem:$0x34A0] =	vst v8;
	v8 =	vshrl.u32 v10, $0x1;
	v10 =	vshll.u32 v10, $0x6  }
0x35: {  	[tilespmem:$0x33B0] =	vst v8;
	v8 =	vand.u32 $0x40, v10;
	v10 =	vld [tilespmem:$0x32E0]  }
0x36: {  	[tilespmem:$0x34B0] =	vst v8;
	v8 =	vshrl.u32 v11, $0x1;
	v11 =	vshll.u32 v11, $0x6  }
0x37: {  	[tilespmem:$0x33C0] =	vst v8;
	v8 =	vand.u32 $0x40, v11;
	v11 =	vld [tilespmem:$0x32F0]  }
0x38: {  	[tilespmem:$0x34C0] =	vst v8;
	v8 =	vshrl.u32 v9, $0x1;
	v9 =	vshll.u32 v9, $0x6  }
0x39: {  	[tilespmem:$0x33D0] =	vst v8;
	v8 =	vand.u32 $0x40, v9  }
0x3a: {  	[tilespmem:$0x34D0] =	vst v8;
	v8 =	vshrl.u32 v10, $0x1;
	v9 =	vshll.u32 v10, $0x6  }
0x3b: {  	[tilespmem:$0x33E0] =	vst v8;
	v8 =	vand.u32 $0x40, v9  }
0x3c: {  	[tilespmem:$0x34E0] =	vst v8;
	v8 =	vshrl.u32 v11, $0x1;
	v9 =	vshll.u32 v11, $0x6  }
0x3d: {  	[tilespmem:$0x33F0] =	vst v8;
	v8 =	vand.u32 $0x40, v9  }
0x3e: {  	s24 =	simm.s32 $0x3300;
	[tilespmem:$0x34F0] =	vst v8  }
0x3f: {  	[tilespmem:s22], [sflag:$0x1] =	stream.indirect.gather [hbm4b:s5+s17], $0x80, s24, s17, $0xb8;
	[tilespmem:$0x1C000] =	vst v63  }
0x40: {  	s25 =	simm.s32 $0x3380;
	s28 =	simm.s32 $0x7500  }
0x41: {  	[tilespmem:s28], [sflag:$0x1] =	stream.indirect.gather [hbm4b:s5+s17], $0x80, s25, s17, $0xb8;
	[tilespmem:$0x1C000] =	vst v63  }
0x42: {  	s31 =	simm.s32 $0xF900;
	s30 =	rddreg [dreg:$0x5]  }
0x43: {  	[tilespmem:s31], [sflag:$0x6] =	stream.strided.gather [hbm4b:s30+s17], $0x100, s18, s17, $0x38;
	[tilespmem:$0x1C000] =	vst v63  }
0x44: {  	_ =	swait.ge [sflag:s26], $0x100  }
0x45: {  	[sflag:s26] =	ssyncset.done $0x0  }
0x46: {  	[sflag:s26] =	ssyncadd.s32 $0xFFFFFF00  }
0x47: {  	v8 =	vld [tilespmem:$0xF900];
	_ =	sdelay $0x1  }
0x48: {  	v9 =	vld [tilespmem:$0xF910];
	_ =	sdelay $0x1  }
0x49: {  	v10 =	vld [tilespmem:$0xF920]  }
0x4a: {  	v11 =	vshrl.u32 v8, $0x1;
	v8 =	vshll.u32 v8, $0x6  }
0x4b: {  	[tilespmem:$0xFA00] =	vst v11;
	v8 =	vand.u32 $0x40, v8;
	v11 =	vld [tilespmem:$0xF930]  }
0x4c: {  	[tilespmem:$0xFB00] =	vst v8;
	v8 =	vshrl.u32 v9, $0x1;
	v9 =	vshll.u32 v9, $0x6  }
0x4d: {  	[tilespmem:$0xFA10] =	vst v8;
	v8 =	vand.u32 $0x40, v9;
	v9 =	vld [tilespmem:$0xF940]  }
0x4e: {  	[tilespmem:$0xFB10] =	vst v8;
	v8 =	vshrl.u32 v10, $0x1;
	v10 =	vshll.u32 v10, $0x6  }
0x4f: {  	[tilespmem:$0xFA20] =	vst v8;
	v8 =	vand.u32 $0x40, v10;
	v10 =	vld [tilespmem:$0xF950]  }
0x50: {  	[tilespmem:$0xFB20] =	vst v8;
	v8 =	vshrl.u32 v11, $0x1;
	v11 =	vshll.u32 v11, $0x6  }
0x51: {  	[tilespmem:$0xFA30] =	vst v8;
	v8 =	vand.u32 $0x40, v11;
	v11 =	vld [tilespmem:$0xF960]  }
0x52: {  	[tilespmem:$0xFB30] =	vst v8;
	v8 =	vshrl.u32 v9, $0x1;
	v9 =	vshll.u32 v9, $0x6  }
0x53: {  	[tilespmem:$0xFA40] =	vst v8;
	v8 =	vand.u32 $0x40, v9;
	v9 =	vld [tilespmem:$0xF970]  }
0x54: {  	[tilespmem:$0xFB40] =	vst v8;
	v8 =	vshrl.u32 v10, $0x1;
	v10 =	vshll.u32 v10, $0x6  }
0x55: {  	[tilespmem:$0xFA50] =	vst v8;
	v8 =	vand.u32 $0x40, v10;
	v10 =	vld [tilespmem:$0xF980]  }
0x56: {  	[tilespmem:$0xFB50] =	vst v8;
	v8 =	vshrl.u32 v11, $0x1;
	v11 =	vshll.u32 v11, $0x6  }
0x57: {  	[tilespmem:$0xFA60] =	vst v8;
	v8 =	vand.u32 $0x40, v11;
	v11 =	vld [tilespmem:$0xF990]  }
0x58: {  	[tilespmem:$0xFB60] =	vst v8;
	v8 =	vshrl.u32 v9, $0x1;
	v9 =	vshll.u32 v9, $0x6  }
0x59: {  	[tilespmem:$0xFA70] =	vst v8;
	v8 =	vand.u32 $0x40, v9;
	v9 =	vld [tilespmem:$0xF9A0]  }
0x5a: {  	[tilespmem:$0xFB70] =	vst v8;
	v8 =	vshrl.u32 v10, $0x1;
	v10 =	vshll.u32 v10, $0x6  }
0x5b: {  	[tilespmem:$0xFA80] =	vst v8;
	v8 =	vand.u32 $0x40, v10;
	v10 =	vld [tilespmem:$0xF9B0]  }
0x5c: {  	[tilespmem:$0xFB80] =	vst v8;
	v8 =	vshrl.u32 v11, $0x1;
	v11 =	vshll.u32 v11, $0x6  }
0x5d: {  	[tilespmem:$0xFA90] =	vst v8;
	v8 =	vand.u32 $0x40, v11;
	v11 =	vld [tilespmem:$0xF9C0]  }
0x5e: {  	[tilespmem:$0xFB90] =	vst v8;
	v8 =	vshrl.u32 v9, $0x1;
	v9 =	vshll.u32 v9, $0x6  }
0x5f: {  	[tilespmem:$0xFAA0] =	vst v8;
	v8 =	vand.u32 $0x40, v9;
	v9 =	vld [tilespmem:$0xF9D0]  }
0x60: {  	[tilespmem:$0xFBA0] =	vst v8;
	v8 =	vshrl.u32 v10, $0x1;
	v10 =	vshll.u32 v10, $0x6  }
0x61: {  	[tilespmem:$0xFAB0] =	vst v8;
	v8 =	vand.u32 $0x40, v10;
	v10 =	vld [tilespmem:$0xF9E0]  }
0x62: {  	[tilespmem:$0xFBB0] =	vst v8;
	v8 =	vshrl.u32 v11, $0x1;
	v11 =	vshll.u32 v11, $0x6  }
0x63: {  	[tilespmem:$0xFAC0] =	vst v8;
	v8 =	vand.u32 $0x40, v11;
	v11 =	vld [tilespmem:$0xF9F0]  }
0x64: {  	[tilespmem:$0xFBC0] =	vst v8;
	v8 =	vshrl.u32 v9, $0x1;
	v9 =	vshll.u32 v9, $0x6  }
0x65: {  	[tilespmem:$0xFAD0] =	vst v8;
	v8 =	vand.u32 $0x40, v9  }
0x66: {  	[tilespmem:$0xFBD0] =	vst v8;
	v8 =	vshrl.u32 v10, $0x1;
	v9 =	vshll.u32 v10, $0x6  }
0x67: {  	[tilespmem:$0xFAE0] =	vst v8;
	v8 =	vand.u32 $0x40, v9  }
0x68: {  	[tilespmem:$0xFBE0] =	vst v8;
	v8 =	vshrl.u32 v11, $0x1;
	v9 =	vshll.u32 v11, $0x6  }
0x69: {  	[tilespmem:$0xFAF0] =	vst v8;
	v8 =	vand.u32 $0x40, v9  }
0x6a: {  	s24 =	simm.s32 $0xFA00;
	[tilespmem:$0xFBF0] =	vst v8  }
0x6b: {  	[tilespmem:s29], [sflag:$0x2] =	stream.indirect.gather [hbm4b:s5+s17], $0x80, s24, s17, $0xb8;
	[tilespmem:$0x1C000] =	vst v63  }
0x6c: {  	s25 =	simm.s32 $0xFA80;
	s28 =	simm.s32 $0x13C00  }
0x6d: {  	[tilespmem:s28], [sflag:$0x2] =	stream.indirect.gather [hbm4b:s5+s17], $0x80, s25, s17, $0xb8;
	[tilespmem:$0x1C000] =	vst v63  }
0x6e: {  	_ =	swait.ge [sflag:s0], $0x4000  }
0x6f: {  	s30 =	simm.s32 $0x3;
	[sflag:s0] =	ssyncset.done $0x0  }
0x70: {  	s31 =	simm.s32 $0x1;
	v9 =	vmov s30;
	[sflag:s0] =	ssyncadd.s32 $0xFFFFC000  }
0x71: {  	s19 =	simm.s32 $0x2;
	v10 =	vmov s31;
	_ =	swait.ge [sflag:s0], $0x4000  }
0x72: {  	v11 =	vmov s19;
	[sflag:s0] =	ssyncset.done $0x0  }
0x73: {  	v36 =	vmov s3;
	s24 =	rddreg [dreg:$0x6];
	[sflag:s0] =	ssyncadd.s32 $0xFFFFC000  }
0x74: {  	v38 =	vand.u32 $0x7C, v36;
	[tilespmem:s23], [sflag:$0x5] =	stream.strided.gather [hbm4b:s24+s17], $0x100, s18, s17, $0x38;
	[tilespmem:$0x1C000] =	vst v63  }
0x75: {  	v45 =	vshll.u32 v36, $0x7;
	v50 =	vadd.s32 v3, v38;
	v13 =	vld.idx.msk [tilespmem:v9+s2+$0x0], $0xffff  }
0x76: {  	v15 =	vand.u32 $0x7D, v10;
	v25 =	vand.u32 $0x7E, v11;
	v17 =	vshll.u32 v11, $0x7;
	v12 =	vld.idx.msk [tilespmem:v10+s2+$0x0], $0xffff  }
0x77: {  	s30 =	simm.s32 $0x7;
	v24 =	vand.u32 $0x7F, v9;
	v8 =	vadd.s32 v7, v15;
	v22 =	vadd.s32 v5, v25;
	v16 =	vld.idx.msk [tilespmem:v11+s2+$0x0], $0xffff  }
0x78: {  	v44 =	vadd.s32 v3, v25;
	v60 =	vmov s30;
	v21 =	vadd.s32 v3, v24;
	s25 =	simm.s32 $0x5  }
0x79: {  	v58 =	vadd.s32 v1, v24;
	v48 =	vshll.u32 v60, $0x7;
	v59 =	vmov s25  }
0x7a: {  	v9 =	vshll.u32 v9, $0x7;
	v10 =	vshll.u32 v10, $0x7;
	v11 =	vadd.s32 v63, v13  }
0x7b: {  	v14 =	vadd.s32 v2, v13;
	v20 =	vadd.s32 v4, v12;
	v23 =	vadd.s32 v6, v12  }
0x7c: {  	v26 =	vadd.s32 v4, v13;
	v27 =	vadd.s32 v63, v12;
	v28 =	vadd.s32 v63, v16  }
0x7d: {  	v57 =	vadd.s32 v2, v16;
	v35 =	vadd.s32 v6, v13;
	v43 =	vadd.s32 v6, v16  }
0x7e: {  	v51 =	vld.idx.msk [tilespmem:v59+s2+$0x0], $0xffff;
	v18 =	vand.u32 $0xFFFFFFF8, v11;
	v19 =	vand.u32 $0xFFFFFFF8, v14;
	v29 =	vand.u32 $0xFFFFFFF8, v26  }
0x7f: {  	v30 =	vand.u32 $0xFFFFFFF8, v27;
	v31 =	vand.u32 $0xFFFFFFF8, v28;
	v27 =	vand.u32 $0x7, v27  }
0x80: {  	v28 =	vand.u32 $0x7, v28;
	v32 =	vand.u32 $0xFFFFFFF8, v23;
	v11 =	vand.u32 $0x7, v11  }
0x81: {  	v14 =	vand.u32 $0x7, v14;
	v33 =	vand.u32 $0xFFFFFFF8, v20;
	v34 =	vand.u32 $0xFFFFFFF8, v57  }
0x82: {  	v13 =	vand.u32 $0x7, v57;
	v42 =	vand.u32 $0xFFFFFFF8, v35;
	v35 =	vand.u32 $0x7, v35  }
0x83: {  	v49 =	vld.idx.msk [tilespmem:v60+s2+$0x0], $0xffff;
	v57 =	vadd.s32 v4, v51;
	v31 =	vadd.s32 v17, v31;
	v30 =	vadd.s32 v10, v30  }
0x84: {  	v29 =	vadd.s32 v9, v29;
	v33 =	vadd.s32 v10, v33;
	v34 =	vadd.s32 v17, v34  }
0x85: {  	v28 =	vor.u32 v28, v31;
	v31 =	vadd.s32 v2, v12;
	v12 =	vadd.s32 v9, v18  }
0x86: {  	v42 =	vadd.s32 v9, v42;
	v18 =	vadd.s32 v9, v19;
	v11 =	vor.u32 v11, v12  }
0x87: {  	v34 =	vor.u32 v13, v34;
	v18 =	vor.u32 v14, v18;
	v14 =	vor.u32 v27, v30  }
0x88: {  	v35 =	vor.u32 v35, v42;
	v42 =	vadd.s32 v2, v49;
	v19 =	vand.u32 $0x7, v31  }
0x89: {  	v12 =	vld [tilespmem:$0x0];
	v27 =	vadd.s32 v10, v32;
	v30 =	vadd.s32 v1, v15;
	v31 =	vand.u32 $0xFFFFFFF8, v31  }
0x8a: {  	v32 =	vadd.s32 v5, v15;
	v13 =	vadd.s32 v10, v31;
	v31 =	vadd.s32 v3, v15;
	v28 =	vld.idx.msk [tilespmem:v28+s22+$0x0], $0xffff  }
0x8b: {  	v15 =	vadd.s32 v7, v25;
	v25 =	vadd.s32 v1, v25;
	v13 =	vor.u32 v19, v13;
	v37 =	vld.idx.msk [tilespmem:v11+s22+$0x0], $0xffff  }
0x8c: {  	v19 =	vand.u32 $0xFFFFFFF8, v43;
	v43 =	vand.u32 $0x7, v43;
	v39 =	vld.idx.msk [tilespmem:v14+s22+$0x0], $0xffff;
	v11 =	vadd.s32 v4, v16  }
0x8d: {  	v16 =	vand.u32 $0x7, v23;
	v40 =	vand.u32 $0xFFFFFFF8, v11;
	v41 =	vand.u32 $0x7, v11  }
0x8e: {  	v9 =	vld [tilespmem:$0x30];
	v11 =	vadd.s32 v7, v38;
	v23 =	vor.u32 v16, v27;
	v27 =	vadd.s32 v17, v19  }
0x8f: {  	v10 =	vld [tilespmem:$0x20];
	v16 =	vand.u32 $0x7, v20;
	v40 =	vadd.s32 v17, v40;
	v28 =	vadd.f32 v28, v12  }
0x90: {  	v33 =	vor.u32 v16, v33;
	v40 =	vor.u32 v41, v40;
	v41 =	vld.idx.msk [tilespmem:v36+s2+$0x0], $0xffff;
	v37 =	vadd.f32 v37, v12  }
0x91: {  	v55 =	vand.u32 $0xFFFFFFF8, v42;
	v14 =	vld [tilespmem:$0x10];
	v43 =	vor.u32 v43, v27;
	v39 =	vadd.f32 v39, v12;
	[tilespmem:v25+s6+$0x0] =	vst.idx.msk $0xffff, v28  }
0x92: {  	v42 =	vand.u32 $0x7, v42;
	v36 =	vadd.s32 v5, v38;
	v38 =	vadd.s32 v1, v38;
	[tilespmem:v58+s6+$0x0] =	vst.idx.msk $0xffff, v37  }
0x93: {  	v25 =	vadd.s32 v63, v51;
	[tilespmem:v30+s6+$0x0] =	vst.idx.msk $0xffff, v39;
	v30 =	vand.u32 $0x7D, v59;
	v37 =	vshll.u32 v59, $0x7  }
0x94: {  	s28 =	simm.s32 $0x6;
	v58 =	vadd.s32 v6, v51;
	v59 =	vadd.s32 v4, v49;
	v51 =	vadd.s32 v2, v51  }
0x95: {  	v17 =	vld.idx.msk [tilespmem:v18+s22+$0x0], $0xffff;
	v18 =	vand.u32 $0x7, v26;
	v26 =	vmov s28;
	v19 =	vadd.s32 v63, v41  }
0x96: {  	v39 =	vld.idx.msk [tilespmem:v13+s22+$0x0], $0xffff;
	v13 =	vadd.s32 v7, v30;
	v27 =	vadd.s32 v4, v41;
	v52 =	vadd.s32 v2, v41  }
0x97: {  	v28 =	vand.u32 $0xFFFFFFF8, v59;
	v41 =	vadd.s32 v6, v41;
	v29 =	vor.u32 v18, v29  }
0x98: {  	v16 =	vand.u32 $0xFFFFFFF8, v19;
	v18 =	vand.u32 $0x7, v19;
	v20 =	vand.u32 $0x7E, v26  }
0x99: {  	v53 =	vshll.u32 v26, $0x7;
	v61 =	vand.u32 $0xFFFFFFF8, v52;
	v19 =	vadd.s32 v45, v16  }
0x9a: {  	v52 =	vand.u32 $0x7, v52;
	v56 =	vand.u32 $0xFFFFFFF8, v27;
	v46 =	vor.u32 v18, v19  }
0x9b: {  	v34 =	vld.idx.msk [tilespmem:v34+s22+$0x0], $0xffff;
	v27 =	vand.u32 $0x7, v27;
	v16 =	vand.u32 $0x7F, v60;
	v60 =	vand.u32 $0xFFFFFFF8, v58  }
0x9c: {  	v62 =	vadd.s32 v45, v56;
	v19 =	vadd.s32 v3, v16;
	v39 =	vadd.f32 v39, v14  }
0x9d: {  	v18 =	vadd.s32 v5, v20;
	v47 =	vadd.f32 v17, v14;
	v17 =	vadd.s32 v7, v24  }
0x9e: {  	v24 =	vadd.s32 v5, v24;
	v26 =	vld.idx.msk [tilespmem:v26+s2+$0x0], $0xffff;
	[tilespmem:v31+s6+$0x0] =	vst.idx.msk $0xffff, v39;
	v31 =	vadd.s32 v45, v61  }
0x9f: {  	v39 =	vadd.s32 v63, v49;
	[tilespmem:v21+s6+$0x0] =	vst.idx.msk $0xffff, v47;
	v47 =	vadd.s32 v48, v55;
	v46 =	vld.idx.msk [tilespmem:v46+s22+$0x0], $0xffff  }
0xa0: {  	v55 =	vor.u32 v27, v62;
	v27 =	vadd.f32 v34, v14;
	v33 =	vld.idx.msk [tilespmem:v33+s22+$0x0], $0xffff;
	v54 =	vand.u32 $0xFFFFFFF8, v39  }
0xa1: {  	v31 =	vor.u32 v52, v31;
	v52 =	vand.u32 $0xFFFFFFF8, v25;
	v25 =	vand.u32 $0x7, v25;
	v29 =	vld.idx.msk [tilespmem:v29+s22+$0x0], $0xffff  }
0xa2: {  	s31 =	simm.s32 $0x4;
	v62 =	vand.u32 $0x7, v39;
	v52 =	vadd.s32 v37, v52;
	v56 =	vadd.s32 v48, v54  }
0xa3: {  	[tilespmem:v44+s6+$0x0] =	vst.idx.msk $0xffff, v27;
	v44 =	vand.u32 $0xFFFFFFF8, v51;
	v54 =	vmov s31;
	v34 =	vor.u32 v62, v56  }
0xa4: {  	v27 =	vadd.s32 v2, v26;
	v62 =	vadd.s32 v4, v26;
	v46 =	vadd.f32 v46, v12  }
0xa5: {  	v44 =	vadd.s32 v37, v44;
	v61 =	vadd.f32 v33, v10;
	v33 =	vadd.s32 v63, v26  }
0xa6: {  	v56 =	vand.u32 $0xFFFFFFF8, v62;
	v29 =	vadd.f32 v29, v10;
	v21 =	vand.u32 $0xFFFFFFF8, v33;
	[tilespmem:v38+s6+$0x0] =	vst.idx.msk $0xffff, v46  }
0xa7: {  	v33 =	vand.u32 $0x7, v33;
	v21 =	vadd.s32 v53, v21;
	v38 =	vor.u32 v42, v47;
	v31 =	vld.idx.msk [tilespmem:v31+s22+$0x0], $0xffff  }
0xa8: {  	v42 =	vand.u32 $0x7, v51;
	v46 =	vadd.s32 v37, v60;
	v47 =	vadd.s32 v1, v30;
	[tilespmem:v24+s6+$0x0] =	vst.idx.msk $0xffff, v29  }
0xa9: {  	v40 =	vld.idx.msk [tilespmem:v40+s22+$0x0], $0xffff;
	v60 =	vand.u32 $0xFFFFFFF8, v27;
	v24 =	vand.u32 $0x7, v27;
	[tilespmem:v32+s6+$0x0] =	vst.idx.msk $0xffff, v61;
	v21 =	vor.u32 v33, v21  }
0xaa: {  	v51 =	vld.idx.msk [tilespmem:v34+s22+$0x0], $0xffff;
	v27 =	vand.u32 $0x7C, v54;
	v33 =	vadd.s32 v48, v28;
	v28 =	vor.u32 v25, v52  }
0xab: {  	v25 =	vand.u32 $0xFFFFFFF8, v57;
	v32 =	vld.idx.msk [tilespmem:v35+s22+$0x0], $0xffff;
	v35 =	vadd.s32 v3, v30;
	v44 =	vor.u32 v42, v44  }
0xac: {  	v42 =	vadd.s32 v6, v26;
	v26 =	vld.idx.msk [tilespmem:v23+s22+$0x0], $0xffff;
	v23 =	vand.u32 $0x7, v58;
	v29 =	vadd.f32 v31, v14  }
0xad: {  	v39 =	vadd.s32 v37, v25;
	v25 =	vadd.s32 v6, v49;
	v49 =	vadd.s32 v1, v16  }
0xae: {  	v52 =	vld.idx.msk [tilespmem:v21+s22+$0x0], $0xffff;
	v31 =	vadd.s32 v53, v60;
	[tilespmem:v50+s6+$0x0] =	vst.idx.msk $0xffff, v29;
	v29 =	vadd.f32 v40, v10  }
0xaf: {  	v61 =	vand.u32 $0xFFFFFFF8, v42;
	v21 =	vand.u32 $0xFFFFFFF8, v41;
	v28 =	vld.idx.msk [tilespmem:v28+s22+$0x0], $0xffff;
	v31 =	vor.u32 v24, v31  }
0xb0: {  	v60 =	vand.u32 $0x7, v62;
	v24 =	vand.u32 $0xFFFFFFF8, v25;
	v50 =	vld.idx.msk [tilespmem:v55+s22+$0x0], $0xffff;
	[tilespmem:v22+s6+$0x0] =	vst.idx.msk $0xffff, v29;
	v22 =	vadd.s32 v53, v56  }
0xb1: {  	v37 =	vadd.s32 v48, v24;
	v24 =	vor.u32 v60, v22;
	v22 =	vadd.f32 v51, v12  }
0xb2: {  	v41 =	vand.u32 $0x7, v41;
	v45 =	vadd.s32 v45, v21;
	v21 =	vadd.s32 v7, v27;
	v56 =	vld.idx.msk [tilespmem:v43+s22+$0x0], $0xffff  }
0xb3: {  	v40 =	vadd.f32 v32, v9;
	v43 =	vor.u32 v41, v45;
	[tilespmem:v49+s6+$0x0] =	vst.idx.msk $0xffff, v22;
	v22 =	vld.idx.msk [tilespmem:v54+s2+$0x0], $0xffff  }
0xb4: {  	v32 =	vadd.s32 v5, v30;
	v30 =	vadd.s32 v7, v20;
	v60 =	vadd.f32 v28, v12  }
0xb5: {  	v29 =	vadd.s32 v3, v20;
	v34 =	vadd.f32 v52, v12;
	v62 =	vadd.f32 v50, v10  }
0xb6: {  	v28 =	vor.u32 v23, v46;
	v41 =	vadd.s32 v53, v61;
	v45 =	vand.u32 $0x7, v57;
	[tilespmem:v47+s6+$0x0] =	vst.idx.msk $0xffff, v60  }
0xb7: {  	s21 =	simm.s32 $0x8;
	v23 =	vshll.u32 v54, $0x7;
	v46 =	vand.u32 $0x7, v59;
	v38 =	vld.idx.msk [tilespmem:v38+s22+$0x0], $0xffff;
	[tilespmem:v36+s6+$0x0] =	vst.idx.msk $0xffff, v62;
	v36 =	vadd.f32 v56, v9  }
.LBB2_2:
0xb8: {  	s23 =	sadd.s32 $0x1, s21;
	s24 =	sadd.s32 $0x2, s21;
	s25 =	sadd.s32 $0x3, s21;
	v47 =	vadd.s32 v63, v22;
	v39 =	vor.u32 v45, v39;
	v33 =	vor.u32 v46, v33;
	v43 =	vld.idx.msk [tilespmem:v43+s22+$0x0], $0xffff  }
0xb9: {  	p0 =	slt.u32 s21, $0x7C;
	v45 =	vmov s23;
	v46 =	vmov s24;
	v48 =	vand.u32 $0x7, v47;
	v44 =	vld.idx.msk [tilespmem:v44+s22+$0x0], $0xffff;
	[tilespmem:v15+s6+$0x0] =	vst.idx.msk $0xffff, v36;
	v15 =	vmovc v30;
	s23 =	smov.u32 s21;
	s21 =	sadd.s32 $0x4, s21  }
0xba: {  	v36 =	vmov s25;
	v47 =	vand.u32 $0xFFFFFFF8, v47;
	v30 =	vand.u32 $0x7D, v45;
	[tilespmem:v17+s6+$0x0] =	vst.idx.msk $0xffff, v40  }
0xbb: {  	v26 =	vadd.f32 v26, v9;
	v17 =	vadd.s32 v23, v47;
	v49 =	vadd.s32 v7, v30  }
0xbc: {  	v47 =	vand.u32 $0x7F, v36;
	v40 =	vadd.f32 v38, v14;
	v48 =	vor.u32 v48, v17  }
0xbd: {  	v50 =	vand.u32 $0x7E, v46;
	v51 =	vadd.s32 v3, v47;
	v17 =	vadd.s32 v7, v16;
	[tilespmem:v8+s6+$0x0] =	vst.idx.msk $0xffff, v26  }
0xbe: {  	v38 =	vadd.s32 v5, v50;
	v26 =	vand.u32 $0x7, v42;
	[tilespmem:v19+s6+$0x0] =	vst.idx.msk $0xffff, v40;
	v19 =	vadd.f32 v43, v9  }
0xbf: {  	v8 =	vmovc v13;
	v40 =	vshll.u32 v36, $0x7;
	v44 =	vadd.f32 v44, v14;
	v43 =	vld.idx.msk [tilespmem:v36+s2+$0x0], $0xffff;
	v36 =	vadd.s32 v5, v27  }
0xc0: {  	v53 =	vadd.s32 v1, v20;
	v42 =	vor.u32 v26, v41;
	v52 =	vld.idx.msk [tilespmem:v45+s2+$0x0], $0xffff;
	[tilespmem:v11+s6+$0x0] =	vst.idx.msk $0xffff, v19  }
0xc1: {  	v54 =	vadd.s32 v4, v22;
	v13 =	vmovc v49;
	v11 =	vand.u32 $0x7, v25;
	v26 =	vld.idx.msk [tilespmem:v48+s22+$0x0], $0xffff;
	v48 =	vadd.s32 v3, v27  }
0xc2: {  	v0 =	vadd.s32 v2, v22;
	v25 =	vadd.s32 v1, v27;
	v37 =	vor.u32 v11, v37;
	v27 =	vld.idx.msk [tilespmem:v33+s22+$0x0], $0xffff  }
0xc3: {  	v20 =	vmovc v50;
	v41 =	vshll.u32 v46, $0x7;
	v11 =	vand.u32 $0xFFFFFFF8, v0;
	v33 =	vand.u32 $0x7, v0;
	v19 =	vmovc v51;
	[tilespmem:v35+s6+$0x0] =	vst.idx.msk $0xffff, v44  }
0xc4: {  	v35 =	vshll.u32 v45, $0x7;
	v44 =	vadd.s32 v23, v11;
	v45 =	vadd.s32 v5, v16;
	v16 =	vmovc v47;
	v39 =	vld.idx.msk [tilespmem:v39+s22+$0x0], $0xffff  }
0xc5: {  	v47 =	vadd.s32 v63, v43;
	v49 =	vadd.s32 v2, v43;
	v46 =	vld.idx.msk [tilespmem:v46+s2+$0x0], $0xffff;
	[tilespmem:v53+s6+$0x0] =	vst.idx.msk $0xffff, v34  }
0xc6: {  	v51 =	vand.u32 $0xFFFFFFF8, v54;
	v11 =	vmovc v21;
	v34 =	vand.u32 $0xFFFFFFF8, v47;
	v50 =	vand.u32 $0xFFFFFFF8, v49  }
0xc7: {  	v56 =	vadd.s32 v4, v43;
	v53 =	vadd.s32 v4, v52;
	v55 =	vadd.s32 v6, v52  }
0xc8: {  	v33 =	vor.u32 v33, v44;
	v21 =	vadd.s32 v63, v52;
	v57 =	vand.u32 $0xFFFFFFF8, v56;
	v31 =	vld.idx.msk [tilespmem:v31+s22+$0x0], $0xffff  }
0xc9: {  	v44 =	vand.u32 $0xFFFFFFF8, v21;
	v21 =	vand.u32 $0x7, v21;
	v58 =	vand.u32 $0xFFFFFFF8, v55  }
0xca: {  	v52 =	vadd.s32 v2, v52;
	v44 =	vadd.s32 v35, v44;
	v39 =	vadd.f32 v39, v10  }
0xcb: {  	v49 =	vand.u32 $0x7, v49;
	v26 =	vadd.f32 v26, v12;
	v59 =	vadd.s32 v63, v46  }
0xcc: {  	v51 =	vadd.s32 v23, v51;
	v50 =	vadd.s32 v40, v50;
	v60 =	vand.u32 $0xFFFFFFF8, v59;
	[tilespmem:v32+s6+$0x0] =	vst.idx.msk $0xffff, v39  }
0xcd: {  	v32 =	vand.u32 $0x7, v59;
	v39 =	vadd.s32 v41, v60;
	[tilespmem:v25+s6+$0x0] =	vst.idx.msk $0xffff, v26;
	v25 =	vand.u32 $0x7, v54;
	v26 =	vld.idx.msk [tilespmem:v28+s22+$0x0], $0xffff  }
0xce: {  	v28 =	vor.u32 v32, v39;
	v32 =	vld.idx.msk [tilespmem:v33+s22+$0x0], $0xffff;
	v51 =	vor.u32 v25, v51;
	v25 =	vadd.f32 v31, v14  }
0xcf: {  	v31 =	vand.u32 $0x7, v47;
	v33 =	vadd.s32 v40, v34;
	v47 =	vor.u32 v49, v50  }
0xd0: {  	v49 =	vand.u32 $0x7, v52;
	v50 =	vadd.s32 v35, v58;
	v31 =	vor.u32 v31, v33;
	[tilespmem:v29+s6+$0x0] =	vst.idx.msk $0xffff, v25  }
0xd1: {  	v54 =	vadd.s32 v1, v30;
	v33 =	vadd.s32 v40, v57;
	v29 =	vand.u32 $0xFFFFFFF8, v52;
	v24 =	vld.idx.msk [tilespmem:v24+s22+$0x0], $0xffff  }
0xd2: {  	v27 =	vadd.f32 v27, v10;
	v21 =	vor.u32 v21, v44;
	v34 =	vadd.s32 v2, v46  }
0xd3: {  	v22 =	vadd.s32 v6, v22;
	v44 =	vand.u32 $0xFFFFFFF8, v34;
	v25 =	vand.u32 $0xFFFFFFF8, v53;
	v28 =	vld.idx.msk [tilespmem:v28+s22+$0x0], $0xffff  }
0xd4: {  	v39 =	vadd.s32 v35, v25;
	v25 =	vadd.s32 v6, v43;
	v43 =	vand.u32 $0xFFFFFFF8, v22;
	[tilespmem:v45+s6+$0x0] =	vst.idx.msk $0xffff, v27  }
0xd5: {  	v52 =	vadd.s32 v1, v16;
	v32 =	vadd.f32 v32, v14;
	v45 =	vand.u32 $0x7, v34;
	v57 =	vld.idx.msk [tilespmem:v37+s22+$0x0], $0xffff  }
0xd6: {  	v59 =	vand.u32 $0x7, v22;
	v58 =	vmov s23;
	v37 =	vadd.s32 v41, v44;
	v44 =	vld.idx.msk [tilespmem:v31+s22+$0x0], $0xffff  }
0xd7: {  	v23 =	vadd.s32 v23, v43;
	v27 =	vand.u32 $0x7C, v58;
	v60 =	vld.idx.msk [tilespmem:v21+s22+$0x0], $0xffff;
	v21 =	vadd.s32 v4, v46  }
0xd8: {  	v24 =	vadd.f32 v24, v10;
	v22 =	vand.u32 $0xFFFFFFF8, v21;
	v43 =	vand.u32 $0x7, v21;
	[tilespmem:v48+s6+$0x0] =	vst.idx.msk $0xffff, v32  }
0xd9: {  	v31 =	vor.u32 v45, v37;
	v21 =	vadd.s32 v7, v27;
	v34 =	vadd.f32 v28, v12;
	v32 =	vld.idx.msk [tilespmem:v51+s22+$0x0], $0xffff  }
0xda: {  	v28 =	vadd.s32 v35, v29;
	v35 =	vadd.s32 v3, v30;
	v29 =	vand.u32 $0xFFFFFFF8, v25;
	[tilespmem:v18+s6+$0x0] =	vst.idx.msk $0xffff, v24  }
0xdb: {  	v0 =	vadd.s32 v41, v22;
	v37 =	vadd.s32 v40, v29;
	v40 =	vadd.f32 v57, v9;
	v48 =	vld.idx.msk [tilespmem:v42+s22+$0x0], $0xffff  }
0xdc: {  	v24 =	vor.u32 v43, v0;
	v43 =	vor.u32 v59, v23;
	v45 =	vadd.f32 v44, v12;
	v22 =	vld.idx.msk [tilespmem:v58+s2+$0x0], $0xffff  }
.Ltmp0:
0xdd: {  	v18 =	vmovc v38;
	v44 =	vor.u32 v49, v28;
	v42 =	vadd.s32 v6, v46;
	v23 =	vadd.f32 v60, v12;
	(pc) =	sbr.rel @p0 .LBB2_2-.Ltmp0, $4  }
0xde: {  	v29 =	vadd.s32 v3, v20;
	v28 =	vand.u32 $0x7, v55;
	v38 =	vand.u32 $0xFFFFFFF8, v42;
	[tilespmem:v52+s6+$0x0] =	vst.idx.msk $0xffff, v45  }
0xdf: {  	v28 =	vor.u32 v28, v50;
	v41 =	vadd.s32 v41, v38;
	v38 =	vld.idx.msk [tilespmem:v47+s22+$0x0], $0xffff;
	v47 =	vadd.f32 v32, v10  }
0xe0: {  	v45 =	vand.u32 $0x7, v53;
	v32 =	vadd.s32 v5, v30;
	v30 =	vadd.s32 v7, v20;
	[tilespmem:v54+s6+$0x0] =	vst.idx.msk $0xffff, v23  }
0xe1: {  	v46 =	vand.u32 $0x7, v56;
	v23 =	vshll.u32 v58, $0x7;
	[tilespmem:v36+s6+$0x0] =	vst.idx.msk $0xffff, v47;
	v36 =	vadd.f32 v48, v9  }
0xe2: {  	v47 =	vadd.s32 v63, v22  }
0xe3: {  	v48 =	vand.u32 $0xFFFFFFF8, v47  }
0xe4: {  	v47 =	vand.u32 $0x7, v47;
	v48 =	vadd.s32 v23, v48  }
0xe5: {  	v47 =	vor.u32 v47, v48;
	_ =	sdelay $0x2  }
0xe6: {  	v20 =	vadd.s32 v1, v20;
	_ =	sdelay $0x1  }
0xe7: {  	v58 =	vadd.s32 v2, v22;
	v47 =	vld.idx.msk [tilespmem:v47+s22+$0x0], $0xffff  }
0xe8: {  	v49 =	vand.u32 $0xFFFFFFF8, v58  }
0xe9: {  	v50 =	vadd.s32 v1, v27;
	v49 =	vadd.s32 v23, v49;
	v48 =	vand.u32 $0x7, v58  }
0xea: {  	[tilespmem:v20+s6+$0x0] =	vst.idx.msk $0xffff, v34;
	v20 =	vor.u32 v48, v49;
	_ =	sdelay $0x1  }
0xeb: {  	v31 =	vld.idx.msk [tilespmem:v31+s22+$0x0], $0xffff;
	v12 =	vadd.f32 v47, v12  }
0xec: {  	v44 =	vld.idx.msk [tilespmem:v44+s22+$0x0], $0xffff;
	v33 =	vor.u32 v46, v33  }
0xed: {  	v59 =	vadd.f32 v38, v14;
	[tilespmem:v50+s6+$0x0] =	vst.idx.msk $0xffff, v12  }
0xee: {  	v60 =	vadd.s32 v4, v22;
	v20 =	vld.idx.msk [tilespmem:v20+s22+$0x0], $0xffff  }
0xef: {  	v62 =	vand.u32 $0xFFFFFFF8, v60;
	v38 =	vand.u32 $0x7, v60;
	[tilespmem:v19+s6+$0x0] =	vst.idx.msk $0xffff, v59;
	v12 =	vor.u32 v45, v39  }
0xf0: {  	v19 =	vadd.s32 v3, v27;
	v31 =	vadd.f32 v31, v14;
	v45 =	vadd.s32 v23, v62  }
0xf1: {  	v61 =	vadd.f32 v44, v14;
	v33 =	vld.idx.msk [tilespmem:v33+s22+$0x0], $0xffff;
	v34 =	vor.u32 v38, v45  }
0xf2: {  	[tilespmem:v29+s6+$0x0] =	vst.idx.msk $0xffff, v31  }
0xf3: {  	[tilespmem:v35+s6+$0x0] =	vst.idx.msk $0xffff, v61;
	v29 =	vadd.s32 v5, v16;
	v24 =	vld.idx.msk [tilespmem:v24+s22+$0x0], $0xffff;
	v14 =	vadd.f32 v20, v14  }
0xf4: {  	v12 =	vld.idx.msk [tilespmem:v12+s22+$0x0], $0xffff  }
0xf5: {  	v25 =	vand.u32 $0x7, v25;
	v20 =	vand.u32 $0x7, v42;
	[tilespmem:v19+s6+$0x0] =	vst.idx.msk $0xffff, v14  }
0xf6: {  	v20 =	vor.u32 v20, v41;
	v14 =	vadd.f32 v33, v10;
	v19 =	vadd.s32 v6, v22;
	v22 =	vld.idx.msk [tilespmem:v34+s22+$0x0], $0xffff  }
0xf7: {  	v25 =	vor.u32 v25, v37;
	v27 =	vadd.s32 v5, v27;
	v46 =	vand.u32 $0xFFFFFFF8, v19  }
0xf8: {  	v24 =	vadd.f32 v24, v10;
	[tilespmem:v29+s6+$0x0] =	vst.idx.msk $0xffff, v14;
	v14 =	vand.u32 $0x7, v19;
	v19 =	vadd.s32 v23, v46  }
0xf9: {  	v12 =	vadd.f32 v12, v10;
	v14 =	vor.u32 v14, v19  }
0xfa: {  	v31 =	vld.idx.msk [tilespmem:v43+s22+$0x0], $0xffff;
	[tilespmem:v18+s6+$0x0] =	vst.idx.msk $0xffff, v24  }
0xfb: {  	[tilespmem:v32+s6+$0x0] =	vst.idx.msk $0xffff, v12;
	v12 =	vld.idx.msk [tilespmem:v20+s22+$0x0], $0xffff;
	v10 =	vadd.f32 v22, v10  }
0xfc: {  	v18 =	vld.idx.msk [tilespmem:v28+s22+$0x0], $0xffff  }
0xfd: {  	v23 =	vld.idx.msk [tilespmem:v25+s22+$0x0], $0xffff;
	[tilespmem:v27+s6+$0x0] =	vst.idx.msk $0xffff, v10  }
0xfe: {  	s21 =	simm.s32 $0x0;
	s28 =	simm.s32 $0x3;
	[tilespmem:v15+s6+$0x0] =	vst.idx.msk $0xffff, v36;
	v15 =	vadd.s32 v7, v16;
	v10 =	vadd.f32 v26, v9;
	v14 =	vld.idx.msk [tilespmem:v14+s22+$0x0], $0xffff  }
0xff: {  	[tilespmem:v17+s6+$0x0] =	vst.idx.msk $0xffff, v40;
	s24 =	simm.s32 $0x1;
	v16 =	vadd.f32 v31, v9;
	v28 =	vmov s28;
	v22 =	vmov s21  }
0x100: {  	v20 =	vadd.f32 v12, v9;
	v12 =	vand.u32 $0x7C, v22;
	[tilespmem:v8+s6+$0x0] =	vst.idx.msk $0xffff, v10;
	v10 =	vmov s24  }
0x101: {  	[tilespmem:v11+s6+$0x0] =	vst.idx.msk $0xffff, v16;
	v8 =	vadd.f32 v18, v9;
	v11 =	vor.u32 $0x80, v12;
	v17 =	vand.u32 $0x7D, v10  }
0x102: {  	v16 =	vand.u32 $0x7F, v28;
	v19 =	vadd.f32 v23, v9;
	[tilespmem:v30+s6+$0x0] =	vst.idx.msk $0xffff, v20;
	v20 =	vor.u32 $0x80, v17  }
0x103: {  	s25 =	simm.s32 $0x2;
	[tilespmem:v13+s6+$0x0] =	vst.idx.msk $0xffff, v8;
	v8 =	vor.u32 $0x80, v16;
	v9 =	vadd.f32 v14, v9  }
0x104: {  	s31 =	simm.s32 $0x5;
	v27 =	vmov s25;
	[tilespmem:v15+s6+$0x0] =	vst.idx.msk $0xffff, v19  }
0x105: {  	s23 =	simm.s32 $0x6;
	v24 =	vmov s31;
	v18 =	vand.u32 $0x7E, v27;
	[tilespmem:v21+s6+$0x0] =	vst.idx.msk $0xffff, v9  }
0x106: {  	s30 =	simm.s32 $0x4;
	v25 =	vmov s23;
	v28 =	vshll.u32 v28, $0x7;
	v14 =	vor.u32 $0x80, v18;
	v9 =	vld.idx.msk [tilespmem:v11+s2+$0x0], $0xffff  }
0x107: {  	v36 =	vadd.s32 $0x4000, v28;
	v23 =	vmov s30;
	v10 =	vshll.u32 v10, $0x7;
	v29 =	vld.idx.msk [tilespmem:v20+s2+$0x0], $0xffff  }
0x108: {  	v15 =	vand.u32 $0x7D, v24;
	v13 =	vand.u32 $0x7C, v23;
	v33 =	vadd.s32 $0x4000, v10;
	v31 =	vld.idx.msk [tilespmem:v8+s2+$0x0], $0xffff  }
0x109: {  	v26 =	vor.u32 $0x80, v13;
	v11 =	vshll.u32 v22, $0x7;
	v8 =	vshll.u32 v27, $0x7  }
0x10a: {  	v27 =	vor.u32 $0x80, v15;
	v11 =	vadd.s32 $0x4000, v11;
	v40 =	vadd.s32 $0x4000, v8  }
0x10b: {  	v30 =	vld.idx.msk [tilespmem:v14+s2+$0x0], $0xffff;
	v14 =	vand.u32 $0x7E, v25;
	v32 =	vadd.s32 v6, v9;
	v10 =	vadd.s32 v4, v9  }
0x10c: {  	v8 =	vadd.s32 v63, v9;
	v9 =	vadd.s32 v2, v9;
	v20 =	vadd.s32 v63, v29  }
0x10d: {  	v22 =	vadd.s32 v63, v31;
	v54 =	vadd.s32 v2, v31;
	v19 =	vand.u32 $0xFFFFFFF8, v8  }
0x10e: {  	v47 =	vand.u32 $0x7, v20;
	v48 =	vand.u32 $0xFFFFFFF8, v22;
	v20 =	vand.u32 $0xFFFFFFF8, v20  }
0x10f: {  	v22 =	vand.u32 $0x7, v22;
	v8 =	vand.u32 $0x7, v8;
	v34 =	vand.u32 $0x7, v10  }
0x110: {  	v35 =	vand.u32 $0x7, v9;
	v9 =	vand.u32 $0xFFFFFFF8, v9;
	v28 =	vadd.s32 v36, v48  }
0x111: {  	v21 =	vadd.s32 v63, v30;
	v20 =	vadd.s32 v33, v20;
	v50 =	vor.u32 v22, v28  }
0x112: {  	v19 =	vadd.s32 v11, v19;
	v49 =	vand.u32 $0xFFFFFFF8, v21;
	v20 =	vor.u32 v47, v20  }
0x113: {  	v21 =	vand.u32 $0x7, v21;
	v19 =	vor.u32 v8, v19;
	v22 =	vadd.s32 v40, v49  }
0x114: {  	v56 =	vand.u32 $0xFFFFFFF8, v54;
	v10 =	vand.u32 $0xFFFFFFF8, v10;
	v21 =	vor.u32 v21, v22  }
0x115: {  	v51 =	vadd.s32 v2, v30;
	v42 =	vadd.s32 v36, v56;
	v9 =	vadd.s32 v11, v9;
	v22 =	vld [tilespmem:$0x40]  }
0x116: {  	v10 =	vadd.s32 v11, v10;
	v8 =	vadd.s32 v2, v29;
	v52 =	vand.u32 $0x7, v51;
	v37 =	vld.idx.msk [tilespmem:v50+s22+$0x0], $0xffff  }
0x117: {  	v39 =	vand.u32 $0x7, v8;
	v53 =	vand.u32 $0xFFFFFFF8, v8;
	v8 =	vadd.s32 $0x2200, v1;
	v55 =	vld.idx.msk [tilespmem:v20+s22+$0x0], $0xffff  }
0x118: {  	v38 =	vand.u32 $0xFFFFFFF8, v51;
	v35 =	vor.u32 v35, v9;
	v58 =	vadd.s32 v8, v16;
	v59 =	vld.idx.msk [tilespmem:v19+s22+$0x0], $0xffff  }
0x119: {  	v60 =	vadd.s32 v8, v17;
	v61 =	vadd.s32 v8, v18;
	v57 =	vld.idx.msk [tilespmem:v21+s22+$0x0], $0xffff;
	v21 =	vand.u32 $0x7, v54  }
0x11a: {  	v20 =	vadd.s32 v33, v53;
	v19 =	vadd.s32 v40, v38;
	v42 =	vor.u32 v21, v42  }
0x11b: {  	v62 =	vadd.s32 v8, v12;
	v39 =	vor.u32 v39, v20;
	v38 =	vor.u32 v52, v19  }
0x11c: {  	v20 =	vld [tilespmem:$0x60];
	v52 =	vadd.s32 v4, v29;
	v29 =	vadd.s32 v6, v29;
	v37 =	vadd.f32 v37, v22  }
0x11d: {  	v19 =	vld [tilespmem:$0x70];
	v54 =	vadd.s32 v4, v30;
	v56 =	vand.u32 $0x7, v52;
	v9 =	vadd.f32 v55, v22  }
0x11e: {  	v41 =	vand.u32 $0xFFFFFFF8, v52;
	v30 =	vadd.s32 v6, v30;
	v21 =	vld [tilespmem:$0x50];
	v55 =	vadd.f32 v59, v22;
	[tilespmem:v58+s6+$0x0] =	vst.idx.msk $0xffff, v37  }
0x11f: {  	v59 =	vadd.s32 v4, v31;
	v53 =	vadd.f32 v57, v22;
	[tilespmem:v60+s6+$0x0] =	vst.idx.msk $0xffff, v9;
	v42 =	vld.idx.msk [tilespmem:v42+s22+$0x0], $0xffff  }
0x120: {  	v45 =	vand.u32 $0x7, v59;
	v57 =	vand.u32 $0x7, v54;
	[tilespmem:v62+s6+$0x0] =	vst.idx.msk $0xffff, v55;
	v9 =	vadd.s32 $0x2A80, v1;
	v39 =	vld.idx.msk [tilespmem:v39+s22+$0x0], $0xffff  }
0x121: {  	v58 =	vand.u32 $0xFFFFFFF8, v54;
	v62 =	vadd.s32 v9, v16;
	v35 =	vld.idx.msk [tilespmem:v35+s22+$0x0], $0xffff;
	[tilespmem:v61+s6+$0x0] =	vst.idx.msk $0xffff, v53;
	v61 =	vand.u32 $0xFFFFFFF8, v59  }
0x122: {  	v60 =	vadd.s32 v33, v41;
	v52 =	vadd.s32 v9, v17;
	v38 =	vld.idx.msk [tilespmem:v38+s22+$0x0], $0xffff;
	v41 =	vadd.s32 v36, v61  }
0x123: {  	v54 =	vadd.s32 v9, v12;
	v43 =	vor.u32 v56, v60;
	v41 =	vor.u32 v45, v41  }
0x124: {  	v55 =	vadd.s32 v40, v58;
	v53 =	vadd.s32 v9, v18;
	v56 =	vadd.f32 v42, v21  }
0x125: {  	v44 =	vor.u32 v57, v55;
	v57 =	vor.u32 v34, v10;
	v10 =	vadd.f32 v39, v21  }
0x126: {  	v59 =	vand.u32 $0x7, v29;
	v29 =	vand.u32 $0xFFFFFFF8, v29;
	v35 =	vadd.f32 v35, v21;
	[tilespmem:v62+s6+$0x0] =	vst.idx.msk $0xffff, v56  }
0x127: {  	v60 =	vand.u32 $0x7, v30;
	v29 =	vadd.s32 v33, v29;
	v58 =	vadd.f32 v38, v21;
	[tilespmem:v52+s6+$0x0] =	vst.idx.msk $0xffff, v10  }
0x128: {  	v62 =	vand.u32 $0xFFFFFFF8, v30;
	v30 =	vadd.s32 v6, v31;
	v10 =	vadd.s32 $0x3300, v1;
	[tilespmem:v54+s6+$0x0] =	vst.idx.msk $0xffff, v35;
	v61 =	vld.idx.msk [tilespmem:v41+s22+$0x0], $0xffff  }
0x129: {  	v28 =	vand.u32 $0x7, v32;
	v31 =	vand.u32 $0xFFFFFFF8, v30;
	v37 =	vadd.s32 v10, v16;
	v38 =	vld.idx.msk [tilespmem:v43+s22+$0x0], $0xffff;
	[tilespmem:v53+s6+$0x0] =	vst.idx.msk $0xffff, v58  }
0x12a: {  	v30 =	vand.u32 $0x7, v30;
	v31 =	vadd.s32 v36, v31;
	v36 =	vadd.s32 v10, v17;
	v39 =	vld.idx.msk [tilespmem:v44+s22+$0x0], $0xffff  }
0x12b: {  	v31 =	vor.u32 v30, v31;
	v30 =	vor.u32 v59, v29;
	v29 =	vadd.s32 v40, v62;
	v40 =	vld.idx.msk [tilespmem:v57+s22+$0x0], $0xffff  }
0x12c: {  	v32 =	vand.u32 $0xFFFFFFF8, v32;
	v35 =	vadd.s32 v10, v18;
	v34 =	vadd.s32 v10, v12  }
0x12d: {  	s23 =	simm.s32 $0x7;
	s21 =	simm.s32 $0x8;
	v41 =	vadd.s32 v11, v32;
	v29 =	vor.u32 v60, v29;
	v33 =	vadd.f32 v61, v20  }
.LBB2_4:
0x12e: {  	p0 =	slt.u32 s21, $0x7C;
	v42 =	vld.idx.msk [tilespmem:v26+s2+$0x0], $0xffff;
	v43 =	vmov s23;
	v26 =	vor.u32 v28, v41;
	v11 =	vadd.f32 v38, v20  }
0x12f: {  	v38 =	vadd.f32 v39, v20;
	v32 =	vld.idx.msk [tilespmem:v27+s2+$0x0], $0xffff;
	v27 =	vor.u32 $0x80, v14;
	v28 =	vand.u32 $0x7F, v43;
	[tilespmem:v37+s6+$0x0] =	vst.idx.msk $0xffff, v33  }
0x130: {  	v37 =	vadd.f32 v40, v20;
	v33 =	vor.u32 $0x80, v28;
	[tilespmem:v36+s6+$0x0] =	vst.idx.msk $0xffff, v11;
	v36 =	vld.idx.msk [tilespmem:v31+s22+$0x0], $0xffff  }
0x131: {  	s23 =	sadd.s32 $0x1, s21;
	v31 =	vshll.u32 v23, $0x7;
	v23 =	vmov s21;
	v39 =	vld.idx.msk [tilespmem:v30+s22+$0x0], $0xffff;
	[tilespmem:v35+s6+$0x0] =	vst.idx.msk $0xffff, v38  }
0x132: {  	v11 =	vadd.s32 $0x3B80, v1;
	v35 =	vand.u32 $0x7C, v23;
	v38 =	vmov s23;
	[tilespmem:v34+s6+$0x0] =	vst.idx.msk $0xffff, v37;
	v37 =	vld.idx.msk [tilespmem:v29+s22+$0x0], $0xffff  }
0x133: {  	s23 =	sadd.s32 $0x2, s21;
	v41 =	vadd.s32 v11, v17;
	v44 =	vadd.s32 v11, v18;
	v45 =	vadd.s32 v11, v16;
	v40 =	vld.idx.msk [tilespmem:v26+s22+$0x0], $0xffff  }
0x134: {  	v46 =	vadd.s32 v11, v12;
	v16 =	vmovc v28;
	v12 =	vmovc v13;
	v0 =	vmov s23;
	v29 =	vadd.s32 $0x4000, v31;
	v31 =	vld.idx.msk [tilespmem:v27+s2+$0x0], $0xffff  }
0x135: {  	v47 =	vshll.u32 v24, $0x7;
	v13 =	vmovc v35;
	v24 =	vmovc v38;
	v26 =	vor.u32 $0x80, v35;
	v27 =	vshll.u32 v25, $0x7;
	v30 =	vld.idx.msk [tilespmem:v33+s2+$0x0], $0xffff  }
0x136: {  	v17 =	vmovc v15;
	v28 =	vand.u32 $0x7E, v0;
	v15 =	vand.u32 $0x7D, v24;
	v25 =	vmovc v0;
	v36 =	vadd.f32 v36, v19  }
0x137: {  	v18 =	vmovc v14;
	v34 =	vadd.s32 $0x4000, v47;
	v35 =	vadd.s32 v6, v42;
	v14 =	vmovc v28;
	v38 =	vadd.f32 v39, v19  }
0x138: {  	v33 =	vadd.s32 $0x4000, v27;
	v39 =	vadd.s32 v4, v42;
	v28 =	vadd.f32 v37, v19;
	[tilespmem:v45+s6+$0x0] =	vst.idx.msk $0xffff, v36  }
0x139: {  	v27 =	vor.u32 $0x80, v15;
	v37 =	vadd.s32 v63, v42;
	v36 =	vadd.f32 v40, v19;
	[tilespmem:v41+s6+$0x0] =	vst.idx.msk $0xffff, v38  }
0x13a: {  	v40 =	vadd.s32 v2, v42;
	v38 =	vand.u32 $0xFFFFFFF8, v37;
	v41 =	vadd.s32 v63, v32;
	[tilespmem:v44+s6+$0x0] =	vst.idx.msk $0xffff, v28  }
0x13b: {  	v43 =	vshll.u32 v43, $0x7;
	v28 =	vadd.s32 v63, v31;
	v42 =	vadd.s32 v63, v30;
	[tilespmem:v46+s6+$0x0] =	vst.idx.msk $0xffff, v36  }
0x13c: {  	v44 =	vand.u32 $0x7, v41;
	v45 =	vand.u32 $0xFFFFFFF8, v42;
	v36 =	vadd.s32 $0x4000, v43  }
0x13d: {  	v41 =	vand.u32 $0xFFFFFFF8, v41;
	v42 =	vand.u32 $0x7, v42;
	v43 =	vadd.s32 v36, v45  }
0x13e: {  	v41 =	vadd.s32 v34, v41;
	v45 =	vand.u32 $0xFFFFFFF8, v28;
	v42 =	vor.u32 v42, v43  }
0x13f: {  	v41 =	vor.u32 v44, v41;
	v28 =	vand.u32 $0x7, v28;
	v43 =	vadd.s32 v33, v45  }
0x140: {  	v37 =	vand.u32 $0x7, v37;
	v38 =	vadd.s32 v29, v38;
	v43 =	vor.u32 v28, v43  }
0x141: {  	v37 =	vor.u32 v37, v38;
	v38 =	vand.u32 $0x7, v39;
	v28 =	vand.u32 $0x7, v35  }
0x142: {  	v46 =	vadd.s32 v2, v31;
	v44 =	vand.u32 $0x7, v40;
	v45 =	vadd.s32 v2, v32  }
0x143: {  	v40 =	vand.u32 $0xFFFFFFF8, v40;
	v48 =	vand.u32 $0x7, v46;
	v47 =	vand.u32 $0x7, v45;
	v42 =	vld.idx.msk [tilespmem:v42+s22+$0x0], $0xffff  }
0x144: {  	v49 =	vadd.s32 v2, v30;
	v46 =	vand.u32 $0xFFFFFFF8, v46;
	v45 =	vand.u32 $0xFFFFFFF8, v45;
	v41 =	vld.idx.msk [tilespmem:v41+s22+$0x0], $0xffff  }
0x145: {  	v50 =	vand.u32 $0xFFFFFFF8, v49;
	v45 =	vadd.s32 v34, v45;
	v43 =	vld.idx.msk [tilespmem:v43+s22+$0x0], $0xffff  }
0x146: {  	v51 =	vadd.s32 v8, v16;
	v49 =	vand.u32 $0x7, v49;
	v50 =	vadd.s32 v36, v50;
	v37 =	vld.idx.msk [tilespmem:v37+s22+$0x0], $0xffff  }
0x147: {  	v52 =	vadd.s32 v8, v17;
	v53 =	vadd.s32 v8, v18;
	v49 =	vor.u32 v49, v50  }
0x148: {  	v50 =	vadd.s32 v8, v12;
	v46 =	vadd.s32 v33, v46;
	v45 =	vor.u32 v47, v45  }
0x149: {  	v40 =	vadd.s32 v29, v40;
	v46 =	vor.u32 v48, v46;
	v42 =	vadd.f32 v42, v22  }
0x14a: {  	v40 =	vor.u32 v44, v40;
	v44 =	vadd.s32 v4, v32;
	v41 =	vadd.f32 v41, v22  }
0x14b: {  	v39 =	vand.u32 $0xFFFFFFF8, v39;
	v47 =	vadd.s32 v4, v31;
	v43 =	vadd.f32 v43, v22;
	[tilespmem:v51+s6+$0x0] =	vst.idx.msk $0xffff, v42  }
0x14c: {  	v37 =	vadd.f32 v37, v22;
	v42 =	vand.u32 $0x7, v47;
	[tilespmem:v52+s6+$0x0] =	vst.idx.msk $0xffff, v41;
	v41 =	vand.u32 $0x7, v44;
	v48 =	vld.idx.msk [tilespmem:v49+s22+$0x0], $0xffff  }
0x14d: {  	v44 =	vand.u32 $0xFFFFFFF8, v44;
	v45 =	vld.idx.msk [tilespmem:v45+s22+$0x0], $0xffff;
	[tilespmem:v53+s6+$0x0] =	vst.idx.msk $0xffff, v43;
	v43 =	vand.u32 $0xFFFFFFF8, v47;
	v47 =	vadd.s32 v4, v30  }
0x14e: {  	[tilespmem:v50+s6+$0x0] =	vst.idx.msk $0xffff, v37;
	v37 =	vadd.s32 v34, v44;
	v44 =	vld.idx.msk [tilespmem:v46+s22+$0x0], $0xffff;
	v46 =	vand.u32 $0xFFFFFFF8, v47  }
0x14f: {  	v49 =	vadd.s32 v9, v16;
	v47 =	vand.u32 $0x7, v47;
	v40 =	vld.idx.msk [tilespmem:v40+s22+$0x0], $0xffff;
	v46 =	vadd.s32 v36, v46  }
0x150: {  	v51 =	vadd.s32 v9, v18;
	v50 =	vadd.s32 v9, v17;
	v46 =	vor.u32 v47, v46  }
0x151: {  	v37 =	vor.u32 v41, v37;
	v41 =	vadd.s32 v33, v43;
	v47 =	vadd.s32 v9, v12  }
0x152: {  	v39 =	vadd.s32 v29, v39;
	v41 =	vor.u32 v42, v41;
	v42 =	vadd.f32 v48, v21  }
0x153: {  	v32 =	vadd.s32 v6, v32;
	v43 =	vor.u32 v38, v39;
	v38 =	vadd.f32 v45, v21  }
0x154: {  	v31 =	vadd.s32 v6, v31;
	v45 =	vand.u32 $0xFFFFFFF8, v35;
	v35 =	vadd.f32 v44, v21;
	[tilespmem:v49+s6+$0x0] =	vst.idx.msk $0xffff, v42  }
0x155: {  	v44 =	vand.u32 $0x7, v31;
	v39 =	vadd.f32 v40, v21;
	v42 =	vand.u32 $0x7, v32;
	[tilespmem:v50+s6+$0x0] =	vst.idx.msk $0xffff, v38;
	v46 =	vld.idx.msk [tilespmem:v46+s22+$0x0], $0xffff  }
0x156: {  	v30 =	vadd.s32 v6, v30;
	v48 =	vand.u32 $0xFFFFFFF8, v31;
	v32 =	vand.u32 $0xFFFFFFF8, v32;
	v38 =	vld.idx.msk [tilespmem:v37+s22+$0x0], $0xffff;
	[tilespmem:v51+s6+$0x0] =	vst.idx.msk $0xffff, v35  }
.Ltmp1:
0x157: {  	v31 =	vand.u32 $0xFFFFFFF8, v30;
	v32 =	vadd.s32 v34, v32;
	[tilespmem:v47+s6+$0x0] =	vst.idx.msk $0xffff, v39;
	v39 =	vld.idx.msk [tilespmem:v41+s22+$0x0], $0xffff;
	(pc) =	sbr.rel @p0 .LBB2_4-.Ltmp1, $4  }
0x158: {  	v30 =	vand.u32 $0x7, v30;
	v31 =	vadd.s32 v36, v31;
	v37 =	vadd.s32 v10, v16;
	v40 =	vld.idx.msk [tilespmem:v43+s22+$0x0], $0xffff  }
0x159: {  	v36 =	vadd.s32 v10, v17;
	v31 =	vor.u32 v30, v31;
	v35 =	vadd.s32 v10, v18  }
0x15a: {  	v34 =	vadd.s32 v10, v12;
	v30 =	vor.u32 v42, v32;
	v32 =	vadd.s32 v33, v48  }
0x15b: {  	s23 =	sadd.s32 $0x3, s21;
	s21 =	sadd.s32 $0x4, s21;
	v41 =	vadd.s32 v29, v45;
	v29 =	vor.u32 v44, v32;
	v33 =	vadd.f32 v46, v20  }
0x15c: {  	_ =	sdelay $0x2  }
0x15d: {  	v42 =	vmov s23  }
0x15e: {  	v43 =	vor.u32 $0x80, v14;
	v45 =	vld.idx.msk [tilespmem:v26+s2+$0x0], $0xffff;
	v32 =	vand.u32 $0x7F, v42  }
0x15f: {  	v27 =	vld.idx.msk [tilespmem:v27+s2+$0x0], $0xffff;
	v26 =	vor.u32 v28, v41;
	v44 =	vor.u32 $0x80, v32  }
0x160: {  	v38 =	vadd.f32 v38, v20;
	v39 =	vadd.f32 v39, v20;
	v23 =	vshll.u32 v23, $0x7  }
0x161: {  	v24 =	vshll.u32 v24, $0x7;
	v25 =	vshll.u32 v25, $0x7;
	v40 =	vadd.f32 v40, v20  }
0x162: {  	v23 =	vadd.s32 $0x4000, v23;
	v24 =	vadd.s32 $0x4000, v24;
	v42 =	vshll.u32 v42, $0x7  }
0x163: {  	v25 =	vadd.s32 $0x4000, v25;
	v42 =	vadd.s32 $0x4000, v42;
	v28 =	vld.idx.msk [tilespmem:v43+s2+$0x0], $0xffff;
	v43 =	vadd.s32 v6, v45  }
0x164: {  	v46 =	vadd.s32 v63, v45;
	v48 =	vadd.s32 v63, v27;
	v62 =	vadd.s32 v2, v27;
	v41 =	vld.idx.msk [tilespmem:v44+s2+$0x0], $0xffff  }
0x165: {  	v47 =	vand.u32 $0xFFFFFFF8, v46;
	v51 =	vand.u32 $0x7, v48;
	v48 =	vand.u32 $0xFFFFFFF8, v48  }
0x166: {  	v46 =	vand.u32 $0x7, v46;
	v57 =	vand.u32 $0xFFFFFFF8, v62;
	v44 =	vadd.s32 v4, v45  }
0x167: {  	v45 =	vadd.s32 v2, v45;
	v48 =	vadd.s32 v24, v48;
	v47 =	vadd.s32 v23, v47  }
0x168: {  	v60 =	vadd.s32 v24, v57;
	v57 =	vadd.s32 v8, v14;
	v49 =	vadd.s32 v63, v28  }
0x169: {  	v48 =	vor.u32 v51, v48;
	v53 =	vand.u32 $0xFFFFFFF8, v49;
	v50 =	vadd.s32 v63, v41  }
0x16a: {  	v49 =	vand.u32 $0x7, v49;
	v61 =	vadd.s32 v25, v53;
	v52 =	vand.u32 $0xFFFFFFF8, v50  }
0x16b: {  	v50 =	vand.u32 $0x7, v50;
	v49 =	vor.u32 v49, v61;
	v52 =	vadd.s32 v42, v52  }
0x16c: {  	[tilespmem:v36+s6+$0x0] =	vst.idx.msk $0xffff, v38;
	v46 =	vor.u32 v46, v47;
	v47 =	vand.u32 $0x7, v45;
	v50 =	vor.u32 v50, v52  }
0x16d: {  	[tilespmem:v35+s6+$0x0] =	vst.idx.msk $0xffff, v39;
	v45 =	vand.u32 $0xFFFFFFF8, v45;
	v39 =	vand.u32 $0x7, v44;
	v44 =	vand.u32 $0xFFFFFFF8, v44  }
0x16e: {  	v45 =	vadd.s32 v23, v45;
	v44 =	vadd.s32 v23, v44;
	v56 =	vadd.s32 v2, v28  }
0x16f: {  	v35 =	vor.u32 v47, v45;
	v44 =	vor.u32 v39, v44;
	v45 =	vadd.s32 v10, v13;
	v36 =	vld.idx.msk [tilespmem:v48+s22+$0x0], $0xffff  }
0x170: {  	[tilespmem:v37+s6+$0x0] =	vst.idx.msk $0xffff, v33;
	v33 =	vand.u32 $0x7, v56;
	v59 =	vand.u32 $0xFFFFFFF8, v56;
	v56 =	vadd.s32 v8, v15;
	v49 =	vld.idx.msk [tilespmem:v49+s22+$0x0], $0xffff  }
0x171: {  	v53 =	vand.u32 $0x7, v62;
	v58 =	vadd.s32 v2, v41;
	v62 =	vadd.s32 v8, v32;
	v37 =	vld.idx.msk [tilespmem:v50+s22+$0x0], $0xffff  }
0x172: {  	v38 =	vadd.s32 v25, v59;
	v59 =	vadd.s32 v4, v27;
	v27 =	vadd.s32 v6, v27  }
0x173: {  	v61 =	vand.u32 $0xFFFFFFF8, v58;
	v51 =	vand.u32 $0x7, v58;
	v46 =	vld.idx.msk [tilespmem:v46+s22+$0x0], $0xffff;
	v48 =	vor.u32 v53, v60  }
0x174: {  	v33 =	vor.u32 v33, v38;
	v36 =	vadd.f32 v36, v22;
	v50 =	vadd.s32 v42, v61  }
0x175: {  	v58 =	vadd.s32 v8, v13;
	v50 =	vor.u32 v51, v50;
	v60 =	vadd.f32 v49, v22  }
0x176: {  	[tilespmem:v56+s6+$0x0] =	vst.idx.msk $0xffff, v36;
	v61 =	vadd.s32 v4, v28;
	v37 =	vadd.f32 v37, v22  }
0x177: {  	v52 =	vand.u32 $0x7, v59;
	v56 =	vadd.s32 v4, v41;
	v28 =	vadd.s32 v6, v28;
	[tilespmem:v57+s6+$0x0] =	vst.idx.msk $0xffff, v60  }
0x178: {  	v54 =	vand.u32 $0x7, v61;
	v48 =	vld.idx.msk [tilespmem:v48+s22+$0x0], $0xffff;
	v36 =	vand.u32 $0xFFFFFFF8, v61;
	[tilespmem:v62+s6+$0x0] =	vst.idx.msk $0xffff, v37;
	v62 =	vadd.f32 v46, v22  }
0x179: {  	v61 =	vadd.s32 v9, v14;
	v36 =	vadd.s32 v25, v36;
	v33 =	vld.idx.msk [tilespmem:v33+s22+$0x0], $0xffff;
	v37 =	vand.u32 $0xFFFFFFF8, v59  }
0x17a: {  	v60 =	vadd.s32 v9, v15;
	v55 =	vld.idx.msk [tilespmem:v50+s22+$0x0], $0xffff;
	v57 =	vadd.s32 v24, v37;
	[tilespmem:v58+s6+$0x0] =	vst.idx.msk $0xffff, v62  }
0x17b: {  	v49 =	vand.u32 $0x7, v56;
	v58 =	vand.u32 $0xFFFFFFF8, v56;
	v22 =	vor.u32 v52, v57;
	v35 =	vld.idx.msk [tilespmem:v35+s22+$0x0], $0xffff  }
0x17c: {  	v36 =	vor.u32 v54, v36;
	v59 =	vadd.s32 v9, v32;
	v37 =	vadd.s32 v42, v58  }
0x17d: {  	v51 =	vadd.f32 v48, v21;
	v62 =	vadd.s32 v9, v13;
	v37 =	vor.u32 v49, v37  }
0x17e: {  	[tilespmem:v34+s6+$0x0] =	vst.idx.msk $0xffff, v40;
	v54 =	vand.u32 $0x7, v27;
	v27 =	vand.u32 $0xFFFFFFF8, v27;
	v33 =	vadd.f32 v33, v21  }
0x17f: {  	v50 =	vand.u32 $0x7, v43;
	v56 =	vadd.s32 v6, v41;
	[tilespmem:v60+s6+$0x0] =	vst.idx.msk $0xffff, v51;
	v47 =	vadd.f32 v55, v21  }
0x180: {  	v57 =	vadd.s32 v24, v27;
	[tilespmem:v61+s6+$0x0] =	vst.idx.msk $0xffff, v33;
	v22 =	vld.idx.msk [tilespmem:v22+s22+$0x0], $0xffff;
	v53 =	vadd.f32 v35, v21  }
0x181: {  	v52 =	vand.u32 $0xFFFFFFF8, v43;
	v58 =	vand.u32 $0xFFFFFFF8, v56;
	v60 =	vadd.s32 v10, v32;
	[tilespmem:v59+s6+$0x0] =	vst.idx.msk $0xffff, v47;
	v59 =	vld.idx.msk [tilespmem:v36+s22+$0x0], $0xffff  }
0x182: {  	v55 =	vand.u32 $0x7, v28;
	v28 =	vand.u32 $0xFFFFFFF8, v28;
	v61 =	vadd.s32 v10, v15;
	v37 =	vld.idx.msk [tilespmem:v37+s22+$0x0], $0xffff;
	[tilespmem:v62+s6+$0x0] =	vst.idx.msk $0xffff, v53  }
0x183: {  	v25 =	vadd.s32 v25, v28;
	v21 =	vor.u32 v54, v57;
	v62 =	vadd.s32 v10, v14;
	v34 =	vld.idx.msk [tilespmem:v44+s22+$0x0], $0xffff  }
0x184: {  	v31 =	vld.idx.msk [tilespmem:v31+s22+$0x0], $0xffff;
	v24 =	vadd.s32 v42, v58;
	v33 =	vand.u32 $0x7, v56;
	v25 =	vor.u32 v55, v25  }
0x185: {  	v46 =	vld.idx.msk [tilespmem:v30+s22+$0x0], $0xffff;
	v23 =	vadd.s32 v23, v52;
	v24 =	vor.u32 v33, v24;
	v22 =	vadd.f32 v22, v20  }
0x186: {  	v16 =	vadd.s32 v11, v16;
	v29 =	vld.idx.msk [tilespmem:v29+s22+$0x0], $0xffff;
	v23 =	vor.u32 v50, v23;
	v27 =	vadd.f32 v59, v20  }
0x187: {  	v17 =	vadd.s32 v11, v17;
	v26 =	vld.idx.msk [tilespmem:v26+s22+$0x0], $0xffff;
	v47 =	vadd.f32 v37, v20;
	[tilespmem:v61+s6+$0x0] =	vst.idx.msk $0xffff, v22  }
0x188: {  	v18 =	vadd.s32 v11, v18;
	v21 =	vld.idx.msk [tilespmem:v21+s22+$0x0], $0xffff;
	[tilespmem:v62+s6+$0x0] =	vst.idx.msk $0xffff, v27;
	v48 =	vadd.f32 v34, v20  }
0x189: {  	v12 =	vadd.s32 v11, v12;
	v50 =	vadd.f32 v31, v19;
	[tilespmem:v60+s6+$0x0] =	vst.idx.msk $0xffff, v47;
	v52 =	vld.idx.msk [tilespmem:v25+s22+$0x0], $0xffff  }
0x18a: {  	v51 =	vadd.f32 v46, v19;
	v56 =	vadd.s32 v11, v15;
	v49 =	vld.idx.msk [tilespmem:v24+s22+$0x0], $0xffff;
	[tilespmem:v45+s6+$0x0] =	vst.idx.msk $0xffff, v48  }
0x18b: {  	v58 =	vadd.s32 v11, v14;
	[tilespmem:v16+s6+$0x0] =	vst.idx.msk $0xffff, v50;
	v54 =	vadd.f32 v29, v19;
	v55 =	vld.idx.msk [tilespmem:v23+s22+$0x0], $0xffff  }
0x18c: {  	[tilespmem:v17+s6+$0x0] =	vst.idx.msk $0xffff, v51;
	v57 =	vadd.f32 v26, v19;
	v53 =	vadd.s32 v11, v32  }
0x18d: {  	[tilespmem:v18+s6+$0x0] =	vst.idx.msk $0xffff, v54;
	v59 =	vadd.s32 v11, v13;
	v61 =	vadd.f32 v21, v19  }
0x18e: {  	[tilespmem:v12+s6+$0x0] =	vst.idx.msk $0xffff, v57;
	v62 =	vadd.f32 v52, v19  }
0x18f: {  	v60 =	vadd.f32 v49, v19;
	[tilespmem:v56+s6+$0x0] =	vst.idx.msk $0xffff, v61  }
0x190: {  	[tilespmem:v58+s6+$0x0] =	vst.idx.msk $0xffff, v62;
	v16 =	vadd.f32 v55, v19  }
0x191: {  	s21 =	simm.s32 $0x0;
	s23 =	simm.s32 $0xB500;
	[tilespmem:v53+s6+$0x0] =	vst.idx.msk $0xffff, v60  }
0x192: {  	s24 =	simm.s32 $0x200;
	s28 =	sadd.s32 $0x0, s11;
	s25 =	simm.s32 $0xB588;
	[tilespmem:v59+s6+$0x0] =	vst.idx.msk $0xffff, v16  }
.LBB2_6:
0x193: {  	[hbm4b:s28+s21] =	stream.linear.scatter [tilespmem:s23], [sflag:$0x3], $0x80, $0x38;
	[tilespmem:$0x1C000] =	vst v63  }
0x194: {  	s28 =	smov.u32 s24;
	s23 =	smov.u32 s25;
	p0 =	sne.s32 s24, $0xFE00  }
.Ltmp2:
0x195: {  	s24 =	sadd.s32 $0x200, s24;
	(pc) =	sbr.rel @p0 .LBB2_6-.Ltmp2, $2  }
0x196: {  	_ =	sdelay $0x2  }
0x197: {  	s25 =	sadd.s32 $0x88, s25;
	s28 =	sadd.s32 s28, s11  }
0x198: {  	[hbm4b:s28+s21] =	stream.linear.scatter [tilespmem:s23], [sflag:$0x3], $0x80, $0x38;
	[tilespmem:$0x1C000] =	vst v63  }
.LBB2_8:
0x199: {  	_ =	swait.ge [sflag:s9], $0x4000  }
0x19a: {  	[sflag:s9] =	ssyncset.done $0x0  }
0x19b: {  	[sflag:s9] =	ssyncadd.s32 $0xFFFFC000  }
0x19c: {  	_ =	swait.ge [sflag:s20], $0x100  }
0x19d: {  	[sflag:s20] =	ssyncset.done $0x0  }
0x19e: {  	[sflag:s20] =	ssyncadd.s32 $0xFFFFFF00  }
0x19f: {  	v12 =	vld [tilespmem:$0x3200];
	_ =	sdelay $0x1  }
0x1a0: {  	v13 =	vld [tilespmem:$0x3210];
	_ =	sdelay $0x1  }
0x1a1: {  	v14 =	vld [tilespmem:$0x3220]  }
0x1a2: {  	v15 =	vshrl.u32 v12, $0x1;
	v12 =	vshll.u32 v12, $0x6  }
0x1a3: {  	[tilespmem:$0x3300] =	vst v15;
	v12 =	vand.u32 $0x40, v12;
	v15 =	vld [tilespmem:$0x3230]  }
0x1a4: {  	[tilespmem:$0x3400] =	vst v12;
	v12 =	vshrl.u32 v13, $0x1;
	v13 =	vshll.u32 v13, $0x6  }
0x1a5: {  	[tilespmem:$0x3310] =	vst v12;
	v12 =	vand.u32 $0x40, v13;
	v13 =	vld [tilespmem:$0x3240]  }
0x1a6: {  	[tilespmem:$0x3410] =	vst v12;
	v12 =	vshrl.u32 v14, $0x1;
	v14 =	vshll.u32 v14, $0x6  }
0x1a7: {  	[tilespmem:$0x3320] =	vst v12;
	v12 =	vand.u32 $0x40, v14;
	v14 =	vld [tilespmem:$0x3250]  }
0x1a8: {  	[tilespmem:$0x3420] =	vst v12;
	v12 =	vshrl.u32 v15, $0x1;
	v15 =	vshll.u32 v15, $0x6  }
0x1a9: {  	[tilespmem:$0x3330] =	vst v12;
	v12 =	vand.u32 $0x40, v15;
	v15 =	vld [tilespmem:$0x3260]  }
0x1aa: {  	[tilespmem:$0x3430] =	vst v12;
	v12 =	vshrl.u32 v13, $0x1;
	v13 =	vshll.u32 v13, $0x6  }
0x1ab: {  	[tilespmem:$0x3340] =	vst v12;
	v12 =	vand.u32 $0x40, v13;
	v13 =	vld [tilespmem:$0x3270]  }
0x1ac: {  	[tilespmem:$0x3440] =	vst v12;
	v12 =	vshrl.u32 v14, $0x1;
	v14 =	vshll.u32 v14, $0x6  }
0x1ad: {  	[tilespmem:$0x3350] =	vst v12;
	v12 =	vand.u32 $0x40, v14;
	v14 =	vld [tilespmem:$0x3280]  }
0x1ae: {  	[tilespmem:$0x3450] =	vst v12;
	v12 =	vshrl.u32 v15, $0x1;
	v15 =	vshll.u32 v15, $0x6  }
0x1af: {  	[tilespmem:$0x3360] =	vst v12;
	v12 =	vand.u32 $0x40, v15;
	v15 =	vld [tilespmem:$0x3290]  }
0x1b0: {  	[tilespmem:$0x3460] =	vst v12;
	v12 =	vshrl.u32 v13, $0x1;
	v13 =	vshll.u32 v13, $0x6  }
0x1b1: {  	[tilespmem:$0x3370] =	vst v12;
	v12 =	vand.u32 $0x40, v13;
	v13 =	vld [tilespmem:$0x32A0]  }
0x1b2: {  	[tilespmem:$0x3470] =	vst v12;
	v12 =	vshrl.u32 v14, $0x1;
	v14 =	vshll.u32 v14, $0x6  }
0x1b3: {  	[tilespmem:$0x3380] =	vst v12;
	v12 =	vand.u32 $0x40, v14;
	v14 =	vld [tilespmem:$0x32B0]  }
0x1b4: {  	[tilespmem:$0x3480] =	vst v12;
	v12 =	vshrl.u32 v15, $0x1;
	v15 =	vshll.u32 v15, $0x6  }
0x1b5: {  	[tilespmem:$0x3390] =	vst v12;
	v12 =	vand.u32 $0x40, v15;
	v15 =	vld [tilespmem:$0x32C0]  }
0x1b6: {  	[tilespmem:$0x3490] =	vst v12;
	v12 =	vshrl.u32 v13, $0x1;
	v13 =	vshll.u32 v13, $0x6  }
0x1b7: {  	[tilespmem:$0x33A0] =	vst v12;
	v12 =	vand.u32 $0x40, v13;
	v13 =	vld [tilespmem:$0x32D0]  }
0x1b8: {  	[tilespmem:$0x34A0] =	vst v12;
	v12 =	vshrl.u32 v14, $0x1;
	v14 =	vshll.u32 v14, $0x6  }
0x1b9: {  	[tilespmem:$0x33B0] =	vst v12;
	v12 =	vand.u32 $0x40, v14;
	v14 =	vld [tilespmem:$0x32E0]  }
0x1ba: {  	[tilespmem:$0x34B0] =	vst v12;
	v12 =	vshrl.u32 v15, $0x1;
	v15 =	vshll.u32 v15, $0x6  }
0x1bb: {  	[tilespmem:$0x33C0] =	vst v12;
	v12 =	vand.u32 $0x40, v15;
	v15 =	vld [tilespmem:$0x32F0]  }
0x1bc: {  	[tilespmem:$0x34C0] =	vst v12;
	v12 =	vshrl.u32 v13, $0x1;
	v13 =	vshll.u32 v13, $0x6  }
0x1bd: {  	[tilespmem:$0x33D0] =	vst v12;
	v12 =	vand.u32 $0x40, v13  }
0x1be: {  	[tilespmem:$0x34D0] =	vst v12;
	v12 =	vshrl.u32 v14, $0x1;
	v13 =	vshll.u32 v14, $0x6  }
0x1bf: {  	[tilespmem:$0x33E0] =	vst v12;
	v12 =	vand.u32 $0x40, v13  }
0x1c0: {  	[tilespmem:$0x34E0] =	vst v12;
	v12 =	vshrl.u32 v15, $0x1;
	v13 =	vshll.u32 v15, $0x6  }
0x1c1: {  	[tilespmem:$0x33F0] =	vst v12;
	v12 =	vand.u32 $0x40, v13  }
0x1c2: {  	s19 =	simm.s32 $0x3300;
	[tilespmem:$0x34F0] =	vst v12  }
0x1c3: {  	[tilespmem:s22], [sflag:$0x1] =	stream.indirect.gather [hbm4b:s5+s17], $0x80, s19, s17, $0xb8;
	[tilespmem:$0x1C000] =	vst v63  }
0x1c4: {  	s25 =	simm.s32 $0x3380;
	s23 =	simm.s32 $0x7500  }
0x1c5: {  	[tilespmem:s23], [sflag:$0x1] =	stream.indirect.gather [hbm4b:s5+s17], $0x80, s25, s17, $0xb8;
	[tilespmem:$0x1C000] =	vst v63  }
0x1c6: {  	_ =	swait.ge [sflag:s10], $0x4000  }
0x1c7: {  	s30 =	simm.s32 $0x3;
	[sflag:s10] =	ssyncset.done $0x0  }
0x1c8: {  	s24 =	sshll.u32 s21, $0xE;
	v13 =	vmov s30;
	s19 =	simm.s32 $0x1;
	[sflag:s10] =	ssyncadd.s32 $0xFFFFC000  }
0x1c9: {  	s31 =	sadd.s32 s12, s24;
	v14 =	vmov s19;
	s25 =	simm.s32 $0x2;
	_ =	swait.ge [sflag:s10], $0x4000  }
0x1ca: {  	s23 =	sshrl.u32 s31, $0x3;
	s31 =	simm.s32 $0x0;
	v15 =	vmov s25;
	[sflag:s10] =	ssyncset.done $0x0  }
0x1cb: {  	s23 =	sadd.s32 s1, s23;
	s25 =	simm.s32 $0xF900;
	[sflag:s10] =	ssyncadd.s32 $0xFFFFC000  }
0x1cc: {  	[tilespmem:s25], [sflag:$0x6] =	stream.strided.gather [hbm4b:s23+s17], $0x100, s18, s17, $0x38;
	[tilespmem:$0x1C000] =	vst v63  }
0x1cd: {  	v27 =	vand.u32 $0x7F, v13;
	v40 =	vmov s31;
	v17 =	vld.idx.msk [tilespmem:v13+s15+$0x0], $0xffff  }
0x1ce: {  	v0 =	vadd.s32 v3, v27;
	v18 =	vand.u32 $0x7D, v14;
	v16 =	vld.idx.msk [tilespmem:v14+s15+$0x0], $0xffff  }
0x1cf: {  	v58 =	vadd.s32 v1, v27;
	v12 =	vadd.s32 v7, v18;
	v28 =	vand.u32 $0x7E, v15;
	v20 =	vld.idx.msk [tilespmem:v15+s15+$0x0], $0xffff  }
0x1d0: {  	v56 =	vadd.s32 v1, v18;
	v21 =	vshll.u32 v15, $0x7;
	[tilespmem:$0x1FFD0] =	vst v0;
	v0 =	vadd.s32 v5, v28  }
0x1d1: {  	v42 =	vand.u32 $0x7C, v40;
	v48 =	vadd.s32 v3, v28;
	v13 =	vshll.u32 v13, $0x7;
	[tilespmem:$0x1FFE0] =	vst v0  }
0x1d2: {  	v14 =	vshll.u32 v14, $0x7;
	v47 =	vld.idx.msk [tilespmem:v40+s15+$0x0], $0xffff;
	v40 =	vshll.u32 v40, $0x7;
	v15 =	vadd.s32 v63, v17  }
0x1d3: {  	v19 =	vadd.s32 v2, v17;
	v24 =	vadd.s32 v4, v16;
	v29 =	vadd.s32 v6, v16  }
0x1d4: {  	v30 =	vadd.s32 v4, v17;
	v31 =	vadd.s32 v63, v16;
	v32 =	vadd.s32 v63, v20  }
0x1d5: {  	v55 =	vadd.s32 v2, v16;
	v57 =	vadd.s32 v2, v20;
	v22 =	vand.u32 $0xFFFFFFF8, v15  }
0x1d6: {  	v23 =	vand.u32 $0xFFFFFFF8, v19;
	v34 =	vand.u32 $0xFFFFFFF8, v31;
	v31 =	vand.u32 $0x7, v31  }
0x1d7: {  	v15 =	vand.u32 $0x7, v15;
	v19 =	vand.u32 $0x7, v19;
	v16 =	vadd.s32 v13, v22  }
0x1d8: {  	v34 =	vadd.s32 v14, v34;
	v22 =	vadd.s32 v13, v23;
	v15 =	vor.u32 v15, v16  }
0x1d9: {  	s23 =	sshllo.u32 s21, $0x1;
	v39 =	vadd.s32 v6, v17;
	v22 =	vor.u32 v19, v22;
	v19 =	vor.u32 v31, v34  }
0x1da: {  	s30 =	sshll.u32 s23, $0x7;
	v59 =	vadd.s32 v6, v20;
	v33 =	vand.u32 $0xFFFFFFF8, v30;
	v35 =	vand.u32 $0xFFFFFFF8, v32  }
0x1db: {  	s25 =	sand.u32 $0x3FFFFF80, s30;
	v32 =	vand.u32 $0x7, v32;
	v36 =	vand.u32 $0xFFFFFFF8, v29;
	v37 =	vand.u32 $0xFFFFFFF8, v24  }
0x1dc: {  	v38 =	vand.u32 $0xFFFFFFF8, v57;
	v17 =	vand.u32 $0x7, v57;
	v35 =	vadd.s32 v21, v35;
	v16 =	vld [tilespmem:s25+$0x0]  }
0x1dd: {  	v23 =	vand.u32 $0x7, v55;
	v33 =	vadd.s32 v13, v33;
	v37 =	vadd.s32 v14, v37;
	v41 =	vld.idx.msk [tilespmem:v15+s29+$0x0], $0xffff  }
0x1de: {  	v38 =	vadd.s32 v21, v38;
	v32 =	vor.u32 v32, v35;
	v31 =	vadd.s32 v14, v36;
	v43 =	vld.idx.msk [tilespmem:v19+s29+$0x0], $0xffff  }
0x1df: {  	v35 =	vand.u32 $0xFFFFFFF8, v55;
	v38 =	vor.u32 v17, v38;
	v36 =	vadd.s32 v5, v18  }
0x1e0: {  	v17 =	vadd.s32 v14, v35;
	v35 =	vadd.s32 v3, v18;
	v14 =	vand.u32 $0xFFFFFFF8, v39  }
0x1e1: {  	v46 =	vadd.s32 v13, v14;
	v14 =	vld [tilespmem:s25+$0x20];
	v23 =	vor.u32 v23, v17;
	v17 =	vand.u32 $0x7, v29  }
0x1e2: {  	v18 =	vand.u32 $0x7, v30;
	v13 =	vld [tilespmem:s25+$0x30];
	v29 =	vor.u32 v17, v31;
	v41 =	vadd.f32 v41, v16  }
0x1e3: {  	v32 =	vld.idx.msk [tilespmem:v32+s29+$0x0], $0xffff;
	v15 =	vadd.s32 v4, v20;
	v20 =	vand.u32 $0xFFFFFFF8, v59;
	v43 =	vadd.f32 v43, v16  }
0x1e4: {  	v19 =	vld [tilespmem:s25+$0x10];
	v44 =	vand.u32 $0xFFFFFFF8, v15;
	v31 =	vadd.s32 v21, v20;
	v20 =	vand.u32 $0x7, v24;
	[tilespmem:v58+s7+$0x0] =	vst.idx.msk $0xffff, v41  }
0x1e5: {  	v44 =	vadd.s32 v21, v44;
	[tilespmem:v56+s7+$0x0] =	vst.idx.msk $0xffff, v43;
	v21 =	vld.idx.msk [tilespmem:v22+s29+$0x0], $0xffff;
	v22 =	vadd.s32 v63, v47  }
0x1e6: {  	v17 =	vadd.s32 v7, v28;
	v30 =	vor.u32 v20, v37;
	v49 =	vld.idx.msk [tilespmem:v23+s29+$0x0], $0xffff;
	v20 =	vand.u32 $0xFFFFFFF8, v22  }
0x1e7: {  	v28 =	vadd.s32 v1, v28;
	v22 =	vand.u32 $0x7, v22;
	v23 =	vadd.s32 v40, v20  }
0x1e8: {  	v50 =	vor.u32 v22, v23;
	_ =	sdelay $0x1  }
0x1e9: {  	s30 =	simm.s32 $0x7;
	v32 =	vadd.f32 v32, v16  }
0x1ea: {  	s28 =	simm.s32 $0x6;
	s19 =	simm.s32 $0x5;
	v61 =	vmov s30;
	v49 =	vadd.f32 v49, v19  }
0x1eb: {  	v60 =	vmov s28;
	v45 =	vand.u32 $0x7, v15;
	v37 =	vmov s19;
	[tilespmem:v28+s7+$0x0] =	vst.idx.msk $0xffff, v32  }
0x1ec: {  	v52 =	vshll.u32 v61, $0x7;
	v44 =	vor.u32 v45, v44;
	v45 =	vand.u32 $0x7, v59;
	[tilespmem:v35+s7+$0x0] =	vst.idx.msk $0xffff, v49;
	v50 =	vld.idx.msk [tilespmem:v50+s29+$0x0], $0xffff  }
0x1ed: {  	v15 =	vadd.s32 v7, v42;
	v31 =	vor.u32 v45, v31;
	v56 =	vadd.s32 v2, v47;
	v0 =	vld [tilespmem:$0x1FFD0]  }
0x1ee: {  	v45 =	vadd.s32 v3, v42;
	v41 =	vadd.s32 v5, v42;
	v62 =	vand.u32 $0xFFFFFFF8, v56  }
0x1ef: {  	v53 =	vld.idx.msk [tilespmem:v61+s15+$0x0], $0xffff;
	v42 =	vadd.s32 v1, v42;
	v56 =	vand.u32 $0x7, v56;
	v35 =	vadd.s32 v40, v62  }
0x1f0: {  	v57 =	vshll.u32 v60, $0x7;
	v39 =	vand.u32 $0x7, v39;
	v55 =	vld.idx.msk [tilespmem:v37+s15+$0x0], $0xffff;
	v35 =	vor.u32 v56, v35  }
0x1f1: {  	v54 =	vadd.s32 v4, v47;
	v33 =	vor.u32 v18, v33;
	v39 =	vor.u32 v39, v46;
	v58 =	vld.idx.msk [tilespmem:v60+s15+$0x0], $0xffff  }
0x1f2: {  	v46 =	vadd.s32 v5, v27;
	v24 =	vand.u32 $0x7E, v60;
	v38 =	vld.idx.msk [tilespmem:v38+s29+$0x0], $0xffff;
	v50 =	vadd.f32 v50, v16  }
0x1f3: {  	v34 =	vand.u32 $0x7D, v37;
	v60 =	vand.u32 $0xFFFFFFF8, v54;
	v51 =	vadd.f32 v21, v19  }
0x1f4: {  	v54 =	vand.u32 $0x7, v54;
	v60 =	vadd.s32 v40, v60;
	v20 =	vand.u32 $0x7F, v61;
	v30 =	vld.idx.msk [tilespmem:v30+s29+$0x0], $0xffff;
	[tilespmem:v42+s7+$0x0] =	vst.idx.msk $0xffff, v50  }
0x1f5: {  	v23 =	vadd.s32 v3, v20;
	v3 =	vlaneseq.u32;
	v61 =	vadd.s32 v4, v55;
	[tilespmem:v0+s7+$0x0] =	vst.idx.msk $0xffff, v51;
	v35 =	vld.idx.msk [tilespmem:v35+s29+$0x0], $0xffff  }
0x1f6: {  	v28 =	vadd.s32 v3, v55;
	v25 =	vadd.s32 v3, v58;
	v21 =	vadd.s32 v7, v27;
	v33 =	vld.idx.msk [tilespmem:v33+s29+$0x0], $0xffff  }
0x1f7: {  	v27 =	vadd.s32 v63, v53;
	v63 =	vadd.s32 v4, v53;
	v38 =	vadd.f32 v38, v19  }
0x1f8: {  	v43 =	vand.u32 $0xFFFFFFF8, v27;
	v32 =	vand.u32 $0xFFFFFFF8, v63;
	v49 =	vshll.u32 v37, $0x7  }
0x1f9: {  	v37 =	vadd.s32 v2, v53;
	v62 =	vadd.s32 v6, v55;
	v30 =	vadd.f32 v30, v14  }
0x1fa: {  	v27 =	vand.u32 $0x7, v27;
	v55 =	vadd.s32 v2, v55;
	[tilespmem:v48+s7+$0x0] =	vst.idx.msk $0xffff, v38;
	v35 =	vadd.f32 v35, v19  }
0x1fb: {  	v59 =	vand.u32 $0xFFFFFFF8, v37;
	v56 =	vand.u32 $0xFFFFFFF8, v28;
	[tilespmem:v36+s7+$0x0] =	vst.idx.msk $0xffff, v30;
	v33 =	vadd.f32 v33, v14  }
0x1fc: {  	v28 =	vand.u32 $0x7, v28;
	v26 =	vand.u32 $0xFFFFFFF8, v62;
	v56 =	vadd.s32 v49, v56;
	[tilespmem:v45+s7+$0x0] =	vst.idx.msk $0xffff, v35  }
0x1fd: {  	v37 =	vand.u32 $0x7, v37;
	v59 =	vadd.s32 v52, v59;
	v28 =	vor.u32 v28, v56;
	[tilespmem:v46+s7+$0x0] =	vst.idx.msk $0xffff, v33  }
0x1fe: {  	v50 =	vor.u32 v37, v59;
	v37 =	vadd.s32 v52, v32;
	v51 =	vand.u32 $0xFFFFFFF8, v25;
	v0 =	vld [tilespmem:$0x1FFF0]  }
0x1ff: {  	v32 =	vadd.s32 v2, v58;
	v25 =	vand.u32 $0x7, v25;
	v51 =	vadd.s32 v57, v51  }
0x200: {  	v25 =	vor.u32 v25, v51;
	v51 =	vor.u32 v54, v60;
	v60 =	vadd.s32 v52, v43  }
0x201: {  	v59 =	vadd.s32 v49, v26;
	v26 =	vor.u32 v27, v60;
	v60 =	vand.u32 $0xFFFFFFF8, v32  }
0x202: {  	v38 =	vand.u32 $0xFFFFFFF8, v55;
	v36 =	vadd.s32 v57, v60;
	v33 =	vand.u32 $0x7, v32  }
0x203: {  	v35 =	vor.u32 v33, v36;
	v33 =	vadd.s32 v49, v38;
	v38 =	vadd.s32 v0, v34;
	v0 =	vld [tilespmem:$0x1FFE0]  }
0x204: {  	s31 =	simm.s32 $0x4;
	v18 =	vadd.s32 v7, v34;
	v44 =	vld.idx.msk [tilespmem:v44+s29+$0x0], $0xffff  }
0x205: {  	v47 =	vadd.s32 v6, v47;
	v22 =	vadd.s32 v5, v24;
	v56 =	vmov s31  }
0x206: {  	v42 =	vadd.s32 v1, v34;
	v48 =	vld.idx.msk [tilespmem:v28+s29+$0x0], $0xffff;
	v27 =	vand.u32 $0xFFFFFFF8, v61;
	v60 =	vadd.s32 v4, v58  }
0x207: {  	v54 =	vand.u32 $0x7, v55;
	v43 =	vadd.s32 v49, v27;
	v28 =	vand.u32 $0xFFFFFFF8, v60;
	v55 =	vld.idx.msk [tilespmem:v25+s29+$0x0], $0xffff  }
0x208: {  	v60 =	vand.u32 $0x7, v60;
	v28 =	vadd.s32 v57, v28;
	v25 =	vand.u32 $0xFFFFFFF8, v47;
	v26 =	vld.idx.msk [tilespmem:v26+s29+$0x0], $0xffff  }
0x209: {  	v46 =	vand.u32 $0x7, v47;
	v47 =	vadd.s32 v40, v25;
	v40 =	vadd.f32 v44, v14;
	v30 =	vld.idx.msk [tilespmem:v39+s29+$0x0], $0xffff  }
0x20a: {  	v27 =	vadd.s32 v6, v53;
	v53 =	vadd.s32 v1, v20;
	v28 =	vor.u32 v60, v28;
	v36 =	vld.idx.msk [tilespmem:v51+s29+$0x0], $0xffff  }
0x20b: {  	v32 =	vand.u32 $0x7C, v56;
	v47 =	vor.u32 v46, v47;
	v46 =	vadd.s32 v6, v58;
	[tilespmem:v0+s7+$0x0] =	vst.idx.msk $0xffff, v40  }
0x20c: {  	v25 =	vadd.s32 v7, v32;
	v49 =	vadd.f32 v48, v16;
	v60 =	vand.u32 $0xFFFFFFF8, v46;
	v51 =	vld.idx.msk [tilespmem:v31+s29+$0x0], $0xffff  }
0x20d: {  	v48 =	vor.u32 v54, v33;
	v45 =	vadd.s32 v57, v60;
	v26 =	vadd.f32 v26, v16;
	v58 =	vld [tilespmem:$0x1FFF0]  }
0x20e: {  	v39 =	vadd.f32 v55, v16;
	v55 =	vand.u32 $0xFFFFFFF8, v27;
	v44 =	vadd.f32 v30, v13;
	v30 =	vld.idx.msk [tilespmem:v29+s29+$0x0], $0xffff  }
0x20f: {  	v29 =	vand.u32 $0x7, v62;
	v62 =	vadd.f32 v36, v14;
	v36 =	vadd.s32 v5, v34;
	[tilespmem:v53+s7+$0x0] =	vst.idx.msk $0xffff, v26  }
0x210: {  	v34 =	vadd.s32 v7, v24;
	v40 =	vadd.s32 v52, v55;
	[tilespmem:v42+s7+$0x0] =	vst.idx.msk $0xffff, v49  }
0x211: {  	v26 =	vld.idx.msk [tilespmem:v56+s15+$0x0], $0xffff;
	v31 =	vor.u32 v29, v59;
	v49 =	vand.u32 $0x7, v61;
	v29 =	vshll.u32 v56, $0x7;
	[tilespmem:v41+s7+$0x0] =	vst.idx.msk $0xffff, v62  }
0x212: {  	s24 =	sshll.u32 s21, $0x1;
	s28 =	simm.s32 $0x8;
	v42 =	vld.idx.msk [tilespmem:v50+s29+$0x0], $0xffff;
	v50 =	vand.u32 $0x7, v63;
	v33 =	vadd.s32 v58, v24;
	v41 =	vadd.f32 v51, v13  }
.LBB2_9:
0x213: {  	s30 =	sadd.s32 $0x1, s28;
	v43 =	vor.u32 v49, v43;
	v37 =	vor.u32 v50, v37  }
0x214: {  	s31 =	sadd.s32 $0x2, s28;
	s19 =	sadd.s32 $0x3, s28;
	v30 =	vadd.f32 v30, v13;
	v57 =	vadd.s32 v1, v24;
	v49 =	vmov s30  }
0x215: {  	v48 =	vld.idx.msk [tilespmem:v48+s29+$0x0], $0xffff;
	v63 =	vmov s31;
	[tilespmem:v17+s7+$0x0] =	vst.idx.msk $0xffff, v41;
	v60 =	vmov s19;
	v41 =	vadd.s32 v5, v32  }
0x216: {  	v47 =	vld.idx.msk [tilespmem:v47+s29+$0x0], $0xffff;
	[tilespmem:v21+s7+$0x0] =	vst.idx.msk $0xffff, v44;
	v17 =	vmovc v34;
	v34 =	vand.u32 $0x7D, v49;
	v61 =	vand.u32 $0x7F, v60;
	v54 =	vand.u32 $0x7E, v63  }
0x217: {  	[tilespmem:v12+s7+$0x0] =	vst.idx.msk $0xffff, v30;
	v30 =	vand.u32 $0x7, v46;
	v44 =	vshll.u32 v60, $0x7;
	v53 =	vadd.s32 v7, v34  }
0x218: {  	v55 =	vadd.s32 v58, v61;
	v46 =	vor.u32 v30, v45;
	v51 =	vadd.s32 v3, v26  }
0x219: {  	v62 =	vadd.f32 v42, v19;
	v52 =	vand.u32 $0x7, v51;
	v51 =	vand.u32 $0xFFFFFFF8, v51  }
0x21a: {  	v45 =	vshll.u32 v63, $0x7;
	v48 =	vadd.f32 v48, v19;
	v21 =	vadd.s32 v29, v51;
	v56 =	vld.idx.msk [tilespmem:v49+s15+$0x0], $0xffff  }
0x21b: {  	[tilespmem:v23+s7+$0x0] =	vst.idx.msk $0xffff, v62;
	v23 =	vadd.f32 v47, v13;
	v50 =	vld.idx.msk [tilespmem:v63+s15+$0x0], $0xffff;
	v52 =	vor.u32 v52, v21  }
0x21c: {  	v42 =	vadd.s32 v5, v54;
	v0 =	vadd.s32 v2, v26;
	v47 =	vld.idx.msk [tilespmem:v60+s15+$0x0], $0xffff;
	[tilespmem:v38+s7+$0x0] =	vst.idx.msk $0xffff, v48  }
0x21d: {  	v12 =	vmovc v18;
	v21 =	vadd.s32 v7, v20;
	v38 =	vshll.u32 v49, $0x7;
	[tilespmem:v15+s7+$0x0] =	vst.idx.msk $0xffff, v23;
	v15 =	vand.u32 $0x7, v27  }
0x21e: {  	[tilespmem:v57+s7+$0x0] =	vst.idx.msk $0xffff, v39;
	v49 =	vadd.s32 v5, v20;
	v40 =	vor.u32 v15, v40;
	v15 =	vand.u32 $0xFFFFFFF8, v0  }
0x21f: {  	v27 =	vadd.s32 v1, v32;
	v43 =	vld.idx.msk [tilespmem:v43+s29+$0x0], $0xffff;
	v48 =	vadd.s32 v29, v15;
	v57 =	vadd.s32 v4, v56  }
0x220: {  	v59 =	vadd.s32 v6, v56;
	v63 =	vadd.s32 v3, v50;
	v30 =	vld.idx.msk [tilespmem:v52+s29+$0x0], $0xffff;
	v52 =	vadd.s32 v58, v32  }
0x221: {  	v18 =	vmovc v53;
	v58 =	vadd.s32 v4, v26;
	v32 =	vld.idx.msk [tilespmem:v37+s29+$0x0], $0xffff;
	v37 =	vand.u32 $0x7, v0;
	v51 =	vadd.s32 v3, v47  }
0x222: {  	v53 =	vadd.s32 v2, v47;
	v15 =	vmovc v25;
	v60 =	vadd.s32 v4, v47;
	v25 =	vadd.s32 v3, v56  }
0x223: {  	v62 =	vand.u32 $0xFFFFFFF8, v59;
	v56 =	vadd.s32 v2, v56;
	v0 =	vand.u32 $0xFFFFFFF8, v63  }
0x224: {  	v63 =	vand.u32 $0x7, v63;
	v26 =	vadd.s32 v6, v26;
	v39 =	vand.u32 $0xFFFFFFF8, v51  }
0x225: {  	v24 =	vmovc v54;
	v23 =	vmovc v55;
	v54 =	vand.u32 $0xFFFFFFF8, v53;
	v55 =	vand.u32 $0xFFFFFFF8, v58;
	v37 =	vor.u32 v37, v48  }
0x226: {  	v48 =	vand.u32 $0xFFFFFFF8, v25;
	v25 =	vand.u32 $0x7, v25;
	v43 =	vadd.f32 v43, v14  }
0x227: {  	v35 =	vld.idx.msk [tilespmem:v35+s29+$0x0], $0xffff;
	v0 =	vadd.s32 v45, v0;
	v48 =	vadd.s32 v38, v48;
	v54 =	vadd.s32 v44, v54  }
0x228: {  	v20 =	vmovc v61;
	v55 =	vadd.s32 v29, v55;
	v0 =	vor.u32 v63, v0;
	v30 =	vadd.f32 v30, v16  }
0x229: {  	v53 =	vand.u32 $0x7, v53;
	[tilespmem:v36+s7+$0x0] =	vst.idx.msk $0xffff, v43;
	v25 =	vor.u32 v25, v48;
	v32 =	vadd.f32 v32, v14  }
0x22a: {  	v63 =	vadd.s32 v2, v50;
	v43 =	vand.u32 $0x7, v51;
	v51 =	vor.u32 v53, v54;
	[tilespmem:v27+s7+$0x0] =	vst.idx.msk $0xffff, v30  }
0x22b: {  	v61 =	vand.u32 $0xFFFFFFF8, v60;
	v27 =	vand.u32 $0x7, v58;
	v30 =	vld.idx.msk [tilespmem:v31+s29+$0x0], $0xffff;
	v58 =	vadd.s32 v44, v39;
	[tilespmem:v49+s7+$0x0] =	vst.idx.msk $0xffff, v32  }
0x22c: {  	v31 =	vld.idx.msk [tilespmem:v37+s29+$0x0], $0xffff;
	v36 =	vor.u32 v27, v55;
	v27 =	vadd.f32 v35, v19;
	v35 =	vor.u32 v43, v58  }
0x22d: {  	v53 =	vand.u32 $0x7, v56;
	v54 =	vadd.s32 v38, v62;
	v48 =	vand.u32 $0xFFFFFFF8, v63;
	v58 =	vld.idx.msk [tilespmem:v40+s29+$0x0], $0xffff  }
0x22e: {  	s31 =	smov.u32 s28;
	v62 =	vand.u32 $0x7, v26;
	v49 =	vand.u32 $0x7, v63;
	v55 =	vadd.s32 v1, v34;
	v63 =	vld.idx.msk [tilespmem:v25+s29+$0x0], $0xffff;
	[tilespmem:v33+s7+$0x0] =	vst.idx.msk $0xffff, v27  }
0x22f: {  	v37 =	vadd.s32 v44, v61;
	v61 =	vmov s31;
	v40 =	vadd.s32 v45, v48;
	v28 =	vld.idx.msk [tilespmem:v28+s29+$0x0], $0xffff  }
0x230: {  	v25 =	vadd.s32 v4, v50;
	v32 =	vand.u32 $0x7C, v61;
	v27 =	vand.u32 $0xFFFFFFF8, v57;
	v0 =	vld.idx.msk [tilespmem:v0+s29+$0x0], $0xffff  }
0x231: {  	v33 =	vand.u32 $0xFFFFFFF8, v56;
	v43 =	vadd.s32 v38, v27;
	v27 =	vadd.s32 v6, v47;
	v48 =	vld.idx.msk [tilespmem:v35+s29+$0x0], $0xffff  }
0x232: {  	v47 =	vand.u32 $0xFFFFFFF8, v26;
	v31 =	vadd.f32 v31, v19;
	v35 =	vor.u32 v49, v40;
	v49 =	vld [tilespmem:$0x1FFF0]  }
0x233: {  	v56 =	vadd.s32 v1, v20;
	v26 =	vand.u32 $0xFFFFFFF8, v25;
	v29 =	vadd.s32 v29, v47  }
0x234: {  	v47 =	vand.u32 $0x7, v25;
	v25 =	vadd.s32 v7, v32;
	[tilespmem:v52+s7+$0x0] =	vst.idx.msk $0xffff, v31;
	v31 =	vadd.s32 v38, v33  }
0x235: {  	v52 =	vand.u32 $0xFFFFFFF8, v27;
	v28 =	vadd.f32 v28, v14;
	v39 =	vadd.f32 v0, v16  }
0x236: {  	v0 =	vld.idx.msk [tilespmem:v36+s29+$0x0], $0xffff;
	v36 =	vadd.s32 v45, v26;
	v40 =	vadd.s32 v44, v52;
	v44 =	vadd.f32 v58, v13  }
0x237: {  	v58 =	vld [tilespmem:$0x1FFF0];
	v38 =	vadd.s32 v49, v34;
	[tilespmem:v22+s7+$0x0] =	vst.idx.msk $0xffff, v28;
	v28 =	vor.u32 v47, v36  }
0x238: {  	p0 =	slt.u32 s28, $0x7C;
	v36 =	vadd.f32 v48, v16;
	v47 =	vor.u32 v62, v29;
	v29 =	vadd.f32 v63, v16;
	v52 =	vld.idx.msk [tilespmem:v46+s29+$0x0], $0xffff  }
.Ltmp3:
0x239: {  	v48 =	vor.u32 v53, v31;
	v31 =	vand.u32 $0x7, v59;
	v49 =	vand.u32 $0x7, v57;
	(pc) =	sbr.rel @p0 .LBB2_9-.Ltmp3, $4  }
0x23a: {  	v26 =	vld.idx.msk [tilespmem:v61+s15+$0x0], $0xffff;
	v22 =	vmovc v42;
	v46 =	vadd.s32 v6, v50;
	v31 =	vor.u32 v31, v54;
	v50 =	vand.u32 $0x7, v60  }
0x23b: {  	v63 =	vand.u32 $0xFFFFFFF8, v46;
	[tilespmem:v56+s7+$0x0] =	vst.idx.msk $0xffff, v36;
	v36 =	vadd.s32 v5, v34;
	v0 =	vadd.f32 v0, v14  }
0x23c: {  	[tilespmem:v55+s7+$0x0] =	vst.idx.msk $0xffff, v29;
	v34 =	vadd.s32 v7, v24;
	v29 =	vshll.u32 v61, $0x7;
	v33 =	vadd.s32 v58, v24  }
0x23d: {  	s28 =	sadd.s32 $0x4, s28;
	v45 =	vadd.s32 v45, v63;
	v42 =	vld.idx.msk [tilespmem:v51+s29+$0x0], $0xffff;
	[tilespmem:v41+s7+$0x0] =	vst.idx.msk $0xffff, v0;
	v41 =	vadd.f32 v52, v13  }
0x23e: {  	_ = 	snop  }
0x23f: {  	v0 =	vadd.s32 v3, v26  }
0x240: {  	v51 =	vand.u32 $0xFFFFFFF8, v0  }
0x241: {  	v0 =	vand.u32 $0x7, v0;
	v51 =	vadd.s32 v29, v51  }
0x242: {  	v0 =	vor.u32 v0, v51;
	_ =	sdelay $0x2  }
0x243: {  	v24 =	vadd.s32 v1, v24;
	_ =	sdelay $0x1  }
0x244: {  	v62 =	vadd.s32 v2, v26;
	v0 =	vld.idx.msk [tilespmem:v0+s29+$0x0], $0xffff  }
0x245: {  	v52 =	vand.u32 $0xFFFFFFF8, v62  }
0x246: {  	v53 =	vadd.s32 v1, v32;
	v52 =	vadd.s32 v29, v52;
	v51 =	vand.u32 $0x7, v62  }
0x247: {  	v51 =	vor.u32 v51, v52;
	[tilespmem:v24+s7+$0x0] =	vst.idx.msk $0xffff, v39  }
0x248: {  	v24 =	vld.idx.msk [tilespmem:v35+s29+$0x0], $0xffff  }
0x249: {  	v0 =	vadd.f32 v0, v16;
	_ =	sdelay $0x1  }
0x24a: {  	v16 =	vld.idx.msk [tilespmem:v48+s29+$0x0], $0xffff;
	[tilespmem:v53+s7+$0x0] =	vst.idx.msk $0xffff, v0  }
0x24b: {  	v37 =	vor.u32 v50, v37;
	v63 =	vadd.s32 v4, v26;
	v52 =	vld.idx.msk [tilespmem:v51+s29+$0x0], $0xffff  }
0x24c: {  	v54 =	vand.u32 $0xFFFFFFF8, v63;
	v35 =	vand.u32 $0x7, v63;
	v24 =	vadd.f32 v24, v19  }
0x24d: {  	v48 =	vadd.s32 v29, v54;
	v0 =	vor.u32 v49, v43;
	v53 =	vadd.s32 v58, v32  }
0x24e: {  	v42 =	vadd.f32 v42, v19;
	v35 =	vor.u32 v35, v48  }
0x24f: {  	[tilespmem:v33+s7+$0x0] =	vst.idx.msk $0xffff, v24;
	v16 =	vadd.f32 v16, v19  }
0x250: {  	[tilespmem:v23+s7+$0x0] =	vst.idx.msk $0xffff, v42;
	v23 =	vld.idx.msk [tilespmem:v28+s29+$0x0], $0xffff;
	v19 =	vadd.f32 v52, v19  }
0x251: {  	v28 =	vld.idx.msk [tilespmem:v37+s29+$0x0], $0xffff;
	[tilespmem:v38+s7+$0x0] =	vst.idx.msk $0xffff, v16  }
0x252: {  	v26 =	vadd.s32 v6, v26;
	v24 =	vand.u32 $0x7, v46;
	v0 =	vld.idx.msk [tilespmem:v0+s29+$0x0], $0xffff;
	[tilespmem:v53+s7+$0x0] =	vst.idx.msk $0xffff, v19  }
0x253: {  	v16 =	vor.u32 v24, v45;
	v24 =	vadd.s32 v5, v20;
	v19 =	vand.u32 $0x7, v27;
	v27 =	vld.idx.msk [tilespmem:v35+s29+$0x0], $0xffff  }
0x254: {  	v55 =	vadd.s32 v5, v32;
	v56 =	vand.u32 $0xFFFFFFF8, v26;
	v19 =	vor.u32 v19, v40  }
0x255: {  	v26 =	vand.u32 $0x7, v26;
	v29 =	vadd.s32 v29, v56;
	v23 =	vadd.f32 v23, v14  }
0x256: {  	v26 =	vor.u32 v26, v29;
	v28 =	vadd.f32 v28, v14  }
0x257: {  	v29 =	vld.idx.msk [tilespmem:v47+s29+$0x0], $0xffff;
	[tilespmem:v22+s7+$0x0] =	vst.idx.msk $0xffff, v23;
	v0 =	vadd.f32 v0, v14  }
0x258: {  	[tilespmem:v24+s7+$0x0] =	vst.idx.msk $0xffff, v28;
	v16 =	vld.idx.msk [tilespmem:v16+s29+$0x0], $0xffff;
	v14 =	vadd.f32 v27, v14  }
0x259: {  	[tilespmem:v36+s7+$0x0] =	vst.idx.msk $0xffff, v0;
	v0 =	vld.idx.msk [tilespmem:v19+s29+$0x0], $0xffff  }
0x25a: {  	v19 =	vld.idx.msk [tilespmem:v31+s29+$0x0], $0xffff;
	[tilespmem:v55+s7+$0x0] =	vst.idx.msk $0xffff, v14  }
0x25b: {  	s19 =	simm.s32 $0x1;
	[tilespmem:v17+s7+$0x0] =	vst.idx.msk $0xffff, v41;
	v17 =	vadd.s32 v7, v20;
	v14 =	vadd.f32 v30, v13;
	v20 =	vld.idx.msk [tilespmem:v26+s29+$0x0], $0xffff  }
0x25c: {  	[tilespmem:v21+s7+$0x0] =	vst.idx.msk $0xffff, v44;
	v21 =	vadd.f32 v29, v13;
	v22 =	vmov s19  }
0x25d: {  	s31 =	simm.s32 $0x0;
	v27 =	vand.u32 $0x7D, v22;
	[tilespmem:v12+s7+$0x0] =	vst.idx.msk $0xffff, v14;
	v12 =	vadd.f32 v16, v13  }
0x25e: {  	s28 =	simm.s32 $0x2;
	[tilespmem:v15+s7+$0x0] =	vst.idx.msk $0xffff, v21;
	v52 =	vmov s31;
	v14 =	vor.u32 $0x80, v27;
	v0 =	vadd.f32 v0, v13  }
0x25f: {  	v15 =	vmov s28;
	v41 =	vshll.u32 v52, $0x7;
	[tilespmem:v34+s7+$0x0] =	vst.idx.msk $0xffff, v12;
	v12 =	vadd.f32 v19, v13  }
0x260: {  	v41 =	vadd.s32 $0x4000, v41;
	v34 =	vand.u32 $0x7C, v52;
	[tilespmem:v17+s7+$0x0] =	vst.idx.msk $0xffff, v0;
	v0 =	vadd.f32 v20, v13  }
0x261: {  	v61 =	vadd.s32 v8, v27;
	v55 =	vor.u32 $0x80, v34;
	v20 =	vand.u32 $0x7E, v15;
	[tilespmem:v18+s7+$0x0] =	vst.idx.msk $0xffff, v12  }
0x262: {  	v51 =	vadd.s32 v9, v27;
	v52 =	vadd.s32 v9, v34;
	v13 =	vor.u32 $0x80, v20;
	[tilespmem:v25+s7+$0x0] =	vst.idx.msk $0xffff, v0  }
0x263: {  	s30 =	simm.s32 $0x3;
	v18 =	vshll.u32 v22, $0x7;
	v15 =	vshll.u32 v15, $0x7;
	v29 =	vadd.s32 v10, v20;
	v16 =	vld.idx.msk [tilespmem:v14+s15+$0x0], $0xffff  }
0x264: {  	v12 =	vadd.s32 v11, v20;
	v23 =	vadd.s32 $0x4000, v15;
	v0 =	vmov s30  }
0x265: {  	v19 =	vadd.s32 $0x4000, v18;
	v45 =	vadd.s32 v9, v20;
	v21 =	vand.u32 $0x7F, v0  }
0x266: {  	v0 =	vshll.u32 v0, $0x7;
	v17 =	vor.u32 $0x80, v21;
	v14 =	vadd.s32 v11, v21;
	v43 =	vld.idx.msk [tilespmem:v55+s15+$0x0], $0xffff  }
0x267: {  	v0 =	vadd.s32 $0x4000, v0;
	v46 =	vadd.s32 v8, v21;
	v22 =	vld.idx.msk [tilespmem:v13+s15+$0x0], $0xffff;
	v13 =	vadd.s32 v10, v21  }
0x268: {  	v24 =	vadd.s32 v4, v16;
	v15 =	vadd.s32 v3, v16;
	v25 =	vadd.s32 v6, v16  }
0x269: {  	v16 =	vadd.s32 v2, v16;
	v18 =	vand.u32 $0xFFFFFFF8, v15;
	v15 =	vand.u32 $0x7, v15  }
0x26a: {  	v28 =	vand.u32 $0xFFFFFFF8, v24;
	v30 =	vand.u32 $0xFFFFFFF8, v25;
	v25 =	vand.u32 $0x7, v25  }
0x26b: {  	v26 =	vld.idx.msk [tilespmem:v17+s15+$0x0], $0xffff;
	v24 =	vand.u32 $0x7, v24;
	v44 =	vadd.s32 v6, v43;
	v17 =	vadd.s32 v19, v18  }
0x26c: {  	v28 =	vadd.s32 v19, v28;
	v30 =	vadd.s32 v19, v30;
	v15 =	vor.u32 v15, v17  }
0x26d: {  	v18 =	vadd.s32 v3, v22;
	v17 =	vand.u32 $0xFFFFFFF8, v16;
	v16 =	vand.u32 $0x7, v16  }
0x26e: {  	v30 =	vor.u32 v25, v30;
	v63 =	vadd.s32 v2, v22;
	v53 =	vadd.s32 v4, v22  }
0x26f: {  	v22 =	vadd.s32 v6, v22;
	v24 =	vor.u32 v24, v28;
	v31 =	vand.u32 $0xFFFFFFF8, v18  }
0x270: {  	v57 =	vand.u32 $0x7, v18;
	v18 =	vld [tilespmem:s25+$0x40];
	v31 =	vadd.s32 v23, v31;
	v58 =	vadd.s32 v3, v26  }
0x271: {  	v19 =	vadd.s32 v19, v17;
	v31 =	vor.u32 v57, v31;
	v25 =	vand.u32 $0xFFFFFFF8, v58;
	v15 =	vld.idx.msk [tilespmem:v15+s29+$0x0], $0xffff  }
0x272: {  	v59 =	vadd.s32 v2, v26;
	v33 =	vand.u32 $0x7, v58;
	v25 =	vadd.s32 v0, v25  }
0x273: {  	v49 =	vand.u32 $0xFFFFFFF8, v63;
	v60 =	vand.u32 $0xFFFFFFF8, v59;
	v25 =	vor.u32 v33, v25  }
0x274: {  	v17 =	vld [tilespmem:s25+$0x50];
	v62 =	vor.u32 v16, v19;
	v32 =	vand.u32 $0x7, v59;
	v16 =	vadd.s32 v0, v60  }
0x275: {  	v54 =	vand.u32 $0xFFFFFFF8, v53;
	v28 =	vand.u32 $0xFFFFFFF8, v22;
	v32 =	vor.u32 v32, v16;
	v16 =	vld [tilespmem:s25+$0x60]  }
0x276: {  	v36 =	vand.u32 $0x7, v63;
	v63 =	vadd.s32 v3, v43;
	v31 =	vld.idx.msk [tilespmem:v31+s29+$0x0], $0xffff;
	v19 =	vadd.f32 v15, v18  }
0x277: {  	v42 =	vadd.s32 v23, v54;
	v28 =	vadd.s32 v23, v28;
	v48 =	vadd.s32 v4, v26;
	v15 =	vld [tilespmem:s25+$0x70]  }
0x278: {  	s30 =	simm.s32 $0x7;
	v22 =	vand.u32 $0x7, v22;
	v26 =	vadd.s32 v6, v26;
	v50 =	vand.u32 $0xFFFFFFF8, v48;
	v25 =	vld.idx.msk [tilespmem:v25+s29+$0x0], $0xffff;
	[tilespmem:v61+s7+$0x0] =	vst.idx.msk $0xffff, v19  }
0x279: {  	v56 =	vand.u32 $0xFFFFFFF8, v26;
	v37 =	vand.u32 $0x7, v48;
	v58 =	vmov s30;
	v35 =	vld.idx.msk [tilespmem:v62+s29+$0x0], $0xffff  }
0x27a: {  	v40 =	vadd.s32 v0, v50;
	v0 =	vadd.s32 v0, v56;
	v60 =	vand.u32 $0xFFFFFFF8, v44  }
0x27b: {  	v39 =	vand.u32 $0x7F, v58;
	v33 =	vand.u32 $0x7, v53;
	v50 =	vadd.s32 v41, v60  }
0x27c: {  	v37 =	vor.u32 v37, v40;
	v33 =	vor.u32 v33, v42;
	v42 =	vadd.s32 v10, v27  }
0x27d: {  	v19 =	vadd.s32 v11, v34;
	v31 =	vadd.f32 v31, v18;
	v62 =	vadd.s32 v2, v43  }
0x27e: {  	v43 =	vadd.s32 v4, v43;
	v38 =	vadd.f32 v25, v18;
	v57 =	vadd.f32 v35, v17  }
0x27f: {  	s25 =	simm.s32 $0x5;
	v35 =	vor.u32 v22, v28;
	v22 =	vand.u32 $0x7, v26;
	v26 =	vadd.s32 v8, v20  }
0x280: {  	v20 =	vmov s25;
	v22 =	vor.u32 v22, v0;
	v0 =	vadd.s32 v23, v49  }
0x281: {  	v28 =	vadd.s32 v9, v21;
	v21 =	vand.u32 $0x7D, v20;
	v0 =	vor.u32 v36, v0  }
0x282: {  	v54 =	vand.u32 $0xFFFFFFF8, v62;
	v55 =	vand.u32 $0xFFFFFFF8, v43;
	v59 =	vor.u32 $0x80, v21  }
0x283: {  	s28 =	simm.s32 $0x6;
	v56 =	vor.u32 $0x80, v39;
	v54 =	vadd.s32 v41, v54;
	v55 =	vadd.s32 v41, v55;
	[tilespmem:v46+s7+$0x0] =	vst.idx.msk $0xffff, v38  }
0x284: {  	v38 =	vand.u32 $0x7, v43;
	v43 =	vadd.s32 v8, v34;
	v32 =	vld.idx.msk [tilespmem:v32+s29+$0x0], $0xffff;
	v36 =	vmov s28;
	[tilespmem:v51+s7+$0x0] =	vst.idx.msk $0xffff, v57  }
0x285: {  	v49 =	vshll.u32 v58, $0x7;
	v61 =	vshll.u32 v20, $0x7;
	v25 =	vand.u32 $0x7E, v36;
	v24 =	vld.idx.msk [tilespmem:v24+s29+$0x0], $0xffff;
	[tilespmem:v26+s7+$0x0] =	vst.idx.msk $0xffff, v31  }
0x286: {  	v58 =	vand.u32 $0x7, v62;
	v55 =	vor.u32 v38, v55;
	v48 =	vor.u32 $0x80, v25;
	v0 =	vld.idx.msk [tilespmem:v0+s29+$0x0], $0xffff  }
0x287: {  	v57 =	vand.u32 $0xFFFFFFF8, v63;
	v46 =	vor.u32 v58, v54;
	v49 =	vadd.s32 $0x4000, v49;
	v47 =	vld.idx.msk [tilespmem:v59+s15+$0x0], $0xffff  }
0x288: {  	v36 =	vshll.u32 v36, $0x7;
	v41 =	vadd.s32 v41, v57;
	v23 =	vadd.s32 v10, v25  }
0x289: {  	v20 =	vadd.s32 v11, v25;
	v53 =	vadd.s32 $0x4000, v36;
	v26 =	vadd.s32 v10, v39  }
0x28a: {  	v51 =	vadd.f32 v32, v17;
	v59 =	vand.u32 $0x7, v63;
	v31 =	vadd.f32 v24, v16  }
0x28b: {  	v24 =	vadd.s32 v11, v39;
	v36 =	vor.u32 v59, v41;
	v59 =	vadd.s32 v11, v27;
	v48 =	vld.idx.msk [tilespmem:v48+s15+$0x0], $0xffff  }
0x28c: {  	v40 =	vadd.s32 $0x4000, v61;
	[tilespmem:v42+s7+$0x0] =	vst.idx.msk $0xffff, v31;
	v54 =	vadd.s32 v4, v47;
	v0 =	vadd.f32 v0, v17  }
0x28d: {  	v31 =	vadd.s32 v3, v47;
	v41 =	vadd.s32 v6, v47;
	v47 =	vadd.s32 v2, v47  }
0x28e: {  	v56 =	vld.idx.msk [tilespmem:v56+s15+$0x0], $0xffff;
	v60 =	vand.u32 $0xFFFFFFF8, v31;
	v31 =	vand.u32 $0x7, v31;
	v32 =	vand.u32 $0xFFFFFFF8, v47  }
0x28f: {  	v30 =	vld.idx.msk [tilespmem:v30+s29+$0x0], $0xffff;
	v63 =	vand.u32 $0xFFFFFFF8, v54;
	v47 =	vand.u32 $0x7, v47;
	v61 =	vadd.s32 v40, v60  }
0x290: {  	v62 =	vadd.s32 v3, v48;
	v57 =	vadd.s32 v40, v63;
	v60 =	vand.u32 $0xFFFFFFF8, v41  }
0x291: {  	v41 =	vand.u32 $0x7, v41;
	[tilespmem:v45+s7+$0x0] =	vst.idx.msk $0xffff, v0;
	v0 =	vadd.s32 v40, v32;
	v31 =	vor.u32 v31, v61  }
0x292: {  	v58 =	vadd.s32 v40, v60;
	v61 =	vand.u32 $0xFFFFFFF8, v62;
	v42 =	vand.u32 $0x7, v62  }
0x293: {  	v27 =	vor.u32 v41, v58;
	v41 =	vadd.s32 v53, v61;
	v58 =	vadd.s32 v3, v56  }
0x294: {  	v36 =	vld.idx.msk [tilespmem:v36+s29+$0x0], $0xffff;
	v60 =	vadd.f32 v30, v15;
	v30 =	vor.u32 v42, v41;
	v42 =	vadd.s32 v2, v56  }
0x295: {  	[tilespmem:v28+s7+$0x0] =	vst.idx.msk $0xffff, v51;
	v0 =	vor.u32 v47, v0;
	v41 =	vand.u32 $0xFFFFFFF8, v58;
	v62 =	vand.u32 $0xFFFFFFF8, v42  }
0x296: {  	v47 =	vadd.s32 v2, v48;
	v41 =	vadd.s32 v49, v41;
	v63 =	vadd.s32 v49, v62  }
0x297: {  	v62 =	vadd.s32 v4, v56;
	v56 =	vadd.s32 v6, v56;
	v61 =	vld.idx.msk [tilespmem:v31+s29+$0x0], $0xffff;
	v31 =	vand.u32 $0x7, v58  }
0x298: {  	v40 =	vld.idx.msk [tilespmem:v33+s29+$0x0], $0xffff;
	v51 =	vand.u32 $0x7, v47;
	[tilespmem:v59+s7+$0x0] =	vst.idx.msk $0xffff, v60;
	v60 =	vand.u32 $0xFFFFFFF8, v56;
	v45 =	vor.u32 v31, v41  }
0x299: {  	v31 =	vand.u32 $0x7, v42;
	v42 =	vadd.s32 v8, v21;
	v41 =	vadd.f32 v36, v18  }
0x29a: {  	v58 =	vand.u32 $0xFFFFFFF8, v47;
	v60 =	vadd.s32 v49, v60;
	v31 =	vor.u32 v31, v63  }
0x29b: {  	v36 =	vld.idx.msk [tilespmem:v30+s29+$0x0], $0xffff;
	v63 =	vand.u32 $0xFFFFFFF8, v62;
	[tilespmem:v43+s7+$0x0] =	vst.idx.msk $0xffff, v41;
	v41 =	vand.u32 $0x7, v44;
	v44 =	vadd.s32 v9, v21  }
0x29c: {  	s31 =	simm.s32 $0x4;
	v37 =	vld.idx.msk [tilespmem:v37+s29+$0x0], $0xffff;
	v32 =	vadd.s32 v49, v63;
	v63 =	vadd.s32 v4, v48;
	v30 =	vadd.f32 v61, v18  }
0x29d: {  	v43 =	vadd.s32 v10, v34;
	v38 =	vld.idx.msk [tilespmem:v46+s29+$0x0], $0xffff;
	v46 =	vadd.f32 v40, v16;
	v61 =	vmov s31  }
0x29e: {  	v33 =	vor.u32 v41, v50;
	v28 =	vand.u32 $0x7C, v61;
	v41 =	vshll.u32 v61, $0x7;
	[tilespmem:v42+s7+$0x0] =	vst.idx.msk $0xffff, v30  }
0x29f: {  	v61 =	vand.u32 $0xFFFFFFF8, v63;
	[tilespmem:v29+s7+$0x0] =	vst.idx.msk $0xffff, v46;
	v46 =	vand.u32 $0x7, v62;
	v42 =	vor.u32 $0x80, v28;
	v0 =	vld.idx.msk [tilespmem:v0+s29+$0x0], $0xffff  }
0x2a0: {  	v30 =	vadd.s32 v11, v28;
	v50 =	vadd.s32 v53, v61;
	v40 =	vadd.f32 v36, v18  }
0x2a1: {  	v36 =	vand.u32 $0x7, v63;
	v63 =	vand.u32 $0x7, v54;
	v54 =	vadd.s32 v6, v48  }
0x2a2: {  	v59 =	vld.idx.msk [tilespmem:v45+s29+$0x0], $0xffff;
	v48 =	vadd.f32 v37, v16;
	v37 =	vadd.s32 v9, v39;
	v57 =	vor.u32 v63, v57  }
0x2a3: {  	v34 =	vld.idx.msk [tilespmem:v35+s29+$0x0], $0xffff;
	v35 =	vadd.s32 v8, v39;
	v29 =	vand.u32 $0xFFFFFFF8, v54;
	v38 =	vadd.f32 v38, v17  }
0x2a4: {  	v36 =	vor.u32 v36, v50;
	v63 =	vand.u32 $0x7, v56;
	v45 =	vld.idx.msk [tilespmem:v42+s15+$0x0], $0xffff;
	v0 =	vadd.f32 v0, v17  }
0x2a5: {  	v61 =	vand.u32 $0x7, v54;
	v29 =	vadd.s32 v53, v29;
	v50 =	vor.u32 v63, v60;
	[tilespmem:v52+s7+$0x0] =	vst.idx.msk $0xffff, v38  }
0x2a6: {  	v63 =	vlaneseq.u32;
	v29 =	vor.u32 v61, v29;
	v38 =	vadd.s32 v9, v25;
	v49 =	vld.idx.msk [tilespmem:v55+s29+$0x0], $0xffff;
	[tilespmem:v44+s7+$0x0] =	vst.idx.msk $0xffff, v0  }
0x2a7: {  	s25 =	simm.s32 $0x8;
	v52 =	vadd.s32 v53, v58;
	v42 =	vadd.f32 v59, v18;
	v44 =	vadd.s32 v10, v21;
	v47 =	vld.idx.msk [tilespmem:v57+s29+$0x0], $0xffff  }
.LBB2_11:
0x2a8: {  	s19 =	sadd.s32 $0x1, s25;
	s28 =	sadd.s32 $0x2, s25;
	s30 =	sadd.s32 $0x3, s25;
	v0 =	vadd.s32 $0x4000, v41;
	v53 =	vadd.s32 v8, v25;
	v51 =	vor.u32 v51, v52;
	[tilespmem:v13+s7+$0x0] =	vst.idx.msk $0xffff, v48  }
0x2a9: {  	p0 =	slt.u32 s25, $0x7C;
	v41 =	vadd.s32 v6, v45;
	v13 =	vmovc v26;
	v48 =	vmov s19;
	v52 =	vmov s28;
	v54 =	vld.idx.msk [tilespmem:v22+s29+$0x0], $0xffff;
	v22 =	vmovc v50;
	s28 =	smov.u32 s25;
	s25 =	sadd.s32 $0x4, s25  }
0x2aa: {  	v26 =	vmov s30;
	v50 =	vand.u32 $0x7D, v48;
	v25 =	vand.u32 $0x7E, v52  }
0x2ab: {  	v49 =	vadd.f32 v49, v16;
	v55 =	vor.u32 $0x80, v50;
	v56 =	vor.u32 $0x80, v25  }
0x2ac: {  	v58 =	vand.u32 $0xFFFFFFF8, v41;
	v57 =	vshll.u32 v26, $0x7;
	v39 =	vadd.s32 v10, v25;
	[tilespmem:v35+s7+$0x0] =	vst.idx.msk $0xffff, v42  }
0x2ad: {  	v48 =	vshll.u32 v48, $0x7;
	v59 =	vadd.s32 v11, v25;
	v42 =	vadd.s32 v2, v45;
	[tilespmem:v43+s7+$0x0] =	vst.idx.msk $0xffff, v49  }
0x2ae: {  	v43 =	vadd.s32 v63, v45;
	v35 =	vand.u32 $0xFFFFFFF8, v42;
	v45 =	vadd.s32 v4, v45;
	v33 =	vld.idx.msk [tilespmem:v33+s29+$0x0], $0xffff  }
0x2af: {  	v58 =	vadd.s32 v0, v58;
	v49 =	vadd.s32 v0, v35;
	v60 =	vand.u32 $0xFFFFFFF8, v45;
	[tilespmem:v53+s7+$0x0] =	vst.idx.msk $0xffff, v40  }
0x2b0: {  	v47 =	vadd.f32 v47, v16;
	v35 =	vand.u32 $0x7F, v26;
	v40 =	vadd.s32 v0, v60;
	v51 =	vld.idx.msk [tilespmem:v51+s29+$0x0], $0xffff  }
0x2b1: {  	v26 =	vadd.s32 v10, v35;
	v60 =	vand.u32 $0xFFFFFFF8, v43;
	v53 =	vld.idx.msk [tilespmem:v55+s15+$0x0], $0xffff;
	v55 =	vor.u32 $0x80, v35  }
0x2b2: {  	v52 =	vshll.u32 v52, $0x7;
	v45 =	vand.u32 $0x7, v45;
	v61 =	vadd.s32 v11, v35;
	[tilespmem:v44+s7+$0x0] =	vst.idx.msk $0xffff, v47;
	v31 =	vld.idx.msk [tilespmem:v31+s29+$0x0], $0xffff  }
0x2b3: {  	v34 =	vadd.f32 v34, v15;
	v0 =	vadd.s32 v0, v60;
	v47 =	vadd.f32 v54, v15;
	v44 =	vld.idx.msk [tilespmem:v56+s15+$0x0], $0xffff  }
0x2b4: {  	v42 =	vand.u32 $0x7, v42;
	v54 =	vadd.s32 v8, v28;
	v56 =	vld.idx.msk [tilespmem:v27+s29+$0x0], $0xffff;
	v27 =	vadd.f32 v33, v15  }
0x2b5: {  	v32 =	vor.u32 v46, v32;
	v33 =	vand.u32 $0x7, v43;
	v43 =	vor.u32 v42, v49;
	[tilespmem:v14+s7+$0x0] =	vst.idx.msk $0xffff, v47  }
0x2b6: {  	v46 =	vadd.s32 v9, v28;
	v42 =	vadd.s32 $0x4000, v52;
	v0 =	vor.u32 v33, v0;
	[tilespmem:v19+s7+$0x0] =	vst.idx.msk $0xffff, v27  }
0x2b7: {  	v49 =	vadd.s32 $0x4000, v57;
	v14 =	vadd.f32 v51, v17;
	v47 =	vadd.s32 v4, v53;
	[tilespmem:v12+s7+$0x0] =	vst.idx.msk $0xffff, v34  }
0x2b8: {  	v33 =	vadd.s32 $0x4000, v48;
	v19 =	vadd.s32 v63, v53;
	v27 =	vadd.s32 v6, v53;
	v12 =	vmovc v20;
	v34 =	vld.idx.msk [tilespmem:v55+s15+$0x0], $0xffff  }
0x2b9: {  	v48 =	vadd.s32 v2, v53;
	v3 =	vand.u32 $0xFFFFFFF8, v19;
	v52 =	vadd.f32 v31, v17;
	[tilespmem:v38+s7+$0x0] =	vst.idx.msk $0xffff, v14  }
0x2ba: {  	v20 =	vmovc v59;
	v55 =	vand.u32 $0x7, v19;
	v31 =	vadd.s32 v33, v3;
	v38 =	vadd.s32 v63, v44;
	v36 =	vld.idx.msk [tilespmem:v36+s29+$0x0], $0xffff  }
0x2bb: {  	v51 =	vand.u32 $0xFFFFFFF8, v48;
	v3 =	vand.u32 $0xFFFFFFF8, v47;
	v31 =	vor.u32 v55, v31;
	v14 =	vmovc v24;
	[tilespmem:v37+s7+$0x0] =	vst.idx.msk $0xffff, v52  }
0x2bc: {  	v24 =	vmovc v61;
	v19 =	vmovc v30;
	v37 =	vand.u32 $0x7, v48;
	v48 =	vadd.s32 v33, v3;
	v52 =	vand.u32 $0xFFFFFFF8, v27;
	v53 =	vld.idx.msk [tilespmem:v32+s29+$0x0], $0xffff  }
0x2bd: {  	v27 =	vand.u32 $0x7, v27;
	v30 =	vadd.s32 v33, v52;
	v32 =	vadd.s32 v11, v21;
	v21 =	vmovc v50  }
0x2be: {  	v27 =	vor.u32 v27, v30;
	v30 =	vand.u32 $0xFFFFFFF8, v38;
	v38 =	vand.u32 $0x7, v38;
	v0 =	vld.idx.msk [tilespmem:v0+s29+$0x0], $0xffff  }
0x2bf: {  	v52 =	vadd.f32 v56, v15;
	v50 =	vadd.s32 v63, v34;
	v30 =	vadd.s32 v42, v30  }
0x2c0: {  	v30 =	vor.u32 v38, v30;
	v38 =	vadd.s32 v2, v34;
	v55 =	vld.idx.msk [tilespmem:v31+s29+$0x0], $0xffff;
	v31 =	vand.u32 $0xFFFFFFF8, v50  }
0x2c1: {  	v50 =	vand.u32 $0x7, v50;
	v56 =	vand.u32 $0xFFFFFFF8, v38;
	v31 =	vadd.s32 v49, v31  }
0x2c2: {  	v33 =	vadd.s32 v33, v51;
	v50 =	vor.u32 v50, v31;
	v31 =	vand.u32 $0x7, v38;
	[tilespmem:v32+s7+$0x0] =	vst.idx.msk $0xffff, v52  }
0x2c3: {  	v37 =	vor.u32 v37, v33;
	v38 =	vadd.s32 v8, v21;
	v32 =	vadd.s32 v49, v56  }
0x2c4: {  	v51 =	vadd.s32 v2, v44;
	v31 =	vor.u32 v31, v32;
	v0 =	vadd.f32 v0, v18  }
0x2c5: {  	v59 =	vor.u32 v45, v40;
	v57 =	vadd.s32 v4, v34;
	v56 =	vand.u32 $0xFFFFFFF8, v51;
	v52 =	vld.idx.msk [tilespmem:v30+s29+$0x0], $0xffff  }
0x2c6: {  	v32 =	vand.u32 $0xFFFFFFF8, v57;
	v30 =	vadd.f32 v55, v18;
	[tilespmem:v54+s7+$0x0] =	vst.idx.msk $0xffff, v0;
	v0 =	vand.u32 $0x7, v41  }
0x2c7: {  	v32 =	vadd.s32 v49, v32;
	v54 =	vadd.s32 v9, v21;
	v43 =	vld.idx.msk [tilespmem:v43+s29+$0x0], $0xffff;
	v33 =	vor.u32 v0, v58  }
0x2c8: {  	v36 =	vadd.f32 v36, v16;
	v0 =	vmov s28;
	[tilespmem:v38+s7+$0x0] =	vst.idx.msk $0xffff, v30;
	v38 =	vadd.s32 v4, v44  }
0x2c9: {  	v45 =	vand.u32 $0x7C, v0;
	v41 =	vshll.u32 v0, $0x7;
	v0 =	vand.u32 $0xFFFFFFF8, v38  }
0x2ca: {  	v55 =	vor.u32 $0x80, v45;
	v30 =	vadd.s32 v11, v45;
	v37 =	vld.idx.msk [tilespmem:v37+s29+$0x0], $0xffff;
	v0 =	vadd.s32 v42, v0  }
0x2cb: {  	v40 =	vadd.f32 v52, v18;
	v52 =	vand.u32 $0x7, v38;
	v58 =	vld.idx.msk [tilespmem:v50+s29+$0x0], $0xffff;
	v50 =	vadd.s32 v6, v34  }
0x2cc: {  	v38 =	vadd.s32 v6, v44;
	v34 =	vand.u32 $0x7, v47;
	v44 =	vand.u32 $0xFFFFFFF8, v50;
	[tilespmem:v23+s7+$0x0] =	vst.idx.msk $0xffff, v36;
	v23 =	vmovc v39  }
0x2cd: {  	v39 =	vor.u32 v34, v48;
	v36 =	vadd.f32 v43, v17;
	v47 =	vadd.s32 v49, v44;
	v34 =	vld.idx.msk [tilespmem:v29+s29+$0x0], $0xffff  }
0x2ce: {  	v43 =	vadd.s32 v10, v28;
	v48 =	vadd.f32 v53, v16;
	v28 =	vmovc v45;
	v29 =	vand.u32 $0xFFFFFFF8, v38  }
.Ltmp4:
0x2cf: {  	v51 =	vand.u32 $0x7, v51;
	v44 =	vand.u32 $0x7, v38;
	v29 =	vadd.s32 v42, v29;
	v45 =	vld.idx.msk [tilespmem:v55+s15+$0x0], $0xffff;
	[tilespmem:v46+s7+$0x0] =	vst.idx.msk $0xffff, v36;
	(pc) =	sbr.rel @p0 .LBB2_11-.Ltmp4, $4  }
0x2d0: {  	v38 =	vadd.s32 v9, v25;
	v46 =	vadd.f32 v37, v17;
	v36 =	vor.u32 v52, v0  }
0x2d1: {  	v29 =	vor.u32 v44, v29;
	v37 =	vadd.s32 v9, v35;
	v0 =	vand.u32 $0x7, v50;
	v49 =	vld.idx.msk [tilespmem:v59+s29+$0x0], $0xffff  }
0x2d2: {  	v44 =	vadd.s32 v10, v21;
	v50 =	vor.u32 v0, v47;
	[tilespmem:v54+s7+$0x0] =	vst.idx.msk $0xffff, v46;
	v46 =	vand.u32 $0x7, v57  }
0x2d3: {  	v52 =	vadd.s32 v42, v56;
	v35 =	vadd.s32 v8, v35;
	v42 =	vadd.f32 v58, v18;
	v47 =	vld.idx.msk [tilespmem:v39+s29+$0x0], $0xffff  }
0x2d4: {  	v0 =	vadd.s32 v63, v45  }
0x2d5: {  	v39 =	vadd.s32 $0x4000, v41;
	v57 =	vand.u32 $0xFFFFFFF8, v0  }
0x2d6: {  	v0 =	vand.u32 $0x7, v0;
	v41 =	vadd.s32 v39, v57  }
0x2d7: {  	v0 =	vor.u32 v0, v41;
	_ =	sdelay $0x3  }
0x2d8: {  	v25 =	vadd.s32 v8, v25  }
0x2d9: {  	v58 =	vadd.s32 v2, v45;
	v51 =	vor.u32 v51, v52;
	v0 =	vld.idx.msk [tilespmem:v0+s29+$0x0], $0xffff  }
0x2da: {  	v53 =	vand.u32 $0xFFFFFFF8, v58  }
0x2db: {  	v54 =	vadd.s32 v8, v28;
	v53 =	vadd.s32 v39, v53;
	v41 =	vand.u32 $0x7, v58  }
0x2dc: {  	v41 =	vor.u32 v41, v53  }
0x2dd: {  	[tilespmem:v25+s7+$0x0] =	vst.idx.msk $0xffff, v40  }
0x2de: {  	v61 =	vld.idx.msk [tilespmem:v51+s29+$0x0], $0xffff;
	v0 =	vadd.f32 v0, v18  }
0x2df: {  	[tilespmem:v35+s7+$0x0] =	vst.idx.msk $0xffff, v42  }
0x2e0: {  	v31 =	vld.idx.msk [tilespmem:v31+s29+$0x0], $0xffff;
	[tilespmem:v54+s7+$0x0] =	vst.idx.msk $0xffff, v0  }
0x2e1: {  	v59 =	vadd.s32 v4, v45;
	v60 =	vld.idx.msk [tilespmem:v41+s29+$0x0], $0xffff  }
0x2e2: {  	v32 =	vor.u32 v46, v32;
	v62 =	vadd.s32 v9, v28;
	v0 =	vand.u32 $0xFFFFFFF8, v59  }
0x2e3: {  	v42 =	vadd.f32 v61, v17;
	v18 =	vand.u32 $0x7, v59;
	v0 =	vadd.s32 v39, v0  }
0x2e4: {  	v0 =	vor.u32 v18, v0  }
0x2e5: {  	[tilespmem:v38+s7+$0x0] =	vst.idx.msk $0xffff, v42;
	v41 =	vadd.f32 v31, v17  }
0x2e6: {  	v52 =	vld.idx.msk [tilespmem:v36+s29+$0x0], $0xffff;
	v25 =	vadd.f32 v60, v17  }
0x2e7: {  	[tilespmem:v37+s7+$0x0] =	vst.idx.msk $0xffff, v41  }
0x2e8: {  	v46 =	vadd.s32 v6, v45;
	v49 =	vadd.f32 v49, v16;
	v18 =	vld.idx.msk [tilespmem:v32+s29+$0x0], $0xffff;
	[tilespmem:v62+s7+$0x0] =	vst.idx.msk $0xffff, v25  }
0x2e9: {  	v51 =	vand.u32 $0xFFFFFFF8, v46;
	v0 =	vld.idx.msk [tilespmem:v0+s29+$0x0], $0xffff  }
0x2ea: {  	[tilespmem:v43+s7+$0x0] =	vst.idx.msk $0xffff, v49;
	v53 =	vadd.s32 v39, v51  }
0x2eb: {  	v56 =	vld.idx.msk [tilespmem:v33+s29+$0x0], $0xffff;
	v54 =	vadd.s32 v10, v28;
	v57 =	vadd.f32 v52, v16;
	v25 =	vand.u32 $0x7, v46  }
0x2ec: {  	[tilespmem:v13+s7+$0x0] =	vst.idx.msk $0xffff, v48;
	v55 =	vadd.f32 v47, v16;
	v13 =	vor.u32 v25, v53  }
0x2ed: {  	v22 =	vld.idx.msk [tilespmem:v22+s29+$0x0], $0xffff;
	[tilespmem:v23+s7+$0x0] =	vst.idx.msk $0xffff, v57;
	v18 =	vadd.f32 v18, v16  }
0x2ee: {  	[tilespmem:v44+s7+$0x0] =	vst.idx.msk $0xffff, v55;
	v59 =	vld.idx.msk [tilespmem:v29+s29+$0x0], $0xffff;
	v0 =	vadd.f32 v0, v16  }
0x2ef: {  	v17 =	vld.idx.msk [tilespmem:v27+s29+$0x0], $0xffff;
	[tilespmem:v26+s7+$0x0] =	vst.idx.msk $0xffff, v18  }
0x2f0: {  	v58 =	vadd.f32 v56, v15;
	v18 =	vld.idx.msk [tilespmem:v50+s29+$0x0], $0xffff;
	[tilespmem:v54+s7+$0x0] =	vst.idx.msk $0xffff, v0  }
0x2f1: {  	v21 =	vadd.s32 v11, v21;
	v60 =	vadd.f32 v34, v15;
	v13 =	vld.idx.msk [tilespmem:v13+s29+$0x0], $0xffff  }
0x2f2: {  	[tilespmem:v19+s7+$0x0] =	vst.idx.msk $0xffff, v58;
	v0 =	vadd.f32 v22, v15  }
0x2f3: {  	[tilespmem:v12+s7+$0x0] =	vst.idx.msk $0xffff, v60;
	v62 =	vadd.f32 v59, v15  }
0x2f4: {  	s19 =	sshll.u32 s23, $0x13;
	[tilespmem:v14+s7+$0x0] =	vst.idx.msk $0xffff, v0;
	v0 =	vadd.f32 v17, v15  }
0x2f5: {  	s19 =	sor.u32 s4, s19;
	[tilespmem:v20+s7+$0x0] =	vst.idx.msk $0xffff, v62;
	v61 =	vadd.f32 v18, v15  }
0x2f6: {  	s19 =	sshrl.u32 s19, $0x3;
	[tilespmem:v21+s7+$0x0] =	vst.idx.msk $0xffff, v0;
	v0 =	vadd.f32 v13, v15  }
0x2f7: {  	s25 =	simm.s32 $0x17C00;
	s23 =	sadd.s32 s8, s19;
	[tilespmem:v24+s7+$0x0] =	vst.idx.msk $0xffff, v61  }
0x2f8: {  	s28 =	simm.s32 $0x200;
	s30 =	simm.s32 $0x17C88;
	s31 =	sadd.s32 $0x0, s23;
	[tilespmem:v30+s7+$0x0] =	vst.idx.msk $0xffff, v0  }
.LBB2_13:
0x2f9: {  	[hbm4b:s31+s3] =	stream.linear.scatter [tilespmem:s25], [sflag:$0x4], $0x80, $0x38;
	[tilespmem:$0x1C000] =	vst v63  }
0x2fa: {  	s19 =	smov.u32 s28;
	s25 =	smov.u32 s30;
	p0 =	sne.s32 s28, $0xFE00  }
.Ltmp5:
0x2fb: {  	s28 =	sadd.s32 $0x200, s28;
	(pc) =	sbr.rel @p0 .LBB2_13-.Ltmp5, $2  }
0x2fc: {  	_ =	sdelay $0x2  }
0x2fd: {  	s30 =	sadd.s32 $0x88, s30;
	s31 =	sadd.s32 s19, s23  }
0x2fe: {  	[hbm4b:s31+s3] =	stream.linear.scatter [tilespmem:s25], [sflag:$0x4], $0x80, $0x38;
	[tilespmem:$0x1C000] =	vst v63  }
0x2ff: {  	_ =	swait.ge [sflag:s16], $0x4000  }
0x300: {  	[sflag:s16] =	ssyncset.done $0x0  }
0x301: {  	[sflag:s16] =	ssyncadd.s32 $0xFFFFC000  }
0x302: {  	_ =	swait.ge [sflag:s26], $0x100  }
0x303: {  	[sflag:s26] =	ssyncset.done $0x0  }
0x304: {  	[sflag:s26] =	ssyncadd.s32 $0xFFFFFF00  }
0x305: {  	v0 =	vld [tilespmem:$0xF900];
	_ =	sdelay $0x1  }
0x306: {  	v12 =	vld [tilespmem:$0xF910];
	_ =	sdelay $0x1  }
0x307: {  	v13 =	vld [tilespmem:$0xF920]  }
0x308: {  	v14 =	vshrl.u32 v0, $0x1;
	v0 =	vshll.u32 v0, $0x6  }
0x309: {  	[tilespmem:$0xFA00] =	vst v14;
	v0 =	vand.u32 $0x40, v0;
	v14 =	vld [tilespmem:$0xF930]  }
0x30a: {  	[tilespmem:$0xFB00] =	vst v0;
	v0 =	vshrl.u32 v12, $0x1;
	v12 =	vshll.u32 v12, $0x6  }
0x30b: {  	[tilespmem:$0xFA10] =	vst v0;
	v0 =	vand.u32 $0x40, v12;
	v12 =	vld [tilespmem:$0xF940]  }
0x30c: {  	[tilespmem:$0xFB10] =	vst v0;
	v0 =	vshrl.u32 v13, $0x1;
	v13 =	vshll.u32 v13, $0x6  }
0x30d: {  	[tilespmem:$0xFA20] =	vst v0;
	v0 =	vand.u32 $0x40, v13;
	v13 =	vld [tilespmem:$0xF950]  }
0x30e: {  	[tilespmem:$0xFB20] =	vst v0;
	v0 =	vshrl.u32 v14, $0x1;
	v14 =	vshll.u32 v14, $0x6  }
0x30f: {  	[tilespmem:$0xFA30] =	vst v0;
	v0 =	vand.u32 $0x40, v14;
	v14 =	vld [tilespmem:$0xF960]  }
0x310: {  	[tilespmem:$0xFB30] =	vst v0;
	v0 =	vshrl.u32 v12, $0x1;
	v12 =	vshll.u32 v12, $0x6  }
0x311: {  	[tilespmem:$0xFA40] =	vst v0;
	v0 =	vand.u32 $0x40, v12;
	v12 =	vld [tilespmem:$0xF970]  }
0x312: {  	[tilespmem:$0xFB40] =	vst v0;
	v0 =	vshrl.u32 v13, $0x1;
	v13 =	vshll.u32 v13, $0x6  }
0x313: {  	[tilespmem:$0xFA50] =	vst v0;
	v0 =	vand.u32 $0x40, v13;
	v13 =	vld [tilespmem:$0xF980]  }
0x314: {  	[tilespmem:$0xFB50] =	vst v0;
	v0 =	vshrl.u32 v14, $0x1;
	v14 =	vshll.u32 v14, $0x6  }
0x315: {  	[tilespmem:$0xFA60] =	vst v0;
	v0 =	vand.u32 $0x40, v14;
	v14 =	vld [tilespmem:$0xF990]  }
0x316: {  	[tilespmem:$0xFB60] =	vst v0;
	v0 =	vshrl.u32 v12, $0x1;
	v12 =	vshll.u32 v12, $0x6  }
0x317: {  	[tilespmem:$0xFA70] =	vst v0;
	v0 =	vand.u32 $0x40, v12;
	v12 =	vld [tilespmem:$0xF9A0]  }
0x318: {  	[tilespmem:$0xFB70] =	vst v0;
	v0 =	vshrl.u32 v13, $0x1;
	v13 =	vshll.u32 v13, $0x6  }
0x319: {  	[tilespmem:$0xFA80] =	vst v0;
	v0 =	vand.u32 $0x40, v13;
	v13 =	vld [tilespmem:$0xF9B0]  }
0x31a: {  	[tilespmem:$0xFB80] =	vst v0;
	v0 =	vshrl.u32 v14, $0x1;
	v14 =	vshll.u32 v14, $0x6  }
0x31b: {  	[tilespmem:$0xFA90] =	vst v0;
	v0 =	vand.u32 $0x40, v14;
	v14 =	vld [tilespmem:$0xF9C0]  }
0x31c: {  	[tilespmem:$0xFB90] =	vst v0;
	v0 =	vshrl.u32 v12, $0x1;
	v12 =	vshll.u32 v12, $0x6  }
0x31d: {  	[tilespmem:$0xFAA0] =	vst v0;
	v0 =	vand.u32 $0x40, v12;
	v12 =	vld [tilespmem:$0xF9D0]  }
0x31e: {  	[tilespmem:$0xFBA0] =	vst v0;
	v0 =	vshrl.u32 v13, $0x1;
	v13 =	vshll.u32 v13, $0x6  }
0x31f: {  	[tilespmem:$0xFAB0] =	vst v0;
	v0 =	vand.u32 $0x40, v13;
	v13 =	vld [tilespmem:$0xF9E0]  }
0x320: {  	[tilespmem:$0xFBB0] =	vst v0;
	v0 =	vshrl.u32 v14, $0x1;
	v14 =	vshll.u32 v14, $0x6  }
0x321: {  	[tilespmem:$0xFAC0] =	vst v0;
	v0 =	vand.u32 $0x40, v14;
	v14 =	vld [tilespmem:$0xF9F0]  }
0x322: {  	[tilespmem:$0xFBC0] =	vst v0;
	v0 =	vshrl.u32 v12, $0x1;
	v12 =	vshll.u32 v12, $0x6  }
0x323: {  	[tilespmem:$0xFAD0] =	vst v0;
	v0 =	vand.u32 $0x40, v12  }
0x324: {  	[tilespmem:$0xFBD0] =	vst v0;
	v0 =	vshrl.u32 v13, $0x1;
	v12 =	vshll.u32 v13, $0x6  }
0x325: {  	[tilespmem:$0xFAE0] =	vst v0;
	v0 =	vand.u32 $0x40, v12  }
0x326: {  	[tilespmem:$0xFBE0] =	vst v0;
	v0 =	vshrl.u32 v14, $0x1;
	v12 =	vshll.u32 v14, $0x6  }
0x327: {  	[tilespmem:$0xFAF0] =	vst v0;
	v0 =	vand.u32 $0x40, v12  }
0x328: {  	s19 =	simm.s32 $0xFA00;
	[tilespmem:$0xFBF0] =	vst v0  }
0x329: {  	[tilespmem:s29], [sflag:$0x2] =	stream.indirect.gather [hbm4b:s5+s17], $0x80, s19, s17, $0xb8;
	[tilespmem:$0x1C000] =	vst v63  }
0x32a: {  	s31 =	simm.s32 $0xFA80;
	s23 =	simm.s32 $0x13C00  }
0x32b: {  	[tilespmem:s23], [sflag:$0x2] =	stream.indirect.gather [hbm4b:s5+s17], $0x80, s31, s17, $0xb8;
	[tilespmem:$0x1C000] =	vst v63  }
0x32c: {  	_ =	swait.ge [sflag:s0], $0x4000  }
0x32d: {  	s25 =	smin.u32 s24, $0x5F;
	s28 =	simm.s32 $0x3;
	[sflag:s0] =	ssyncset.done $0x0  }
0x32e: {  	s30 =	simm.s32 $0x1;
	v0 =	vmov s28;
	s19 =	sshll.u32 s25, $0xD;
	[sflag:s0] =	ssyncadd.s32 $0xFFFFC000  }
0x32f: {  	v13 =	vmov s30;
	s19 =	sadd.s32 s13, s19;
	s31 =	simm.s32 $0x2;
	_ =	swait.ge [sflag:s0], $0x4000  }
0x330: {  	s28 =	simm.s32 $0x3200;
	s19 =	sshrl.u32 s19, $0x3;
	v14 =	vmov s31;
	[sflag:s0] =	ssyncset.done $0x0  }
0x331: {  	s19 =	sadd.s32 s1, s19;
	s31 =	simm.s32 $0x0;
	[sflag:s0] =	ssyncadd.s32 $0xFFFFC000  }
0x332: {  	v17 =	vand.u32 $0x7D, v13;
	v40 =	vmov s31;
	v53 =	vld [tilespmem:$0x1FFF0];
	[tilespmem:s28], [sflag:$0x5] =	stream.strided.gather [hbm4b:s19+s17], $0x100, s18, s17, $0x38  }
0x333: {  	v55 =	vadd.s32 v1, v17;
	v47 =	vadd.s32 v5, v17;
	s23 =	sadd.s32 $0x2, s24;
	v15 =	vld.idx.msk [tilespmem:v0+s2+$0x0], $0xffff  }
0x334: {  	v12 =	vadd.s32 v7, v17;
	v27 =	vand.u32 $0x7F, v0;
	s25 =	simm.s32 $0x5;
	s30 =	sshll.u32 s23, $0x7;
	v29 =	vand.u32 $0x7E, v14;
	v16 =	vld.idx.msk [tilespmem:v13+s2+$0x0], $0xffff  }
0x335: {  	v39 =	vadd.s32 v1, v27;
	v61 =	vmov s25;
	s24 =	sand.u32 $0x3FFFFF80, s30;
	s30 =	simm.s32 $0x6;
	v3 =	vadd.s32 v5, v29;
	v18 =	vld.idx.msk [tilespmem:v14+s2+$0x0], $0xffff  }
0x336: {  	v20 =	vshll.u32 v14, $0x7;
	v42 =	vand.u32 $0x7C, v40;
	v62 =	vmov s30;
	[tilespmem:$0x1FFB0] =	vst v3  }
0x337: {  	v0 =	vshll.u32 v0, $0x7;
	v13 =	vshll.u32 v13, $0x7;
	v45 =	vld.idx.msk [tilespmem:v40+s2+$0x0], $0xffff;
	v40 =	vshll.u32 v40, $0x7  }
0x338: {  	v26 =	vadd.s32 v53, v27;
	v46 =	vadd.s32 v53, v29;
	v14 =	vadd.s32 v63, v15  }
0x339: {  	v19 =	vadd.s32 v2, v15;
	v23 =	vadd.s32 v4, v16;
	v24 =	vadd.s32 v6, v16  }
0x33a: {  	v30 =	vadd.s32 v4, v15;
	v28 =	vadd.s32 v63, v16;
	v31 =	vadd.s32 v63, v18  }
0x33b: {  	v54 =	vadd.s32 v2, v16;
	v56 =	vadd.s32 v2, v18;
	v21 =	vand.u32 $0xFFFFFFF8, v14  }
0x33c: {  	v22 =	vand.u32 $0xFFFFFFF8, v19;
	v14 =	vand.u32 $0x7, v14;
	v16 =	vadd.s32 v0, v21  }
0x33d: {  	v33 =	vand.u32 $0xFFFFFFF8, v28;
	v28 =	vand.u32 $0x7, v28;
	v14 =	vor.u32 v14, v16  }
0x33e: {  	v19 =	vand.u32 $0x7, v19;
	v33 =	vadd.s32 v13, v33;
	v21 =	vadd.s32 v0, v22  }
0x33f: {  	v38 =	vadd.s32 v6, v15;
	v21 =	vor.u32 v19, v21;
	v19 =	vor.u32 v28, v33  }
0x340: {  	v15 =	vadd.s32 v4, v18;
	v59 =	vadd.s32 v6, v18;
	v32 =	vand.u32 $0xFFFFFFF8, v30  }
0x341: {  	v34 =	vand.u32 $0xFFFFFFF8, v31;
	v31 =	vand.u32 $0x7, v31;
	v35 =	vand.u32 $0xFFFFFFF8, v24;
	v16 =	vld [tilespmem:s24+$0x0]  }
0x342: {  	v36 =	vand.u32 $0xFFFFFFF8, v23;
	v37 =	vand.u32 $0xFFFFFFF8, v56;
	v43 =	vand.u32 $0xFFFFFFF8, v15;
	v14 =	vld.idx.msk [tilespmem:v14+s22+$0x0], $0xffff  }
0x343: {  	v44 =	vand.u32 $0x7, v15;
	v15 =	vadd.s32 v7, v42;
	v57 =	vand.u32 $0xFFFFFFF8, v38  }
0x344: {  	v18 =	vand.u32 $0x7, v24;
	v24 =	vand.u32 $0xFFFFFFF8, v59;
	v34 =	vadd.s32 v20, v34;
	v41 =	vld.idx.msk [tilespmem:v19+s22+$0x0], $0xffff  }
0x345: {  	v22 =	vand.u32 $0x7, v54;
	v31 =	vor.u32 v31, v34;
	v34 =	vand.u32 $0xFFFFFFF8, v54  }
0x346: {  	v36 =	vadd.s32 v13, v36;
	v28 =	vadd.s32 v13, v35;
	v13 =	vadd.s32 v13, v34  }
0x347: {  	v32 =	vadd.s32 v0, v32;
	v22 =	vor.u32 v22, v13;
	v13 =	vld [tilespmem:s24+$0x30];
	v58 =	vadd.f32 v14, v16  }
0x348: {  	v37 =	vadd.s32 v20, v37;
	v43 =	vadd.s32 v20, v43;
	v60 =	vadd.s32 v20, v24;
	v19 =	vld [tilespmem:s24+$0x10]  }
0x349: {  	v38 =	vand.u32 $0x7, v38;
	v3 =	vor.u32 v18, v28;
	v14 =	vld [tilespmem:s24+$0x20];
	v41 =	vadd.f32 v41, v16;
	[tilespmem:v39+s6+$0x0] =	vst.idx.msk $0xffff, v58  }
0x34a: {  	v20 =	vand.u32 $0x7, v30;
	v18 =	vand.u32 $0x7, v23;
	v23 =	vadd.s32 v63, v45;
	v31 =	vld.idx.msk [tilespmem:v31+s22+$0x0], $0xffff;
	[tilespmem:$0x1FFC0] =	vst v3  }
0x34b: {  	s28 =	simm.s32 $0x7;
	v0 =	vadd.s32 v0, v57;
	v32 =	vor.u32 v20, v32;
	v20 =	vand.u32 $0xFFFFFFF8, v23;
	[tilespmem:v55+s6+$0x0] =	vst.idx.msk $0xffff, v41  }
0x34c: {  	v57 =	vmov s28;
	v48 =	vld.idx.msk [tilespmem:v22+s22+$0x0], $0xffff;
	v22 =	vand.u32 $0x7, v23;
	v23 =	vadd.s32 v40, v20  }
0x34d: {  	v35 =	vand.u32 $0x7, v56;
	v43 =	vor.u32 v44, v43;
	v49 =	vor.u32 v22, v23  }
0x34e: {  	v44 =	vand.u32 $0x7, v59;
	v51 =	vshll.u32 v57, $0x7;
	v25 =	vor.u32 v38, v0  }
0x34f: {  	v35 =	vor.u32 v35, v37;
	v37 =	vadd.s32 v53, v17;
	v17 =	vadd.s32 v7, v29;
	v21 =	vld.idx.msk [tilespmem:v21+s22+$0x0], $0xffff  }
0x350: {  	v29 =	vadd.s32 v1, v29;
	v28 =	vor.u32 v44, v60;
	v30 =	vor.u32 v18, v36;
	v36 =	vld.idx.msk [tilespmem:v62+s2+$0x0], $0xffff  }
0x351: {  	v44 =	vadd.s32 v4, v45;
	v31 =	vadd.f32 v31, v16;
	v39 =	vadd.s32 v53, v42;
	v52 =	vld.idx.msk [tilespmem:v57+s2+$0x0], $0xffff  }
0x352: {  	v3 =	vlaneseq.u32;
	v55 =	vadd.s32 v2, v45;
	v48 =	vadd.f32 v48, v19;
	v49 =	vld.idx.msk [tilespmem:v49+s22+$0x0], $0xffff  }
0x353: {  	v41 =	vadd.s32 v5, v42;
	v42 =	vadd.s32 v1, v42;
	v58 =	vand.u32 $0xFFFFFFF8, v55  }
0x354: {  	v55 =	vand.u32 $0x7, v55;
	v50 =	vadd.f32 v21, v19;
	[tilespmem:v37+s6+$0x0] =	vst.idx.msk $0xffff, v48;
	v37 =	vadd.s32 v40, v58  }
0x355: {  	v56 =	vshll.u32 v62, $0x7;
	[tilespmem:v29+s6+$0x0] =	vst.idx.msk $0xffff, v31;
	v0 =	vadd.s32 v3, v36;
	v37 =	vor.u32 v55, v37  }
0x356: {  	v59 =	vand.u32 $0xFFFFFFF8, v44;
	[tilespmem:v26+s6+$0x0] =	vst.idx.msk $0xffff, v50;
	v26 =	vand.u32 $0xFFFFFFF8, v0;
	v0 =	vand.u32 $0x7, v0  }
0x357: {  	v54 =	vld.idx.msk [tilespmem:v61+s2+$0x0], $0xffff;
	v48 =	vadd.s32 v2, v52;
	v26 =	vadd.s32 v56, v26;
	v49 =	vadd.f32 v49, v16  }
0x358: {  	v44 =	vand.u32 $0x7, v44;
	v35 =	vld.idx.msk [tilespmem:v35+s22+$0x0], $0xffff;
	v58 =	vand.u32 $0xFFFFFFF8, v48;
	v0 =	vor.u32 v0, v26  }
0x359: {  	v32 =	vld.idx.msk [tilespmem:v32+s22+$0x0], $0xffff;
	v50 =	vadd.s32 v51, v58;
	v58 =	vadd.s32 v40, v59;
	[tilespmem:v42+s6+$0x0] =	vst.idx.msk $0xffff, v49  }
0x35a: {  	v26 =	vor.u32 v44, v58;
	v44 =	vld.idx.msk [tilespmem:v37+s22+$0x0], $0xffff  }
0x35b: {  	v38 =	vadd.s32 v5, v27;
	v30 =	vld.idx.msk [tilespmem:v30+s22+$0x0], $0xffff  }
0x35c: {  	v33 =	vshll.u32 v61, $0x7;
	v34 =	vand.u32 $0x7D, v61;
	v21 =	vadd.s32 v7, v27  }
0x35d: {  	v27 =	vadd.s32 v63, v52;
	v61 =	vadd.s32 v6, v54;
	v35 =	vadd.f32 v35, v19;
	v0 =	vld.idx.msk [tilespmem:v0+s22+$0x0], $0xffff  }
0x35e: {  	v29 =	vadd.s32 v63, v54;
	v63 =	vand.u32 $0xFFFFFFF8, v61;
	v32 =	vadd.f32 v32, v14  }
0x35f: {  	[tilespmem:v46+s6+$0x0] =	vst.idx.msk $0xffff, v35;
	v49 =	vadd.s32 v33, v63;
	v63 =	vadd.f32 v44, v19  }
0x360: {  	v18 =	vadd.s32 v7, v34;
	v30 =	vadd.f32 v30, v14;
	[tilespmem:v38+s6+$0x0] =	vst.idx.msk $0xffff, v32  }
0x361: {  	v24 =	vand.u32 $0x7E, v62;
	v60 =	vadd.s32 v4, v54;
	v54 =	vadd.s32 v2, v54;
	[tilespmem:v39+s6+$0x0] =	vst.idx.msk $0xffff, v63  }
0x362: {  	v20 =	vand.u32 $0x7F, v57;
	v46 =	vand.u32 $0xFFFFFFF8, v54;
	[tilespmem:v47+s6+$0x0] =	vst.idx.msk $0xffff, v30;
	v39 =	vadd.f32 v0, v16;
	v0 =	vld.idx.msk [tilespmem:v26+s22+$0x0], $0xffff  }
0x363: {  	v45 =	vadd.s32 v6, v45;
	v23 =	vadd.s32 v53, v20;
	v26 =	vadd.s32 v33, v46;
	v46 =	vld [tilespmem:$0x1FFB0]  }
0x364: {  	v22 =	vadd.s32 v5, v24;
	v62 =	vadd.s32 v4, v52;
	v57 =	vand.u32 $0xFFFFFFF8, v27;
	v35 =	vld.idx.msk [tilespmem:v43+s22+$0x0], $0xffff  }
0x365: {  	v31 =	vand.u32 $0xFFFFFFF8, v62;
	v27 =	vand.u32 $0x7, v27;
	v59 =	vadd.s32 v51, v57  }
0x366: {  	v55 =	vand.u32 $0xFFFFFFF8, v29;
	v29 =	vand.u32 $0x7, v29;
	v42 =	vor.u32 v27, v59  }
0x367: {  	v48 =	vand.u32 $0x7, v48;
	v55 =	vadd.s32 v33, v55;
	v57 =	vadd.s32 v1, v34  }
0x368: {  	v50 =	vor.u32 v48, v50;
	v48 =	vand.u32 $0x7, v54;
	v29 =	vor.u32 v29, v55  }
0x369: {  	v55 =	vadd.s32 v1, v20;
	v27 =	vand.u32 $0xFFFFFFF8, v60;
	v63 =	vadd.f32 v35, v14  }
0x36a: {  	s31 =	simm.s32 $0x4;
	v37 =	vadd.s32 v51, v31;
	v31 =	vadd.s32 v2, v36;
	v43 =	vadd.s32 v33, v27  }
0x36b: {  	v58 =	vmov s31;
	v27 =	vadd.s32 v6, v52;
	v52 =	vand.u32 $0xFFFFFFF8, v45;
	v42 =	vld.idx.msk [tilespmem:v42+s22+$0x0], $0xffff;
	[tilespmem:v46+s6+$0x0] =	vst.idx.msk $0xffff, v63  }
0x36c: {  	v45 =	vand.u32 $0x7, v45;
	v32 =	vand.u32 $0x7C, v58;
	v48 =	vor.u32 v48, v26;
	v26 =	vld [tilespmem:$0x1FFC0]  }
0x36d: {  	v38 =	vadd.s32 v53, v34;
	v54 =	vand.u32 $0xFFFFFFF8, v31;
	v31 =	vand.u32 $0x7, v31;
	v30 =	vld.idx.msk [tilespmem:v25+s22+$0x0], $0xffff  }
0x36e: {  	v25 =	vadd.s32 v4, v36;
	v47 =	vadd.s32 v40, v52;
	v52 =	vld.idx.msk [tilespmem:v29+s22+$0x0], $0xffff;
	v59 =	vadd.s32 v56, v54  }
0x36f: {  	v29 =	vand.u32 $0xFFFFFFF8, v25;
	v54 =	vand.u32 $0x7, v25;
	v25 =	vadd.s32 v7, v32  }
0x370: {  	v47 =	vor.u32 v45, v47;
	v35 =	vor.u32 v31, v59;
	v31 =	vand.u32 $0xFFFFFFF8, v27  }
0x371: {  	v29 =	vadd.s32 v56, v29;
	v40 =	vadd.s32 v51, v31;
	v31 =	vadd.f32 v42, v16  }
0x372: {  	v29 =	vor.u32 v54, v29;
	v44 =	vadd.f32 v30, v13;
	v0 =	vadd.f32 v0, v14;
	v59 =	vld.idx.msk [tilespmem:v28+s22+$0x0], $0xffff  }
0x373: {  	v63 =	vadd.f32 v52, v16;
	v46 =	vadd.s32 v6, v36;
	[tilespmem:v55+s6+$0x0] =	vst.idx.msk $0xffff, v31  }
0x374: {  	v33 =	vadd.s32 v53, v24;
	v28 =	vand.u32 $0x7, v61;
	v36 =	vand.u32 $0xFFFFFFF8, v46;
	[tilespmem:v41+s6+$0x0] =	vst.idx.msk $0xffff, v0;
	v30 =	vld.idx.msk [tilespmem:v26+s22+$0x0], $0xffff  }
0x375: {  	v31 =	vor.u32 v28, v49;
	v45 =	vadd.s32 v56, v36;
	[tilespmem:v57+s6+$0x0] =	vst.idx.msk $0xffff, v63  }
0x376: {  	v49 =	vand.u32 $0x7, v60;
	v36 =	vadd.s32 v5, v34;
	v34 =	vadd.s32 v7, v24;
	v42 =	vld.idx.msk [tilespmem:v50+s22+$0x0], $0xffff  }
0x377: {  	s25 =	simm.s32 $0x8;
	v28 =	vshll.u32 v58, $0x7;
	v50 =	vand.u32 $0x7, v62;
	v62 =	vmovc v53;
	v41 =	vadd.f32 v59, v13;
	v26 =	vld.idx.msk [tilespmem:v58+s2+$0x0], $0xffff  }
.LBB2_15:
0x378: {  	v43 =	vor.u32 v49, v43;
	v37 =	vor.u32 v50, v37  }
0x379: {  	s19 =	sadd.s32 $0x1, s25;
	[tilespmem:v21+s6+$0x0] =	vst.idx.msk $0xffff, v44;
	v30 =	vadd.f32 v30, v13;
	v21 =	vadd.s32 v7, v20  }
0x37a: {  	s28 =	sadd.s32 $0x2, s25;
	s30 =	sadd.s32 $0x3, s25;
	v56 =	vadd.s32 v1, v24;
	v57 =	vadd.s32 v62, v32;
	v49 =	vmov s19  }
0x37b: {  	v48 =	vld.idx.msk [tilespmem:v48+s22+$0x0], $0xffff;
	v63 =	vmov s28;
	[tilespmem:v17+s6+$0x0] =	vst.idx.msk $0xffff, v41;
	v58 =	vmov s30;
	v41 =	vadd.s32 v5, v32  }
0x37c: {  	v47 =	vld.idx.msk [tilespmem:v47+s22+$0x0], $0xffff;
	v17 =	vmovc v34;
	v34 =	vand.u32 $0x7D, v49;
	v53 =	vand.u32 $0x7F, v58;
	v60 =	vand.u32 $0x7E, v63  }
0x37d: {  	[tilespmem:v12+s6+$0x0] =	vst.idx.msk $0xffff, v30;
	v30 =	vand.u32 $0x7, v46;
	v44 =	vshll.u32 v58, $0x7;
	v52 =	vadd.s32 v7, v34  }
0x37e: {  	v54 =	vadd.s32 v62, v53;
	v46 =	vor.u32 v30, v45;
	v59 =	vadd.f32 v42, v19  }
0x37f: {  	v0 =	vadd.s32 v3, v26;
	v42 =	vadd.s32 v5, v60;
	v30 =	vadd.s32 v4, v26  }
0x380: {  	v61 =	vadd.s32 v2, v26;
	v48 =	vadd.f32 v48, v19;
	[tilespmem:v23+s6+$0x0] =	vst.idx.msk $0xffff, v59;
	v55 =	vld.idx.msk [tilespmem:v49+s2+$0x0], $0xffff  }
0x381: {  	v51 =	vand.u32 $0x7, v0;
	v0 =	vand.u32 $0xFFFFFFF8, v0;
	v23 =	vadd.f32 v47, v13;
	v50 =	vld.idx.msk [tilespmem:v63+s2+$0x0], $0xffff;
	[tilespmem:v56+s6+$0x0] =	vst.idx.msk $0xffff, v39  }
0x382: {  	v45 =	vshll.u32 v63, $0x7;
	v26 =	vadd.s32 v6, v26;
	v0 =	vadd.s32 v28, v0;
	[tilespmem:v38+s6+$0x0] =	vst.idx.msk $0xffff, v48  }
0x383: {  	v0 =	vor.u32 v51, v0;
	v47 =	vld.idx.msk [tilespmem:v58+s2+$0x0], $0xffff;
	v38 =	vshll.u32 v49, $0x7;
	[tilespmem:v15+s6+$0x0] =	vst.idx.msk $0xffff, v23;
	v15 =	vand.u32 $0x7, v27  }
0x384: {  	v49 =	vadd.s32 v5, v20;
	v35 =	vld.idx.msk [tilespmem:v35+s22+$0x0], $0xffff;
	v40 =	vor.u32 v15, v40;
	v15 =	vand.u32 $0xFFFFFFF8, v61  }
0x385: {  	v27 =	vadd.s32 v1, v32;
	v32 =	vld.idx.msk [tilespmem:v37+s22+$0x0], $0xffff;
	v37 =	vand.u32 $0x7, v61;
	v48 =	vadd.s32 v28, v15  }
0x386: {  	v12 =	vmovc v18;
	v23 =	vmovc v54;
	v54 =	vand.u32 $0xFFFFFFF8, v30;
	v56 =	vadd.s32 v4, v55;
	v58 =	vadd.s32 v6, v55  }
0x387: {  	v43 =	vld.idx.msk [tilespmem:v43+s22+$0x0], $0xffff;
	v37 =	vor.u32 v37, v48;
	v62 =	vadd.s32 v3, v50;
	v54 =	vadd.s32 v28, v54  }
0x388: {  	v18 =	vmovc v52;
	v51 =	vadd.s32 v3, v47;
	v52 =	vadd.s32 v2, v47;
	v59 =	vadd.s32 v4, v47  }
0x389: {  	v15 =	vmovc v25;
	v25 =	vadd.s32 v3, v55;
	v61 =	vand.u32 $0xFFFFFFF8, v58;
	v55 =	vadd.s32 v2, v55  }
0x38a: {  	v0 =	vld.idx.msk [tilespmem:v0+s22+$0x0], $0xffff;
	v63 =	vand.u32 $0xFFFFFFF8, v62;
	v35 =	vadd.f32 v35, v19;
	v39 =	vand.u32 $0xFFFFFFF8, v51  }
0x38b: {  	v24 =	vmovc v60;
	v20 =	vmovc v53;
	v53 =	vand.u32 $0xFFFFFFF8, v52;
	v60 =	vand.u32 $0xFFFFFFF8, v59;
	v48 =	vand.u32 $0xFFFFFFF8, v25  }
0x38c: {  	v25 =	vand.u32 $0x7, v25;
	v43 =	vadd.f32 v43, v14;
	v32 =	vadd.f32 v32, v14  }
0x38d: {  	v52 =	vand.u32 $0x7, v52;
	v48 =	vadd.s32 v38, v48;
	v53 =	vadd.s32 v44, v53;
	[tilespmem:v33+s6+$0x0] =	vst.idx.msk $0xffff, v35  }
0x38e: {  	[tilespmem:v36+s6+$0x0] =	vst.idx.msk $0xffff, v43;
	v36 =	vand.u32 $0x7, v62;
	v62 =	vadd.s32 v45, v63;
	v63 =	vand.u32 $0x7, v51  }
0x38f: {  	v43 =	vadd.s32 v44, v39;
	v51 =	vor.u32 v52, v53;
	v0 =	vadd.f32 v0, v16  }
0x390: {  	v33 =	vand.u32 $0xFFFFFFF8, v55;
	v53 =	vadd.s32 v38, v61;
	v25 =	vor.u32 v25, v48;
	[tilespmem:v49+s6+$0x0] =	vst.idx.msk $0xffff, v32  }
0x391: {  	v52 =	vand.u32 $0x7, v55;
	v29 =	vld.idx.msk [tilespmem:v29+s22+$0x0], $0xffff;
	v39 =	vand.u32 $0xFFFFFFF8, v26;
	[tilespmem:v27+s6+$0x0] =	vst.idx.msk $0xffff, v0;
	v27 =	vor.u32 v36, v62  }
0x392: {  	v49 =	vadd.s32 v1, v20;
	v28 =	vadd.s32 v28, v39;
	v0 =	vand.u32 $0x7, v30;
	v30 =	vld.idx.msk [tilespmem:v31+s22+$0x0], $0xffff  }
0x393: {  	v36 =	vor.u32 v63, v43;
	v62 =	vadd.s32 v2, v50;
	v63 =	vand.u32 $0xFFFFFFF8, v56;
	v31 =	vld.idx.msk [tilespmem:v37+s22+$0x0], $0xffff  }
0x394: {  	v0 =	vor.u32 v0, v54;
	v54 =	vadd.s32 v1, v34;
	v37 =	vadd.s32 v44, v60  }
0x395: {  	s31 =	smov.u32 s25;
	v55 =	vand.u32 $0xFFFFFFF8, v62;
	v43 =	vadd.s32 v38, v63;
	v35 =	vand.u32 $0x7, v62;
	v61 =	vld.idx.msk [tilespmem:v25+s22+$0x0], $0xffff  }
0x396: {  	v60 =	vmov s31;
	v25 =	vadd.s32 v4, v50;
	v29 =	vadd.f32 v29, v14;
	v48 =	vld.idx.msk [tilespmem:v27+s22+$0x0], $0xffff  }
0x397: {  	v32 =	vand.u32 $0x7C, v60;
	v62 =	vand.u32 $0x7, v25;
	v27 =	vadd.s32 v6, v47;
	v47 =	vld.idx.msk [tilespmem:v40+s22+$0x0], $0xffff  }
0x398: {  	v40 =	vadd.s32 v45, v55;
	v36 =	vld.idx.msk [tilespmem:v36+s22+$0x0], $0xffff;
	v55 =	vand.u32 $0x7, v26;
	v31 =	vadd.f32 v31, v19  }
0x399: {  	v26 =	vand.u32 $0xFFFFFFF8, v25;
	[tilespmem:v22+s6+$0x0] =	vst.idx.msk $0xffff, v29;
	v35 =	vor.u32 v35, v40;
	v40 =	vand.u32 $0xFFFFFFF8, v27  }
0x39a: {  	v25 =	vadd.s32 v7, v32;
	v40 =	vadd.s32 v44, v40;
	[tilespmem:v57+s6+$0x0] =	vst.idx.msk $0xffff, v31;
	v57 =	vld.idx.msk [tilespmem:v46+s22+$0x0], $0xffff  }
0x39b: {  	v31 =	vadd.s32 v38, v33;
	v46 =	vadd.s32 v6, v50;
	v50 =	vand.u32 $0x7, v59;
	v0 =	vld.idx.msk [tilespmem:v0+s22+$0x0], $0xffff  }
0x39c: {  	v38 =	vld [tilespmem:$0x1FFF0];
	v63 =	vand.u32 $0xFFFFFFF8, v46;
	v39 =	vadd.f32 v48, v16;
	v48 =	vadd.s32 v45, v26  }
0x39d: {  	p0 =	slt.u32 s25, $0x7C;
	v44 =	vadd.f32 v47, v13;
	v36 =	vadd.f32 v36, v16;
	v29 =	vor.u32 v62, v48;
	v62 =	vld [tilespmem:$0x1FFF0]  }
.Ltmp6:
0x39e: {  	v22 =	vmovc v42;
	v47 =	vor.u32 v55, v28;
	v48 =	vor.u32 v52, v31;
	v31 =	vand.u32 $0x7, v58;
	(pc) =	sbr.rel @p0 .LBB2_15-.Ltmp6, $4  }
0x39f: {  	v26 =	vld.idx.msk [tilespmem:v60+s2+$0x0], $0xffff;
	v28 =	vadd.f32 v61, v16;
	v45 =	vadd.s32 v45, v63;
	v31 =	vor.u32 v31, v53  }
0x3a0: {  	[tilespmem:v49+s6+$0x0] =	vst.idx.msk $0xffff, v36;
	v49 =	vand.u32 $0x7, v56;
	v36 =	vadd.s32 v5, v34;
	v0 =	vadd.f32 v0, v14  }
0x3a1: {  	[tilespmem:v54+s6+$0x0] =	vst.idx.msk $0xffff, v28;
	v28 =	vshll.u32 v60, $0x7;
	v38 =	vadd.s32 v38, v34;
	v34 =	vadd.s32 v7, v24  }
0x3a2: {  	s25 =	sadd.s32 $0x4, s25;
	v42 =	vld.idx.msk [tilespmem:v51+s22+$0x0], $0xffff;
	v33 =	vadd.s32 v62, v24;
	[tilespmem:v41+s6+$0x0] =	vst.idx.msk $0xffff, v0;
	v41 =	vadd.f32 v57, v13  }
0x3a3: {  	_ = 	snop  }
0x3a4: {  	v0 =	vadd.s32 v3, v26  }
0x3a5: {  	v51 =	vand.u32 $0xFFFFFFF8, v0  }
0x3a6: {  	v0 =	vand.u32 $0x7, v0;
	v51 =	vadd.s32 v28, v51  }
0x3a7: {  	v0 =	vor.u32 v0, v51;
	_ =	sdelay $0x2  }
0x3a8: {  	v24 =	vadd.s32 v1, v24;
	_ =	sdelay $0x1  }
0x3a9: {  	v61 =	vadd.s32 v2, v26;
	v0 =	vld.idx.msk [tilespmem:v0+s22+$0x0], $0xffff  }
0x3aa: {  	v52 =	vand.u32 $0xFFFFFFF8, v61  }
0x3ab: {  	v53 =	vadd.s32 v1, v32;
	v52 =	vadd.s32 v28, v52;
	v51 =	vand.u32 $0x7, v61  }
0x3ac: {  	v51 =	vor.u32 v51, v52;
	[tilespmem:v24+s6+$0x0] =	vst.idx.msk $0xffff, v39  }
0x3ad: {  	v24 =	vld.idx.msk [tilespmem:v35+s22+$0x0], $0xffff  }
0x3ae: {  	v0 =	vadd.f32 v0, v16;
	_ =	sdelay $0x1  }
0x3af: {  	v16 =	vld.idx.msk [tilespmem:v48+s22+$0x0], $0xffff;
	[tilespmem:v53+s6+$0x0] =	vst.idx.msk $0xffff, v0  }
0x3b0: {  	v37 =	vor.u32 v50, v37;
	v63 =	vadd.s32 v4, v26;
	v52 =	vld.idx.msk [tilespmem:v51+s22+$0x0], $0xffff  }
0x3b1: {  	v54 =	vand.u32 $0xFFFFFFF8, v63;
	v35 =	vand.u32 $0x7, v63;
	v24 =	vadd.f32 v24, v19  }
0x3b2: {  	v48 =	vadd.s32 v28, v54;
	v0 =	vor.u32 v49, v43;
	v53 =	vadd.s32 v62, v32  }
0x3b3: {  	v42 =	vadd.f32 v42, v19;
	v35 =	vor.u32 v35, v48  }
0x3b4: {  	[tilespmem:v33+s6+$0x0] =	vst.idx.msk $0xffff, v24;
	v16 =	vadd.f32 v16, v19  }
0x3b5: {  	[tilespmem:v23+s6+$0x0] =	vst.idx.msk $0xffff, v42;
	v23 =	vld.idx.msk [tilespmem:v29+s22+$0x0], $0xffff;
	v19 =	vadd.f32 v52, v19  }
0x3b6: {  	v29 =	vld.idx.msk [tilespmem:v37+s22+$0x0], $0xffff;
	[tilespmem:v38+s6+$0x0] =	vst.idx.msk $0xffff, v16  }
0x3b7: {  	v26 =	vadd.s32 v6, v26;
	v24 =	vand.u32 $0x7, v46;
	v0 =	vld.idx.msk [tilespmem:v0+s22+$0x0], $0xffff;
	[tilespmem:v53+s6+$0x0] =	vst.idx.msk $0xffff, v19  }
0x3b8: {  	v16 =	vor.u32 v24, v45;
	v24 =	vadd.s32 v5, v20;
	v19 =	vand.u32 $0x7, v27;
	v27 =	vld.idx.msk [tilespmem:v35+s22+$0x0], $0xffff  }
0x3b9: {  	v55 =	vadd.s32 v5, v32;
	v56 =	vand.u32 $0xFFFFFFF8, v26;
	v19 =	vor.u32 v19, v40  }
0x3ba: {  	v26 =	vand.u32 $0x7, v26;
	v28 =	vadd.s32 v28, v56;
	v23 =	vadd.f32 v23, v14  }
0x3bb: {  	v26 =	vor.u32 v26, v28;
	v29 =	vadd.f32 v29, v14  }
0x3bc: {  	v28 =	vld.idx.msk [tilespmem:v47+s22+$0x0], $0xffff;
	[tilespmem:v22+s6+$0x0] =	vst.idx.msk $0xffff, v23;
	v0 =	vadd.f32 v0, v14  }
0x3bd: {  	[tilespmem:v24+s6+$0x0] =	vst.idx.msk $0xffff, v29;
	v16 =	vld.idx.msk [tilespmem:v16+s22+$0x0], $0xffff;
	v14 =	vadd.f32 v27, v14  }
0x3be: {  	[tilespmem:v36+s6+$0x0] =	vst.idx.msk $0xffff, v0;
	v0 =	vld.idx.msk [tilespmem:v19+s22+$0x0], $0xffff  }
0x3bf: {  	v19 =	vld.idx.msk [tilespmem:v31+s22+$0x0], $0xffff;
	[tilespmem:v55+s6+$0x0] =	vst.idx.msk $0xffff, v14  }
0x3c0: {  	s19 =	simm.s32 $0x1;
	[tilespmem:v17+s6+$0x0] =	vst.idx.msk $0xffff, v41;
	v17 =	vadd.s32 v7, v20;
	v14 =	vadd.f32 v30, v13;
	v20 =	vld.idx.msk [tilespmem:v26+s22+$0x0], $0xffff  }
0x3c1: {  	[tilespmem:v21+s6+$0x0] =	vst.idx.msk $0xffff, v44;
	v21 =	vadd.f32 v28, v13;
	v22 =	vmov s19  }
0x3c2: {  	s31 =	simm.s32 $0x0;
	v27 =	vand.u32 $0x7D, v22;
	[tilespmem:v12+s6+$0x0] =	vst.idx.msk $0xffff, v14;
	v12 =	vadd.f32 v16, v13  }
0x3c3: {  	s28 =	simm.s32 $0x2;
	[tilespmem:v15+s6+$0x0] =	vst.idx.msk $0xffff, v21;
	v52 =	vmov s31;
	v14 =	vor.u32 $0x80, v27;
	v0 =	vadd.f32 v0, v13  }
0x3c4: {  	v15 =	vmov s28;
	v41 =	vshll.u32 v52, $0x7;
	[tilespmem:v34+s6+$0x0] =	vst.idx.msk $0xffff, v12;
	v12 =	vadd.f32 v19, v13  }
0x3c5: {  	v41 =	vadd.s32 $0x4000, v41;
	v34 =	vand.u32 $0x7C, v52;
	[tilespmem:v17+s6+$0x0] =	vst.idx.msk $0xffff, v0;
	v0 =	vadd.f32 v20, v13  }
0x3c6: {  	v61 =	vadd.s32 v8, v27;
	v55 =	vor.u32 $0x80, v34;
	v20 =	vand.u32 $0x7E, v15;
	[tilespmem:v18+s6+$0x0] =	vst.idx.msk $0xffff, v12  }
0x3c7: {  	v51 =	vadd.s32 v9, v27;
	v52 =	vadd.s32 v9, v34;
	v13 =	vor.u32 $0x80, v20;
	[tilespmem:v25+s6+$0x0] =	vst.idx.msk $0xffff, v0  }
0x3c8: {  	s30 =	simm.s32 $0x3;
	v18 =	vshll.u32 v22, $0x7;
	v15 =	vshll.u32 v15, $0x7;
	v29 =	vadd.s32 v10, v20;
	v16 =	vld.idx.msk [tilespmem:v14+s2+$0x0], $0xffff  }
0x3c9: {  	v12 =	vadd.s32 v11, v20;
	v23 =	vadd.s32 $0x4000, v15;
	v0 =	vmov s30  }
0x3ca: {  	v19 =	vadd.s32 $0x4000, v18;
	v45 =	vadd.s32 v9, v20;
	v21 =	vand.u32 $0x7F, v0  }
0x3cb: {  	v0 =	vshll.u32 v0, $0x7;
	v17 =	vor.u32 $0x80, v21;
	v14 =	vadd.s32 v11, v21;
	v43 =	vld.idx.msk [tilespmem:v55+s2+$0x0], $0xffff  }
0x3cc: {  	v0 =	vadd.s32 $0x4000, v0;
	v46 =	vadd.s32 v8, v21;
	v22 =	vld.idx.msk [tilespmem:v13+s2+$0x0], $0xffff;
	v13 =	vadd.s32 v10, v21  }
0x3cd: {  	v24 =	vadd.s32 v4, v16;
	v15 =	vadd.s32 v3, v16;
	v25 =	vadd.s32 v6, v16  }
0x3ce: {  	v16 =	vadd.s32 v2, v16;
	v18 =	vand.u32 $0xFFFFFFF8, v15;
	v15 =	vand.u32 $0x7, v15  }
0x3cf: {  	v28 =	vand.u32 $0xFFFFFFF8, v24;
	v30 =	vand.u32 $0xFFFFFFF8, v25;
	v25 =	vand.u32 $0x7, v25  }
0x3d0: {  	v26 =	vld.idx.msk [tilespmem:v17+s2+$0x0], $0xffff;
	v24 =	vand.u32 $0x7, v24;
	v44 =	vadd.s32 v6, v43;
	v17 =	vadd.s32 v19, v18  }
0x3d1: {  	v28 =	vadd.s32 v19, v28;
	v30 =	vadd.s32 v19, v30;
	v15 =	vor.u32 v15, v17  }
0x3d2: {  	v18 =	vadd.s32 v3, v22;
	v17 =	vand.u32 $0xFFFFFFF8, v16;
	v16 =	vand.u32 $0x7, v16  }
0x3d3: {  	v30 =	vor.u32 v25, v30;
	v63 =	vadd.s32 v2, v22;
	v53 =	vadd.s32 v4, v22  }
0x3d4: {  	v22 =	vadd.s32 v6, v22;
	v24 =	vor.u32 v24, v28;
	v31 =	vand.u32 $0xFFFFFFF8, v18  }
0x3d5: {  	v57 =	vand.u32 $0x7, v18;
	v18 =	vld [tilespmem:s24+$0x40];
	v19 =	vadd.s32 v19, v17;
	v58 =	vadd.s32 v3, v26  }
0x3d6: {  	v49 =	vand.u32 $0xFFFFFFF8, v63;
	v54 =	vand.u32 $0xFFFFFFF8, v53;
	v25 =	vand.u32 $0xFFFFFFF8, v58;
	v15 =	vld.idx.msk [tilespmem:v15+s22+$0x0], $0xffff  }
0x3d7: {  	v28 =	vand.u32 $0xFFFFFFF8, v22;
	v33 =	vand.u32 $0x7, v58;
	v25 =	vadd.s32 v0, v25  }
0x3d8: {  	v36 =	vand.u32 $0x7, v63;
	v59 =	vadd.s32 v2, v26;
	v25 =	vor.u32 v33, v25  }
0x3d9: {  	v63 =	vadd.s32 v3, v43;
	v62 =	vor.u32 v16, v19;
	v60 =	vand.u32 $0xFFFFFFF8, v59  }
0x3da: {  	v17 =	vld [tilespmem:s24+$0x50];
	v31 =	vadd.s32 v23, v31;
	v32 =	vand.u32 $0x7, v59;
	v16 =	vadd.s32 v0, v60  }
0x3db: {  	v42 =	vadd.s32 v23, v54;
	v32 =	vor.u32 v32, v16;
	v16 =	vld [tilespmem:s24+$0x60];
	v19 =	vadd.f32 v15, v18  }
0x3dc: {  	v28 =	vadd.s32 v23, v28;
	v31 =	vor.u32 v57, v31;
	v48 =	vadd.s32 v4, v26;
	v15 =	vld [tilespmem:s24+$0x70]  }
0x3dd: {  	s30 =	simm.s32 $0x7;
	v22 =	vand.u32 $0x7, v22;
	v26 =	vadd.s32 v6, v26;
	v50 =	vand.u32 $0xFFFFFFF8, v48;
	v25 =	vld.idx.msk [tilespmem:v25+s22+$0x0], $0xffff;
	[tilespmem:v61+s6+$0x0] =	vst.idx.msk $0xffff, v19  }
0x3de: {  	v56 =	vand.u32 $0xFFFFFFF8, v26;
	v37 =	vand.u32 $0x7, v48;
	v58 =	vmov s30;
	v35 =	vld.idx.msk [tilespmem:v62+s22+$0x0], $0xffff  }
0x3df: {  	v40 =	vadd.s32 v0, v50;
	v0 =	vadd.s32 v0, v56;
	v60 =	vand.u32 $0xFFFFFFF8, v44  }
0x3e0: {  	v39 =	vand.u32 $0x7F, v58;
	v33 =	vand.u32 $0x7, v53;
	v50 =	vadd.s32 v41, v60  }
0x3e1: {  	v56 =	vor.u32 $0x80, v39;
	v60 =	vand.u32 $0x7, v63;
	v37 =	vor.u32 v37, v40  }
0x3e2: {  	v33 =	vor.u32 v33, v42;
	v42 =	vadd.s32 v10, v27;
	v19 =	vadd.s32 v11, v34  }
0x3e3: {  	v31 =	vld.idx.msk [tilespmem:v31+s22+$0x0], $0xffff;
	v62 =	vadd.s32 v2, v43;
	v38 =	vadd.f32 v25, v18;
	v57 =	vadd.f32 v35, v17  }
0x3e4: {  	s25 =	simm.s32 $0x5;
	v35 =	vor.u32 v22, v28;
	v22 =	vand.u32 $0x7, v26;
	v26 =	vadd.s32 v8, v20  }
0x3e5: {  	v20 =	vmov s25;
	v22 =	vor.u32 v22, v0;
	v0 =	vadd.s32 v23, v49  }
0x3e6: {  	v28 =	vadd.s32 v9, v21;
	v21 =	vand.u32 $0x7D, v20;
	v0 =	vor.u32 v36, v0  }
0x3e7: {  	v43 =	vadd.s32 v4, v43;
	v54 =	vand.u32 $0xFFFFFFF8, v62;
	v59 =	vor.u32 $0x80, v21  }
0x3e8: {  	s28 =	simm.s32 $0x6;
	v31 =	vadd.f32 v31, v18;
	v55 =	vand.u32 $0xFFFFFFF8, v43;
	v54 =	vadd.s32 v41, v54;
	[tilespmem:v46+s6+$0x0] =	vst.idx.msk $0xffff, v38  }
0x3e9: {  	v55 =	vadd.s32 v41, v55;
	v38 =	vand.u32 $0x7, v43;
	v32 =	vld.idx.msk [tilespmem:v32+s22+$0x0], $0xffff;
	v36 =	vmov s28;
	[tilespmem:v51+s6+$0x0] =	vst.idx.msk $0xffff, v57  }
0x3ea: {  	v43 =	vadd.s32 v8, v34;
	v49 =	vshll.u32 v58, $0x7;
	v25 =	vand.u32 $0x7E, v36;
	v24 =	vld.idx.msk [tilespmem:v24+s22+$0x0], $0xffff;
	[tilespmem:v26+s6+$0x0] =	vst.idx.msk $0xffff, v31  }
0x3eb: {  	v61 =	vshll.u32 v20, $0x7;
	v55 =	vor.u32 v38, v55;
	v48 =	vor.u32 $0x80, v25;
	v0 =	vld.idx.msk [tilespmem:v0+s22+$0x0], $0xffff  }
0x3ec: {  	v57 =	vand.u32 $0xFFFFFFF8, v63;
	v49 =	vadd.s32 $0x4000, v49;
	v36 =	vshll.u32 v36, $0x7;
	v47 =	vld.idx.msk [tilespmem:v59+s2+$0x0], $0xffff  }
0x3ed: {  	v41 =	vadd.s32 v41, v57;
	v23 =	vadd.s32 v10, v25;
	v20 =	vadd.s32 v11, v25  }
0x3ee: {  	v53 =	vadd.s32 $0x4000, v36;
	v36 =	vor.u32 v60, v41;
	v26 =	vadd.s32 v10, v39  }
0x3ef: {  	v51 =	vadd.f32 v32, v17;
	v59 =	vand.u32 $0x7, v62;
	v31 =	vadd.f32 v24, v16  }
0x3f0: {  	v24 =	vadd.s32 v11, v39;
	v46 =	vor.u32 v59, v54;
	v59 =	vadd.s32 v11, v27;
	v48 =	vld.idx.msk [tilespmem:v48+s2+$0x0], $0xffff  }
0x3f1: {  	v40 =	vadd.s32 $0x4000, v61;
	[tilespmem:v42+s6+$0x0] =	vst.idx.msk $0xffff, v31;
	v54 =	vadd.s32 v4, v47;
	v0 =	vadd.f32 v0, v17  }
0x3f2: {  	v31 =	vadd.s32 v3, v47;
	v41 =	vadd.s32 v6, v47;
	v47 =	vadd.s32 v2, v47  }
0x3f3: {  	v56 =	vld.idx.msk [tilespmem:v56+s2+$0x0], $0xffff;
	v61 =	vand.u32 $0xFFFFFFF8, v31;
	v31 =	vand.u32 $0x7, v31;
	v32 =	vand.u32 $0xFFFFFFF8, v47  }
0x3f4: {  	v30 =	vld.idx.msk [tilespmem:v30+s22+$0x0], $0xffff;
	v60 =	vand.u32 $0xFFFFFFF8, v54;
	v47 =	vand.u32 $0x7, v47;
	v58 =	vand.u32 $0xFFFFFFF8, v41  }
0x3f5: {  	v62 =	vadd.s32 v40, v61;
	v63 =	vadd.s32 v3, v48;
	v57 =	vadd.s32 v40, v60  }
0x3f6: {  	v41 =	vand.u32 $0x7, v41;
	v58 =	vadd.s32 v40, v58;
	[tilespmem:v45+s6+$0x0] =	vst.idx.msk $0xffff, v0;
	v0 =	vadd.s32 v40, v32  }
0x3f7: {  	v31 =	vor.u32 v31, v62;
	v27 =	vor.u32 v41, v58;
	v61 =	vand.u32 $0xFFFFFFF8, v63  }
0x3f8: {  	v42 =	vand.u32 $0x7, v63;
	v58 =	vadd.s32 v3, v56;
	v41 =	vadd.s32 v53, v61  }
0x3f9: {  	v36 =	vld.idx.msk [tilespmem:v36+s22+$0x0], $0xffff;
	v60 =	vadd.f32 v30, v15;
	v30 =	vor.u32 v42, v41;
	v42 =	vadd.s32 v2, v56  }
0x3fa: {  	[tilespmem:v28+s6+$0x0] =	vst.idx.msk $0xffff, v51;
	v0 =	vor.u32 v47, v0;
	v41 =	vand.u32 $0xFFFFFFF8, v58;
	v62 =	vand.u32 $0xFFFFFFF8, v42  }
0x3fb: {  	v47 =	vadd.s32 v2, v48;
	v41 =	vadd.s32 v49, v41;
	v63 =	vadd.s32 v49, v62  }
0x3fc: {  	v62 =	vadd.s32 v4, v56;
	v56 =	vadd.s32 v6, v56;
	v61 =	vld.idx.msk [tilespmem:v31+s22+$0x0], $0xffff;
	v31 =	vand.u32 $0x7, v58  }
0x3fd: {  	v40 =	vld.idx.msk [tilespmem:v33+s22+$0x0], $0xffff;
	v51 =	vand.u32 $0x7, v47;
	[tilespmem:v59+s6+$0x0] =	vst.idx.msk $0xffff, v60;
	v60 =	vand.u32 $0xFFFFFFF8, v56;
	v45 =	vor.u32 v31, v41  }
0x3fe: {  	v31 =	vand.u32 $0x7, v42;
	v42 =	vadd.s32 v8, v21;
	v41 =	vadd.f32 v36, v18  }
0x3ff: {  	v58 =	vand.u32 $0xFFFFFFF8, v47;
	v60 =	vadd.s32 v49, v60;
	v31 =	vor.u32 v31, v63  }
0x400: {  	v36 =	vld.idx.msk [tilespmem:v30+s22+$0x0], $0xffff;
	v63 =	vand.u32 $0xFFFFFFF8, v62;
	[tilespmem:v43+s6+$0x0] =	vst.idx.msk $0xffff, v41;
	v41 =	vand.u32 $0x7, v44;
	v44 =	vadd.s32 v9, v21  }
0x401: {  	s31 =	simm.s32 $0x4;
	v37 =	vld.idx.msk [tilespmem:v37+s22+$0x0], $0xffff;
	v32 =	vadd.s32 v49, v63;
	v63 =	vadd.s32 v4, v48;
	v30 =	vadd.f32 v61, v18  }
0x402: {  	v43 =	vadd.s32 v10, v34;
	v38 =	vld.idx.msk [tilespmem:v46+s22+$0x0], $0xffff;
	v46 =	vadd.f32 v40, v16;
	v61 =	vmov s31  }
0x403: {  	v33 =	vor.u32 v41, v50;
	v28 =	vand.u32 $0x7C, v61;
	v41 =	vshll.u32 v61, $0x7;
	[tilespmem:v42+s6+$0x0] =	vst.idx.msk $0xffff, v30  }
0x404: {  	v61 =	vand.u32 $0xFFFFFFF8, v63;
	[tilespmem:v29+s6+$0x0] =	vst.idx.msk $0xffff, v46;
	v46 =	vand.u32 $0x7, v62;
	v42 =	vor.u32 $0x80, v28;
	v0 =	vld.idx.msk [tilespmem:v0+s22+$0x0], $0xffff  }
0x405: {  	v30 =	vadd.s32 v11, v28;
	v50 =	vadd.s32 v53, v61;
	v40 =	vadd.f32 v36, v18  }
0x406: {  	v36 =	vand.u32 $0x7, v63;
	v63 =	vand.u32 $0x7, v54;
	v54 =	vadd.s32 v6, v48  }
0x407: {  	v59 =	vld.idx.msk [tilespmem:v45+s22+$0x0], $0xffff;
	v48 =	vadd.f32 v37, v16;
	v37 =	vadd.s32 v9, v39;
	v57 =	vor.u32 v63, v57  }
0x408: {  	v34 =	vld.idx.msk [tilespmem:v35+s22+$0x0], $0xffff;
	v35 =	vadd.s32 v8, v39;
	v29 =	vand.u32 $0xFFFFFFF8, v54;
	v38 =	vadd.f32 v38, v17  }
0x409: {  	v36 =	vor.u32 v36, v50;
	v63 =	vand.u32 $0x7, v56;
	v45 =	vld.idx.msk [tilespmem:v42+s2+$0x0], $0xffff;
	v0 =	vadd.f32 v0, v17  }
0x40a: {  	v61 =	vand.u32 $0x7, v54;
	v29 =	vadd.s32 v53, v29;
	v50 =	vor.u32 v63, v60;
	[tilespmem:v52+s6+$0x0] =	vst.idx.msk $0xffff, v38  }
0x40b: {  	v63 =	vlaneseq.u32;
	v29 =	vor.u32 v61, v29;
	v38 =	vadd.s32 v9, v25;
	v49 =	vld.idx.msk [tilespmem:v55+s22+$0x0], $0xffff;
	[tilespmem:v44+s6+$0x0] =	vst.idx.msk $0xffff, v0  }
0x40c: {  	s24 =	simm.s32 $0x8;
	v52 =	vadd.s32 v53, v58;
	v42 =	vadd.f32 v59, v18;
	v44 =	vadd.s32 v10, v21;
	v47 =	vld.idx.msk [tilespmem:v57+s22+$0x0], $0xffff  }
.LBB2_17:
0x40d: {  	s19 =	sadd.s32 $0x1, s24;
	s25 =	sadd.s32 $0x2, s24;
	s28 =	sadd.s32 $0x3, s24;
	v0 =	vadd.s32 $0x4000, v41;
	v53 =	vadd.s32 v8, v25;
	v51 =	vor.u32 v51, v52;
	[tilespmem:v13+s6+$0x0] =	vst.idx.msk $0xffff, v48  }
0x40e: {  	p0 =	slt.u32 s24, $0x7C;
	v41 =	vadd.s32 v6, v45;
	v13 =	vmovc v26;
	v48 =	vmov s19;
	v52 =	vmov s25;
	v54 =	vld.idx.msk [tilespmem:v22+s22+$0x0], $0xffff;
	v22 =	vmovc v50;
	s25 =	smov.u32 s24;
	s24 =	sadd.s32 $0x4, s24  }
0x40f: {  	v26 =	vmov s28;
	v50 =	vand.u32 $0x7D, v48;
	v25 =	vand.u32 $0x7E, v52  }
0x410: {  	v49 =	vadd.f32 v49, v16;
	v55 =	vor.u32 $0x80, v50;
	v56 =	vor.u32 $0x80, v25  }
0x411: {  	v58 =	vand.u32 $0xFFFFFFF8, v41;
	v57 =	vshll.u32 v26, $0x7;
	v39 =	vadd.s32 v10, v25;
	[tilespmem:v35+s6+$0x0] =	vst.idx.msk $0xffff, v42  }
0x412: {  	v48 =	vshll.u32 v48, $0x7;
	v59 =	vadd.s32 v11, v25;
	v42 =	vadd.s32 v2, v45;
	[tilespmem:v43+s6+$0x0] =	vst.idx.msk $0xffff, v49  }
0x413: {  	v43 =	vadd.s32 v63, v45;
	v35 =	vand.u32 $0xFFFFFFF8, v42;
	v45 =	vadd.s32 v4, v45;
	v33 =	vld.idx.msk [tilespmem:v33+s22+$0x0], $0xffff  }
0x414: {  	v58 =	vadd.s32 v0, v58;
	v49 =	vadd.s32 v0, v35;
	v60 =	vand.u32 $0xFFFFFFF8, v45;
	[tilespmem:v53+s6+$0x0] =	vst.idx.msk $0xffff, v40  }
0x415: {  	v47 =	vadd.f32 v47, v16;
	v35 =	vand.u32 $0x7F, v26;
	v40 =	vadd.s32 v0, v60;
	v51 =	vld.idx.msk [tilespmem:v51+s22+$0x0], $0xffff  }
0x416: {  	v26 =	vadd.s32 v10, v35;
	v60 =	vand.u32 $0xFFFFFFF8, v43;
	v53 =	vld.idx.msk [tilespmem:v55+s2+$0x0], $0xffff;
	v55 =	vor.u32 $0x80, v35  }
0x417: {  	v52 =	vshll.u32 v52, $0x7;
	v45 =	vand.u32 $0x7, v45;
	v61 =	vadd.s32 v11, v35;
	[tilespmem:v44+s6+$0x0] =	vst.idx.msk $0xffff, v47;
	v31 =	vld.idx.msk [tilespmem:v31+s22+$0x0], $0xffff  }
0x418: {  	v34 =	vadd.f32 v34, v15;
	v0 =	vadd.s32 v0, v60;
	v47 =	vadd.f32 v54, v15;
	v44 =	vld.idx.msk [tilespmem:v56+s2+$0x0], $0xffff  }
0x419: {  	v42 =	vand.u32 $0x7, v42;
	v54 =	vadd.s32 v8, v28;
	v56 =	vld.idx.msk [tilespmem:v27+s22+$0x0], $0xffff;
	v27 =	vadd.f32 v33, v15  }
0x41a: {  	v32 =	vor.u32 v46, v32;
	v33 =	vand.u32 $0x7, v43;
	v43 =	vor.u32 v42, v49;
	[tilespmem:v14+s6+$0x0] =	vst.idx.msk $0xffff, v47  }
0x41b: {  	v46 =	vadd.s32 v9, v28;
	v42 =	vadd.s32 $0x4000, v52;
	v0 =	vor.u32 v33, v0;
	[tilespmem:v19+s6+$0x0] =	vst.idx.msk $0xffff, v27  }
0x41c: {  	v49 =	vadd.s32 $0x4000, v57;
	v14 =	vadd.f32 v51, v17;
	v47 =	vadd.s32 v4, v53;
	[tilespmem:v12+s6+$0x0] =	vst.idx.msk $0xffff, v34  }
0x41d: {  	v33 =	vadd.s32 $0x4000, v48;
	v19 =	vadd.s32 v63, v53;
	v27 =	vadd.s32 v6, v53;
	v12 =	vmovc v20;
	v34 =	vld.idx.msk [tilespmem:v55+s2+$0x0], $0xffff  }
0x41e: {  	v48 =	vadd.s32 v2, v53;
	v3 =	vand.u32 $0xFFFFFFF8, v19;
	v52 =	vadd.f32 v31, v17;
	[tilespmem:v38+s6+$0x0] =	vst.idx.msk $0xffff, v14  }
0x41f: {  	v20 =	vmovc v59;
	v55 =	vand.u32 $0x7, v19;
	v31 =	vadd.s32 v33, v3;
	v38 =	vadd.s32 v63, v44;
	v36 =	vld.idx.msk [tilespmem:v36+s22+$0x0], $0xffff  }
0x420: {  	v51 =	vand.u32 $0xFFFFFFF8, v48;
	v3 =	vand.u32 $0xFFFFFFF8, v47;
	v31 =	vor.u32 v55, v31;
	v14 =	vmovc v24;
	[tilespmem:v37+s6+$0x0] =	vst.idx.msk $0xffff, v52  }
0x421: {  	v24 =	vmovc v61;
	v19 =	vmovc v30;
	v37 =	vand.u32 $0x7, v48;
	v48 =	vadd.s32 v33, v3;
	v52 =	vand.u32 $0xFFFFFFF8, v27;
	v53 =	vld.idx.msk [tilespmem:v32+s22+$0x0], $0xffff  }
0x422: {  	v27 =	vand.u32 $0x7, v27;
	v30 =	vadd.s32 v33, v52;
	v32 =	vadd.s32 v11, v21;
	v21 =	vmovc v50  }
0x423: {  	v27 =	vor.u32 v27, v30;
	v30 =	vand.u32 $0xFFFFFFF8, v38;
	v38 =	vand.u32 $0x7, v38;
	v0 =	vld.idx.msk [tilespmem:v0+s22+$0x0], $0xffff  }
0x424: {  	v52 =	vadd.f32 v56, v15;
	v50 =	vadd.s32 v63, v34;
	v30 =	vadd.s32 v42, v30  }
0x425: {  	v30 =	vor.u32 v38, v30;
	v38 =	vadd.s32 v2, v34;
	v55 =	vld.idx.msk [tilespmem:v31+s22+$0x0], $0xffff;
	v31 =	vand.u32 $0xFFFFFFF8, v50  }
0x426: {  	v50 =	vand.u32 $0x7, v50;
	v56 =	vand.u32 $0xFFFFFFF8, v38;
	v31 =	vadd.s32 v49, v31  }
0x427: {  	v33 =	vadd.s32 v33, v51;
	v50 =	vor.u32 v50, v31;
	v31 =	vand.u32 $0x7, v38;
	[tilespmem:v32+s6+$0x0] =	vst.idx.msk $0xffff, v52  }
0x428: {  	v37 =	vor.u32 v37, v33;
	v38 =	vadd.s32 v8, v21;
	v32 =	vadd.s32 v49, v56  }
0x429: {  	v51 =	vadd.s32 v2, v44;
	v31 =	vor.u32 v31, v32;
	v0 =	vadd.f32 v0, v18  }
0x42a: {  	v59 =	vor.u32 v45, v40;
	v57 =	vadd.s32 v4, v34;
	v56 =	vand.u32 $0xFFFFFFF8, v51;
	v52 =	vld.idx.msk [tilespmem:v30+s22+$0x0], $0xffff  }
0x42b: {  	v32 =	vand.u32 $0xFFFFFFF8, v57;
	v30 =	vadd.f32 v55, v18;
	[tilespmem:v54+s6+$0x0] =	vst.idx.msk $0xffff, v0;
	v0 =	vand.u32 $0x7, v41  }
0x42c: {  	v32 =	vadd.s32 v49, v32;
	v54 =	vadd.s32 v9, v21;
	v43 =	vld.idx.msk [tilespmem:v43+s22+$0x0], $0xffff;
	v33 =	vor.u32 v0, v58  }
0x42d: {  	v36 =	vadd.f32 v36, v16;
	v0 =	vmov s25;
	[tilespmem:v38+s6+$0x0] =	vst.idx.msk $0xffff, v30;
	v38 =	vadd.s32 v4, v44  }
0x42e: {  	v45 =	vand.u32 $0x7C, v0;
	v41 =	vshll.u32 v0, $0x7;
	v0 =	vand.u32 $0xFFFFFFF8, v38  }
0x42f: {  	v55 =	vor.u32 $0x80, v45;
	v30 =	vadd.s32 v11, v45;
	v37 =	vld.idx.msk [tilespmem:v37+s22+$0x0], $0xffff;
	v0 =	vadd.s32 v42, v0  }
0x430: {  	v40 =	vadd.f32 v52, v18;
	v52 =	vand.u32 $0x7, v38;
	v58 =	vld.idx.msk [tilespmem:v50+s22+$0x0], $0xffff;
	v50 =	vadd.s32 v6, v34  }
0x431: {  	v38 =	vadd.s32 v6, v44;
	v34 =	vand.u32 $0x7, v47;
	v44 =	vand.u32 $0xFFFFFFF8, v50;
	[tilespmem:v23+s6+$0x0] =	vst.idx.msk $0xffff, v36;
	v23 =	vmovc v39  }
0x432: {  	v39 =	vor.u32 v34, v48;
	v36 =	vadd.f32 v43, v17;
	v47 =	vadd.s32 v49, v44;
	v34 =	vld.idx.msk [tilespmem:v29+s22+$0x0], $0xffff  }
0x433: {  	v43 =	vadd.s32 v10, v28;
	v48 =	vadd.f32 v53, v16;
	v28 =	vmovc v45;
	v29 =	vand.u32 $0xFFFFFFF8, v38  }
.Ltmp7:
0x434: {  	v51 =	vand.u32 $0x7, v51;
	v44 =	vand.u32 $0x7, v38;
	v29 =	vadd.s32 v42, v29;
	v45 =	vld.idx.msk [tilespmem:v55+s2+$0x0], $0xffff;
	[tilespmem:v46+s6+$0x0] =	vst.idx.msk $0xffff, v36;
	(pc) =	sbr.rel @p0 .LBB2_17-.Ltmp7, $4  }
0x435: {  	v38 =	vadd.s32 v9, v25;
	v46 =	vadd.f32 v37, v17;
	v36 =	vor.u32 v52, v0  }
0x436: {  	v29 =	vor.u32 v44, v29;
	v37 =	vadd.s32 v9, v35;
	v0 =	vand.u32 $0x7, v50;
	v49 =	vld.idx.msk [tilespmem:v59+s22+$0x0], $0xffff  }
0x437: {  	v44 =	vadd.s32 v10, v21;
	v50 =	vor.u32 v0, v47;
	[tilespmem:v54+s6+$0x0] =	vst.idx.msk $0xffff, v46;
	v46 =	vand.u32 $0x7, v57  }
0x438: {  	v52 =	vadd.s32 v42, v56;
	v35 =	vadd.s32 v8, v35;
	v42 =	vadd.f32 v58, v18;
	v47 =	vld.idx.msk [tilespmem:v39+s22+$0x0], $0xffff  }
0x439: {  	v0 =	vadd.s32 v63, v45  }
0x43a: {  	v39 =	vadd.s32 $0x4000, v41;
	v57 =	vand.u32 $0xFFFFFFF8, v0  }
0x43b: {  	v0 =	vand.u32 $0x7, v0;
	v41 =	vadd.s32 v39, v57  }
0x43c: {  	v0 =	vor.u32 v0, v41;
	_ =	sdelay $0x3  }
0x43d: {  	v25 =	vadd.s32 v8, v25  }
0x43e: {  	v58 =	vadd.s32 v2, v45;
	v51 =	vor.u32 v51, v52;
	v0 =	vld.idx.msk [tilespmem:v0+s22+$0x0], $0xffff  }
0x43f: {  	v53 =	vand.u32 $0xFFFFFFF8, v58  }
0x440: {  	v54 =	vadd.s32 v8, v28;
	v53 =	vadd.s32 v39, v53;
	v41 =	vand.u32 $0x7, v58  }
0x441: {  	v41 =	vor.u32 v41, v53  }
0x442: {  	[tilespmem:v25+s6+$0x0] =	vst.idx.msk $0xffff, v40  }
0x443: {  	v61 =	vld.idx.msk [tilespmem:v51+s22+$0x0], $0xffff;
	v0 =	vadd.f32 v0, v18  }
0x444: {  	[tilespmem:v35+s6+$0x0] =	vst.idx.msk $0xffff, v42  }
0x445: {  	v31 =	vld.idx.msk [tilespmem:v31+s22+$0x0], $0xffff;
	[tilespmem:v54+s6+$0x0] =	vst.idx.msk $0xffff, v0  }
0x446: {  	v59 =	vadd.s32 v4, v45;
	v60 =	vld.idx.msk [tilespmem:v41+s22+$0x0], $0xffff  }
0x447: {  	v32 =	vor.u32 v46, v32;
	v62 =	vadd.s32 v9, v28;
	v0 =	vand.u32 $0xFFFFFFF8, v59  }
0x448: {  	v42 =	vadd.f32 v61, v17;
	v18 =	vand.u32 $0x7, v59;
	v0 =	vadd.s32 v39, v0  }
0x449: {  	v0 =	vor.u32 v18, v0  }
0x44a: {  	[tilespmem:v38+s6+$0x0] =	vst.idx.msk $0xffff, v42;
	v41 =	vadd.f32 v31, v17  }
0x44b: {  	v52 =	vld.idx.msk [tilespmem:v36+s22+$0x0], $0xffff;
	v25 =	vadd.f32 v60, v17  }
0x44c: {  	[tilespmem:v37+s6+$0x0] =	vst.idx.msk $0xffff, v41  }
0x44d: {  	v46 =	vadd.s32 v6, v45;
	v49 =	vadd.f32 v49, v16;
	v18 =	vld.idx.msk [tilespmem:v32+s22+$0x0], $0xffff;
	[tilespmem:v62+s6+$0x0] =	vst.idx.msk $0xffff, v25  }
0x44e: {  	v51 =	vand.u32 $0xFFFFFFF8, v46;
	v0 =	vld.idx.msk [tilespmem:v0+s22+$0x0], $0xffff  }
0x44f: {  	[tilespmem:v43+s6+$0x0] =	vst.idx.msk $0xffff, v49;
	v53 =	vadd.s32 v39, v51  }
0x450: {  	v56 =	vld.idx.msk [tilespmem:v33+s22+$0x0], $0xffff;
	v54 =	vadd.s32 v10, v28;
	v57 =	vadd.f32 v52, v16;
	v25 =	vand.u32 $0x7, v46  }
0x451: {  	[tilespmem:v13+s6+$0x0] =	vst.idx.msk $0xffff, v48;
	v55 =	vadd.f32 v47, v16;
	v13 =	vor.u32 v25, v53  }
0x452: {  	v22 =	vld.idx.msk [tilespmem:v22+s22+$0x0], $0xffff;
	[tilespmem:v23+s6+$0x0] =	vst.idx.msk $0xffff, v57;
	v18 =	vadd.f32 v18, v16  }
0x453: {  	[tilespmem:v44+s6+$0x0] =	vst.idx.msk $0xffff, v55;
	v59 =	vld.idx.msk [tilespmem:v29+s22+$0x0], $0xffff;
	v0 =	vadd.f32 v0, v16  }
0x454: {  	v17 =	vld.idx.msk [tilespmem:v27+s22+$0x0], $0xffff;
	[tilespmem:v26+s6+$0x0] =	vst.idx.msk $0xffff, v18  }
0x455: {  	v58 =	vadd.f32 v56, v15;
	v18 =	vld.idx.msk [tilespmem:v50+s22+$0x0], $0xffff;
	[tilespmem:v54+s6+$0x0] =	vst.idx.msk $0xffff, v0  }
0x456: {  	v21 =	vadd.s32 v11, v21;
	v60 =	vadd.f32 v34, v15;
	v13 =	vld.idx.msk [tilespmem:v13+s22+$0x0], $0xffff  }
0x457: {  	[tilespmem:v19+s6+$0x0] =	vst.idx.msk $0xffff, v58;
	v0 =	vadd.f32 v22, v15  }
0x458: {  	[tilespmem:v12+s6+$0x0] =	vst.idx.msk $0xffff, v60;
	v62 =	vadd.f32 v59, v15  }
0x459: {  	s19 =	sshll.u32 s23, $0x13;
	[tilespmem:v14+s6+$0x0] =	vst.idx.msk $0xffff, v0;
	v0 =	vadd.f32 v17, v15  }
0x45a: {  	s19 =	sor.u32 s4, s19;
	[tilespmem:v20+s6+$0x0] =	vst.idx.msk $0xffff, v62;
	v61 =	vadd.f32 v18, v15  }
0x45b: {  	s19 =	sshrl.u32 s19, $0x3;
	[tilespmem:v21+s6+$0x0] =	vst.idx.msk $0xffff, v0;
	v0 =	vadd.f32 v13, v15  }
0x45c: {  	s24 =	simm.s32 $0xB500;
	s23 =	sadd.s32 s8, s19;
	[tilespmem:v24+s6+$0x0] =	vst.idx.msk $0xffff, v61  }
0x45d: {  	s25 =	simm.s32 $0x200;
	s28 =	simm.s32 $0xB588;
	s30 =	sadd.s32 $0x0, s23;
	[tilespmem:v30+s6+$0x0] =	vst.idx.msk $0xffff, v0  }
.LBB2_19:
0x45e: {  	[hbm4b:s30+s3] =	stream.linear.scatter [tilespmem:s24], [sflag:$0x3], $0x80, $0x38;
	[tilespmem:$0x1C000] =	vst v63  }
0x45f: {  	s19 =	smov.u32 s25;
	s24 =	smov.u32 s28;
	p0 =	sne.s32 s25, $0xFE00  }
.Ltmp8:
0x460: {  	s25 =	sadd.s32 $0x200, s25;
	(pc) =	sbr.rel @p0 .LBB2_19-.Ltmp8, $2  }
0x461: {  	_ =	sdelay $0x2  }
0x462: {  	s28 =	sadd.s32 $0x88, s28;
	s30 =	sadd.s32 s19, s23  }
0x463: {  	s21 =	sadd.s32 $0x1, s21  }
0x464: {  	p0 =	sne.s32 s21, $0x31  }
.Ltmp9:
0x465: {  	_ = 	snop;
	(pc) =	sbr.rel @p0 .LBB2_8-.Ltmp9, $2  }
0x466: {  	_ =	sdelay $0x2  }
0x467: {  	[hbm4b:s30+s3] =	stream.linear.scatter [tilespmem:s24], [sflag:$0x3], $0x80, $0x38;
	v3 =	vld [tilespmem:$0x1FFF0]  }
0x468: {  	_ =	swait.ge [sflag:s9], $0x4000  }
0x469: {  	[sflag:s9] =	ssyncset.done $0x0  }
0x46a: {  	[sflag:s9] =	ssyncadd.s32 $0xFFFFC000  }
0x46b: {  	s19 =	simm.s32 $0x3;
	_ =	swait.ge [sflag:s10], $0x4000  }
0x46c: {  	s24 =	simm.s32 $0x1;
	v0 =	vmov s19;
	[sflag:s10] =	ssyncset.done $0x0  }
0x46d: {  	s21 =	simm.s32 $0x2;
	v13 =	vmov s24;
	[sflag:s10] =	ssyncadd.s32 $0xFFFFC000  }
0x46e: {  	v14 =	vmov s21;
	_ =	swait.ge [sflag:s10], $0x4000  }
0x46f: {  	s25 =	simm.s32 $0x0;
	[sflag:s10] =	ssyncset.done $0x0  }
0x470: {  	s28 =	simm.s32 $0x5;
	s30 =	simm.s32 $0x6;
	v40 =	vmov s25;
	[sflag:s10] =	ssyncadd.s32 $0xFFFFC000  }
0x471: {  	v61 =	vmov s28;
	v62 =	vmov s30;
	v17 =	vand.u32 $0x7D, v13;
	v15 =	vld.idx.msk [tilespmem:v0+s15+$0x0], $0xffff  }
0x472: {  	v27 =	vand.u32 $0x7F, v0;
	v29 =	vand.u32 $0x7E, v14;
	v20 =	vshll.u32 v14, $0x7;
	v16 =	vld.idx.msk [tilespmem:v13+s15+$0x0], $0xffff  }
0x473: {  	v42 =	vand.u32 $0x7C, v40;
	v12 =	vadd.s32 v7, v17;
	v19 =	vadd.s32 v5, v29;
	v18 =	vld.idx.msk [tilespmem:v14+s15+$0x0], $0xffff  }
0x474: {  	v55 =	vadd.s32 v1, v17;
	v39 =	vadd.s32 v1, v27;
	v47 =	vadd.s32 v5, v17  }
0x475: {  	v26 =	vadd.s32 v3, v27;
	v46 =	vadd.s32 v3, v29;
	[tilespmem:$0x1FFA0] =	vst v19;
	v0 =	vshll.u32 v0, $0x7  }
0x476: {  	v13 =	vshll.u32 v13, $0x7;
	v45 =	vld.idx.msk [tilespmem:v40+s15+$0x0], $0xffff;
	v40 =	vshll.u32 v40, $0x7;
	v14 =	vadd.s32 v63, v15  }
0x477: {  	v19 =	vadd.s32 v2, v15;
	v23 =	vadd.s32 v4, v16;
	v24 =	vadd.s32 v6, v16  }
0x478: {  	v30 =	vadd.s32 v4, v15;
	v28 =	vadd.s32 v63, v16;
	v31 =	vadd.s32 v63, v18  }
0x479: {  	v54 =	vadd.s32 v2, v16;
	v56 =	vadd.s32 v2, v18;
	v38 =	vadd.s32 v6, v15  }
0x47a: {  	v15 =	vadd.s32 v4, v18;
	v59 =	vadd.s32 v6, v18;
	v21 =	vand.u32 $0xFFFFFFF8, v14  }
0x47b: {  	v22 =	vand.u32 $0xFFFFFFF8, v19;
	v32 =	vand.u32 $0xFFFFFFF8, v30;
	v33 =	vand.u32 $0xFFFFFFF8, v28  }
0x47c: {  	v34 =	vand.u32 $0xFFFFFFF8, v31;
	v28 =	vand.u32 $0x7, v28;
	v31 =	vand.u32 $0x7, v31  }
0x47d: {  	v35 =	vand.u32 $0xFFFFFFF8, v24;
	v14 =	vand.u32 $0x7, v14;
	v19 =	vand.u32 $0x7, v19  }
0x47e: {  	v36 =	vand.u32 $0xFFFFFFF8, v23;
	v37 =	vand.u32 $0xFFFFFFF8, v56;
	v43 =	vand.u32 $0xFFFFFFF8, v15  }
0x47f: {  	v44 =	vand.u32 $0x7, v15;
	v15 =	vadd.s32 v7, v42;
	v57 =	vand.u32 $0xFFFFFFF8, v38  }
0x480: {  	v33 =	vadd.s32 v13, v33;
	v16 =	vadd.s32 v0, v21;
	v21 =	vadd.s32 v0, v22  }
0x481: {  	v18 =	vand.u32 $0x7, v24;
	v21 =	vor.u32 v19, v21;
	v19 =	vor.u32 v28, v33  }
0x482: {  	v24 =	vand.u32 $0xFFFFFFF8, v59;
	v38 =	vand.u32 $0x7, v38;
	v34 =	vadd.s32 v20, v34  }
0x483: {  	v22 =	vand.u32 $0x7, v54;
	v32 =	vadd.s32 v0, v32;
	v14 =	vor.u32 v14, v16  }
0x484: {  	s23 =	simm.s32 $0x7;
	v36 =	vadd.s32 v13, v36;
	v37 =	vadd.s32 v20, v37;
	v43 =	vadd.s32 v20, v43  }
0x485: {  	v0 =	vadd.s32 v0, v57;
	v60 =	vadd.s32 v20, v24;
	v57 =	vmov s23;
	v16 =	vld [tilespmem:$0x3180]  }
0x486: {  	v20 =	vand.u32 $0x7, v30;
	v24 =	vand.u32 $0x7E, v62;
	v31 =	vor.u32 v31, v34;
	v41 =	vld.idx.msk [tilespmem:v19+s29+$0x0], $0xffff  }
0x487: {  	v28 =	vadd.s32 v13, v35;
	v34 =	vand.u32 $0xFFFFFFF8, v54;
	v35 =	vand.u32 $0x7, v56;
	v54 =	vld.idx.msk [tilespmem:v61+s15+$0x0], $0xffff  }
0x488: {  	v43 =	vor.u32 v44, v43;
	v32 =	vor.u32 v20, v32;
	v13 =	vadd.s32 v13, v34;
	v14 =	vld.idx.msk [tilespmem:v14+s29+$0x0], $0xffff  }
0x489: {  	v44 =	vand.u32 $0x7, v59;
	v51 =	vshll.u32 v57, $0x7;
	v22 =	vor.u32 v22, v13;
	v13 =	vld [tilespmem:$0x31B0]  }
0x48a: {  	v25 =	vor.u32 v38, v0;
	v56 =	vshll.u32 v62, $0x7;
	v33 =	vshll.u32 v61, $0x7;
	v52 =	vld.idx.msk [tilespmem:v57+s15+$0x0], $0xffff  }
0x48b: {  	v38 =	vadd.s32 v5, v27;
	v35 =	vor.u32 v35, v37;
	v31 =	vld.idx.msk [tilespmem:v31+s29+$0x0], $0xffff;
	v41 =	vadd.f32 v41, v16  }
0x48c: {  	v28 =	vor.u32 v18, v28;
	v18 =	vand.u32 $0x7, v23;
	v23 =	vadd.s32 v63, v45;
	v19 =	vld [tilespmem:$0x3190]  }
0x48d: {  	v37 =	vadd.s32 v3, v17;
	v20 =	vand.u32 $0xFFFFFFF8, v23;
	v58 =	vadd.f32 v14, v16;
	v14 =	vld [tilespmem:$0x31A0];
	[tilespmem:v55+s7+$0x0] =	vst.idx.msk $0xffff, v41  }
0x48e: {  	v17 =	vadd.s32 v7, v29;
	v48 =	vld.idx.msk [tilespmem:v22+s29+$0x0], $0xffff;
	v22 =	vand.u32 $0x7, v23;
	v23 =	vadd.s32 v40, v20  }
0x48f: {  	v29 =	vadd.s32 v1, v29;
	v53 =	vor.u32 v44, v60;
	v49 =	vor.u32 v22, v23  }
0x490: {  	v34 =	vand.u32 $0x7D, v61;
	v44 =	vadd.s32 v4, v45;
	v30 =	vor.u32 v18, v36;
	[tilespmem:v39+s7+$0x0] =	vst.idx.msk $0xffff, v58  }
0x491: {  	v18 =	vadd.s32 v7, v34;
	v59 =	vand.u32 $0xFFFFFFF8, v44;
	v60 =	vadd.s32 v4, v54;
	v21 =	vld.idx.msk [tilespmem:v21+s29+$0x0], $0xffff  }
0x492: {  	v36 =	vld.idx.msk [tilespmem:v62+s15+$0x0], $0xffff;
	v61 =	vadd.s32 v6, v54;
	v62 =	vadd.s32 v4, v52;
	v31 =	vadd.f32 v31, v16  }
0x493: {  	v41 =	vadd.s32 v5, v42;
	v39 =	vadd.s32 v3, v42;
	v42 =	vadd.s32 v1, v42  }
0x494: {  	v55 =	vadd.s32 v2, v45;
	v20 =	vand.u32 $0x7F, v57;
	v48 =	vadd.f32 v48, v19;
	v49 =	vld.idx.msk [tilespmem:v49+s29+$0x0], $0xffff  }
0x495: {  	[tilespmem:v29+s7+$0x0] =	vst.idx.msk $0xffff, v31;
	v58 =	vand.u32 $0xFFFFFFF8, v55;
	v55 =	vand.u32 $0x7, v55;
	v23 =	vadd.s32 v3, v20  }
0x496: {  	v3 =	vlaneseq.u32;
	v50 =	vadd.f32 v21, v19;
	[tilespmem:v37+s7+$0x0] =	vst.idx.msk $0xffff, v48;
	v37 =	vadd.s32 v40, v58  }
0x497: {  	v29 =	vadd.s32 v63, v54;
	v0 =	vadd.s32 v3, v36;
	v37 =	vor.u32 v55, v37  }
0x498: {  	v44 =	vand.u32 $0x7, v44;
	v35 =	vld.idx.msk [tilespmem:v35+s29+$0x0], $0xffff;
	v48 =	vadd.s32 v2, v52;
	[tilespmem:v26+s7+$0x0] =	vst.idx.msk $0xffff, v50;
	v26 =	vand.u32 $0xFFFFFFF8, v0  }
0x499: {  	v0 =	vand.u32 $0x7, v0;
	v26 =	vadd.s32 v56, v26;
	v49 =	vadd.f32 v49, v16  }
0x49a: {  	v31 =	vand.u32 $0xFFFFFFF8, v62;
	v58 =	vand.u32 $0xFFFFFFF8, v48;
	v0 =	vor.u32 v0, v26  }
0x49b: {  	v32 =	vld.idx.msk [tilespmem:v32+s29+$0x0], $0xffff;
	v50 =	vadd.s32 v51, v58;
	v58 =	vadd.s32 v40, v59;
	[tilespmem:v42+s7+$0x0] =	vst.idx.msk $0xffff, v49  }
0x49c: {  	v54 =	vadd.s32 v2, v54;
	v45 =	vadd.s32 v6, v45;
	v26 =	vor.u32 v44, v58;
	v44 =	vld.idx.msk [tilespmem:v37+s29+$0x0], $0xffff  }
0x49d: {  	v21 =	vadd.s32 v7, v27;
	v27 =	vadd.s32 v63, v52;
	v35 =	vadd.f32 v35, v19;
	v30 =	vld.idx.msk [tilespmem:v30+s29+$0x0], $0xffff  }
0x49e: {  	v22 =	vadd.s32 v5, v24;
	v63 =	vand.u32 $0xFFFFFFF8, v61;
	v57 =	vand.u32 $0xFFFFFFF8, v27  }
0x49f: {  	v27 =	vand.u32 $0x7, v27;
	[tilespmem:v46+s7+$0x0] =	vst.idx.msk $0xffff, v35;
	v46 =	vand.u32 $0xFFFFFFF8, v54;
	v55 =	vand.u32 $0xFFFFFFF8, v29;
	v0 =	vld.idx.msk [tilespmem:v0+s29+$0x0], $0xffff  }
0x4a0: {  	v29 =	vand.u32 $0x7, v29;
	v55 =	vadd.s32 v33, v55;
	v32 =	vadd.f32 v32, v14  }
0x4a1: {  	v59 =	vadd.s32 v51, v57;
	v49 =	vadd.s32 v33, v63;
	v63 =	vadd.f32 v44, v19  }
0x4a2: {  	v48 =	vand.u32 $0x7, v48;
	v57 =	vadd.s32 v1, v34;
	v30 =	vadd.f32 v30, v14;
	[tilespmem:v38+s7+$0x0] =	vst.idx.msk $0xffff, v32  }
0x4a3: {  	v35 =	vld.idx.msk [tilespmem:v43+s29+$0x0], $0xffff;
	v50 =	vor.u32 v48, v50;
	v29 =	vor.u32 v29, v55;
	[tilespmem:v39+s7+$0x0] =	vst.idx.msk $0xffff, v63  }
0x4a4: {  	v42 =	vor.u32 v27, v59;
	[tilespmem:v47+s7+$0x0] =	vst.idx.msk $0xffff, v30;
	v39 =	vadd.f32 v0, v16;
	v0 =	vld.idx.msk [tilespmem:v26+s29+$0x0], $0xffff  }
0x4a5: {  	v37 =	vadd.s32 v51, v31;
	v31 =	vadd.s32 v2, v36;
	v26 =	vadd.s32 v33, v46;
	v46 =	vld [tilespmem:$0x1FFA0]  }
0x4a6: {  	s31 =	simm.s32 $0x4;
	v48 =	vand.u32 $0x7, v54;
	v55 =	vadd.s32 v1, v20;
	v54 =	vand.u32 $0xFFFFFFF8, v31  }
0x4a7: {  	v58 =	vmov s31;
	v31 =	vand.u32 $0x7, v31;
	v30 =	vld.idx.msk [tilespmem:v25+s29+$0x0], $0xffff;
	v59 =	vadd.s32 v56, v54  }
0x4a8: {  	v27 =	vand.u32 $0xFFFFFFF8, v60;
	v63 =	vadd.f32 v35, v14;
	v35 =	vor.u32 v31, v59;
	v31 =	vld [tilespmem:$0x1FFF0]  }
0x4a9: {  	v43 =	vadd.s32 v33, v27;
	v27 =	vadd.s32 v6, v52;
	v52 =	vand.u32 $0xFFFFFFF8, v45;
	v42 =	vld.idx.msk [tilespmem:v42+s29+$0x0], $0xffff  }
0x4aa: {  	v45 =	vand.u32 $0x7, v45;
	v47 =	vadd.s32 v40, v52;
	v52 =	vld.idx.msk [tilespmem:v29+s29+$0x0], $0xffff;
	v25 =	vadd.s32 v4, v36  }
0x4ab: {  	v32 =	vand.u32 $0x7C, v58;
	v47 =	vor.u32 v45, v47;
	v29 =	vand.u32 $0xFFFFFFF8, v25  }
0x4ac: {  	v54 =	vand.u32 $0x7, v25;
	v25 =	vadd.s32 v7, v32;
	v44 =	vadd.f32 v30, v13  }
0x4ad: {  	v30 =	vld.idx.msk [tilespmem:v28+s29+$0x0], $0xffff;
	v38 =	vadd.s32 v31, v34;
	v31 =	vand.u32 $0xFFFFFFF8, v27;
	[tilespmem:v46+s7+$0x0] =	vst.idx.msk $0xffff, v63  }
0x4ae: {  	v29 =	vadd.s32 v56, v29;
	v40 =	vadd.s32 v51, v31;
	v31 =	vadd.f32 v42, v16;
	v59 =	vld.idx.msk [tilespmem:v53+s29+$0x0], $0xffff  }
0x4af: {  	v29 =	vor.u32 v54, v29;
	v48 =	vor.u32 v48, v26;
	v63 =	vadd.f32 v52, v16;
	v26 =	vld [tilespmem:$0x1FFF0]  }
0x4b0: {  	v28 =	vand.u32 $0x7, v61;
	v0 =	vadd.f32 v0, v14;
	v46 =	vadd.s32 v6, v36;
	[tilespmem:v55+s7+$0x0] =	vst.idx.msk $0xffff, v31  }
0x4b1: {  	v36 =	vand.u32 $0xFFFFFFF8, v46;
	v31 =	vor.u32 v28, v49;
	[tilespmem:v57+s7+$0x0] =	vst.idx.msk $0xffff, v63;
	v42 =	vld.idx.msk [tilespmem:v50+s29+$0x0], $0xffff  }
0x4b2: {  	v49 =	vand.u32 $0x7, v60;
	v28 =	vshll.u32 v58, $0x7;
	v50 =	vand.u32 $0x7, v62;
	v62 =	vld [tilespmem:$0x1FFF0]  }
0x4b3: {  	v45 =	vadd.s32 v56, v36;
	v36 =	vadd.s32 v5, v34;
	v34 =	vadd.s32 v7, v24  }
0x4b4: {  	s21 =	simm.s32 $0x8;
	[tilespmem:v41+s7+$0x0] =	vst.idx.msk $0xffff, v0;
	v33 =	vadd.s32 v26, v24;
	v26 =	vld.idx.msk [tilespmem:v58+s15+$0x0], $0xffff;
	v41 =	vadd.f32 v59, v13  }
.LBB2_22:
0x4b5: {  	v43 =	vor.u32 v49, v43;
	v37 =	vor.u32 v50, v37  }
0x4b6: {  	s19 =	sadd.s32 $0x1, s21;
	[tilespmem:v21+s7+$0x0] =	vst.idx.msk $0xffff, v44;
	v30 =	vadd.f32 v30, v13;
	v21 =	vadd.s32 v7, v20  }
0x4b7: {  	s23 =	sadd.s32 $0x2, s21;
	s24 =	sadd.s32 $0x3, s21;
	v56 =	vadd.s32 v1, v24;
	v57 =	vadd.s32 v62, v32;
	v49 =	vmov s19  }
0x4b8: {  	v48 =	vld.idx.msk [tilespmem:v48+s29+$0x0], $0xffff;
	v63 =	vmov s23;
	[tilespmem:v17+s7+$0x0] =	vst.idx.msk $0xffff, v41;
	v58 =	vmov s24;
	v41 =	vadd.s32 v5, v32  }
0x4b9: {  	v47 =	vld.idx.msk [tilespmem:v47+s29+$0x0], $0xffff;
	v17 =	vmovc v34;
	v34 =	vand.u32 $0x7D, v49;
	v53 =	vand.u32 $0x7F, v58;
	v60 =	vand.u32 $0x7E, v63  }
0x4ba: {  	[tilespmem:v12+s7+$0x0] =	vst.idx.msk $0xffff, v30;
	v30 =	vand.u32 $0x7, v46;
	v44 =	vshll.u32 v58, $0x7;
	v52 =	vadd.s32 v7, v34  }
0x4bb: {  	v54 =	vadd.s32 v62, v53;
	v46 =	vor.u32 v30, v45;
	v59 =	vadd.f32 v42, v19  }
0x4bc: {  	v0 =	vadd.s32 v3, v26;
	v42 =	vadd.s32 v5, v60;
	v30 =	vadd.s32 v4, v26  }
0x4bd: {  	v61 =	vadd.s32 v2, v26;
	v48 =	vadd.f32 v48, v19;
	[tilespmem:v23+s7+$0x0] =	vst.idx.msk $0xffff, v59;
	v55 =	vld.idx.msk [tilespmem:v49+s15+$0x0], $0xffff  }
0x4be: {  	v51 =	vand.u32 $0x7, v0;
	v0 =	vand.u32 $0xFFFFFFF8, v0;
	v23 =	vadd.f32 v47, v13;
	v50 =	vld.idx.msk [tilespmem:v63+s15+$0x0], $0xffff;
	[tilespmem:v56+s7+$0x0] =	vst.idx.msk $0xffff, v39  }
0x4bf: {  	v45 =	vshll.u32 v63, $0x7;
	v26 =	vadd.s32 v6, v26;
	v0 =	vadd.s32 v28, v0;
	[tilespmem:v38+s7+$0x0] =	vst.idx.msk $0xffff, v48  }
0x4c0: {  	v0 =	vor.u32 v51, v0;
	v47 =	vld.idx.msk [tilespmem:v58+s15+$0x0], $0xffff;
	v38 =	vshll.u32 v49, $0x7;
	[tilespmem:v15+s7+$0x0] =	vst.idx.msk $0xffff, v23;
	v15 =	vand.u32 $0x7, v27  }
0x4c1: {  	v49 =	vadd.s32 v5, v20;
	v35 =	vld.idx.msk [tilespmem:v35+s29+$0x0], $0xffff;
	v40 =	vor.u32 v15, v40;
	v15 =	vand.u32 $0xFFFFFFF8, v61  }
0x4c2: {  	v27 =	vadd.s32 v1, v32;
	v32 =	vld.idx.msk [tilespmem:v37+s29+$0x0], $0xffff;
	v37 =	vand.u32 $0x7, v61;
	v48 =	vadd.s32 v28, v15  }
0x4c3: {  	v12 =	vmovc v18;
	v23 =	vmovc v54;
	v54 =	vand.u32 $0xFFFFFFF8, v30;
	v56 =	vadd.s32 v4, v55;
	v58 =	vadd.s32 v6, v55  }
0x4c4: {  	v43 =	vld.idx.msk [tilespmem:v43+s29+$0x0], $0xffff;
	v37 =	vor.u32 v37, v48;
	v62 =	vadd.s32 v3, v50;
	v54 =	vadd.s32 v28, v54  }
0x4c5: {  	v18 =	vmovc v52;
	v51 =	vadd.s32 v3, v47;
	v52 =	vadd.s32 v2, v47;
	v59 =	vadd.s32 v4, v47  }
0x4c6: {  	v15 =	vmovc v25;
	v25 =	vadd.s32 v3, v55;
	v61 =	vand.u32 $0xFFFFFFF8, v58;
	v55 =	vadd.s32 v2, v55  }
0x4c7: {  	v0 =	vld.idx.msk [tilespmem:v0+s29+$0x0], $0xffff;
	v63 =	vand.u32 $0xFFFFFFF8, v62;
	v35 =	vadd.f32 v35, v19;
	v39 =	vand.u32 $0xFFFFFFF8, v51  }
0x4c8: {  	v24 =	vmovc v60;
	v20 =	vmovc v53;
	v53 =	vand.u32 $0xFFFFFFF8, v52;
	v60 =	vand.u32 $0xFFFFFFF8, v59;
	v48 =	vand.u32 $0xFFFFFFF8, v25  }
0x4c9: {  	v25 =	vand.u32 $0x7, v25;
	v43 =	vadd.f32 v43, v14;
	v32 =	vadd.f32 v32, v14  }
0x4ca: {  	v52 =	vand.u32 $0x7, v52;
	v48 =	vadd.s32 v38, v48;
	v53 =	vadd.s32 v44, v53;
	[tilespmem:v33+s7+$0x0] =	vst.idx.msk $0xffff, v35  }
0x4cb: {  	[tilespmem:v36+s7+$0x0] =	vst.idx.msk $0xffff, v43;
	v36 =	vand.u32 $0x7, v62;
	v62 =	vadd.s32 v45, v63;
	v63 =	vand.u32 $0x7, v51  }
0x4cc: {  	v43 =	vadd.s32 v44, v39;
	v51 =	vor.u32 v52, v53;
	v0 =	vadd.f32 v0, v16  }
0x4cd: {  	v33 =	vand.u32 $0xFFFFFFF8, v55;
	v53 =	vadd.s32 v38, v61;
	v25 =	vor.u32 v25, v48;
	[tilespmem:v49+s7+$0x0] =	vst.idx.msk $0xffff, v32  }
0x4ce: {  	v52 =	vand.u32 $0x7, v55;
	v29 =	vld.idx.msk [tilespmem:v29+s29+$0x0], $0xffff;
	v39 =	vand.u32 $0xFFFFFFF8, v26;
	[tilespmem:v27+s7+$0x0] =	vst.idx.msk $0xffff, v0;
	v27 =	vor.u32 v36, v62  }
0x4cf: {  	v49 =	vadd.s32 v1, v20;
	v28 =	vadd.s32 v28, v39;
	v0 =	vand.u32 $0x7, v30;
	v30 =	vld.idx.msk [tilespmem:v31+s29+$0x0], $0xffff  }
0x4d0: {  	v36 =	vor.u32 v63, v43;
	v62 =	vadd.s32 v2, v50;
	v63 =	vand.u32 $0xFFFFFFF8, v56;
	v31 =	vld.idx.msk [tilespmem:v37+s29+$0x0], $0xffff  }
0x4d1: {  	v0 =	vor.u32 v0, v54;
	v54 =	vadd.s32 v1, v34;
	v37 =	vadd.s32 v44, v60  }
0x4d2: {  	s31 =	smov.u32 s21;
	v55 =	vand.u32 $0xFFFFFFF8, v62;
	v43 =	vadd.s32 v38, v63;
	v35 =	vand.u32 $0x7, v62;
	v61 =	vld.idx.msk [tilespmem:v25+s29+$0x0], $0xffff  }
0x4d3: {  	v60 =	vmov s31;
	v25 =	vadd.s32 v4, v50;
	v29 =	vadd.f32 v29, v14;
	v48 =	vld.idx.msk [tilespmem:v27+s29+$0x0], $0xffff  }
0x4d4: {  	v32 =	vand.u32 $0x7C, v60;
	v62 =	vand.u32 $0x7, v25;
	v27 =	vadd.s32 v6, v47;
	v47 =	vld.idx.msk [tilespmem:v40+s29+$0x0], $0xffff  }
0x4d5: {  	v40 =	vadd.s32 v45, v55;
	v36 =	vld.idx.msk [tilespmem:v36+s29+$0x0], $0xffff;
	v55 =	vand.u32 $0x7, v26;
	v31 =	vadd.f32 v31, v19  }
0x4d6: {  	v26 =	vand.u32 $0xFFFFFFF8, v25;
	[tilespmem:v22+s7+$0x0] =	vst.idx.msk $0xffff, v29;
	v35 =	vor.u32 v35, v40;
	v40 =	vand.u32 $0xFFFFFFF8, v27  }
0x4d7: {  	v25 =	vadd.s32 v7, v32;
	v40 =	vadd.s32 v44, v40;
	[tilespmem:v57+s7+$0x0] =	vst.idx.msk $0xffff, v31;
	v57 =	vld.idx.msk [tilespmem:v46+s29+$0x0], $0xffff  }
0x4d8: {  	v31 =	vadd.s32 v38, v33;
	v46 =	vadd.s32 v6, v50;
	v50 =	vand.u32 $0x7, v59;
	v0 =	vld.idx.msk [tilespmem:v0+s29+$0x0], $0xffff  }
0x4d9: {  	v38 =	vld [tilespmem:$0x1FFF0];
	v63 =	vand.u32 $0xFFFFFFF8, v46;
	v39 =	vadd.f32 v48, v16;
	v48 =	vadd.s32 v45, v26  }
0x4da: {  	p0 =	slt.u32 s21, $0x7C;
	v44 =	vadd.f32 v47, v13;
	v36 =	vadd.f32 v36, v16;
	v29 =	vor.u32 v62, v48;
	v62 =	vld [tilespmem:$0x1FFF0]  }
.Ltmp10:
0x4db: {  	v22 =	vmovc v42;
	v47 =	vor.u32 v55, v28;
	v48 =	vor.u32 v52, v31;
	v31 =	vand.u32 $0x7, v58;
	(pc) =	sbr.rel @p0 .LBB2_22-.Ltmp10, $4  }
0x4dc: {  	v26 =	vld.idx.msk [tilespmem:v60+s15+$0x0], $0xffff;
	v28 =	vadd.f32 v61, v16;
	v45 =	vadd.s32 v45, v63;
	v31 =	vor.u32 v31, v53  }
0x4dd: {  	[tilespmem:v49+s7+$0x0] =	vst.idx.msk $0xffff, v36;
	v49 =	vand.u32 $0x7, v56;
	v36 =	vadd.s32 v5, v34;
	v0 =	vadd.f32 v0, v14  }
0x4de: {  	[tilespmem:v54+s7+$0x0] =	vst.idx.msk $0xffff, v28;
	v28 =	vshll.u32 v60, $0x7;
	v38 =	vadd.s32 v38, v34;
	v34 =	vadd.s32 v7, v24  }
0x4df: {  	s21 =	sadd.s32 $0x4, s21;
	v42 =	vld.idx.msk [tilespmem:v51+s29+$0x0], $0xffff;
	v33 =	vadd.s32 v62, v24;
	[tilespmem:v41+s7+$0x0] =	vst.idx.msk $0xffff, v0;
	v41 =	vadd.f32 v57, v13  }
0x4e0: {  	_ = 	snop  }
0x4e1: {  	v0 =	vadd.s32 v3, v26  }
0x4e2: {  	v51 =	vand.u32 $0xFFFFFFF8, v0  }
0x4e3: {  	v0 =	vand.u32 $0x7, v0;
	v51 =	vadd.s32 v28, v51  }
0x4e4: {  	v0 =	vor.u32 v0, v51;
	_ =	sdelay $0x2  }
0x4e5: {  	v24 =	vadd.s32 v1, v24;
	_ =	sdelay $0x1  }
0x4e6: {  	v61 =	vadd.s32 v2, v26;
	v0 =	vld.idx.msk [tilespmem:v0+s29+$0x0], $0xffff  }
0x4e7: {  	v52 =	vand.u32 $0xFFFFFFF8, v61  }
0x4e8: {  	v53 =	vadd.s32 v1, v32;
	v52 =	vadd.s32 v28, v52;
	v51 =	vand.u32 $0x7, v61  }
0x4e9: {  	v51 =	vor.u32 v51, v52;
	[tilespmem:v24+s7+$0x0] =	vst.idx.msk $0xffff, v39  }
0x4ea: {  	v24 =	vld.idx.msk [tilespmem:v35+s29+$0x0], $0xffff  }
0x4eb: {  	v0 =	vadd.f32 v0, v16;
	_ =	sdelay $0x1  }
0x4ec: {  	v16 =	vld.idx.msk [tilespmem:v48+s29+$0x0], $0xffff;
	[tilespmem:v53+s7+$0x0] =	vst.idx.msk $0xffff, v0  }
0x4ed: {  	v37 =	vor.u32 v50, v37;
	v63 =	vadd.s32 v4, v26;
	v52 =	vld.idx.msk [tilespmem:v51+s29+$0x0], $0xffff  }
0x4ee: {  	v54 =	vand.u32 $0xFFFFFFF8, v63;
	v35 =	vand.u32 $0x7, v63;
	v24 =	vadd.f32 v24, v19  }
0x4ef: {  	v48 =	vadd.s32 v28, v54;
	v0 =	vor.u32 v49, v43;
	v53 =	vadd.s32 v62, v32  }
0x4f0: {  	v42 =	vadd.f32 v42, v19;
	v35 =	vor.u32 v35, v48  }
0x4f1: {  	[tilespmem:v33+s7+$0x0] =	vst.idx.msk $0xffff, v24;
	v16 =	vadd.f32 v16, v19  }
0x4f2: {  	[tilespmem:v23+s7+$0x0] =	vst.idx.msk $0xffff, v42;
	v23 =	vld.idx.msk [tilespmem:v29+s29+$0x0], $0xffff;
	v19 =	vadd.f32 v52, v19  }
0x4f3: {  	v29 =	vld.idx.msk [tilespmem:v37+s29+$0x0], $0xffff;
	[tilespmem:v38+s7+$0x0] =	vst.idx.msk $0xffff, v16  }
0x4f4: {  	v26 =	vadd.s32 v6, v26;
	v24 =	vand.u32 $0x7, v46;
	v0 =	vld.idx.msk [tilespmem:v0+s29+$0x0], $0xffff;
	[tilespmem:v53+s7+$0x0] =	vst.idx.msk $0xffff, v19  }
0x4f5: {  	v16 =	vor.u32 v24, v45;
	v24 =	vadd.s32 v5, v20;
	v19 =	vand.u32 $0x7, v27;
	v27 =	vld.idx.msk [tilespmem:v35+s29+$0x0], $0xffff  }
0x4f6: {  	v55 =	vadd.s32 v5, v32;
	v56 =	vand.u32 $0xFFFFFFF8, v26;
	v19 =	vor.u32 v19, v40  }
0x4f7: {  	v26 =	vand.u32 $0x7, v26;
	v28 =	vadd.s32 v28, v56;
	v23 =	vadd.f32 v23, v14  }
0x4f8: {  	v26 =	vor.u32 v26, v28;
	v29 =	vadd.f32 v29, v14  }
0x4f9: {  	v28 =	vld.idx.msk [tilespmem:v47+s29+$0x0], $0xffff;
	[tilespmem:v22+s7+$0x0] =	vst.idx.msk $0xffff, v23;
	v0 =	vadd.f32 v0, v14  }
0x4fa: {  	[tilespmem:v24+s7+$0x0] =	vst.idx.msk $0xffff, v29;
	v16 =	vld.idx.msk [tilespmem:v16+s29+$0x0], $0xffff;
	v14 =	vadd.f32 v27, v14  }
0x4fb: {  	[tilespmem:v36+s7+$0x0] =	vst.idx.msk $0xffff, v0;
	v0 =	vld.idx.msk [tilespmem:v19+s29+$0x0], $0xffff  }
0x4fc: {  	v19 =	vld.idx.msk [tilespmem:v31+s29+$0x0], $0xffff;
	[tilespmem:v55+s7+$0x0] =	vst.idx.msk $0xffff, v14  }
0x4fd: {  	s19 =	simm.s32 $0x1;
	[tilespmem:v17+s7+$0x0] =	vst.idx.msk $0xffff, v41;
	v17 =	vadd.s32 v7, v20;
	v14 =	vadd.f32 v30, v13;
	v20 =	vld.idx.msk [tilespmem:v26+s29+$0x0], $0xffff  }
0x4fe: {  	[tilespmem:v21+s7+$0x0] =	vst.idx.msk $0xffff, v44;
	v21 =	vadd.f32 v28, v13;
	v22 =	vmov s19  }
0x4ff: {  	s25 =	simm.s32 $0x0;
	v27 =	vand.u32 $0x7D, v22;
	[tilespmem:v12+s7+$0x0] =	vst.idx.msk $0xffff, v14;
	v12 =	vadd.f32 v16, v13  }
0x500: {  	s23 =	simm.s32 $0x2;
	[tilespmem:v15+s7+$0x0] =	vst.idx.msk $0xffff, v21;
	v52 =	vmov s25;
	v14 =	vor.u32 $0x80, v27;
	v0 =	vadd.f32 v0, v13  }
0x501: {  	v15 =	vmov s23;
	v41 =	vshll.u32 v52, $0x7;
	[tilespmem:v34+s7+$0x0] =	vst.idx.msk $0xffff, v12;
	v12 =	vadd.f32 v19, v13  }
0x502: {  	v41 =	vadd.s32 $0x4000, v41;
	v34 =	vand.u32 $0x7C, v52;
	[tilespmem:v17+s7+$0x0] =	vst.idx.msk $0xffff, v0;
	v0 =	vadd.f32 v20, v13  }
0x503: {  	v61 =	vadd.s32 v8, v27;
	v55 =	vor.u32 $0x80, v34;
	v20 =	vand.u32 $0x7E, v15;
	[tilespmem:v18+s7+$0x0] =	vst.idx.msk $0xffff, v12  }
0x504: {  	v51 =	vadd.s32 v9, v27;
	v52 =	vadd.s32 v9, v34;
	v13 =	vor.u32 $0x80, v20;
	[tilespmem:v25+s7+$0x0] =	vst.idx.msk $0xffff, v0  }
0x505: {  	s24 =	simm.s32 $0x3;
	v18 =	vshll.u32 v22, $0x7;
	v15 =	vshll.u32 v15, $0x7;
	v29 =	vadd.s32 v10, v20;
	v16 =	vld.idx.msk [tilespmem:v14+s15+$0x0], $0xffff  }
0x506: {  	v12 =	vadd.s32 v11, v20;
	v22 =	vadd.s32 $0x4000, v15;
	v0 =	vmov s24  }
0x507: {  	v19 =	vadd.s32 $0x4000, v18;
	v45 =	vadd.s32 v9, v20;
	v23 =	vand.u32 $0x7F, v0  }
0x508: {  	v0 =	vshll.u32 v0, $0x7;
	v17 =	vor.u32 $0x80, v23;
	v14 =	vadd.s32 v11, v23;
	v43 =	vld.idx.msk [tilespmem:v55+s15+$0x0], $0xffff  }
0x509: {  	v0 =	vadd.s32 $0x4000, v0;
	v46 =	vadd.s32 v8, v23;
	v21 =	vld.idx.msk [tilespmem:v13+s15+$0x0], $0xffff;
	v13 =	vadd.s32 v10, v23  }
0x50a: {  	v24 =	vadd.s32 v4, v16;
	v15 =	vadd.s32 v3, v16;
	v25 =	vadd.s32 v6, v16  }
0x50b: {  	v16 =	vadd.s32 v2, v16;
	v18 =	vand.u32 $0xFFFFFFF8, v15;
	v15 =	vand.u32 $0x7, v15  }
0x50c: {  	v28 =	vand.u32 $0xFFFFFFF8, v24;
	v30 =	vand.u32 $0xFFFFFFF8, v25;
	v25 =	vand.u32 $0x7, v25  }
0x50d: {  	v26 =	vld.idx.msk [tilespmem:v17+s15+$0x0], $0xffff;
	v24 =	vand.u32 $0x7, v24;
	v44 =	vadd.s32 v6, v43;
	v17 =	vadd.s32 v19, v18  }
0x50e: {  	v28 =	vadd.s32 v19, v28;
	v30 =	vadd.s32 v19, v30;
	v15 =	vor.u32 v15, v17  }
0x50f: {  	v18 =	vadd.s32 v3, v21;
	v17 =	vand.u32 $0xFFFFFFF8, v16;
	v16 =	vand.u32 $0x7, v16  }
0x510: {  	v30 =	vor.u32 v25, v30;
	v63 =	vadd.s32 v2, v21;
	v53 =	vadd.s32 v4, v21  }
0x511: {  	v21 =	vadd.s32 v6, v21;
	v24 =	vor.u32 v24, v28;
	v31 =	vand.u32 $0xFFFFFFF8, v18  }
0x512: {  	v57 =	vand.u32 $0x7, v18;
	v18 =	vld [tilespmem:$0x31C0];
	v19 =	vadd.s32 v19, v17;
	v49 =	vand.u32 $0xFFFFFFF8, v63  }
0x513: {  	v54 =	vand.u32 $0xFFFFFFF8, v53;
	v28 =	vand.u32 $0xFFFFFFF8, v21;
	v31 =	vadd.s32 v22, v31;
	v15 =	vld.idx.msk [tilespmem:v15+s29+$0x0], $0xffff  }
0x514: {  	v36 =	vand.u32 $0x7, v63;
	v21 =	vand.u32 $0x7, v21;
	v31 =	vor.u32 v57, v31  }
0x515: {  	v63 =	vadd.s32 v3, v43;
	v58 =	vadd.s32 v3, v26;
	v59 =	vadd.s32 v2, v26  }
0x516: {  	v62 =	vor.u32 v16, v19;
	v25 =	vand.u32 $0xFFFFFFF8, v58;
	v60 =	vand.u32 $0xFFFFFFF8, v59  }
0x517: {  	v17 =	vld [tilespmem:$0x31D0];
	v33 =	vand.u32 $0x7, v58;
	v32 =	vand.u32 $0x7, v59;
	v16 =	vadd.s32 v0, v60  }
0x518: {  	v25 =	vadd.s32 v0, v25;
	v32 =	vor.u32 v32, v16;
	v16 =	vld [tilespmem:$0x31E0];
	v19 =	vadd.f32 v15, v18  }
0x519: {  	v42 =	vadd.s32 v22, v54;
	v48 =	vadd.s32 v4, v26;
	v25 =	vor.u32 v33, v25;
	v31 =	vld.idx.msk [tilespmem:v31+s29+$0x0], $0xffff  }
0x51a: {  	s30 =	simm.s32 $0x7;
	v28 =	vadd.s32 v22, v28;
	v26 =	vadd.s32 v6, v26;
	v50 =	vand.u32 $0xFFFFFFF8, v48;
	v15 =	vld [tilespmem:$0x31F0];
	[tilespmem:v61+s7+$0x0] =	vst.idx.msk $0xffff, v19  }
0x51b: {  	v56 =	vand.u32 $0xFFFFFFF8, v26;
	v37 =	vand.u32 $0x7, v48;
	v58 =	vmov s30;
	v35 =	vld.idx.msk [tilespmem:v62+s29+$0x0], $0xffff  }
0x51c: {  	v40 =	vadd.s32 v0, v50;
	v0 =	vadd.s32 v0, v56;
	v60 =	vand.u32 $0xFFFFFFF8, v44  }
0x51d: {  	v39 =	vand.u32 $0x7F, v58;
	v33 =	vand.u32 $0x7, v53;
	v50 =	vadd.s32 v41, v60  }
0x51e: {  	v37 =	vor.u32 v37, v40;
	v33 =	vor.u32 v33, v42;
	v42 =	vadd.s32 v10, v27;
	v25 =	vld.idx.msk [tilespmem:v25+s29+$0x0], $0xffff  }
0x51f: {  	v19 =	vadd.s32 v11, v34;
	v31 =	vadd.f32 v31, v18;
	v62 =	vadd.s32 v2, v43  }
0x520: {  	v43 =	vadd.s32 v4, v43;
	v54 =	vand.u32 $0xFFFFFFF8, v62;
	v57 =	vadd.f32 v35, v17  }
0x521: {  	s28 =	simm.s32 $0x5;
	v35 =	vor.u32 v21, v28;
	v21 =	vand.u32 $0x7, v26;
	v26 =	vadd.s32 v8, v20  }
0x522: {  	v21 =	vor.u32 v21, v0;
	v0 =	vadd.s32 v22, v49;
	v22 =	vmov s28  }
0x523: {  	s21 =	simm.s32 $0x6;
	v38 =	vadd.f32 v25, v18;
	v0 =	vor.u32 v36, v0;
	v20 =	vand.u32 $0x7D, v22  }
0x524: {  	v55 =	vand.u32 $0xFFFFFFF8, v43;
	v36 =	vmov s21;
	v59 =	vor.u32 $0x80, v20  }
0x525: {  	v54 =	vadd.s32 v41, v54;
	v55 =	vadd.s32 v41, v55;
	[tilespmem:v46+s7+$0x0] =	vst.idx.msk $0xffff, v38;
	v25 =	vand.u32 $0x7E, v36  }
0x526: {  	v56 =	vor.u32 $0x80, v39;
	v28 =	vadd.s32 v9, v23;
	v32 =	vld.idx.msk [tilespmem:v32+s29+$0x0], $0xffff;
	[tilespmem:v51+s7+$0x0] =	vst.idx.msk $0xffff, v57;
	v48 =	vor.u32 $0x80, v25  }
0x527: {  	v60 =	vand.u32 $0x7, v63;
	v38 =	vand.u32 $0x7, v43;
	v43 =	vadd.s32 v8, v34;
	v24 =	vld.idx.msk [tilespmem:v24+s29+$0x0], $0xffff;
	[tilespmem:v26+s7+$0x0] =	vst.idx.msk $0xffff, v31  }
0x528: {  	v49 =	vshll.u32 v58, $0x7;
	v55 =	vor.u32 v38, v55;
	v61 =	vshll.u32 v22, $0x7;
	v0 =	vld.idx.msk [tilespmem:v0+s29+$0x0], $0xffff  }
0x529: {  	v57 =	vand.u32 $0xFFFFFFF8, v63;
	v49 =	vadd.s32 $0x4000, v49;
	v36 =	vshll.u32 v36, $0x7;
	v47 =	vld.idx.msk [tilespmem:v59+s15+$0x0], $0xffff  }
0x52a: {  	v41 =	vadd.s32 v41, v57;
	v23 =	vadd.s32 v10, v25;
	v22 =	vadd.s32 v11, v25  }
0x52b: {  	v53 =	vadd.s32 $0x4000, v36;
	v36 =	vor.u32 v60, v41;
	v26 =	vadd.s32 v10, v39;
	v48 =	vld.idx.msk [tilespmem:v48+s15+$0x0], $0xffff  }
0x52c: {  	v51 =	vadd.f32 v32, v17;
	v31 =	vadd.f32 v24, v16;
	v59 =	vand.u32 $0x7, v62  }
0x52d: {  	v24 =	vadd.s32 v11, v39;
	v46 =	vor.u32 v59, v54;
	v59 =	vadd.s32 v11, v27  }
0x52e: {  	v40 =	vadd.s32 $0x4000, v61;
	[tilespmem:v42+s7+$0x0] =	vst.idx.msk $0xffff, v31;
	v0 =	vadd.f32 v0, v17;
	v54 =	vadd.s32 v4, v47  }
0x52f: {  	v31 =	vadd.s32 v3, v47;
	v41 =	vadd.s32 v6, v47;
	v47 =	vadd.s32 v2, v47  }
0x530: {  	v56 =	vld.idx.msk [tilespmem:v56+s15+$0x0], $0xffff;
	v61 =	vand.u32 $0xFFFFFFF8, v31;
	v31 =	vand.u32 $0x7, v31;
	v63 =	vadd.s32 v3, v48  }
0x531: {  	v30 =	vld.idx.msk [tilespmem:v30+s29+$0x0], $0xffff;
	v32 =	vand.u32 $0xFFFFFFF8, v47;
	v60 =	vand.u32 $0xFFFFFFF8, v54;
	v47 =	vand.u32 $0x7, v47  }
0x532: {  	v58 =	vand.u32 $0xFFFFFFF8, v41;
	v41 =	vand.u32 $0x7, v41;
	v62 =	vadd.s32 v40, v61  }
0x533: {  	v57 =	vadd.s32 v40, v60;
	v58 =	vadd.s32 v40, v58;
	v61 =	vand.u32 $0xFFFFFFF8, v63  }
0x534: {  	[tilespmem:v45+s7+$0x0] =	vst.idx.msk $0xffff, v0;
	v42 =	vand.u32 $0x7, v63;
	v0 =	vadd.s32 v40, v32;
	v31 =	vor.u32 v31, v62  }
0x535: {  	v27 =	vor.u32 v41, v58;
	v41 =	vadd.s32 v53, v61;
	v58 =	vadd.s32 v3, v56  }
0x536: {  	v36 =	vld.idx.msk [tilespmem:v36+s29+$0x0], $0xffff;
	v60 =	vadd.f32 v30, v15;
	v30 =	vor.u32 v42, v41;
	v42 =	vadd.s32 v2, v56  }
0x537: {  	[tilespmem:v28+s7+$0x0] =	vst.idx.msk $0xffff, v51;
	v0 =	vor.u32 v47, v0;
	v41 =	vand.u32 $0xFFFFFFF8, v58;
	v62 =	vand.u32 $0xFFFFFFF8, v42  }
0x538: {  	v47 =	vadd.s32 v2, v48;
	v41 =	vadd.s32 v49, v41;
	v63 =	vadd.s32 v49, v62  }
0x539: {  	v62 =	vadd.s32 v4, v56;
	v56 =	vadd.s32 v6, v56;
	v61 =	vld.idx.msk [tilespmem:v31+s29+$0x0], $0xffff;
	v31 =	vand.u32 $0x7, v58  }
0x53a: {  	v51 =	vand.u32 $0x7, v47;
	[tilespmem:v59+s7+$0x0] =	vst.idx.msk $0xffff, v60;
	v60 =	vand.u32 $0xFFFFFFF8, v56;
	v45 =	vor.u32 v31, v41  }
0x53b: {  	v40 =	vld.idx.msk [tilespmem:v33+s29+$0x0], $0xffff;
	v31 =	vand.u32 $0x7, v42;
	v42 =	vadd.s32 v8, v20;
	v41 =	vadd.f32 v36, v18  }
0x53c: {  	v58 =	vand.u32 $0xFFFFFFF8, v47;
	v60 =	vadd.s32 v49, v60;
	v36 =	vld.idx.msk [tilespmem:v30+s29+$0x0], $0xffff;
	v31 =	vor.u32 v31, v63  }
0x53d: {  	v63 =	vand.u32 $0xFFFFFFF8, v62;
	[tilespmem:v43+s7+$0x0] =	vst.idx.msk $0xffff, v41;
	v41 =	vand.u32 $0x7, v44;
	v44 =	vadd.s32 v9, v20  }
0x53e: {  	s31 =	simm.s32 $0x4;
	v37 =	vld.idx.msk [tilespmem:v37+s29+$0x0], $0xffff;
	v32 =	vadd.s32 v49, v63;
	v63 =	vadd.s32 v4, v48;
	v30 =	vadd.f32 v61, v18  }
0x53f: {  	v43 =	vadd.s32 v10, v34;
	v33 =	vor.u32 v41, v50;
	v61 =	vmov s31  }
0x540: {  	v38 =	vld.idx.msk [tilespmem:v46+s29+$0x0], $0xffff;
	v46 =	vadd.f32 v40, v16;
	v28 =	vand.u32 $0x7C, v61;
	v41 =	vshll.u32 v61, $0x7;
	[tilespmem:v42+s7+$0x0] =	vst.idx.msk $0xffff, v30  }
0x541: {  	v61 =	vand.u32 $0xFFFFFFF8, v63;
	v40 =	vadd.f32 v36, v18;
	v42 =	vor.u32 $0x80, v28;
	v0 =	vld.idx.msk [tilespmem:v0+s29+$0x0], $0xffff  }
0x542: {  	v36 =	vand.u32 $0x7, v63;
	v63 =	vand.u32 $0x7, v54;
	v54 =	vadd.s32 v6, v48  }
0x543: {  	[tilespmem:v29+s7+$0x0] =	vst.idx.msk $0xffff, v46;
	v48 =	vadd.f32 v37, v16;
	v37 =	vadd.s32 v9, v39;
	v46 =	vand.u32 $0x7, v62  }
0x544: {  	v59 =	vld.idx.msk [tilespmem:v45+s29+$0x0], $0xffff;
	v30 =	vadd.s32 v11, v28;
	v50 =	vadd.s32 v53, v61;
	v57 =	vor.u32 v63, v57  }
0x545: {  	v29 =	vand.u32 $0xFFFFFFF8, v54;
	v34 =	vld.idx.msk [tilespmem:v35+s29+$0x0], $0xffff;
	v63 =	vand.u32 $0x7, v56;
	v38 =	vadd.f32 v38, v17  }
0x546: {  	v35 =	vadd.s32 v8, v39;
	v29 =	vadd.s32 v53, v29;
	v45 =	vld.idx.msk [tilespmem:v42+s15+$0x0], $0xffff;
	v0 =	vadd.f32 v0, v17  }
0x547: {  	v61 =	vand.u32 $0x7, v54;
	v36 =	vor.u32 v36, v50;
	v50 =	vor.u32 v63, v60;
	[tilespmem:v52+s7+$0x0] =	vst.idx.msk $0xffff, v38  }
0x548: {  	v63 =	vlaneseq.u32;
	v29 =	vor.u32 v61, v29;
	v38 =	vadd.s32 v9, v25;
	v49 =	vld.idx.msk [tilespmem:v55+s29+$0x0], $0xffff;
	[tilespmem:v44+s7+$0x0] =	vst.idx.msk $0xffff, v0  }
0x549: {  	s21 =	simm.s32 $0x8;
	v52 =	vadd.s32 v53, v58;
	v42 =	vadd.f32 v59, v18;
	v44 =	vadd.s32 v10, v20;
	v47 =	vld.idx.msk [tilespmem:v57+s29+$0x0], $0xffff  }
.LBB2_24:
0x54a: {  	s19 =	sadd.s32 $0x1, s21;
	s23 =	sadd.s32 $0x2, s21;
	s24 =	sadd.s32 $0x3, s21;
	v0 =	vadd.s32 $0x4000, v41;
	v53 =	vadd.s32 v8, v25;
	v51 =	vor.u32 v51, v52;
	[tilespmem:v13+s7+$0x0] =	vst.idx.msk $0xffff, v48  }
0x54b: {  	p0 =	slt.u32 s21, $0x7C;
	v41 =	vadd.s32 v6, v45;
	v13 =	vmovc v26;
	v48 =	vmov s19;
	v52 =	vmov s23;
	v54 =	vld.idx.msk [tilespmem:v21+s29+$0x0], $0xffff;
	v21 =	vmovc v50;
	s23 =	smov.u32 s21;
	s21 =	sadd.s32 $0x4, s21  }
0x54c: {  	v26 =	vmov s24;
	v50 =	vand.u32 $0x7D, v48;
	v25 =	vand.u32 $0x7E, v52  }
0x54d: {  	v49 =	vadd.f32 v49, v16;
	v55 =	vor.u32 $0x80, v50;
	v56 =	vor.u32 $0x80, v25  }
0x54e: {  	v58 =	vand.u32 $0xFFFFFFF8, v41;
	v57 =	vshll.u32 v26, $0x7;
	v39 =	vadd.s32 v10, v25;
	[tilespmem:v35+s7+$0x0] =	vst.idx.msk $0xffff, v42  }
0x54f: {  	v48 =	vshll.u32 v48, $0x7;
	v59 =	vadd.s32 v11, v25;
	v42 =	vadd.s32 v2, v45;
	[tilespmem:v43+s7+$0x0] =	vst.idx.msk $0xffff, v49  }
0x550: {  	v43 =	vadd.s32 v63, v45;
	v35 =	vand.u32 $0xFFFFFFF8, v42;
	v45 =	vadd.s32 v4, v45;
	v33 =	vld.idx.msk [tilespmem:v33+s29+$0x0], $0xffff  }
0x551: {  	v58 =	vadd.s32 v0, v58;
	v49 =	vadd.s32 v0, v35;
	v60 =	vand.u32 $0xFFFFFFF8, v45;
	[tilespmem:v53+s7+$0x0] =	vst.idx.msk $0xffff, v40  }
0x552: {  	v47 =	vadd.f32 v47, v16;
	v35 =	vand.u32 $0x7F, v26;
	v40 =	vadd.s32 v0, v60;
	v51 =	vld.idx.msk [tilespmem:v51+s29+$0x0], $0xffff  }
0x553: {  	v26 =	vadd.s32 v10, v35;
	v60 =	vand.u32 $0xFFFFFFF8, v43;
	v53 =	vld.idx.msk [tilespmem:v55+s15+$0x0], $0xffff;
	v55 =	vor.u32 $0x80, v35  }
0x554: {  	v52 =	vshll.u32 v52, $0x7;
	v45 =	vand.u32 $0x7, v45;
	v61 =	vadd.s32 v11, v35;
	[tilespmem:v44+s7+$0x0] =	vst.idx.msk $0xffff, v47;
	v31 =	vld.idx.msk [tilespmem:v31+s29+$0x0], $0xffff  }
0x555: {  	v34 =	vadd.f32 v34, v15;
	v0 =	vadd.s32 v0, v60;
	v47 =	vadd.f32 v54, v15;
	v44 =	vld.idx.msk [tilespmem:v56+s15+$0x0], $0xffff  }
0x556: {  	v42 =	vand.u32 $0x7, v42;
	v54 =	vadd.s32 v8, v28;
	v56 =	vld.idx.msk [tilespmem:v27+s29+$0x0], $0xffff;
	v27 =	vadd.f32 v33, v15  }
0x557: {  	v32 =	vor.u32 v46, v32;
	v33 =	vand.u32 $0x7, v43;
	v43 =	vor.u32 v42, v49;
	[tilespmem:v14+s7+$0x0] =	vst.idx.msk $0xffff, v47  }
0x558: {  	v46 =	vadd.s32 v9, v28;
	v42 =	vadd.s32 $0x4000, v52;
	v0 =	vor.u32 v33, v0;
	[tilespmem:v19+s7+$0x0] =	vst.idx.msk $0xffff, v27  }
0x559: {  	v49 =	vadd.s32 $0x4000, v57;
	v14 =	vadd.f32 v51, v17;
	v47 =	vadd.s32 v4, v53;
	[tilespmem:v12+s7+$0x0] =	vst.idx.msk $0xffff, v34  }
0x55a: {  	v33 =	vadd.s32 $0x4000, v48;
	v19 =	vadd.s32 v63, v53;
	v27 =	vadd.s32 v6, v53;
	v12 =	vmovc v22;
	v34 =	vld.idx.msk [tilespmem:v55+s15+$0x0], $0xffff  }
0x55b: {  	v48 =	vadd.s32 v2, v53;
	v3 =	vand.u32 $0xFFFFFFF8, v19;
	v52 =	vadd.f32 v31, v17;
	[tilespmem:v38+s7+$0x0] =	vst.idx.msk $0xffff, v14  }
0x55c: {  	v22 =	vmovc v59;
	v55 =	vand.u32 $0x7, v19;
	v31 =	vadd.s32 v33, v3;
	v38 =	vadd.s32 v63, v44;
	v36 =	vld.idx.msk [tilespmem:v36+s29+$0x0], $0xffff  }
0x55d: {  	v51 =	vand.u32 $0xFFFFFFF8, v48;
	v3 =	vand.u32 $0xFFFFFFF8, v47;
	v31 =	vor.u32 v55, v31;
	v14 =	vmovc v24;
	[tilespmem:v37+s7+$0x0] =	vst.idx.msk $0xffff, v52  }
0x55e: {  	v24 =	vmovc v61;
	v19 =	vmovc v30;
	v37 =	vand.u32 $0x7, v48;
	v48 =	vadd.s32 v33, v3;
	v52 =	vand.u32 $0xFFFFFFF8, v27;
	v53 =	vld.idx.msk [tilespmem:v32+s29+$0x0], $0xffff  }
0x55f: {  	v27 =	vand.u32 $0x7, v27;
	v30 =	vadd.s32 v33, v52;
	v32 =	vadd.s32 v11, v20;
	v20 =	vmovc v50  }
0x560: {  	v27 =	vor.u32 v27, v30;
	v30 =	vand.u32 $0xFFFFFFF8, v38;
	v38 =	vand.u32 $0x7, v38;
	v0 =	vld.idx.msk [tilespmem:v0+s29+$0x0], $0xffff  }
0x561: {  	v52 =	vadd.f32 v56, v15;
	v50 =	vadd.s32 v63, v34;
	v30 =	vadd.s32 v42, v30  }
0x562: {  	v30 =	vor.u32 v38, v30;
	v38 =	vadd.s32 v2, v34;
	v55 =	vld.idx.msk [tilespmem:v31+s29+$0x0], $0xffff;
	v31 =	vand.u32 $0xFFFFFFF8, v50  }
0x563: {  	v50 =	vand.u32 $0x7, v50;
	v56 =	vand.u32 $0xFFFFFFF8, v38;
	v31 =	vadd.s32 v49, v31  }
0x564: {  	v33 =	vadd.s32 v33, v51;
	v50 =	vor.u32 v50, v31;
	v31 =	vand.u32 $0x7, v38;
	[tilespmem:v32+s7+$0x0] =	vst.idx.msk $0xffff, v52  }
0x565: {  	v37 =	vor.u32 v37, v33;
	v38 =	vadd.s32 v8, v20;
	v32 =	vadd.s32 v49, v56  }
0x566: {  	v51 =	vadd.s32 v2, v44;
	v31 =	vor.u32 v31, v32;
	v0 =	vadd.f32 v0, v18  }
0x567: {  	v59 =	vor.u32 v45, v40;
	v57 =	vadd.s32 v4, v34;
	v56 =	vand.u32 $0xFFFFFFF8, v51;
	v52 =	vld.idx.msk [tilespmem:v30+s29+$0x0], $0xffff  }
0x568: {  	v32 =	vand.u32 $0xFFFFFFF8, v57;
	v30 =	vadd.f32 v55, v18;
	[tilespmem:v54+s7+$0x0] =	vst.idx.msk $0xffff, v0;
	v0 =	vand.u32 $0x7, v41  }
0x569: {  	v32 =	vadd.s32 v49, v32;
	v54 =	vadd.s32 v9, v20;
	v43 =	vld.idx.msk [tilespmem:v43+s29+$0x0], $0xffff;
	v33 =	vor.u32 v0, v58  }
0x56a: {  	v36 =	vadd.f32 v36, v16;
	v0 =	vmov s23;
	[tilespmem:v38+s7+$0x0] =	vst.idx.msk $0xffff, v30;
	v38 =	vadd.s32 v4, v44  }
0x56b: {  	v45 =	vand.u32 $0x7C, v0;
	v41 =	vshll.u32 v0, $0x7;
	v0 =	vand.u32 $0xFFFFFFF8, v38  }
0x56c: {  	v55 =	vor.u32 $0x80, v45;
	v30 =	vadd.s32 v11, v45;
	v37 =	vld.idx.msk [tilespmem:v37+s29+$0x0], $0xffff;
	v0 =	vadd.s32 v42, v0  }
0x56d: {  	v40 =	vadd.f32 v52, v18;
	v52 =	vand.u32 $0x7, v38;
	v58 =	vld.idx.msk [tilespmem:v50+s29+$0x0], $0xffff;
	v50 =	vadd.s32 v6, v34  }
0x56e: {  	v38 =	vadd.s32 v6, v44;
	v34 =	vand.u32 $0x7, v47;
	v44 =	vand.u32 $0xFFFFFFF8, v50;
	[tilespmem:v23+s7+$0x0] =	vst.idx.msk $0xffff, v36;
	v23 =	vmovc v39  }
0x56f: {  	v39 =	vor.u32 v34, v48;
	v36 =	vadd.f32 v43, v17;
	v47 =	vadd.s32 v49, v44;
	v34 =	vld.idx.msk [tilespmem:v29+s29+$0x0], $0xffff  }
0x570: {  	v43 =	vadd.s32 v10, v28;
	v48 =	vadd.f32 v53, v16;
	v28 =	vmovc v45;
	v29 =	vand.u32 $0xFFFFFFF8, v38  }
.Ltmp11:
0x571: {  	v51 =	vand.u32 $0x7, v51;
	v44 =	vand.u32 $0x7, v38;
	v29 =	vadd.s32 v42, v29;
	v45 =	vld.idx.msk [tilespmem:v55+s15+$0x0], $0xffff;
	[tilespmem:v46+s7+$0x0] =	vst.idx.msk $0xffff, v36;
	(pc) =	sbr.rel @p0 .LBB2_24-.Ltmp11, $4  }
0x572: {  	v38 =	vadd.s32 v9, v25;
	v46 =	vadd.f32 v37, v17;
	v36 =	vor.u32 v52, v0  }
0x573: {  	v29 =	vor.u32 v44, v29;
	v37 =	vadd.s32 v9, v35;
	v0 =	vand.u32 $0x7, v50;
	v49 =	vld.idx.msk [tilespmem:v59+s29+$0x0], $0xffff  }
0x574: {  	v44 =	vadd.s32 v10, v20;
	v50 =	vor.u32 v0, v47;
	[tilespmem:v54+s7+$0x0] =	vst.idx.msk $0xffff, v46;
	v46 =	vand.u32 $0x7, v57  }
0x575: {  	v52 =	vadd.s32 v42, v56;
	v35 =	vadd.s32 v8, v35;
	v42 =	vadd.f32 v58, v18;
	v47 =	vld.idx.msk [tilespmem:v39+s29+$0x0], $0xffff  }
0x576: {  	v0 =	vadd.s32 v63, v45  }
0x577: {  	v39 =	vadd.s32 $0x4000, v41;
	v59 =	vand.u32 $0xFFFFFFF8, v0  }
0x578: {  	v0 =	vand.u32 $0x7, v0;
	v41 =	vadd.s32 v39, v59  }
0x579: {  	v0 =	vor.u32 v0, v41;
	_ =	sdelay $0x4  }
0x57a: {  	v60 =	vadd.s32 v2, v45;
	v0 =	vld.idx.msk [tilespmem:v0+s29+$0x0], $0xffff  }
0x57b: {  	v53 =	vand.u32 $0xFFFFFFF8, v60  }
0x57c: {  	v54 =	vadd.s32 v8, v28;
	v53 =	vadd.s32 v39, v53;
	v41 =	vand.u32 $0x7, v60  }
0x57d: {  	v8 =	vadd.s32 v8, v25;
	v61 =	vor.u32 v41, v53  }
0x57e: {  	v62 =	vor.u32 v51, v52  }
0x57f: {  	v0 =	vadd.f32 v0, v18  }
0x580: {  	[tilespmem:v35+s7+$0x0] =	vst.idx.msk $0xffff, v42  }
0x581: {  	v31 =	vld.idx.msk [tilespmem:v31+s29+$0x0], $0xffff;
	[tilespmem:v54+s7+$0x0] =	vst.idx.msk $0xffff, v0  }
0x582: {  	v35 =	vadd.s32 v4, v45;
	[tilespmem:v8+s7+$0x0] =	vst.idx.msk $0xffff, v40;
	v8 =	vld.idx.msk [tilespmem:v61+s29+$0x0], $0xffff  }
0x583: {  	v32 =	vor.u32 v46, v32;
	v41 =	vld.idx.msk [tilespmem:v62+s29+$0x0], $0xffff;
	v0 =	vand.u32 $0xFFFFFFF8, v35  }
0x584: {  	v9 =	vadd.s32 v9, v28;
	v18 =	vand.u32 $0x7, v35;
	v0 =	vadd.s32 v39, v0  }
0x585: {  	v0 =	vor.u32 v18, v0  }
0x586: {  	v42 =	vadd.f32 v31, v17  }
0x587: {  	v8 =	vadd.f32 v8, v17  }
0x588: {  	[tilespmem:v37+s7+$0x0] =	vst.idx.msk $0xffff, v42;
	v46 =	vadd.f32 v41, v17  }
0x589: {  	v18 =	vld.idx.msk [tilespmem:v32+s29+$0x0], $0xffff;
	[tilespmem:v9+s7+$0x0] =	vst.idx.msk $0xffff, v8  }
0x58a: {  	v49 =	vadd.f32 v49, v16;
	[tilespmem:v38+s7+$0x0] =	vst.idx.msk $0xffff, v46;
	v8 =	vadd.s32 v6, v45;
	v0 =	vld.idx.msk [tilespmem:v0+s29+$0x0], $0xffff  }
0x58b: {  	v52 =	vld.idx.msk [tilespmem:v36+s29+$0x0], $0xffff;
	v51 =	vand.u32 $0xFFFFFFF8, v8  }
0x58c: {  	v10 =	vadd.s32 v10, v28;
	[tilespmem:v43+s7+$0x0] =	vst.idx.msk $0xffff, v49;
	v8 =	vand.u32 $0x7, v8;
	v53 =	vadd.s32 v39, v51  }
0x58d: {  	[tilespmem:v13+s7+$0x0] =	vst.idx.msk $0xffff, v48;
	v55 =	vadd.f32 v47, v16;
	v56 =	vld.idx.msk [tilespmem:v33+s29+$0x0], $0xffff;
	v8 =	vor.u32 v8, v53  }
0x58e: {  	v54 =	vld.idx.msk [tilespmem:v21+s29+$0x0], $0xffff;
	v18 =	vadd.f32 v18, v16  }
0x58f: {  	[tilespmem:v44+s7+$0x0] =	vst.idx.msk $0xffff, v55;
	v0 =	vadd.f32 v0, v16  }
0x590: {  	v57 =	vadd.f32 v52, v16;
	v9 =	vld.idx.msk [tilespmem:v27+s29+$0x0], $0xffff;
	[tilespmem:v26+s7+$0x0] =	vst.idx.msk $0xffff, v18  }
0x591: {  	v18 =	vld.idx.msk [tilespmem:v50+s29+$0x0], $0xffff;
	[tilespmem:v10+s7+$0x0] =	vst.idx.msk $0xffff, v0  }
0x592: {  	v58 =	vadd.s32 v11, v20;
	v59 =	vadd.f32 v56, v15;
	[tilespmem:v23+s7+$0x0] =	vst.idx.msk $0xffff, v57;
	v8 =	vld.idx.msk [tilespmem:v8+s29+$0x0], $0xffff  }
0x593: {  	v60 =	vld.idx.msk [tilespmem:v29+s29+$0x0], $0xffff;
	v0 =	vadd.f32 v54, v15  }
0x594: {  	[tilespmem:v19+s7+$0x0] =	vst.idx.msk $0xffff, v59;
	v61 =	vadd.f32 v34, v15  }
0x595: {  	[tilespmem:v14+s7+$0x0] =	vst.idx.msk $0xffff, v0;
	v0 =	vadd.f32 v9, v15  }
0x596: {  	[tilespmem:v12+s7+$0x0] =	vst.idx.msk $0xffff, v61;
	v62 =	vadd.f32 v18, v15  }
0x597: {  	[tilespmem:v58+s7+$0x0] =	vst.idx.msk $0xffff, v0;
	v0 =	vadd.f32 v8, v15  }
0x598: {  	[tilespmem:v24+s7+$0x0] =	vst.idx.msk $0xffff, v62;
	v8 =	vadd.f32 v60, v15  }
0x599: {  	s21 =	simm.s32 $0x17C00;
	[tilespmem:v30+s7+$0x0] =	vst.idx.msk $0xffff, v0  }
0x59a: {  	s23 =	simm.s32 $0x200;
	s25 =	sadd.s32 $0x0, s14;
	s24 =	simm.s32 $0x17C88;
	[tilespmem:v22+s7+$0x0] =	vst.idx.msk $0xffff, v8  }
.LBB2_26:
0x59b: {  	[hbm4b:s25+s3] =	stream.linear.scatter [tilespmem:s21], [sflag:$0x4], $0x80, $0x38;
	[tilespmem:$0x1C000] =	vst v63  }
0x59c: {  	s19 =	smov.u32 s23;
	s21 =	smov.u32 s24;
	p0 =	sne.s32 s23, $0xFE00  }
.Ltmp12:
0x59d: {  	s23 =	sadd.s32 $0x200, s23;
	(pc) =	sbr.rel @p0 .LBB2_26-.Ltmp12, $2  }
0x59e: {  	_ =	sdelay $0x2  }
0x59f: {  	s24 =	sadd.s32 $0x88, s24;
	s25 =	sadd.s32 s19, s14  }
0x5a0: {  	[hbm4b:s25+s3] =	stream.linear.scatter [tilespmem:s21], [sflag:$0x4], $0x80, $0x38;
	[tilespmem:$0x1C000] =	vst v63  }
0x5a1: {  	_ =	swait.ge [sflag:s20], $0x100  }
0x5a2: {  	[sflag:s20] =	ssyncset.done $0x0  }
0x5a3: {  	[sflag:s20] =	ssyncadd.s32 $0xFFFFFF00  }
0x5a4: {  	_ =	swait.ge [sflag:s16], $0x4000  }
0x5a5: {  	s31 =	rddreg [dreg:$0x8]  }
0x5a6: {  	s19 =	rddreg [dreg:$0x7];
	s21 =	sadd.s32 $0x1, s31  }
0x5a7: {  	p0 =	sne.s32 s21, s19  }
.Ltmp13:
0x5a8: {  	_ = 	snop;
	(pc) =	sbr.rel @p0 .LBB2_1-.Ltmp13, $3  }
0x5a9: {  	_ =	sdelay $0x1  }
0x5aa: {  	[sflag:s16] =	ssyncset.done $0x0  }
0x5ab: {  	v3 =	vld [tilespmem:$0x1FFF0];
	[sflag:s16] =	ssyncadd.s32 $0xFFFFC000  }
0x5ac: {  	_ =	sfence.sel $0x180000  }
0x5ad: {  	[bflag:$0x0] =	sbarrier.arrive $0xFFFF  }
0x5ae: {  	_ =	strace $0x90000047  }
0x5af: {  	s0 =	stileid.u32;
	[bflag:$0x2] =	sbarrier.arrive $0xFFFF  }
0x5b0: {  	p0 =	sne.s32 s0, $0x0;
	s0 =	rddreg [dreg:$0x2]  }
0x5b1: {  	s0 =	sadd.s32 @!p0 $0x100000, s0  }
0x5b2: {  	[sflag:s0] =	ssyncadd.tile.s32 @!p0 $0x1;
	_ =	shalt  }
.Lfunc_end2:
_tile_overlayer_lowered:
.L_overlay_start_2:
0x5b3: {  	(tag) =	ssettag $0x2  }
0x5b4: {  	s0 =	rddreg [dreg:$0x0];
	s2 =	stileid.u32  }
0x5b5: {  	s1 =	rddreg [dreg:$0x1];
	p0 =	sne.s32 s2, $0x0  }
0x5b6: {  	s3 =	rddreg [dreg:$0x2];
	[bflag:$0x3] =	sbarrier.arrive $0xFFFF;
	s2 =	simm.s32 @!p0 $0x1C07  }
0x5b7: {  	[timem:s3], [sflag:s2] =	dma.local @!p0 [hbm:s0], s1  }
0x5b8: {  	s0 =	simm.s32 @!p0 $0x7  }
0x5b9: {  	_ =	swait.ge @!p0 [sflag:s0], s1  }
0x5ba: {  	s1 =	ssub.s32 @!p0 $0x0, s1;
	[sflag:s0] =	ssyncset.done @!p0 $0x0  }
0x5bb: {  	[sflag:s0] =	ssyncadd.s32 @!p0 s1  }
0x5bc: {  	[bflag:$0x3] =	sbarrier.arrive $0xFFFF  }
0x5bd: {  	_ =	shalt  }

</sc_bundles>
